<compile_context>
chip_gen: v7x
topology: tpu7x:2x2x1
jax: 0.10.2.dev20260603
libtpu: 0.0.44.dev20260713+nightly
codegen_flags: <defaults>
</compile_context>

<pallas_src>
import functools

import jax
import jax.numpy as jnp
from jax import lax
from jax.experimental import pallas as pl
from jax.experimental.pallas import tpu as pltpu
from jax.experimental.pallas import tpu_sc as plsc

N = 100000
G = 1024
E = 1600000

BN1 = 4000
NSTEPS1 = N // BN1
BN2 = 2000
NSTEPS2 = N // BN2

LANES = 125
RPB = 4
NSUB = 16
NCORE = 2
EDGE_ROWS = E // LANES
ROWS_PER_TILE = EDGE_ROWS // NSUB
BLKS_PER_TILE = ROWS_PER_TILE // RPB
ACC_ROWS = N
ACC_PER_TILE = ACC_ROWS // NSUB


def _tc1_body(scal, fm, wlf, blf, wfr, w1a, w1be, w1b, b1r,
              h0o, h1o, h2o, h3o):
    x = jnp.concatenate([scal[...], fm[...]], axis=1)
    xt = jnp.maximum(
        jnp.dot(x, wlf[...], preferred_element_type=jnp.float32) + blf[...], 0.0)
    f = jnp.dot(x, wfr[...], preferred_element_type=jnp.float32)
    pos = fm[...][:, 0:4]
    g = f * jnp.concatenate([pos, pos, pos, pos], axis=1)
    pre = (jnp.dot(xt, w1a[...], preferred_element_type=jnp.float32)
           + jnp.dot(g, w1be[...], preferred_element_type=jnp.float32)
           + jnp.dot(pos, w1b[...], preferred_element_type=jnp.float32)
           + b1r[...])
    h = jnp.maximum(pre, 0.0)
    h0o[...] = h[:, 0:16]
    h1o[...] = h[:, 16:32]
    h2o[...] = h[:, 32:48]
    h3o[...] = h[:, 48:64]


def _tc2_body(h0, h1, h2, h3, m0, m1, m2, m3, batchr,
              w2a, w2b, b2r, w3c, b30, score_o, acc):
    i = pl.program_id(0)
    h = jnp.concatenate([h0[...], h1[...], h2[...], h3[...]], axis=1)
    m = jnp.concatenate([m0[...], m1[...], m2[...], m3[...]], axis=1)
    hh = jnp.maximum(
        jnp.dot(h, w2a[...], preferred_element_type=jnp.float32)
        + jnp.dot(m, w2b[...], preferred_element_type=jnp.float32)
        + b2r[...], 0.0)
    s = jnp.dot(hh, w3c[...], preferred_element_type=jnp.float32) + b30[...]
    onehot = (batchr[...] == lax.broadcasted_iota(jnp.int32, (BN2, G), 1)
              ).astype(jnp.float32)
    st = jnp.concatenate([s, jnp.ones_like(s)], axis=1)
    part = lax.dot_general(st, onehot, (((0,), (0,)), ((), ())),
                           preferred_element_type=jnp.float32)

    @pl.when(i == 0)
    def _():
        acc[...] = jnp.zeros_like(acc)

    acc[...] += part

    @pl.when(i == NSTEPS2 - 1)
    def _():
        score_o[...] = acc[0:1, :] / jnp.maximum(acc[1:2, :], 1.0)


def _sc_edge_body(h0, h1, h2, h3, ei, zrows, m0, m1, m2, m3,
                  acc, srcb, dstb, rows, es0, es1, gsem, ss0, ss1):
    cid = lax.axis_index("c")
    sid = lax.axis_index("s")
    hs = [h0, h1, h2, h3]
    ms = [m0, m1, m2, m3]
    esems = (es0, es1)
    ssems = (ss0, ss1)
    srcr = ei.at[0]
    dstr = ei.at[1]
    base = sid * ROWS_PER_TILE
    acc_lo = sid * ACC_PER_TILE

    for c in range(NCORE):
        @pl.when(cid == c)
        def _(c=c):
            for p in range(2):
                k = 2 * c + p
                hk = hs[k]
                mk = ms[k]
                pltpu.sync_copy(zrows, acc.at[pl.ds(acc_lo, ACC_PER_TILE)])
                plsc.subcore_barrier()

                pltpu.async_copy(srcr.at[pl.ds(base, RPB)], srcb.at[0], es0)
                pltpu.async_copy(dstr.at[pl.ds(base, RPB)], dstb.at[0], es0)

                def body(t, carry, hk=hk):
                    for u in range(2):
                        b = 2 * t + u
                        o = 1 - u
                        r_next = base + (b + 1) * RPB
                        pltpu.make_async_copy(
                            srcr.at[pl.ds(0, RPB)], srcb.at[u], esems[u]).wait()
                        pltpu.make_async_copy(
                            srcr.at[pl.ds(0, RPB)], dstb.at[u], esems[u]).wait()

                        def drain_prev(o=o, hk=hk):
                            for j in range(RPB):
                                pltpu.make_async_copy(
                                    hk.at[pl.ds(0, LANES)], rows.at[o, j],
                                    ssems[o]).wait()
                        if u == 0:
                            pl.when(t > 0)(drain_prev)
                        else:
                            drain_prev()

                        if u == 0:
                            pltpu.async_copy(
                                srcr.at[pl.ds(r_next, RPB)], srcb.at[1], es1)
                            pltpu.async_copy(
                                dstr.at[pl.ds(r_next, RPB)], dstb.at[1], es1)
                        else:
                            @pl.when(t < BLKS_PER_TILE // 2 - 1)
                            def _():
                                pltpu.async_copy(
                                    srcr.at[pl.ds(r_next, RPB)], srcb.at[0], es0)
                                pltpu.async_copy(
                                    dstr.at[pl.ds(r_next, RPB)], dstb.at[0], es0)

                        gds = [
                            pltpu.async_copy(hk.at[srcb.at[u, j]],
                                             rows.at[u, j], gsem)
                            for j in range(RPB)
                        ]
                        for d in gds:
                            d.wait()
                        for j in range(RPB):
                            pltpu.async_copy(rows.at[u, j],
                                             acc.at[dstb.at[u, j]],
                                             ssems[u], add=True)
                    return carry

                lax.fori_loop(0, BLKS_PER_TILE // 2, body, 0)
                for j in range(RPB):
                    pltpu.make_async_copy(
                        hk.at[pl.ds(0, LANES)], rows.at[1, j],
                        ssems[1]).wait()
                plsc.subcore_barrier()
                pltpu.sync_copy(acc.at[pl.ds(acc_lo, ACC_PER_TILE)],
                                mk.at[pl.ds(acc_lo, ACC_PER_TILE)])
                plsc.subcore_barrier()


def _make_sc_edge():
    mesh = plsc.VectorSubcoreMesh(core_axis_name="c", subcore_axis_name="s")
    return pl.kernel(
        _sc_edge_body,
        out_type=[jax.ShapeDtypeStruct((N, 16), jnp.float32)
                  for _ in range(4)],
        mesh=mesh,
        scratch_types=[
            pltpu.VMEM_SHARED((ACC_ROWS, 16), jnp.float32),
            pltpu.VMEM((2, RPB, LANES), jnp.int32),
            pltpu.VMEM((2, RPB, LANES), jnp.int32),
            pltpu.VMEM((2, RPB, LANES, 16), jnp.float32),
            pltpu.SemaphoreType.DMA,
            pltpu.SemaphoreType.DMA,
            pltpu.SemaphoreType.DMA,
            pltpu.SemaphoreType.DMA,
            pltpu.SemaphoreType.DMA,
        ],
        compiler_params=pltpu.CompilerParams(use_tc_tiling_on_sc=False),
    )


def kernel(fourmomenta, scalars, edge_index, batch, is_global,
           W_lf, b_lf, W_frame, W1, b1, W2, b2, W3, b3):
    f32 = jnp.float32
    fm_flat = fourmomenta.reshape(N, 16).astype(f32)
    scal = scalars.astype(f32)

    W1a = W1[:64]
    W1b = W1[64:68]
    W1be = jnp.repeat(W1b, 4, axis=0)
    full = lambda shape: pl.BlockSpec(shape, lambda i: (0, 0))
    hslices = pl.pallas_call(
        _tc1_body,
        grid=(NSTEPS1,),
        in_specs=[
            pl.BlockSpec((BN1, 16), lambda i: (i, 0)),
            pl.BlockSpec((BN1, 16), lambda i: (i, 0)),
            full((32, 64)), full((1, 64)), full((32, 16)),
            full((64, 64)), full((16, 64)), full((4, 64)), full((1, 64)),
        ],
        out_specs=[pl.BlockSpec((BN1, 16), lambda i: (i, 0))] * 4,
        out_shape=[jax.ShapeDtypeStruct((N, 16), f32)] * 4,
    )(scal, fm_flat, W_lf, b_lf.reshape(1, 64), W_frame,
      W1a, W1be, W1b, b1.reshape(1, 64))

    ei3 = edge_index.astype(jnp.int32).reshape(2, EDGE_ROWS, LANES)
    zrows = jnp.zeros((ACC_PER_TILE, 16), f32)
    mslices = _make_sc_edge()(hslices[0], hslices[1], hslices[2], hslices[3],
                              ei3, zrows)

    W2a = W2[:64]
    W2b = W2[64:]
    w3c = W3[:, 0:1]
    b30 = b3[0].reshape(1, 1)
    score2d = pl.pallas_call(
        _tc2_body,
        grid=(NSTEPS2,),
        in_specs=(
            [pl.BlockSpec((BN2, 16), lambda i: (i, 0))] * 8
            + [pl.BlockSpec((BN2, 1), lambda i: (i, 0)),
               full((64, 64)), full((64, 64)), full((1, 64)),
               full((64, 1)), full((1, 1))]
        ),
        out_specs=pl.BlockSpec((1, G), lambda i: (0, 0)),
        out_shape=jax.ShapeDtypeStruct((1, G), f32),
        scratch_shapes=[pltpu.VMEM((2, G), f32)],
    )(hslices[0], hslices[1], hslices[2], hslices[3],
      mslices[0], mslices[1], mslices[2], mslices[3],
      batch.astype(jnp.int32).reshape(N, 1),
      W2a, W2b, b2.reshape(1, 64), w3c, b30)
    return score2d.reshape(G)

# --- scband reference (transcript-rebuilt; emitter-appended) ---
"""Pipeline reference for scband-proto-net-wrapper-85383949845008 (READ-ONLY COPY).

The authoritative reference and input builder live on the scoring server;
editing this copy changes nothing except your own understanding.
"""

import jax, jax.numpy as jnp
import numpy as np

N = 100000
G = 1024
E = 1600000


def setup_inputs(seed: int = 0) -> dict:
    key = jax.random.key(seed)
    ks = jax.random.split(key, 12)
    fourmomenta = jax.random.normal(ks[0], (N, 4, 4), dtype=jnp.float32)
    scalars = jax.random.normal(ks[1], (N, 16), dtype=jnp.float32)
    edge_index = jax.random.randint(ks[2], (2, E), 0, N)
    batch = jnp.sort(jax.random.randint(ks[3], (N,), 0, G))
    is_global = jnp.zeros((N,), dtype=bool)
    d_in = 16 + 16  # scalars + flattened fourmomenta (4*4)
    W_lf = jax.random.normal(ks[4], (d_in, 64), dtype=jnp.float32) * 0.05
    b_lf = jnp.zeros((64,), jnp.float32)
    W_frame = jax.random.normal(ks[5], (d_in, 16), dtype=jnp.float32) * 0.05
    W1 = jax.random.normal(ks[6], (68, 64), dtype=jnp.float32) * 0.05
    b1 = jnp.zeros((64,), jnp.float32)
    W2 = jax.random.normal(ks[7], (128, 64), dtype=jnp.float32) * 0.05
    b2 = jnp.zeros((64,), jnp.float32)
    W3 = jax.random.normal(ks[8], (64, 16), dtype=jnp.float32) * 0.05
    b3 = jnp.zeros((16,), jnp.float32)
    return {
        "fourmomenta": fourmomenta, "scalars": scalars,
        "edge_index": edge_index, "batch": batch, "is_global": is_global,
        "W_lf": W_lf, "b_lf": b_lf, "W_frame": W_frame,
        "W1": W1, "b1": b1, "W2": W2, "b2": b2, "W3": W3, "b3": b3,
    }


def reference(fourmomenta, scalars, edge_index, batch, is_global,
              W_lf, b_lf, W_frame, W1, b1, W2, b2, W3, b3):
    n = fourmomenta.shape[0]
    # expand_embedding: concat scalars with flattened fourmomenta; pos = fourmomenta[..., 0, :]
    x = jnp.concatenate([scalars, fourmomenta.reshape(n, fourmomenta.shape[1] * fourmomenta.shape[2])], axis=-1)
    pos = fourmomenta[..., 0, :]
    # lframesnet(x, pos, edge_index, batch) -> (x_transformed, lframes)
    x_t = jax.nn.relu(x @ W_lf + b_lf)
    lframes = (x @ W_frame).reshape(n, 4, 4) + jnp.eye(4, dtype=jnp.float32)[None]
    # net(x_transformed, pos, edge_index, lframes, batch) -> outputs [n, out_dim]
    pos_local = jnp.einsum('nij,nj->ni', lframes, pos)
    h = jax.nn.relu(jnp.concatenate([x_t, pos_local], axis=-1) @ W1 + b1)
    src = edge_index[0]
    dst = edge_index[1]
    m = jax.ops.segment_sum(h[src], dst, num_segments=N)
    h2 = jax.nn.relu(jnp.concatenate([h, m], axis=-1) @ W2 + b2)
    outputs = h2 @ W3 + b3
    # extract_score with MeanAggregation: global mean pool over batch index, take column 0
    counts = jax.ops.segment_sum(jnp.ones((n,), jnp.float32), batch, num_segments=G)
    pooled = jax.ops.segment_sum(outputs, batch, num_segments=G) / jnp.maximum(counts, 1.0)[:, None]
    score = pooled[:, 0]
    return score

if __name__ == "__main__":
    import jax
    _d = setup_inputs()
    print(jax.jit(kernel)(*tuple(_d.values())))

</pallas_src>

<mosaic_0001>
#map = affine_map<(d0, d1) -> (0, 0)>
#map1 = affine_map<(d0, d1) -> (0, 0, 0)>
module attributes {stable_mosaic.version = 14 : i64} {
  func.func @_sc_edge_body(%arg0: i32, %arg1: i32, %arg2: memref<100000x16xf32, #tpu.memory_space<hbm>>, %arg3: memref<100000x16xf32, #tpu.memory_space<hbm>>, %arg4: memref<100000x16xf32, #tpu.memory_space<hbm>>, %arg5: memref<100000x16xf32, #tpu.memory_space<hbm>>, %arg6: memref<2x12800x125xi32, #tpu.memory_space<hbm>>, %arg7: memref<6250x16xf32, #tpu.memory_space<hbm>>, %arg8: memref<100000x16xf32, #tpu.memory_space<hbm>>, %arg9: memref<100000x16xf32, #tpu.memory_space<hbm>>, %arg10: memref<100000x16xf32, #tpu.memory_space<hbm>>, %arg11: memref<100000x16xf32, #tpu.memory_space<hbm>>, %arg12: memref<100000x16xf32, #tpu.memory_space<vmem_shared>>, %arg13: memref<2x4x125xi32, #tpu.memory_space<vmem>>, %arg14: memref<2x4x125xi32, #tpu.memory_space<vmem>>, %arg15: memref<2x4x125x16xf32, #tpu.memory_space<vmem>>, %arg16: memref<!tpu.dma_semaphore, #tpu.memory_space<semaphore_mem>>, %arg17: memref<!tpu.dma_semaphore, #tpu.memory_space<semaphore_mem>>, %arg18: memref<!tpu.dma_semaphore, #tpu.memory_space<semaphore_mem>>, %arg19: memref<!tpu.dma_semaphore, #tpu.memory_space<semaphore_mem>>, %arg20: memref<!tpu.dma_semaphore, #tpu.memory_space<semaphore_mem>>) attributes {dimension_semantics = [#tpu.dimension_semantics<core_parallel>, #tpu.dimension_semantics<subcore_parallel>], iteration_bounds = array<i64: 2, 16>, scalar_prefetch = 0 : i64, scratch_operands = 9 : i64, tpu.core_type = #tpu.core_type<sc_vector_subcore>, window_params = [{transform_indices = #map}, {transform_indices = #map}, {transform_indices = #map}, {transform_indices = #map}, {transform_indices = #map1}, {transform_indices = #map}, {transform_indices = #map}, {transform_indices = #map}, {transform_indices = #map}, {transform_indices = #map}]} {
    %mul3A = arith.constant 800 : i32
    %mul3A_0 = arith.muli %arg1, %mul3A : i32
    %mul3A_1 = arith.constant 6250 : i32
    %mul3A_2 = arith.muli %arg1, %mul3A_1 : i32
    %eq3A = arith.constant 0 : i32
    %eq3A_3 = arith.cmpi eq, %arg0, %eq3A : i32
    %convert_element_type3A = arith.extui %eq3A_3 : i1 to i32
    %cond3A = arith.constant 0 : i32
    %cond3A_4 = arith.constant 1 : i32
    %cond3A_5 = arith.constant 0 : i32
    %cond3A_6 = arith.cmpi ne, %convert_element_type3A, %cond3A_5 : i32
    scf.if %cond3A_6 {
      "tpu.region"() ({
        %run_scoped3A = tpu.sem_alloc : memref<!tpu.dma_semaphore, #tpu.memory_space<semaphore_mem>>
        %dma_start3A_240 = arith.constant 0 : i32
        %dma_start3A_241 = tpu.memref_slice %arg12[%mul3A_2, %dma_start3A_240] : memref<100000x16xf32, #tpu.memory_space<vmem_shared>> -> memref<6250x16xf32, #tpu.memory_space<vmem_shared>>
        tpu.enqueue_dma source(%arg7 : memref<6250x16xf32, #tpu.memory_space<hbm>>) target(%dma_start3A_241 : memref<6250x16xf32, #tpu.memory_space<vmem_shared>>) target_semaphore(%run_scoped3A : memref<!tpu.dma_semaphore, #tpu.memory_space<semaphore_mem>>)
        %dma_wait3A_242 = arith.constant 0 : i32
        %dma_wait3A_243 = tpu.memref_slice %arg12[%mul3A_2, %dma_wait3A_242] : memref<100000x16xf32, #tpu.memory_space<vmem_shared>> -> memref<6250x16xf32, #tpu.memory_space<vmem_shared>>
        tpu.wait_dma2 semaphore(%run_scoped3A : memref<!tpu.dma_semaphore, #tpu.memory_space<semaphore_mem>>) src(%arg7 : memref<6250x16xf32, #tpu.memory_space<hbm>>) dst(%dma_wait3A_243 : memref<6250x16xf32, #tpu.memory_space<vmem_shared>>)
        tpu.yield
      }) : () -> ()
      %barrier3A = arith.constant 0 : index
      tpu.barrier barrier_id(%barrier3A)
      %dma_start3A = arith.constant 0 : i32
      %dma_start3A_14 = arith.constant 0 : i32
      %dma_start3A_15 = arith.constant 0 : i32
      %dma_start3A_16 = tpu.memref_slice %arg13[%dma_start3A, %dma_start3A_14, %dma_start3A_15] : memref<2x4x125xi32, #tpu.memory_space<vmem>> -> memref<1x4x125xi32, #tpu.memory_space<vmem>>
      %dma_start3A_17 = tpu.memref_squeeze %dma_start3A_16 : memref<1x4x125xi32, #tpu.memory_space<vmem>> -> memref<4x125xi32, #tpu.memory_space<vmem>>
      %dma_start3A_18 = arith.constant 0 : i32
      %dma_start3A_19 = arith.constant 0 : i32
      %dma_start3A_20 = tpu.memref_slice %arg6[%cond3A, %dma_start3A_18, %dma_start3A_19] : memref<2x12800x125xi32, #tpu.memory_space<hbm>> -> memref<1x12800x125xi32, #tpu.memory_space<hbm>>
      %dma_start3A_21 = tpu.memref_squeeze %dma_start3A_20 : memref<1x12800x125xi32, #tpu.memory_space<hbm>> -> memref<12800x125xi32, #tpu.memory_space<hbm>>
      %dma_start3A_22 = arith.constant 0 : i32
      %dma_start3A_23 = tpu.memref_slice %dma_start3A_21[%mul3A_0, %dma_start3A_22] : memref<12800x125xi32, #tpu.memory_space<hbm>> -> memref<4x125xi32, #tpu.memory_space<hbm>>
      %dma_start3A_24 = arith.constant 0 : i32
      %dma_start3A_25 = arith.constant 0 : i32
      %dma_start3A_26 = tpu.memref_slice %arg13[%dma_start3A, %dma_start3A_24, %dma_start3A_25] : memref<2x4x125xi32, #tpu.memory_space<vmem>> -> memref<1x4x125xi32, #tpu.memory_space<vmem>>
      %dma_start3A_27 = tpu.memref_squeeze %dma_start3A_26 : memref<1x4x125xi32, #tpu.memory_space<vmem>> -> memref<4x125xi32, #tpu.memory_space<vmem>>
      %dma_start3A_28 = arith.constant 0 : i32
      %dma_start3A_29 = arith.constant 0 : i32
      %dma_start3A_30 = tpu.memref_slice %arg6[%cond3A, %dma_start3A_28, %dma_start3A_29] : memref<2x12800x125xi32, #tpu.memory_space<hbm>> -> memref<1x12800x125xi32, #tpu.memory_space<hbm>>
      %dma_start3A_31 = tpu.memref_squeeze %dma_start3A_30 : memref<1x12800x125xi32, #tpu.memory_space<hbm>> -> memref<12800x125xi32, #tpu.memory_space<hbm>>
      %dma_start3A_32 = arith.constant 0 : i32
      %dma_start3A_33 = tpu.memref_slice %dma_start3A_31[%mul3A_0, %dma_start3A_32] : memref<12800x125xi32, #tpu.memory_space<hbm>> -> memref<4x125xi32, #tpu.memory_space<hbm>>
      tpu.enqueue_dma source(%dma_start3A_33 : memref<4x125xi32, #tpu.memory_space<hbm>>) target(%dma_start3A_27 : memref<4x125xi32, #tpu.memory_space<vmem>>) target_semaphore(%arg16 : memref<!tpu.dma_semaphore, #tpu.memory_space<semaphore_mem>>)
      %dma_start3A_34 = arith.constant 0 : i32
      %dma_start3A_35 = arith.constant 0 : i32
      %dma_start3A_36 = arith.constant 0 : i32
      %dma_start3A_37 = tpu.memref_slice %arg14[%dma_start3A_34, %dma_start3A_35, %dma_start3A_36] : memref<2x4x125xi32, #tpu.memory_space<vmem>> -> memref<1x4x125xi32, #tpu.memory_space<vmem>>
      %dma_start3A_38 = tpu.memref_squeeze %dma_start3A_37 : memref<1x4x125xi32, #tpu.memory_space<vmem>> -> memref<4x125xi32, #tpu.memory_space<vmem>>
      %dma_start3A_39 = arith.constant 0 : i32
      %dma_start3A_40 = arith.constant 0 : i32
      %dma_start3A_41 = tpu.memref_slice %arg6[%cond3A_4, %dma_start3A_39, %dma_start3A_40] : memref<2x12800x125xi32, #tpu.memory_space<hbm>> -> memref<1x12800x125xi32, #tpu.memory_space<hbm>>
      %dma_start3A_42 = tpu.memref_squeeze %dma_start3A_41 : memref<1x12800x125xi32, #tpu.memory_space<hbm>> -> memref<12800x125xi32, #tpu.memory_space<hbm>>
      %dma_start3A_43 = arith.constant 0 : i32
      %dma_start3A_44 = tpu.memref_slice %dma_start3A_42[%mul3A_0, %dma_start3A_43] : memref<12800x125xi32, #tpu.memory_space<hbm>> -> memref<4x125xi32, #tpu.memory_space<hbm>>
      %dma_start3A_45 = arith.constant 0 : i32
      %dma_start3A_46 = arith.constant 0 : i32
      %dma_start3A_47 = tpu.memref_slice %arg14[%dma_start3A_34, %dma_start3A_45, %dma_start3A_46] : memref<2x4x125xi32, #tpu.memory_space<vmem>> -> memref<1x4x125xi32, #tpu.memory_space<vmem>>
      %dma_start3A_48 = tpu.memref_squeeze %dma_start3A_47 : memref<1x4x125xi32, #tpu.memory_space<vmem>> -> memref<4x125xi32, #tpu.memory_space<vmem>>
      %dma_start3A_49 = arith.constant 0 : i32
      %dma_start3A_50 = arith.constant 0 : i32
      %dma_start3A_51 = tpu.memref_slice %arg6[%cond3A_4, %dma_start3A_49, %dma_start3A_50] : memref<2x12800x125xi32, #tpu.memory_space<hbm>> -> memref<1x12800x125xi32, #tpu.memory_space<hbm>>
      %dma_start3A_52 = tpu.memref_squeeze %dma_start3A_51 : memref<1x12800x125xi32, #tpu.memory_space<hbm>> -> memref<12800x125xi32, #tpu.memory_space<hbm>>
      %dma_start3A_53 = arith.constant 0 : i32
      %dma_start3A_54 = tpu.memref_slice %dma_start3A_52[%mul3A_0, %dma_start3A_53] : memref<12800x125xi32, #tpu.memory_space<hbm>> -> memref<4x125xi32, #tpu.memory_space<hbm>>
      tpu.enqueue_dma source(%dma_start3A_54 : memref<4x125xi32, #tpu.memory_space<hbm>>) target(%dma_start3A_48 : memref<4x125xi32, #tpu.memory_space<vmem>>) target_semaphore(%arg16 : memref<!tpu.dma_semaphore, #tpu.memory_space<semaphore_mem>>)
      %scan3A = arith.constant 0 : i32
      %scan3A_55 = arith.constant 0 : i32
      %scan3A_56 = arith.constant 100 : i32
      %scan3A_57 = arith.addi %scan3A_55, %scan3A_56 : i32
      %scan3A_58 = arith.constant 1 : i32
      scf.for %scan3A_240 = %scan3A_55 to %scan3A_57 step %scan3A_58  : i32 {
        %mul3A_241 = arith.constant 2 : i32
        %mul3A_242 = arith.muli %mul3A_241, %scan3A_240 : i32
        %add3A = arith.constant 0 : i32
        %add3A_243 = arith.addi %mul3A_242, %add3A : i32
        %add3A_244 = arith.constant 1 : i32
        %add3A_245 = arith.addi %add3A_243, %add3A_244 : i32
        %mul3A_246 = arith.constant 4 : i32
        %mul3A_247 = arith.muli %add3A_245, %mul3A_246 : i32
        %add3A_248 = arith.addi %mul3A_0, %mul3A_247 : i32
        %dma_wait3A_249 = arith.constant 0 : i32
        %dma_wait3A_250 = arith.constant 0 : i32
        %dma_wait3A_251 = arith.constant 0 : i32
        %dma_wait3A_252 = tpu.memref_slice %arg13[%dma_wait3A_249, %dma_wait3A_250, %dma_wait3A_251] : memref<2x4x125xi32, #tpu.memory_space<vmem>> -> memref<1x4x125xi32, #tpu.memory_space<vmem>>
        %dma_wait3A_253 = tpu.memref_squeeze %dma_wait3A_252 : memref<1x4x125xi32, #tpu.memory_space<vmem>> -> memref<4x125xi32, #tpu.memory_space<vmem>>
        %dma_wait3A_254 = arith.constant 0 : i32
        %dma_wait3A_255 = arith.constant 0 : i32
        %dma_wait3A_256 = tpu.memref_slice %arg6[%cond3A, %dma_wait3A_254, %dma_wait3A_255] : memref<2x12800x125xi32, #tpu.memory_space<hbm>> -> memref<1x12800x125xi32, #tpu.memory_space<hbm>>
        %dma_wait3A_257 = tpu.memref_squeeze %dma_wait3A_256 : memref<1x12800x125xi32, #tpu.memory_space<hbm>> -> memref<12800x125xi32, #tpu.memory_space<hbm>>
        %dma_wait3A_258 = arith.constant 0 : i32
        %dma_wait3A_259 = arith.constant 0 : i32
        %dma_wait3A_260 = tpu.memref_slice %dma_wait3A_257[%dma_wait3A_258, %dma_wait3A_259] : memref<12800x125xi32, #tpu.memory_space<hbm>> -> memref<4x125xi32, #tpu.memory_space<hbm>>
        %dma_wait3A_261 = arith.constant 0 : i32
        %dma_wait3A_262 = arith.constant 0 : i32
        %dma_wait3A_263 = tpu.memref_slice %arg13[%dma_wait3A_249, %dma_wait3A_261, %dma_wait3A_262] : memref<2x4x125xi32, #tpu.memory_space<vmem>> -> memref<1x4x125xi32, #tpu.memory_space<vmem>>
        %dma_wait3A_264 = tpu.memref_squeeze %dma_wait3A_263 : memref<1x4x125xi32, #tpu.memory_space<vmem>> -> memref<4x125xi32, #tpu.memory_space<vmem>>
        %dma_wait3A_265 = arith.constant 0 : i32
        %dma_wait3A_266 = arith.constant 0 : i32
        %dma_wait3A_267 = tpu.memref_slice %arg6[%cond3A, %dma_wait3A_265, %dma_wait3A_266] : memref<2x12800x125xi32, #tpu.memory_space<hbm>> -> memref<1x12800x125xi32, #tpu.memory_space<hbm>>
        %dma_wait3A_268 = tpu.memref_squeeze %dma_wait3A_267 : memref<1x12800x125xi32, #tpu.memory_space<hbm>> -> memref<12800x125xi32, #tpu.memory_space<hbm>>
        %dma_wait3A_269 = arith.constant 0 : i32
        %dma_wait3A_270 = arith.constant 0 : i32
        %dma_wait3A_271 = tpu.memref_slice %dma_wait3A_268[%dma_wait3A_269, %dma_wait3A_270] : memref<12800x125xi32, #tpu.memory_space<hbm>> -> memref<4x125xi32, #tpu.memory_space<hbm>>
        tpu.wait_dma2 semaphore(%arg16 : memref<!tpu.dma_semaphore, #tpu.memory_space<semaphore_mem>>) src(%dma_wait3A_271 : memref<4x125xi32, #tpu.memory_space<hbm>>) dst(%dma_wait3A_264 : memref<4x125xi32, #tpu.memory_space<vmem>>)
        %dma_wait3A_272 = arith.constant 0 : i32
        %dma_wait3A_273 = arith.constant 0 : i32
        %dma_wait3A_274 = arith.constant 0 : i32
        %dma_wait3A_275 = tpu.memref_slice %arg14[%dma_wait3A_272, %dma_wait3A_273, %dma_wait3A_274] : memref<2x4x125xi32, #tpu.memory_space<vmem>> -> memref<1x4x125xi32, #tpu.memory_space<vmem>>
        %dma_wait3A_276 = tpu.memref_squeeze %dma_wait3A_275 : memref<1x4x125xi32, #tpu.memory_space<vmem>> -> memref<4x125xi32, #tpu.memory_space<vmem>>
        %dma_wait3A_277 = arith.constant 0 : i32
        %dma_wait3A_278 = arith.constant 0 : i32
        %dma_wait3A_279 = tpu.memref_slice %arg6[%cond3A, %dma_wait3A_277, %dma_wait3A_278] : memref<2x12800x125xi32, #tpu.memory_space<hbm>> -> memref<1x12800x125xi32, #tpu.memory_space<hbm>>
        %dma_wait3A_280 = tpu.memref_squeeze %dma_wait3A_279 : memref<1x12800x125xi32, #tpu.memory_space<hbm>> -> memref<12800x125xi32, #tpu.memory_space<hbm>>
        %dma_wait3A_281 = arith.constant 0 : i32
        %dma_wait3A_282 = arith.constant 0 : i32
        %dma_wait3A_283 = tpu.memref_slice %dma_wait3A_280[%dma_wait3A_281, %dma_wait3A_282] : memref<12800x125xi32, #tpu.memory_space<hbm>> -> memref<4x125xi32, #tpu.memory_space<hbm>>
        %dma_wait3A_284 = arith.constant 0 : i32
        %dma_wait3A_285 = arith.constant 0 : i32
        %dma_wait3A_286 = tpu.memref_slice %arg14[%dma_wait3A_272, %dma_wait3A_284, %dma_wait3A_285] : memref<2x4x125xi32, #tpu.memory_space<vmem>> -> memref<1x4x125xi32, #tpu.memory_space<vmem>>
        %dma_wait3A_287 = tpu.memref_squeeze %dma_wait3A_286 : memref<1x4x125xi32, #tpu.memory_space<vmem>> -> memref<4x125xi32, #tpu.memory_space<vmem>>
        %dma_wait3A_288 = arith.constant 0 : i32
        %dma_wait3A_289 = arith.constant 0 : i32
        %dma_wait3A_290 = tpu.memref_slice %arg6[%cond3A, %dma_wait3A_288, %dma_wait3A_289] : memref<2x12800x125xi32, #tpu.memory_space<hbm>> -> memref<1x12800x125xi32, #tpu.memory_space<hbm>>
        %dma_wait3A_291 = tpu.memref_squeeze %dma_wait3A_290 : memref<1x12800x125xi32, #tpu.memory_space<hbm>> -> memref<12800x125xi32, #tpu.memory_space<hbm>>
        %dma_wait3A_292 = arith.constant 0 : i32
        %dma_wait3A_293 = arith.constant 0 : i32
        %dma_wait3A_294 = tpu.memref_slice %dma_wait3A_291[%dma_wait3A_292, %dma_wait3A_293] : memref<12800x125xi32, #tpu.memory_space<hbm>> -> memref<4x125xi32, #tpu.memory_space<hbm>>
        tpu.wait_dma2 semaphore(%arg16 : memref<!tpu.dma_semaphore, #tpu.memory_space<semaphore_mem>>) src(%dma_wait3A_294 : memref<4x125xi32, #tpu.memory_space<hbm>>) dst(%dma_wait3A_287 : memref<4x125xi32, #tpu.memory_space<vmem>>)
        %gt3A = arith.constant 0 : i32
        %gt3A_295 = arith.cmpi sgt, %scan3A_240, %gt3A : i32
        %convert_element_type3A_296 = arith.extui %gt3A_295 : i1 to i32
        %cond3A_297 = arith.constant 0 : i32
        %cond3A_298 = arith.cmpi ne, %convert_element_type3A_296, %cond3A_297 : i32
        scf.if %cond3A_298 {
          %dma_wait3A_800 = arith.constant 1 : i32
          %dma_wait3A_801 = arith.constant 0 : i32
          %dma_wait3A_802 = arith.constant 0 : i32
          %dma_wait3A_803 = arith.constant 0 : i32
          %dma_wait3A_804 = tpu.memref_slice %arg15[%dma_wait3A_800, %dma_wait3A_801, %dma_wait3A_802, %dma_wait3A_803] : memref<2x4x125x16xf32, #tpu.memory_space<vmem>> -> memref<1x1x125x16xf32, #tpu.memory_space<vmem>>
          %dma_wait3A_805 = tpu.memref_squeeze %dma_wait3A_804 : memref<1x1x125x16xf32, #tpu.memory_space<vmem>> -> memref<125x16xf32, #tpu.memory_space<vmem>>
          %dma_wait3A_806 = arith.constant 0 : i32
          %dma_wait3A_807 = arith.constant 0 : i32
          %dma_wait3A_808 = tpu.memref_slice %arg2[%dma_wait3A_806, %dma_wait3A_807] : memref<100000x16xf32, #tpu.memory_space<hbm>> -> memref<125x16xf32, #tpu.memory_space<hbm>>
          %dma_wait3A_809 = arith.constant 0 : i32
          %dma_wait3A_810 = arith.constant 0 : i32
          %dma_wait3A_811 = tpu.memref_slice %arg15[%dma_wait3A_800, %dma_wait3A_801, %dma_wait3A_809, %dma_wait3A_810] : memref<2x4x125x16xf32, #tpu.memory_space<vmem>> -> memref<1x1x125x16xf32, #tpu.memory_space<vmem>>
          %dma_wait3A_812 = tpu.memref_squeeze %dma_wait3A_811 : memref<1x1x125x16xf32, #tpu.memory_space<vmem>> -> memref<125x16xf32, #tpu.memory_space<vmem>>
          %dma_wait3A_813 = arith.constant 0 : i32
          %dma_wait3A_814 = arith.constant 0 : i32
          %dma_wait3A_815 = tpu.memref_slice %arg2[%dma_wait3A_813, %dma_wait3A_814] : memref<100000x16xf32, #tpu.memory_space<hbm>> -> memref<125x16xf32, #tpu.memory_space<hbm>>
          tpu.wait_dma2 semaphore(%arg20 : memref<!tpu.dma_semaphore, #tpu.memory_space<semaphore_mem>>) src(%dma_wait3A_815 : memref<125x16xf32, #tpu.memory_space<hbm>>) dst(%dma_wait3A_812 : memref<125x16xf32, #tpu.memory_space<vmem>>)
          %dma_wait3A_816 = arith.constant 1 : i32
          %dma_wait3A_817 = arith.constant 1 : i32
          %dma_wait3A_818 = arith.constant 0 : i32
          %dma_wait3A_819 = arith.constant 0 : i32
          %dma_wait3A_820 = tpu.memref_slice %arg15[%dma_wait3A_816, %dma_wait3A_817, %dma_wait3A_818, %dma_wait3A_819] : memref<2x4x125x16xf32, #tpu.memory_space<vmem>> -> memref<1x1x125x16xf32, #tpu.memory_space<vmem>>
          %dma_wait3A_821 = tpu.memref_squeeze %dma_wait3A_820 : memref<1x1x125x16xf32, #tpu.memory_space<vmem>> -> memref<125x16xf32, #tpu.memory_space<vmem>>
          %dma_wait3A_822 = arith.constant 0 : i32
          %dma_wait3A_823 = arith.constant 0 : i32
          %dma_wait3A_824 = tpu.memref_slice %arg2[%dma_wait3A_822, %dma_wait3A_823] : memref<100000x16xf32, #tpu.memory_space<hbm>> -> memref<125x16xf32, #tpu.memory_space<hbm>>
          %dma_wait3A_825 = arith.constant 0 : i32
          %dma_wait3A_826 = arith.constant 0 : i32
          %dma_wait3A_827 = tpu.memref_slice %arg15[%dma_wait3A_816, %dma_wait3A_817, %dma_wait3A_825, %dma_wait3A_826] : memref<2x4x125x16xf32, #tpu.memory_space<vmem>> -> memref<1x1x125x16xf32, #tpu.memory_space<vmem>>
          %dma_wait3A_828 = tpu.memref_squeeze %dma_wait3A_827 : memref<1x1x125x16xf32, #tpu.memory_space<vmem>> -> memref<125x16xf32, #tpu.memory_space<vmem>>
          %dma_wait3A_829 = arith.constant 0 : i32
          %dma_wait3A_830 = arith.constant 0 : i32
          %dma_wait3A_831 = tpu.memref_slice %arg2[%dma_wait3A_829, %dma_wait3A_830] : memref<100000x16xf32, #tpu.memory_space<hbm>> -> memref<125x16xf32, #tpu.memory_space<hbm>>
          tpu.wait_dma2 semaphore(%arg20 : memref<!tpu.dma_semaphore, #tpu.memory_space<semaphore_mem>>) src(%dma_wait3A_831 : memref<125x16xf32, #tpu.memory_space<hbm>>) dst(%dma_wait3A_828 : memref<125x16xf32, #tpu.memory_space<vmem>>)
          %dma_wait3A_832 = arith.constant 1 : i32
          %dma_wait3A_833 = arith.constant 2 : i32
          %dma_wait3A_834 = arith.constant 0 : i32
          %dma_wait3A_835 = arith.constant 0 : i32
          %dma_wait3A_836 = tpu.memref_slice %arg15[%dma_wait3A_832, %dma_wait3A_833, %dma_wait3A_834, %dma_wait3A_835] : memref<2x4x125x16xf32, #tpu.memory_space<vmem>> -> memref<1x1x125x16xf32, #tpu.memory_space<vmem>>
          %dma_wait3A_837 = tpu.memref_squeeze %dma_wait3A_836 : memref<1x1x125x16xf32, #tpu.memory_space<vmem>> -> memref<125x16xf32, #tpu.memory_space<vmem>>
          %dma_wait3A_838 = arith.constant 0 : i32
          %dma_wait3A_839 = arith.constant 0 : i32
          %dma_wait3A_840 = tpu.memref_slice %arg2[%dma_wait3A_838, %dma_wait3A_839] : memref<100000x16xf32, #tpu.memory_space<hbm>> -> memref<125x16xf32, #tpu.memory_space<hbm>>
          %dma_wait3A_841 = arith.constant 0 : i32
          %dma_wait3A_842 = arith.constant 0 : i32
          %dma_wait3A_843 = tpu.memref_slice %arg15[%dma_wait3A_832, %dma_wait3A_833, %dma_wait3A_841, %dma_wait3A_842] : memref<2x4x125x16xf32, #tpu.memory_space<vmem>> -> memref<1x1x125x16xf32, #tpu.memory_space<vmem>>
          %dma_wait3A_844 = tpu.memref_squeeze %dma_wait3A_843 : memref<1x1x125x16xf32, #tpu.memory_space<vmem>> -> memref<125x16xf32, #tpu.memory_space<vmem>>
          %dma_wait3A_845 = arith.constant 0 : i32
          %dma_wait3A_846 = arith.constant 0 : i32
          %dma_wait3A_847 = tpu.memref_slice %arg2[%dma_wait3A_845, %dma_wait3A_846] : memref<100000x16xf32, #tpu.memory_space<hbm>> -> memref<125x16xf32, #tpu.memory_space<hbm>>
          tpu.wait_dma2 semaphore(%arg20 : memref<!tpu.dma_semaphore, #tpu.memory_space<semaphore_mem>>) src(%dma_wait3A_847 : memref<125x16xf32, #tpu.memory_space<hbm>>) dst(%dma_wait3A_844 : memref<125x16xf32, #tpu.memory_space<vmem>>)
          %dma_wait3A_848 = arith.constant 1 : i32
          %dma_wait3A_849 = arith.constant 3 : i32
          %dma_wait3A_850 = arith.constant 0 : i32
          %dma_wait3A_851 = arith.constant 0 : i32
          %dma_wait3A_852 = tpu.memref_slice %arg15[%dma_wait3A_848, %dma_wait3A_849, %dma_wait3A_850, %dma_wait3A_851] : memref<2x4x125x16xf32, #tpu.memory_space<vmem>> -> memref<1x1x125x16xf32, #tpu.memory_space<vmem>>
          %dma_wait3A_853 = tpu.memref_squeeze %dma_wait3A_852 : memref<1x1x125x16xf32, #tpu.memory_space<vmem>> -> memref<125x16xf32, #tpu.memory_space<vmem>>
          %dma_wait3A_854 = arith.constant 0 : i32
          %dma_wait3A_855 = arith.constant 0 : i32
          %dma_wait3A_856 = tpu.memref_slice %arg2[%dma_wait3A_854, %dma_wait3A_855] : memref<100000x16xf32, #tpu.memory_space<hbm>> -> memref<125x16xf32, #tpu.memory_space<hbm>>
          %dma_wait3A_857 = arith.constant 0 : i32
          %dma_wait3A_858 = arith.constant 0 : i32
          %dma_wait3A_859 = tpu.memref_slice %arg15[%dma_wait3A_848, %dma_wait3A_849, %dma_wait3A_857, %dma_wait3A_858] : memref<2x4x125x16xf32, #tpu.memory_space<vmem>> -> memref<1x1x125x16xf32, #tpu.memory_space<vmem>>
          %dma_wait3A_860 = tpu.memref_squeeze %dma_wait3A_859 : memref<1x1x125x16xf32, #tpu.memory_space<vmem>> -> memref<125x16xf32, #tpu.memory_space<vmem>>
          %dma_wait3A_861 = arith.constant 0 : i32
          %dma_wait3A_862 = arith.constant 0 : i32
          %dma_wait3A_863 = tpu.memref_slice %arg2[%dma_wait3A_861, %dma_wait3A_862] : memref<100000x16xf32, #tpu.memory_space<hbm>> -> memref<125x16xf32, #tpu.memory_space<hbm>>
          tpu.wait_dma2 semaphore(%arg20 : memref<!tpu.dma_semaphore, #tpu.memory_space<semaphore_mem>>) src(%dma_wait3A_863 : memref<125x16xf32, #tpu.memory_space<hbm>>) dst(%dma_wait3A_860 : memref<125x16xf32, #tpu.memory_space<vmem>>)
        } else {
        }
        %dma_start3A_299 = arith.constant 1 : i32
        %dma_start3A_300 = arith.constant 0 : i32
        %dma_start3A_301 = arith.constant 0 : i32
        %dma_start3A_302 = tpu.memref_slice %arg13[%dma_start3A_299, %dma_start3A_300, %dma_start3A_301] : memref<2x4x125xi32, #tpu.memory_space<vmem>> -> memref<1x4x125xi32, #tpu.memory_space<vmem>>
        %dma_start3A_303 = tpu.memref_squeeze %dma_start3A_302 : memref<1x4x125xi32, #tpu.memory_space<vmem>> -> memref<4x125xi32, #tpu.memory_space<vmem>>
        %dma_start3A_304 = arith.constant 0 : i32
        %dma_start3A_305 = arith.constant 0 : i32
        %dma_start3A_306 = tpu.memref_slice %arg6[%cond3A, %dma_start3A_304, %dma_start3A_305] : memref<2x12800x125xi32, #tpu.memory_space<hbm>> -> memref<1x12800x125xi32, #tpu.memory_space<hbm>>
        %dma_start3A_307 = tpu.memref_squeeze %dma_start3A_306 : memref<1x12800x125xi32, #tpu.memory_space<hbm>> -> memref<12800x125xi32, #tpu.memory_space<hbm>>
        %dma_start3A_308 = arith.constant 0 : i32
        %dma_start3A_309 = tpu.memref_slice %dma_start3A_307[%add3A_248, %dma_start3A_308] : memref<12800x125xi32, #tpu.memory_space<hbm>> -> memref<4x125xi32, #tpu.memory_space<hbm>>
        %dma_start3A_310 = arith.constant 0 : i32
        %dma_start3A_311 = arith.constant 0 : i32
        %dma_start3A_312 = tpu.memref_slice %arg13[%dma_start3A_299, %dma_start3A_310, %dma_start3A_311] : memref<2x4x125xi32, #tpu.memory_space<vmem>> -> memref<1x4x125xi32, #tpu.memory_space<vmem>>
        %dma_start3A_313 = tpu.memref_squeeze %dma_start3A_312 : memref<1x4x125xi32, #tpu.memory_space<vmem>> -> memref<4x125xi32, #tpu.memory_space<vmem>>
        %dma_start3A_314 = arith.constant 0 : i32
        %dma_start3A_315 = arith.constant 0 : i32
        %dma_start3A_316 = tpu.memref_slice %arg6[%cond3A, %dma_start3A_314, %dma_start3A_315] : memref<2x12800x125xi32, #tpu.memory_space<hbm>> -> memref<1x12800x125xi32, #tpu.memory_space<hbm>>
        %dma_start3A_317 = tpu.memref_squeeze %dma_start3A_316 : memref<1x12800x125xi32, #tpu.memory_space<hbm>> -> memref<12800x125xi32, #tpu.memory_space<hbm>>
        %dma_start3A_318 = arith.constant 0 : i32
        %dma_start3A_319 = tpu.memref_slice %dma_start3A_317[%add3A_248, %dma_start3A_318] : memref<12800x125xi32, #tpu.memory_space<hbm>> -> memref<4x125xi32, #tpu.memory_space<hbm>>
        tpu.enqueue_dma source(%dma_start3A_319 : memref<4x125xi32, #tpu.memory_space<hbm>>) target(%dma_start3A_313 : memref<4x125xi32, #tpu.memory_space<vmem>>) target_semaphore(%arg17 : memref<!tpu.dma_semaphore, #tpu.memory_space<semaphore_mem>>)
        %dma_start3A_320 = arith.constant 1 : i32
        %dma_start3A_321 = arith.constant 0 : i32
        %dma_start3A_322 = arith.constant 0 : i32
        %dma_start3A_323 = tpu.memref_slice %arg14[%dma_start3A_320, %dma_start3A_321, %dma_start3A_322] : memref<2x4x125xi32, #tpu.memory_space<vmem>> -> memref<1x4x125xi32, #tpu.memory_space<vmem>>
        %dma_start3A_324 = tpu.memref_squeeze %dma_start3A_323 : memref<1x4x125xi32, #tpu.memory_space<vmem>> -> memref<4x125xi32, #tpu.memory_space<vmem>>
        %dma_start3A_325 = arith.constant 0 : i32
        %dma_start3A_326 = arith.constant 0 : i32
        %dma_start3A_327 = tpu.memref_slice %arg6[%cond3A_4, %dma_start3A_325, %dma_start3A_326] : memref<2x12800x125xi32, #tpu.memory_space<hbm>> -> memref<1x12800x125xi32, #tpu.memory_space<hbm>>
        %dma_start3A_328 = tpu.memref_squeeze %dma_start3A_327 : memref<1x12800x125xi32, #tpu.memory_space<hbm>> -> memref<12800x125xi32, #tpu.memory_space<hbm>>
        %dma_start3A_329 = arith.constant 0 : i32
        %dma_start3A_330 = tpu.memref_slice %dma_start3A_328[%add3A_248, %dma_start3A_329] : memref<12800x125xi32, #tpu.memory_space<hbm>> -> memref<4x125xi32, #tpu.memory_space<hbm>>
        %dma_start3A_331 = arith.constant 0 : i32
        %dma_start3A_332 = arith.constant 0 : i32
        %dma_start3A_333 = tpu.memref_slice %arg14[%dma_start3A_320, %dma_start3A_331, %dma_start3A_332] : memref<2x4x125xi32, #tpu.memory_space<vmem>> -> memref<1x4x125xi32, #tpu.memory_space<vmem>>
        %dma_start3A_334 = tpu.memref_squeeze %dma_start3A_333 : memref<1x4x125xi32, #tpu.memory_space<vmem>> -> memref<4x125xi32, #tpu.memory_space<vmem>>
        %dma_start3A_335 = arith.constant 0 : i32
        %dma_start3A_336 = arith.constant 0 : i32
        %dma_start3A_337 = tpu.memref_slice %arg6[%cond3A_4, %dma_start3A_335, %dma_start3A_336] : memref<2x12800x125xi32, #tpu.memory_space<hbm>> -> memref<1x12800x125xi32, #tpu.memory_space<hbm>>
        %dma_start3A_338 = tpu.memref_squeeze %dma_start3A_337 : memref<1x12800x125xi32, #tpu.memory_space<hbm>> -> memref<12800x125xi32, #tpu.memory_space<hbm>>
        %dma_start3A_339 = arith.constant 0 : i32
        %dma_start3A_340 = tpu.memref_slice %dma_start3A_338[%add3A_248, %dma_start3A_339] : memref<12800x125xi32, #tpu.memory_space<hbm>> -> memref<4x125xi32, #tpu.memory_space<hbm>>
        tpu.enqueue_dma source(%dma_start3A_340 : memref<4x125xi32, #tpu.memory_space<hbm>>) target(%dma_start3A_334 : memref<4x125xi32, #tpu.memory_space<vmem>>) target_semaphore(%arg17 : memref<!tpu.dma_semaphore, #tpu.memory_space<semaphore_mem>>)
        %dma_start3A_341 = arith.constant 0 : i32
        %dma_start3A_342 = arith.constant 0 : i32
        %dma_start3A_343 = arith.constant 0 : i32
        %dma_start3A_344 = arith.constant 0 : i32
        %dma_start3A_345 = arith.constant 0 : i32
        %dma_start3A_346 = arith.constant 0 : i32
        %dma_start3A_347 = tpu.memref_slice %arg15[%dma_start3A_343, %dma_start3A_344, %dma_start3A_345, %dma_start3A_346] : memref<2x4x125x16xf32, #tpu.memory_space<vmem>> -> memref<1x1x125x16xf32, #tpu.memory_space<vmem>>
        %dma_start3A_348 = tpu.memref_squeeze %dma_start3A_347 : memref<1x1x125x16xf32, #tpu.memory_space<vmem>> -> memref<125x16xf32, #tpu.memory_space<vmem>>
        %dma_start3A_349 = arith.constant 0 : i32
        %dma_start3A_350 = tpu.memref_slice %arg13[%dma_start3A_341, %dma_start3A_342, %dma_start3A_349] : memref<2x4x125xi32, #tpu.memory_space<vmem>> -> memref<1x1x125xi32, #tpu.memory_space<vmem>>
        %dma_start3A_351 = tpu.memref_squeeze %dma_start3A_350 : memref<1x1x125xi32, #tpu.memory_space<vmem>> -> memref<125xi32, #tpu.memory_space<vmem>>
        %dma_start3A_352 = arith.constant 0 : i32
        %dma_start3A_353 = arith.constant 0 : i32
        %dma_start3A_354 = tpu.memref_slice %arg2[%dma_start3A_352, %dma_start3A_353] : memref<100000x16xf32, #tpu.memory_space<hbm>> -> memref<100000x16xf32, #tpu.memory_space<hbm>>
        tpu.enqueue_indirect_dma source(%dma_start3A_354 : memref<100000x16xf32, #tpu.memory_space<hbm>>) target(%dma_start3A_348 : memref<125x16xf32, #tpu.memory_space<vmem>>) offsets(%dma_start3A_351 : memref<125xi32, #tpu.memory_space<vmem>>) semaphore(%arg18 : memref<!tpu.dma_semaphore, #tpu.memory_space<semaphore_mem>>)
        %dma_start3A_355 = arith.constant 0 : i32
        %dma_start3A_356 = arith.constant 1 : i32
        %dma_start3A_357 = arith.constant 0 : i32
        %dma_start3A_358 = arith.constant 1 : i32
        %dma_start3A_359 = arith.constant 0 : i32
        %dma_start3A_360 = arith.constant 0 : i32
        %dma_start3A_361 = tpu.memref_slice %arg15[%dma_start3A_357, %dma_start3A_358, %dma_start3A_359, %dma_start3A_360] : memref<2x4x125x16xf32, #tpu.memory_space<vmem>> -> memref<1x1x125x16xf32, #tpu.memory_space<vmem>>
        %dma_start3A_362 = tpu.memref_squeeze %dma_start3A_361 : memref<1x1x125x16xf32, #tpu.memory_space<vmem>> -> memref<125x16xf32, #tpu.memory_space<vmem>>
        %dma_start3A_363 = arith.constant 0 : i32
        %dma_start3A_364 = tpu.memref_slice %arg13[%dma_start3A_355, %dma_start3A_356, %dma_start3A_363] : memref<2x4x125xi32, #tpu.memory_space<vmem>> -> memref<1x1x125xi32, #tpu.memory_space<vmem>>
        %dma_start3A_365 = tpu.memref_squeeze %dma_start3A_364 : memref<1x1x125xi32, #tpu.memory_space<vmem>> -> memref<125xi32, #tpu.memory_space<vmem>>
        %dma_start3A_366 = arith.constant 0 : i32
        %dma_start3A_367 = arith.constant 0 : i32
        %dma_start3A_368 = tpu.memref_slice %arg2[%dma_start3A_366, %dma_start3A_367] : memref<100000x16xf32, #tpu.memory_space<hbm>> -> memref<100000x16xf32, #tpu.memory_space<hbm>>
        tpu.enqueue_indirect_dma source(%dma_start3A_368 : memref<100000x16xf32, #tpu.memory_space<hbm>>) target(%dma_start3A_362 : memref<125x16xf32, #tpu.memory_space<vmem>>) offsets(%dma_start3A_365 : memref<125xi32, #tpu.memory_space<vmem>>) semaphore(%arg18 : memref<!tpu.dma_semaphore, #tpu.memory_space<semaphore_mem>>)
        %dma_start3A_369 = arith.constant 0 : i32
        %dma_start3A_370 = arith.constant 2 : i32
        %dma_start3A_371 = arith.constant 0 : i32
        %dma_start3A_372 = arith.constant 2 : i32
        %dma_start3A_373 = arith.constant 0 : i32
        %dma_start3A_374 = arith.constant 0 : i32
        %dma_start3A_375 = tpu.memref_slice %arg15[%dma_start3A_371, %dma_start3A_372, %dma_start3A_373, %dma_start3A_374] : memref<2x4x125x16xf32, #tpu.memory_space<vmem>> -> memref<1x1x125x16xf32, #tpu.memory_space<vmem>>
        %dma_start3A_376 = tpu.memref_squeeze %dma_start3A_375 : memref<1x1x125x16xf32, #tpu.memory_space<vmem>> -> memref<125x16xf32, #tpu.memory_space<vmem>>
        %dma_start3A_377 = arith.constant 0 : i32
        %dma_start3A_378 = tpu.memref_slice %arg13[%dma_start3A_369, %dma_start3A_370, %dma_start3A_377] : memref<2x4x125xi32, #tpu.memory_space<vmem>> -> memref<1x1x125xi32, #tpu.memory_space<vmem>>
        %dma_start3A_379 = tpu.memref_squeeze %dma_start3A_378 : memref<1x1x125xi32, #tpu.memory_space<vmem>> -> memref<125xi32, #tpu.memory_space<vmem>>
        %dma_start3A_380 = arith.constant 0 : i32
        %dma_start3A_381 = arith.constant 0 : i32
        %dma_start3A_382 = tpu.memref_slice %arg2[%dma_start3A_380, %dma_start3A_381] : memref<100000x16xf32, #tpu.memory_space<hbm>> -> memref<100000x16xf32, #tpu.memory_space<hbm>>
        tpu.enqueue_indirect_dma source(%dma_start3A_382 : memref<100000x16xf32, #tpu.memory_space<hbm>>) target(%dma_start3A_376 : memref<125x16xf32, #tpu.memory_space<vmem>>) offsets(%dma_start3A_379 : memref<125xi32, #tpu.memory_space<vmem>>) semaphore(%arg18 : memref<!tpu.dma_semaphore, #tpu.memory_space<semaphore_mem>>)
        %dma_start3A_383 = arith.constant 0 : i32
        %dma_start3A_384 = arith.constant 3 : i32
        %dma_start3A_385 = arith.constant 0 : i32
        %dma_start3A_386 = arith.constant 3 : i32
        %dma_start3A_387 = arith.constant 0 : i32
        %dma_start3A_388 = arith.constant 0 : i32
        %dma_start3A_389 = tpu.memref_slice %arg15[%dma_start3A_385, %dma_start3A_386, %dma_start3A_387, %dma_start3A_388] : memref<2x4x125x16xf32, #tpu.memory_space<vmem>> -> memref<1x1x125x16xf32, #tpu.memory_space<vmem>>
        %dma_start3A_390 = tpu.memref_squeeze %dma_start3A_389 : memref<1x1x125x16xf32, #tpu.memory_space<vmem>> -> memref<125x16xf32, #tpu.memory_space<vmem>>
        %dma_start3A_391 = arith.constant 0 : i32
        %dma_start3A_392 = tpu.memref_slice %arg13[%dma_start3A_383, %dma_start3A_384, %dma_start3A_391] : memref<2x4x125xi32, #tpu.memory_space<vmem>> -> memref<1x1x125xi32, #tpu.memory_space<vmem>>
        %dma_start3A_393 = tpu.memref_squeeze %dma_start3A_392 : memref<1x1x125xi32, #tpu.memory_space<vmem>> -> memref<125xi32, #tpu.memory_space<vmem>>
        %dma_start3A_394 = arith.constant 0 : i32
        %dma_start3A_395 = arith.constant 0 : i32
        %dma_start3A_396 = tpu.memref_slice %arg2[%dma_start3A_394, %dma_start3A_395] : memref<100000x16xf32, #tpu.memory_space<hbm>> -> memref<100000x16xf32, #tpu.memory_space<hbm>>
        tpu.enqueue_indirect_dma source(%dma_start3A_396 : memref<100000x16xf32, #tpu.memory_space<hbm>>) target(%dma_start3A_390 : memref<125x16xf32, #tpu.memory_space<vmem>>) offsets(%dma_start3A_393 : memref<125xi32, #tpu.memory_space<vmem>>) semaphore(%arg18 : memref<!tpu.dma_semaphore, #tpu.memory_space<semaphore_mem>>)
        %dma_wait3A_397 = arith.constant 0 : i32
        %dma_wait3A_398 = arith.constant 0 : i32
        %dma_wait3A_399 = arith.constant 0 : i32
        %dma_wait3A_400 = arith.constant 0 : i32
        %dma_wait3A_401 = arith.constant 0 : i32
        %dma_wait3A_402 = arith.constant 0 : i32
        %dma_wait3A_403 = tpu.memref_slice %arg15[%dma_wait3A_399, %dma_wait3A_400, %dma_wait3A_401, %dma_wait3A_402] : memref<2x4x125x16xf32, #tpu.memory_space<vmem>> -> memref<1x1x125x16xf32, #tpu.memory_space<vmem>>
        %dma_wait3A_404 = tpu.memref_squeeze %dma_wait3A_403 : memref<1x1x125x16xf32, #tpu.memory_space<vmem>> -> memref<125x16xf32, #tpu.memory_space<vmem>>
        %dma_wait3A_405 = arith.constant 0 : i32
        %dma_wait3A_406 = tpu.memref_slice %arg13[%dma_wait3A_397, %dma_wait3A_398, %dma_wait3A_405] : memref<2x4x125xi32, #tpu.memory_space<vmem>> -> memref<1x1x125xi32, #tpu.memory_space<vmem>>
        %dma_wait3A_407 = tpu.memref_squeeze %dma_wait3A_406 : memref<1x1x125xi32, #tpu.memory_space<vmem>> -> memref<125xi32, #tpu.memory_space<vmem>>
        %dma_wait3A_408 = arith.constant 0 : i32
        %dma_wait3A_409 = arith.constant 0 : i32
        %dma_wait3A_410 = tpu.memref_slice %arg2[%dma_wait3A_408, %dma_wait3A_409] : memref<100000x16xf32, #tpu.memory_space<hbm>> -> memref<100000x16xf32, #tpu.memory_space<hbm>>
        tpu.wait_indirect_dma semaphore(%arg18 : memref<!tpu.dma_semaphore, #tpu.memory_space<semaphore_mem>>) src(%dma_wait3A_410 : memref<100000x16xf32, #tpu.memory_space<hbm>>) dst(%dma_wait3A_404 : memref<125x16xf32, #tpu.memory_space<vmem>>)
        %dma_wait3A_411 = arith.constant 0 : i32
        %dma_wait3A_412 = arith.constant 1 : i32
        %dma_wait3A_413 = arith.constant 0 : i32
        %dma_wait3A_414 = arith.constant 1 : i32
        %dma_wait3A_415 = arith.constant 0 : i32
        %dma_wait3A_416 = arith.constant 0 : i32
        %dma_wait3A_417 = tpu.memref_slice %arg15[%dma_wait3A_413, %dma_wait3A_414, %dma_wait3A_415, %dma_wait3A_416] : memref<2x4x125x16xf32, #tpu.memory_space<vmem>> -> memref<1x1x125x16xf32, #tpu.memory_space<vmem>>
        %dma_wait3A_418 = tpu.memref_squeeze %dma_wait3A_417 : memref<1x1x125x16xf32, #tpu.memory_space<vmem>> -> memref<125x16xf32, #tpu.memory_space<vmem>>
        %dma_wait3A_419 = arith.constant 0 : i32
        %dma_wait3A_420 = tpu.memref_slice %arg13[%dma_wait3A_411, %dma_wait3A_412, %dma_wait3A_419] : memref<2x4x125xi32, #tpu.memory_space<vmem>> -> memref<1x1x125xi32, #tpu.memory_space<vmem>>
        %dma_wait3A_421 = tpu.memref_squeeze %dma_wait3A_420 : memref<1x1x125xi32, #tpu.memory_space<vmem>> -> memref<125xi32, #tpu.memory_space<vmem>>
        %dma_wait3A_422 = arith.constant 0 : i32
        %dma_wait3A_423 = arith.constant 0 : i32
        %dma_wait3A_424 = tpu.memref_slice %arg2[%dma_wait3A_422, %dma_wait3A_423] : memref<100000x16xf32, #tpu.memory_space<hbm>> -> memref<100000x16xf32, #tpu.memory_space<hbm>>
        tpu.wait_indirect_dma semaphore(%arg18 : memref<!tpu.dma_semaphore, #tpu.memory_space<semaphore_mem>>) src(%dma_wait3A_424 : memref<100000x16xf32, #tpu.memory_space<hbm>>) dst(%dma_wait3A_418 : memref<125x16xf32, #tpu.memory_space<vmem>>)
        %dma_wait3A_425 = arith.constant 0 : i32
        %dma_wait3A_426 = arith.constant 2 : i32
        %dma_wait3A_427 = arith.constant 0 : i32
        %dma_wait3A_428 = arith.constant 2 : i32
        %dma_wait3A_429 = arith.constant 0 : i32
        %dma_wait3A_430 = arith.constant 0 : i32
        %dma_wait3A_431 = tpu.memref_slice %arg15[%dma_wait3A_427, %dma_wait3A_428, %dma_wait3A_429, %dma_wait3A_430] : memref<2x4x125x16xf32, #tpu.memory_space<vmem>> -> memref<1x1x125x16xf32, #tpu.memory_space<vmem>>
        %dma_wait3A_432 = tpu.memref_squeeze %dma_wait3A_431 : memref<1x1x125x16xf32, #tpu.memory_space<vmem>> -> memref<125x16xf32, #tpu.memory_space<vmem>>
        %dma_wait3A_433 = arith.constant 0 : i32
        %dma_wait3A_434 = tpu.memref_slice %arg13[%dma_wait3A_425, %dma_wait3A_426, %dma_wait3A_433] : memref<2x4x125xi32, #tpu.memory_space<vmem>> -> memref<1x1x125xi32, #tpu.memory_space<vmem>>
        %dma_wait3A_435 = tpu.memref_squeeze %dma_wait3A_434 : memref<1x1x125xi32, #tpu.memory_space<vmem>> -> memref<125xi32, #tpu.memory_space<vmem>>
        %dma_wait3A_436 = arith.constant 0 : i32
        %dma_wait3A_437 = arith.constant 0 : i32
        %dma_wait3A_438 = tpu.memref_slice %arg2[%dma_wait3A_436, %dma_wait3A_437] : memref<100000x16xf32, #tpu.memory_space<hbm>> -> memref<100000x16xf32, #tpu.memory_space<hbm>>
        tpu.wait_indirect_dma semaphore(%arg18 : memref<!tpu.dma_semaphore, #tpu.memory_space<semaphore_mem>>) src(%dma_wait3A_438 : memref<100000x16xf32, #tpu.memory_space<hbm>>) dst(%dma_wait3A_432 : memref<125x16xf32, #tpu.memory_space<vmem>>)
        %dma_wait3A_439 = arith.constant 0 : i32
        %dma_wait3A_440 = arith.constant 3 : i32
        %dma_wait3A_441 = arith.constant 0 : i32
        %dma_wait3A_442 = arith.constant 3 : i32
        %dma_wait3A_443 = arith.constant 0 : i32
        %dma_wait3A_444 = arith.constant 0 : i32
        %dma_wait3A_445 = tpu.memref_slice %arg15[%dma_wait3A_441, %dma_wait3A_442, %dma_wait3A_443, %dma_wait3A_444] : memref<2x4x125x16xf32, #tpu.memory_space<vmem>> -> memref<1x1x125x16xf32, #tpu.memory_space<vmem>>
        %dma_wait3A_446 = tpu.memref_squeeze %dma_wait3A_445 : memref<1x1x125x16xf32, #tpu.memory_space<vmem>> -> memref<125x16xf32, #tpu.memory_space<vmem>>
        %dma_wait3A_447 = arith.constant 0 : i32
        %dma_wait3A_448 = tpu.memref_slice %arg13[%dma_wait3A_439, %dma_wait3A_440, %dma_wait3A_447] : memref<2x4x125xi32, #tpu.memory_space<vmem>> -> memref<1x1x125xi32, #tpu.memory_space<vmem>>
        %dma_wait3A_449 = tpu.memref_squeeze %dma_wait3A_448 : memref<1x1x125xi32, #tpu.memory_space<vmem>> -> memref<125xi32, #tpu.memory_space<vmem>>
        %dma_wait3A_450 = arith.constant 0 : i32
        %dma_wait3A_451 = arith.constant 0 : i32
        %dma_wait3A_452 = tpu.memref_slice %arg2[%dma_wait3A_450, %dma_wait3A_451] : memref<100000x16xf32, #tpu.memory_space<hbm>> -> memref<100000x16xf32, #tpu.memory_space<hbm>>
        tpu.wait_indirect_dma semaphore(%arg18 : memref<!tpu.dma_semaphore, #tpu.memory_space<semaphore_mem>>) src(%dma_wait3A_452 : memref<100000x16xf32, #tpu.memory_space<hbm>>) dst(%dma_wait3A_446 : memref<125x16xf32, #tpu.memory_space<vmem>>)
        %dma_start3A_453 = arith.constant 0 : i32
        %dma_start3A_454 = arith.constant 0 : i32
        %dma_start3A_455 = arith.constant 0 : i32
        %dma_start3A_456 = arith.constant 0 : i32
        %dma_start3A_457 = arith.constant 0 : i32
        %dma_start3A_458 = arith.constant 0 : i32
        %dma_start3A_459 = tpu.memref_slice %arg15[%dma_start3A_453, %dma_start3A_454, %dma_start3A_457, %dma_start3A_458] : memref<2x4x125x16xf32, #tpu.memory_space<vmem>> -> memref<1x1x125x16xf32, #tpu.memory_space<vmem>>
        %dma_start3A_460 = tpu.memref_squeeze %dma_start3A_459 : memref<1x1x125x16xf32, #tpu.memory_space<vmem>> -> memref<125x16xf32, #tpu.memory_space<vmem>>
        %dma_start3A_461 = arith.constant 0 : i32
        %dma_start3A_462 = tpu.memref_slice %arg14[%dma_start3A_455, %dma_start3A_456, %dma_start3A_461] : memref<2x4x125xi32, #tpu.memory_space<vmem>> -> memref<1x1x125xi32, #tpu.memory_space<vmem>>
        %dma_start3A_463 = tpu.memref_squeeze %dma_start3A_462 : memref<1x1x125xi32, #tpu.memory_space<vmem>> -> memref<125xi32, #tpu.memory_space<vmem>>
        %dma_start3A_464 = arith.constant 0 : i32
        %dma_start3A_465 = arith.constant 0 : i32
        %dma_start3A_466 = tpu.memref_slice %arg12[%dma_start3A_464, %dma_start3A_465] : memref<100000x16xf32, #tpu.memory_space<vmem_shared>> -> memref<100000x16xf32, #tpu.memory_space<vmem_shared>>
        tpu.enqueue_indirect_dma source(%dma_start3A_460 : memref<125x16xf32, #tpu.memory_space<vmem>>) target(%dma_start3A_466 : memref<100000x16xf32, #tpu.memory_space<vmem_shared>>) offsets(%dma_start3A_463 : memref<125xi32, #tpu.memory_space<vmem>>) semaphore(%arg19 : memref<!tpu.dma_semaphore, #tpu.memory_space<semaphore_mem>>) {add = true}
        %dma_start3A_467 = arith.constant 0 : i32
        %dma_start3A_468 = arith.constant 1 : i32
        %dma_start3A_469 = arith.constant 0 : i32
        %dma_start3A_470 = arith.constant 1 : i32
        %dma_start3A_471 = arith.constant 0 : i32
        %dma_start3A_472 = arith.constant 0 : i32
        %dma_start3A_473 = tpu.memref_slice %arg15[%dma_start3A_467, %dma_start3A_468, %dma_start3A_471, %dma_start3A_472] : memref<2x4x125x16xf32, #tpu.memory_space<vmem>> -> memref<1x1x125x16xf32, #tpu.memory_space<vmem>>
        %dma_start3A_474 = tpu.memref_squeeze %dma_start3A_473 : memref<1x1x125x16xf32, #tpu.memory_space<vmem>> -> memref<125x16xf32, #tpu.memory_space<vmem>>
        %dma_start3A_475 = arith.constant 0 : i32
        %dma_start3A_476 = tpu.memref_slice %arg14[%dma_start3A_469, %dma_start3A_470, %dma_start3A_475] : memref<2x4x125xi32, #tpu.memory_space<vmem>> -> memref<1x1x125xi32, #tpu.memory_space<vmem>>
        %dma_start3A_477 = tpu.memref_squeeze %dma_start3A_476 : memref<1x1x125xi32, #tpu.memory_space<vmem>> -> memref<125xi32, #tpu.memory_space<vmem>>
        %dma_start3A_478 = arith.constant 0 : i32
        %dma_start3A_479 = arith.constant 0 : i32
        %dma_start3A_480 = tpu.memref_slice %arg12[%dma_start3A_478, %dma_start3A_479] : memref<100000x16xf32, #tpu.memory_space<vmem_shared>> -> memref<100000x16xf32, #tpu.memory_space<vmem_shared>>
        tpu.enqueue_indirect_dma source(%dma_start3A_474 : memref<125x16xf32, #tpu.memory_space<vmem>>) target(%dma_start3A_480 : memref<100000x16xf32, #tpu.memory_space<vmem_shared>>) offsets(%dma_start3A_477 : memref<125xi32, #tpu.memory_space<vmem>>) semaphore(%arg19 : memref<!tpu.dma_semaphore, #tpu.memory_space<semaphore_mem>>) {add = true}
        %dma_start3A_481 = arith.constant 0 : i32
        %dma_start3A_482 = arith.constant 2 : i32
        %dma_start3A_483 = arith.constant 0 : i32
        %dma_start3A_484 = arith.constant 2 : i32
        %dma_start3A_485 = arith.constant 0 : i32
        %dma_start3A_486 = arith.constant 0 : i32
        %dma_start3A_487 = tpu.memref_slice %arg15[%dma_start3A_481, %dma_start3A_482, %dma_start3A_485, %dma_start3A_486] : memref<2x4x125x16xf32, #tpu.memory_space<vmem>> -> memref<1x1x125x16xf32, #tpu.memory_space<vmem>>
        %dma_start3A_488 = tpu.memref_squeeze %dma_start3A_487 : memref<1x1x125x16xf32, #tpu.memory_space<vmem>> -> memref<125x16xf32, #tpu.memory_space<vmem>>
        %dma_start3A_489 = arith.constant 0 : i32
        %dma_start3A_490 = tpu.memref_slice %arg14[%dma_start3A_483, %dma_start3A_484, %dma_start3A_489] : memref<2x4x125xi32, #tpu.memory_space<vmem>> -> memref<1x1x125xi32, #tpu.memory_space<vmem>>
        %dma_start3A_491 = tpu.memref_squeeze %dma_start3A_490 : memref<1x1x125xi32, #tpu.memory_space<vmem>> -> memref<125xi32, #tpu.memory_space<vmem>>
        %dma_start3A_492 = arith.constant 0 : i32
        %dma_start3A_493 = arith.constant 0 : i32
        %dma_start3A_494 = tpu.memref_slice %arg12[%dma_start3A_492, %dma_start3A_493] : memref<100000x16xf32, #tpu.memory_space<vmem_shared>> -> memref<100000x16xf32, #tpu.memory_space<vmem_shared>>
        tpu.enqueue_indirect_dma source(%dma_start3A_488 : memref<125x16xf32, #tpu.memory_space<vmem>>) target(%dma_start3A_494 : memref<100000x16xf32, #tpu.memory_space<vmem_shared>>) offsets(%dma_start3A_491 : memref<125xi32, #tpu.memory_space<vmem>>) semaphore(%arg19 : memref<!tpu.dma_semaphore, #tpu.memory_space<semaphore_mem>>) {add = true}
        %dma_start3A_495 = arith.constant 0 : i32
        %dma_start3A_496 = arith.constant 3 : i32
        %dma_start3A_497 = arith.constant 0 : i32
        %dma_start3A_498 = arith.constant 3 : i32
        %dma_start3A_499 = arith.constant 0 : i32
        %dma_start3A_500 = arith.constant 0 : i32
        %dma_start3A_501 = tpu.memref_slice %arg15[%dma_start3A_495, %dma_start3A_496, %dma_start3A_499, %dma_start3A_500] : memref<2x4x125x16xf32, #tpu.memory_space<vmem>> -> memref<1x1x125x16xf32, #tpu.memory_space<vmem>>
        %dma_start3A_502 = tpu.memref_squeeze %dma_start3A_501 : memref<1x1x125x16xf32, #tpu.memory_space<vmem>> -> memref<125x16xf32, #tpu.memory_space<vmem>>
        %dma_start3A_503 = arith.constant 0 : i32
        %dma_start3A_504 = tpu.memref_slice %arg14[%dma_start3A_497, %dma_start3A_498, %dma_start3A_503] : memref<2x4x125xi32, #tpu.memory_space<vmem>> -> memref<1x1x125xi32, #tpu.memory_space<vmem>>
        %dma_start3A_505 = tpu.memref_squeeze %dma_start3A_504 : memref<1x1x125xi32, #tpu.memory_space<vmem>> -> memref<125xi32, #tpu.memory_space<vmem>>
        %dma_start3A_506 = arith.constant 0 : i32
        %dma_start3A_507 = arith.constant 0 : i32
        %dma_start3A_508 = tpu.memref_slice %arg12[%dma_start3A_506, %dma_start3A_507] : memref<100000x16xf32, #tpu.memory_space<vmem_shared>> -> memref<100000x16xf32, #tpu.memory_space<vmem_shared>>
        tpu.enqueue_indirect_dma source(%dma_start3A_502 : memref<125x16xf32, #tpu.memory_space<vmem>>) target(%dma_start3A_508 : memref<100000x16xf32, #tpu.memory_space<vmem_shared>>) offsets(%dma_start3A_505 : memref<125xi32, #tpu.memory_space<vmem>>) semaphore(%arg19 : memref<!tpu.dma_semaphore, #tpu.memory_space<semaphore_mem>>) {add = true}
        %mul3A_509 = arith.constant 2 : i32
        %mul3A_510 = arith.muli %mul3A_509, %scan3A_240 : i32
        %add3A_511 = arith.constant 1 : i32
        %add3A_512 = arith.addi %mul3A_510, %add3A_511 : i32
        %add3A_513 = arith.constant 1 : i32
        %add3A_514 = arith.addi %add3A_512, %add3A_513 : i32
        %mul3A_515 = arith.constant 4 : i32
        %mul3A_516 = arith.muli %add3A_514, %mul3A_515 : i32
        %add3A_517 = arith.addi %mul3A_0, %mul3A_516 : i32
        %dma_wait3A_518 = arith.constant 1 : i32
        %dma_wait3A_519 = arith.constant 0 : i32
        %dma_wait3A_520 = arith.constant 0 : i32
        %dma_wait3A_521 = tpu.memref_slice %arg13[%dma_wait3A_518, %dma_wait3A_519, %dma_wait3A_520] : memref<2x4x125xi32, #tpu.memory_space<vmem>> -> memref<1x4x125xi32, #tpu.memory_space<vmem>>
        %dma_wait3A_522 = tpu.memref_squeeze %dma_wait3A_521 : memref<1x4x125xi32, #tpu.memory_space<vmem>> -> memref<4x125xi32, #tpu.memory_space<vmem>>
        %dma_wait3A_523 = arith.constant 0 : i32
        %dma_wait3A_524 = arith.constant 0 : i32
        %dma_wait3A_525 = tpu.memref_slice %arg6[%cond3A, %dma_wait3A_523, %dma_wait3A_524] : memref<2x12800x125xi32, #tpu.memory_space<hbm>> -> memref<1x12800x125xi32, #tpu.memory_space<hbm>>
        %dma_wait3A_526 = tpu.memref_squeeze %dma_wait3A_525 : memref<1x12800x125xi32, #tpu.memory_space<hbm>> -> memref<12800x125xi32, #tpu.memory_space<hbm>>
        %dma_wait3A_527 = arith.constant 0 : i32
        %dma_wait3A_528 = arith.constant 0 : i32
        %dma_wait3A_529 = tpu.memref_slice %dma_wait3A_526[%dma_wait3A_527, %dma_wait3A_528] : memref<12800x125xi32, #tpu.memory_space<hbm>> -> memref<4x125xi32, #tpu.memory_space<hbm>>
        %dma_wait3A_530 = arith.constant 0 : i32
        %dma_wait3A_531 = arith.constant 0 : i32
        %dma_wait3A_532 = tpu.memref_slice %arg13[%dma_wait3A_518, %dma_wait3A_530, %dma_wait3A_531] : memref<2x4x125xi32, #tpu.memory_space<vmem>> -> memref<1x4x125xi32, #tpu.memory_space<vmem>>
        %dma_wait3A_533 = tpu.memref_squeeze %dma_wait3A_532 : memref<1x4x125xi32, #tpu.memory_space<vmem>> -> memref<4x125xi32, #tpu.memory_space<vmem>>
        %dma_wait3A_534 = arith.constant 0 : i32
        %dma_wait3A_535 = arith.constant 0 : i32
        %dma_wait3A_536 = tpu.memref_slice %arg6[%cond3A, %dma_wait3A_534, %dma_wait3A_535] : memref<2x12800x125xi32, #tpu.memory_space<hbm>> -> memref<1x12800x125xi32, #tpu.memory_space<hbm>>
        %dma_wait3A_537 = tpu.memref_squeeze %dma_wait3A_536 : memref<1x12800x125xi32, #tpu.memory_space<hbm>> -> memref<12800x125xi32, #tpu.memory_space<hbm>>
        %dma_wait3A_538 = arith.constant 0 : i32
        %dma_wait3A_539 = arith.constant 0 : i32
        %dma_wait3A_540 = tpu.memref_slice %dma_wait3A_537[%dma_wait3A_538, %dma_wait3A_539] : memref<12800x125xi32, #tpu.memory_space<hbm>> -> memref<4x125xi32, #tpu.memory_space<hbm>>
        tpu.wait_dma2 semaphore(%arg17 : memref<!tpu.dma_semaphore, #tpu.memory_space<semaphore_mem>>) src(%dma_wait3A_540 : memref<4x125xi32, #tpu.memory_space<hbm>>) dst(%dma_wait3A_533 : memref<4x125xi32, #tpu.memory_space<vmem>>)
        %dma_wait3A_541 = arith.constant 1 : i32
        %dma_wait3A_542 = arith.constant 0 : i32
        %dma_wait3A_543 = arith.constant 0 : i32
        %dma_wait3A_544 = tpu.memref_slice %arg14[%dma_wait3A_541, %dma_wait3A_542, %dma_wait3A_543] : memref<2x4x125xi32, #tpu.memory_space<vmem>> -> memref<1x4x125xi32, #tpu.memory_space<vmem>>
        %dma_wait3A_545 = tpu.memref_squeeze %dma_wait3A_544 : memref<1x4x125xi32, #tpu.memory_space<vmem>> -> memref<4x125xi32, #tpu.memory_space<vmem>>
        %dma_wait3A_546 = arith.constant 0 : i32
        %dma_wait3A_547 = arith.constant 0 : i32
        %dma_wait3A_548 = tpu.memref_slice %arg6[%cond3A, %dma_wait3A_546, %dma_wait3A_547] : memref<2x12800x125xi32, #tpu.memory_space<hbm>> -> memref<1x12800x125xi32, #tpu.memory_space<hbm>>
        %dma_wait3A_549 = tpu.memref_squeeze %dma_wait3A_548 : memref<1x12800x125xi32, #tpu.memory_space<hbm>> -> memref<12800x125xi32, #tpu.memory_space<hbm>>
        %dma_wait3A_550 = arith.constant 0 : i32
        %dma_wait3A_551 = arith.constant 0 : i32
        %dma_wait3A_552 = tpu.memref_slice %dma_wait3A_549[%dma_wait3A_550, %dma_wait3A_551] : memref<12800x125xi32, #tpu.memory_space<hbm>> -> memref<4x125xi32, #tpu.memory_space<hbm>>
        %dma_wait3A_553 = arith.constant 0 : i32
        %dma_wait3A_554 = arith.constant 0 : i32
        %dma_wait3A_555 = tpu.memref_slice %arg14[%dma_wait3A_541, %dma_wait3A_553, %dma_wait3A_554] : memref<2x4x125xi32, #tpu.memory_space<vmem>> -> memref<1x4x125xi32, #tpu.memory_space<vmem>>
        %dma_wait3A_556 = tpu.memref_squeeze %dma_wait3A_555 : memref<1x4x125xi32, #tpu.memory_space<vmem>> -> memref<4x125xi32, #tpu.memory_space<vmem>>
        %dma_wait3A_557 = arith.constant 0 : i32
        %dma_wait3A_558 = arith.constant 0 : i32
        %dma_wait3A_559 = tpu.memref_slice %arg6[%cond3A, %dma_wait3A_557, %dma_wait3A_558] : memref<2x12800x125xi32, #tpu.memory_space<hbm>> -> memref<1x12800x125xi32, #tpu.memory_space<hbm>>
        %dma_wait3A_560 = tpu.memref_squeeze %dma_wait3A_559 : memref<1x12800x125xi32, #tpu.memory_space<hbm>> -> memref<12800x125xi32, #tpu.memory_space<hbm>>
        %dma_wait3A_561 = arith.constant 0 : i32
        %dma_wait3A_562 = arith.constant 0 : i32
        %dma_wait3A_563 = tpu.memref_slice %dma_wait3A_560[%dma_wait3A_561, %dma_wait3A_562] : memref<12800x125xi32, #tpu.memory_space<hbm>> -> memref<4x125xi32, #tpu.memory_space<hbm>>
        tpu.wait_dma2 semaphore(%arg17 : memref<!tpu.dma_semaphore, #tpu.memory_space<semaphore_mem>>) src(%dma_wait3A_563 : memref<4x125xi32, #tpu.memory_space<hbm>>) dst(%dma_wait3A_556 : memref<4x125xi32, #tpu.memory_space<vmem>>)
        %dma_wait3A_564 = arith.constant 0 : i32
        %dma_wait3A_565 = arith.constant 0 : i32
        %dma_wait3A_566 = arith.constant 0 : i32
        %dma_wait3A_567 = arith.constant 0 : i32
        %dma_wait3A_568 = tpu.memref_slice %arg15[%dma_wait3A_564, %dma_wait3A_565, %dma_wait3A_566, %dma_wait3A_567] : memref<2x4x125x16xf32, #tpu.memory_space<vmem>> -> memref<1x1x125x16xf32, #tpu.memory_space<vmem>>
        %dma_wait3A_569 = tpu.memref_squeeze %dma_wait3A_568 : memref<1x1x125x16xf32, #tpu.memory_space<vmem>> -> memref<125x16xf32, #tpu.memory_space<vmem>>
        %dma_wait3A_570 = arith.constant 0 : i32
        %dma_wait3A_571 = arith.constant 0 : i32
        %dma_wait3A_572 = tpu.memref_slice %arg2[%dma_wait3A_570, %dma_wait3A_571] : memref<100000x16xf32, #tpu.memory_space<hbm>> -> memref<125x16xf32, #tpu.memory_space<hbm>>
        %dma_wait3A_573 = arith.constant 0 : i32
        %dma_wait3A_574 = arith.constant 0 : i32
        %dma_wait3A_575 = tpu.memref_slice %arg15[%dma_wait3A_564, %dma_wait3A_565, %dma_wait3A_573, %dma_wait3A_574] : memref<2x4x125x16xf32, #tpu.memory_space<vmem>> -> memref<1x1x125x16xf32, #tpu.memory_space<vmem>>
        %dma_wait3A_576 = tpu.memref_squeeze %dma_wait3A_575 : memref<1x1x125x16xf32, #tpu.memory_space<vmem>> -> memref<125x16xf32, #tpu.memory_space<vmem>>
        %dma_wait3A_577 = arith.constant 0 : i32
        %dma_wait3A_578 = arith.constant 0 : i32
        %dma_wait3A_579 = tpu.memref_slice %arg2[%dma_wait3A_577, %dma_wait3A_578] : memref<100000x16xf32, #tpu.memory_space<hbm>> -> memref<125x16xf32, #tpu.memory_space<hbm>>
        tpu.wait_dma2 semaphore(%arg19 : memref<!tpu.dma_semaphore, #tpu.memory_space<semaphore_mem>>) src(%dma_wait3A_579 : memref<125x16xf32, #tpu.memory_space<hbm>>) dst(%dma_wait3A_576 : memref<125x16xf32, #tpu.memory_space<vmem>>)
        %dma_wait3A_580 = arith.constant 0 : i32
        %dma_wait3A_581 = arith.constant 1 : i32
        %dma_wait3A_582 = arith.constant 0 : i32
        %dma_wait3A_583 = arith.constant 0 : i32
        %dma_wait3A_584 = tpu.memref_slice %arg15[%dma_wait3A_580, %dma_wait3A_581, %dma_wait3A_582, %dma_wait3A_583] : memref<2x4x125x16xf32, #tpu.memory_space<vmem>> -> memref<1x1x125x16xf32, #tpu.memory_space<vmem>>
        %dma_wait3A_585 = tpu.memref_squeeze %dma_wait3A_584 : memref<1x1x125x16xf32, #tpu.memory_space<vmem>> -> memref<125x16xf32, #tpu.memory_space<vmem>>
        %dma_wait3A_586 = arith.constant 0 : i32
        %dma_wait3A_587 = arith.constant 0 : i32
        %dma_wait3A_588 = tpu.memref_slice %arg2[%dma_wait3A_586, %dma_wait3A_587] : memref<100000x16xf32, #tpu.memory_space<hbm>> -> memref<125x16xf32, #tpu.memory_space<hbm>>
        %dma_wait3A_589 = arith.constant 0 : i32
        %dma_wait3A_590 = arith.constant 0 : i32
        %dma_wait3A_591 = tpu.memref_slice %arg15[%dma_wait3A_580, %dma_wait3A_581, %dma_wait3A_589, %dma_wait3A_590] : memref<2x4x125x16xf32, #tpu.memory_space<vmem>> -> memref<1x1x125x16xf32, #tpu.memory_space<vmem>>
        %dma_wait3A_592 = tpu.memref_squeeze %dma_wait3A_591 : memref<1x1x125x16xf32, #tpu.memory_space<vmem>> -> memref<125x16xf32, #tpu.memory_space<vmem>>
        %dma_wait3A_593 = arith.constant 0 : i32
        %dma_wait3A_594 = arith.constant 0 : i32
        %dma_wait3A_595 = tpu.memref_slice %arg2[%dma_wait3A_593, %dma_wait3A_594] : memref<100000x16xf32, #tpu.memory_space<hbm>> -> memref<125x16xf32, #tpu.memory_space<hbm>>
        tpu.wait_dma2 semaphore(%arg19 : memref<!tpu.dma_semaphore, #tpu.memory_space<semaphore_mem>>) src(%dma_wait3A_595 : memref<125x16xf32, #tpu.memory_space<hbm>>) dst(%dma_wait3A_592 : memref<125x16xf32, #tpu.memory_space<vmem>>)
        %dma_wait3A_596 = arith.constant 0 : i32
        %dma_wait3A_597 = arith.constant 2 : i32
        %dma_wait3A_598 = arith.constant 0 : i32
        %dma_wait3A_599 = arith.constant 0 : i32
        %dma_wait3A_600 = tpu.memref_slice %arg15[%dma_wait3A_596, %dma_wait3A_597, %dma_wait3A_598, %dma_wait3A_599] : memref<2x4x125x16xf32, #tpu.memory_space<vmem>> -> memref<1x1x125x16xf32, #tpu.memory_space<vmem>>
        %dma_wait3A_601 = tpu.memref_squeeze %dma_wait3A_600 : memref<1x1x125x16xf32, #tpu.memory_space<vmem>> -> memref<125x16xf32, #tpu.memory_space<vmem>>
        %dma_wait3A_602 = arith.constant 0 : i32
        %dma_wait3A_603 = arith.constant 0 : i32
        %dma_wait3A_604 = tpu.memref_slice %arg2[%dma_wait3A_602, %dma_wait3A_603] : memref<100000x16xf32, #tpu.memory_space<hbm>> -> memref<125x16xf32, #tpu.memory_space<hbm>>
        %dma_wait3A_605 = arith.constant 0 : i32
        %dma_wait3A_606 = arith.constant 0 : i32
        %dma_wait3A_607 = tpu.memref_slice %arg15[%dma_wait3A_596, %dma_wait3A_597, %dma_wait3A_605, %dma_wait3A_606] : memref<2x4x125x16xf32, #tpu.memory_space<vmem>> -> memref<1x1x125x16xf32, #tpu.memory_space<vmem>>
        %dma_wait3A_608 = tpu.memref_squeeze %dma_wait3A_607 : memref<1x1x125x16xf32, #tpu.memory_space<vmem>> -> memref<125x16xf32, #tpu.memory_space<vmem>>
        %dma_wait3A_609 = arith.constant 0 : i32
        %dma_wait3A_610 = arith.constant 0 : i32
        %dma_wait3A_611 = tpu.memref_slice %arg2[%dma_wait3A_609, %dma_wait3A_610] : memref<100000x16xf32, #tpu.memory_space<hbm>> -> memref<125x16xf32, #tpu.memory_space<hbm>>
        tpu.wait_dma2 semaphore(%arg19 : memref<!tpu.dma_semaphore, #tpu.memory_space<semaphore_mem>>) src(%dma_wait3A_611 : memref<125x16xf32, #tpu.memory_space<hbm>>) dst(%dma_wait3A_608 : memref<125x16xf32, #tpu.memory_space<vmem>>)
        %dma_wait3A_612 = arith.constant 0 : i32
        %dma_wait3A_613 = arith.constant 3 : i32
        %dma_wait3A_614 = arith.constant 0 : i32
        %dma_wait3A_615 = arith.constant 0 : i32
        %dma_wait3A_616 = tpu.memref_slice %arg15[%dma_wait3A_612, %dma_wait3A_613, %dma_wait3A_614, %dma_wait3A_615] : memref<2x4x125x16xf32, #tpu.memory_space<vmem>> -> memref<1x1x125x16xf32, #tpu.memory_space<vmem>>
        %dma_wait3A_617 = tpu.memref_squeeze %dma_wait3A_616 : memref<1x1x125x16xf32, #tpu.memory_space<vmem>> -> memref<125x16xf32, #tpu.memory_space<vmem>>
        %dma_wait3A_618 = arith.constant 0 : i32
        %dma_wait3A_619 = arith.constant 0 : i32
        %dma_wait3A_620 = tpu.memref_slice %arg2[%dma_wait3A_618, %dma_wait3A_619] : memref<100000x16xf32, #tpu.memory_space<hbm>> -> memref<125x16xf32, #tpu.memory_space<hbm>>
        %dma_wait3A_621 = arith.constant 0 : i32
        %dma_wait3A_622 = arith.constant 0 : i32
        %dma_wait3A_623 = tpu.memref_slice %arg15[%dma_wait3A_612, %dma_wait3A_613, %dma_wait3A_621, %dma_wait3A_622] : memref<2x4x125x16xf32, #tpu.memory_space<vmem>> -> memref<1x1x125x16xf32, #tpu.memory_space<vmem>>
        %dma_wait3A_624 = tpu.memref_squeeze %dma_wait3A_623 : memref<1x1x125x16xf32, #tpu.memory_space<vmem>> -> memref<125x16xf32, #tpu.memory_space<vmem>>
        %dma_wait3A_625 = arith.constant 0 : i32
        %dma_wait3A_626 = arith.constant 0 : i32
        %dma_wait3A_627 = tpu.memref_slice %arg2[%dma_wait3A_625, %dma_wait3A_626] : memref<100000x16xf32, #tpu.memory_space<hbm>> -> memref<125x16xf32, #tpu.memory_space<hbm>>
        tpu.wait_dma2 semaphore(%arg19 : memref<!tpu.dma_semaphore, #tpu.memory_space<semaphore_mem>>) src(%dma_wait3A_627 : memref<125x16xf32, #tpu.memory_space<hbm>>) dst(%dma_wait3A_624 : memref<125x16xf32, #tpu.memory_space<vmem>>)
        %lt3A = arith.constant 99 : i32
        %lt3A_628 = arith.cmpi slt, %scan3A_240, %lt3A : i32
        %convert_element_type3A_629 = arith.extui %lt3A_628 : i1 to i32
        %cond3A_630 = arith.constant 0 : i32
        %cond3A_631 = arith.cmpi ne, %convert_element_type3A_629, %cond3A_630 : i32
        scf.if %cond3A_631 {
          %dma_start3A_800 = arith.constant 0 : i32
          %dma_start3A_801 = arith.constant 0 : i32
          %dma_start3A_802 = arith.constant 0 : i32
          %dma_start3A_803 = tpu.memref_slice %arg13[%dma_start3A_800, %dma_start3A_801, %dma_start3A_802] : memref<2x4x125xi32, #tpu.memory_space<vmem>> -> memref<1x4x125xi32, #tpu.memory_space<vmem>>
          %dma_start3A_804 = tpu.memref_squeeze %dma_start3A_803 : memref<1x4x125xi32, #tpu.memory_space<vmem>> -> memref<4x125xi32, #tpu.memory_space<vmem>>
          %dma_start3A_805 = arith.constant 0 : i32
          %dma_start3A_806 = arith.constant 0 : i32
          %dma_start3A_807 = tpu.memref_slice %arg6[%cond3A, %dma_start3A_805, %dma_start3A_806] : memref<2x12800x125xi32, #tpu.memory_space<hbm>> -> memref<1x12800x125xi32, #tpu.memory_space<hbm>>
          %dma_start3A_808 = tpu.memref_squeeze %dma_start3A_807 : memref<1x12800x125xi32, #tpu.memory_space<hbm>> -> memref<12800x125xi32, #tpu.memory_space<hbm>>
          %dma_start3A_809 = arith.constant 0 : i32
          %dma_start3A_810 = tpu.memref_slice %dma_start3A_808[%add3A_517, %dma_start3A_809] : memref<12800x125xi32, #tpu.memory_space<hbm>> -> memref<4x125xi32, #tpu.memory_space<hbm>>
          %dma_start3A_811 = arith.constant 0 : i32
          %dma_start3A_812 = arith.constant 0 : i32
          %dma_start3A_813 = tpu.memref_slice %arg13[%dma_start3A_800, %dma_start3A_811, %dma_start3A_812] : memref<2x4x125xi32, #tpu.memory_space<vmem>> -> memref<1x4x125xi32, #tpu.memory_space<vmem>>
          %dma_start3A_814 = tpu.memref_squeeze %dma_start3A_813 : memref<1x4x125xi32, #tpu.memory_space<vmem>> -> memref<4x125xi32, #tpu.memory_space<vmem>>
          %dma_start3A_815 = arith.constant 0 : i32
          %dma_start3A_816 = arith.constant 0 : i32
          %dma_start3A_817 = tpu.memref_slice %arg6[%cond3A, %dma_start3A_815, %dma_start3A_816] : memref<2x12800x125xi32, #tpu.memory_space<hbm>> -> memref<1x12800x125xi32, #tpu.memory_space<hbm>>
          %dma_start3A_818 = tpu.memref_squeeze %dma_start3A_817 : memref<1x12800x125xi32, #tpu.memory_space<hbm>> -> memref<12800x125xi32, #tpu.memory_space<hbm>>
          %dma_start3A_819 = arith.constant 0 : i32
          %dma_start3A_820 = tpu.memref_slice %dma_start3A_818[%add3A_517, %dma_start3A_819] : memref<12800x125xi32, #tpu.memory_space<hbm>> -> memref<4x125xi32, #tpu.memory_space<hbm>>
          tpu.enqueue_dma source(%dma_start3A_820 : memref<4x125xi32, #tpu.memory_space<hbm>>) target(%dma_start3A_814 : memref<4x125xi32, #tpu.memory_space<vmem>>) target_semaphore(%arg16 : memref<!tpu.dma_semaphore, #tpu.memory_space<semaphore_mem>>)
          %dma_start3A_821 = arith.constant 0 : i32
          %dma_start3A_822 = arith.constant 0 : i32
          %dma_start3A_823 = arith.constant 0 : i32
          %dma_start3A_824 = tpu.memref_slice %arg14[%dma_start3A_821, %dma_start3A_822, %dma_start3A_823] : memref<2x4x125xi32, #tpu.memory_space<vmem>> -> memref<1x4x125xi32, #tpu.memory_space<vmem>>
          %dma_start3A_825 = tpu.memref_squeeze %dma_start3A_824 : memref<1x4x125xi32, #tpu.memory_space<vmem>> -> memref<4x125xi32, #tpu.memory_space<vmem>>
          %dma_start3A_826 = arith.constant 0 : i32
          %dma_start3A_827 = arith.constant 0 : i32
          %dma_start3A_828 = tpu.memref_slice %arg6[%cond3A_4, %dma_start3A_826, %dma_start3A_827] : memref<2x12800x125xi32, #tpu.memory_space<hbm>> -> memref<1x12800x125xi32, #tpu.memory_space<hbm>>
          %dma_start3A_829 = tpu.memref_squeeze %dma_start3A_828 : memref<1x12800x125xi32, #tpu.memory_space<hbm>> -> memref<12800x125xi32, #tpu.memory_space<hbm>>
          %dma_start3A_830 = arith.constant 0 : i32
          %dma_start3A_831 = tpu.memref_slice %dma_start3A_829[%add3A_517, %dma_start3A_830] : memref<12800x125xi32, #tpu.memory_space<hbm>> -> memref<4x125xi32, #tpu.memory_space<hbm>>
          %dma_start3A_832 = arith.constant 0 : i32
          %dma_start3A_833 = arith.constant 0 : i32
          %dma_start3A_834 = tpu.memref_slice %arg14[%dma_start3A_821, %dma_start3A_832, %dma_start3A_833] : memref<2x4x125xi32, #tpu.memory_space<vmem>> -> memref<1x4x125xi32, #tpu.memory_space<vmem>>
          %dma_start3A_835 = tpu.memref_squeeze %dma_start3A_834 : memref<1x4x125xi32, #tpu.memory_space<vmem>> -> memref<4x125xi32, #tpu.memory_space<vmem>>
          %dma_start3A_836 = arith.constant 0 : i32
          %dma_start3A_837 = arith.constant 0 : i32
          %dma_start3A_838 = tpu.memref_slice %arg6[%cond3A_4, %dma_start3A_836, %dma_start3A_837] : memref<2x12800x125xi32, #tpu.memory_space<hbm>> -> memref<1x12800x125xi32, #tpu.memory_space<hbm>>
          %dma_start3A_839 = tpu.memref_squeeze %dma_start3A_838 : memref<1x12800x125xi32, #tpu.memory_space<hbm>> -> memref<12800x125xi32, #tpu.memory_space<hbm>>
          %dma_start3A_840 = arith.constant 0 : i32
          %dma_start3A_841 = tpu.memref_slice %dma_start3A_839[%add3A_517, %dma_start3A_840] : memref<12800x125xi32, #tpu.memory_space<hbm>> -> memref<4x125xi32, #tpu.memory_space<hbm>>
          tpu.enqueue_dma source(%dma_start3A_841 : memref<4x125xi32, #tpu.memory_space<hbm>>) target(%dma_start3A_835 : memref<4x125xi32, #tpu.memory_space<vmem>>) target_semaphore(%arg16 : memref<!tpu.dma_semaphore, #tpu.memory_space<semaphore_mem>>)
        } else {
        }
        %dma_start3A_632 = arith.constant 1 : i32
        %dma_start3A_633 = arith.constant 0 : i32
        %dma_start3A_634 = arith.constant 1 : i32
        %dma_start3A_635 = arith.constant 0 : i32
        %dma_start3A_636 = arith.constant 0 : i32
        %dma_start3A_637 = arith.constant 0 : i32
        %dma_start3A_638 = tpu.memref_slice %arg15[%dma_start3A_634, %dma_start3A_635, %dma_start3A_636, %dma_start3A_637] : memref<2x4x125x16xf32, #tpu.memory_space<vmem>> -> memref<1x1x125x16xf32, #tpu.memory_space<vmem>>
        %dma_start3A_639 = tpu.memref_squeeze %dma_start3A_638 : memref<1x1x125x16xf32, #tpu.memory_space<vmem>> -> memref<125x16xf32, #tpu.memory_space<vmem>>
        %dma_start3A_640 = arith.constant 0 : i32
        %dma_start3A_641 = tpu.memref_slice %arg13[%dma_start3A_632, %dma_start3A_633, %dma_start3A_640] : memref<2x4x125xi32, #tpu.memory_space<vmem>> -> memref<1x1x125xi32, #tpu.memory_space<vmem>>
        %dma_start3A_642 = tpu.memref_squeeze %dma_start3A_641 : memref<1x1x125xi32, #tpu.memory_space<vmem>> -> memref<125xi32, #tpu.memory_space<vmem>>
        %dma_start3A_643 = arith.constant 0 : i32
        %dma_start3A_644 = arith.constant 0 : i32
        %dma_start3A_645 = tpu.memref_slice %arg2[%dma_start3A_643, %dma_start3A_644] : memref<100000x16xf32, #tpu.memory_space<hbm>> -> memref<100000x16xf32, #tpu.memory_space<hbm>>
        tpu.enqueue_indirect_dma source(%dma_start3A_645 : memref<100000x16xf32, #tpu.memory_space<hbm>>) target(%dma_start3A_639 : memref<125x16xf32, #tpu.memory_space<vmem>>) offsets(%dma_start3A_642 : memref<125xi32, #tpu.memory_space<vmem>>) semaphore(%arg18 : memref<!tpu.dma_semaphore, #tpu.memory_space<semaphore_mem>>)
        %dma_start3A_646 = arith.constant 1 : i32
        %dma_start3A_647 = arith.constant 1 : i32
        %dma_start3A_648 = arith.constant 1 : i32
        %dma_start3A_649 = arith.constant 1 : i32
        %dma_start3A_650 = arith.constant 0 : i32
        %dma_start3A_651 = arith.constant 0 : i32
        %dma_start3A_652 = tpu.memref_slice %arg15[%dma_start3A_648, %dma_start3A_649, %dma_start3A_650, %dma_start3A_651] : memref<2x4x125x16xf32, #tpu.memory_space<vmem>> -> memref<1x1x125x16xf32, #tpu.memory_space<vmem>>
        %dma_start3A_653 = tpu.memref_squeeze %dma_start3A_652 : memref<1x1x125x16xf32, #tpu.memory_space<vmem>> -> memref<125x16xf32, #tpu.memory_space<vmem>>
        %dma_start3A_654 = arith.constant 0 : i32
        %dma_start3A_655 = tpu.memref_slice %arg13[%dma_start3A_646, %dma_start3A_647, %dma_start3A_654] : memref<2x4x125xi32, #tpu.memory_space<vmem>> -> memref<1x1x125xi32, #tpu.memory_space<vmem>>
        %dma_start3A_656 = tpu.memref_squeeze %dma_start3A_655 : memref<1x1x125xi32, #tpu.memory_space<vmem>> -> memref<125xi32, #tpu.memory_space<vmem>>
        %dma_start3A_657 = arith.constant 0 : i32
        %dma_start3A_658 = arith.constant 0 : i32
        %dma_start3A_659 = tpu.memref_slice %arg2[%dma_start3A_657, %dma_start3A_658] : memref<100000x16xf32, #tpu.memory_space<hbm>> -> memref<100000x16xf32, #tpu.memory_space<hbm>>
        tpu.enqueue_indirect_dma source(%dma_start3A_659 : memref<100000x16xf32, #tpu.memory_space<hbm>>) target(%dma_start3A_653 : memref<125x16xf32, #tpu.memory_space<vmem>>) offsets(%dma_start3A_656 : memref<125xi32, #tpu.memory_space<vmem>>) semaphore(%arg18 : memref<!tpu.dma_semaphore, #tpu.memory_space<semaphore_mem>>)
        %dma_start3A_660 = arith.constant 1 : i32
        %dma_start3A_661 = arith.constant 2 : i32
        %dma_start3A_662 = arith.constant 1 : i32
        %dma_start3A_663 = arith.constant 2 : i32
        %dma_start3A_664 = arith.constant 0 : i32
        %dma_start3A_665 = arith.constant 0 : i32
        %dma_start3A_666 = tpu.memref_slice %arg15[%dma_start3A_662, %dma_start3A_663, %dma_start3A_664, %dma_start3A_665] : memref<2x4x125x16xf32, #tpu.memory_space<vmem>> -> memref<1x1x125x16xf32, #tpu.memory_space<vmem>>
        %dma_start3A_667 = tpu.memref_squeeze %dma_start3A_666 : memref<1x1x125x16xf32, #tpu.memory_space<vmem>> -> memref<125x16xf32, #tpu.memory_space<vmem>>
        %dma_start3A_668 = arith.constant 0 : i32
        %dma_start3A_669 = tpu.memref_slice %arg13[%dma_start3A_660, %dma_start3A_661, %dma_start3A_668] : memref<2x4x125xi32, #tpu.memory_space<vmem>> -> memref<1x1x125xi32, #tpu.memory_space<vmem>>
        %dma_start3A_670 = tpu.memref_squeeze %dma_start3A_669 : memref<1x1x125xi32, #tpu.memory_space<vmem>> -> memref<125xi32, #tpu.memory_space<vmem>>
        %dma_start3A_671 = arith.constant 0 : i32
        %dma_start3A_672 = arith.constant 0 : i32
        %dma_start3A_673 = tpu.memref_slice %arg2[%dma_start3A_671, %dma_start3A_672] : memref<100000x16xf32, #tpu.memory_space<hbm>> -> memref<100000x16xf32, #tpu.memory_space<hbm>>
        tpu.enqueue_indirect_dma source(%dma_start3A_673 : memref<100000x16xf32, #tpu.memory_space<hbm>>) target(%dma_start3A_667 : memref<125x16xf32, #tpu.memory_space<vmem>>) offsets(%dma_start3A_670 : memref<125xi32, #tpu.memory_space<vmem>>) semaphore(%arg18 : memref<!tpu.dma_semaphore, #tpu.memory_space<semaphore_mem>>)
        %dma_start3A_674 = arith.constant 1 : i32
        %dma_start3A_675 = arith.constant 3 : i32
        %dma_start3A_676 = arith.constant 1 : i32
        %dma_start3A_677 = arith.constant 3 : i32
        %dma_start3A_678 = arith.constant 0 : i32
        %dma_start3A_679 = arith.constant 0 : i32
        %dma_start3A_680 = tpu.memref_slice %arg15[%dma_start3A_676, %dma_start3A_677, %dma_start3A_678, %dma_start3A_679] : memref<2x4x125x16xf32, #tpu.memory_space<vmem>> -> memref<1x1x125x16xf32, #tpu.memory_space<vmem>>
        %dma_start3A_681 = tpu.memref_squeeze %dma_start3A_680 : memref<1x1x125x16xf32, #tpu.memory_space<vmem>> -> memref<125x16xf32, #tpu.memory_space<vmem>>
        %dma_start3A_682 = arith.constant 0 : i32
        %dma_start3A_683 = tpu.memref_slice %arg13[%dma_start3A_674, %dma_start3A_675, %dma_start3A_682] : memref<2x4x125xi32, #tpu.memory_space<vmem>> -> memref<1x1x125xi32, #tpu.memory_space<vmem>>
        %dma_start3A_684 = tpu.memref_squeeze %dma_start3A_683 : memref<1x1x125xi32, #tpu.memory_space<vmem>> -> memref<125xi32, #tpu.memory_space<vmem>>
        %dma_start3A_685 = arith.constant 0 : i32
        %dma_start3A_686 = arith.constant 0 : i32
        %dma_start3A_687 = tpu.memref_slice %arg2[%dma_start3A_685, %dma_start3A_686] : memref<100000x16xf32, #tpu.memory_space<hbm>> -> memref<100000x16xf32, #tpu.memory_space<hbm>>
        tpu.enqueue_indirect_dma source(%dma_start3A_687 : memref<100000x16xf32, #tpu.memory_space<hbm>>) target(%dma_start3A_681 : memref<125x16xf32, #tpu.memory_space<vmem>>) offsets(%dma_start3A_684 : memref<125xi32, #tpu.memory_space<vmem>>) semaphore(%arg18 : memref<!tpu.dma_semaphore, #tpu.memory_space<semaphore_mem>>)
        %dma_wait3A_688 = arith.constant 1 : i32
        %dma_wait3A_689 = arith.constant 0 : i32
        %dma_wait3A_690 = arith.constant 1 : i32
        %dma_wait3A_691 = arith.constant 0 : i32
        %dma_wait3A_692 = arith.constant 0 : i32
        %dma_wait3A_693 = arith.constant 0 : i32
        %dma_wait3A_694 = tpu.memref_slice %arg15[%dma_wait3A_690, %dma_wait3A_691, %dma_wait3A_692, %dma_wait3A_693] : memref<2x4x125x16xf32, #tpu.memory_space<vmem>> -> memref<1x1x125x16xf32, #tpu.memory_space<vmem>>
        %dma_wait3A_695 = tpu.memref_squeeze %dma_wait3A_694 : memref<1x1x125x16xf32, #tpu.memory_space<vmem>> -> memref<125x16xf32, #tpu.memory_space<vmem>>
        %dma_wait3A_696 = arith.constant 0 : i32
        %dma_wait3A_697 = tpu.memref_slice %arg13[%dma_wait3A_688, %dma_wait3A_689, %dma_wait3A_696] : memref<2x4x125xi32, #tpu.memory_space<vmem>> -> memref<1x1x125xi32, #tpu.memory_space<vmem>>
        %dma_wait3A_698 = tpu.memref_squeeze %dma_wait3A_697 : memref<1x1x125xi32, #tpu.memory_space<vmem>> -> memref<125xi32, #tpu.memory_space<vmem>>
        %dma_wait3A_699 = arith.constant 0 : i32
        %dma_wait3A_700 = arith.constant 0 : i32
        %dma_wait3A_701 = tpu.memref_slice %arg2[%dma_wait3A_699, %dma_wait3A_700] : memref<100000x16xf32, #tpu.memory_space<hbm>> -> memref<100000x16xf32, #tpu.memory_space<hbm>>
        tpu.wait_indirect_dma semaphore(%arg18 : memref<!tpu.dma_semaphore, #tpu.memory_space<semaphore_mem>>) src(%dma_wait3A_701 : memref<100000x16xf32, #tpu.memory_space<hbm>>) dst(%dma_wait3A_695 : memref<125x16xf32, #tpu.memory_space<vmem>>)
        %dma_wait3A_702 = arith.constant 1 : i32
        %dma_wait3A_703 = arith.constant 1 : i32
        %dma_wait3A_704 = arith.constant 1 : i32
        %dma_wait3A_705 = arith.constant 1 : i32
        %dma_wait3A_706 = arith.constant 0 : i32
        %dma_wait3A_707 = arith.constant 0 : i32
        %dma_wait3A_708 = tpu.memref_slice %arg15[%dma_wait3A_704, %dma_wait3A_705, %dma_wait3A_706, %dma_wait3A_707] : memref<2x4x125x16xf32, #tpu.memory_space<vmem>> -> memref<1x1x125x16xf32, #tpu.memory_space<vmem>>
        %dma_wait3A_709 = tpu.memref_squeeze %dma_wait3A_708 : memref<1x1x125x16xf32, #tpu.memory_space<vmem>> -> memref<125x16xf32, #tpu.memory_space<vmem>>
        %dma_wait3A_710 = arith.constant 0 : i32
        %dma_wait3A_711 = tpu.memref_slice %arg13[%dma_wait3A_702, %dma_wait3A_703, %dma_wait3A_710] : memref<2x4x125xi32, #tpu.memory_space<vmem>> -> memref<1x1x125xi32, #tpu.memory_space<vmem>>
        %dma_wait3A_712 = tpu.memref_squeeze %dma_wait3A_711 : memref<1x1x125xi32, #tpu.memory_space<vmem>> -> memref<125xi32, #tpu.memory_space<vmem>>
        %dma_wait3A_713 = arith.constant 0 : i32
        %dma_wait3A_714 = arith.constant 0 : i32
        %dma_wait3A_715 = tpu.memref_slice %arg2[%dma_wait3A_713, %dma_wait3A_714] : memref<100000x16xf32, #tpu.memory_space<hbm>> -> memref<100000x16xf32, #tpu.memory_space<hbm>>
        tpu.wait_indirect_dma semaphore(%arg18 : memref<!tpu.dma_semaphore, #tpu.memory_space<semaphore_mem>>) src(%dma_wait3A_715 : memref<100000x16xf32, #tpu.memory_space<hbm>>) dst(%dma_wait3A_709 : memref<125x16xf32, #tpu.memory_space<vmem>>)
        %dma_wait3A_716 = arith.constant 1 : i32
        %dma_wait3A_717 = arith.constant 2 : i32
        %dma_wait3A_718 = arith.constant 1 : i32
        %dma_wait3A_719 = arith.constant 2 : i32
        %dma_wait3A_720 = arith.constant 0 : i32
        %dma_wait3A_721 = arith.constant 0 : i32
        %dma_wait3A_722 = tpu.memref_slice %arg15[%dma_wait3A_718, %dma_wait3A_719, %dma_wait3A_720, %dma_wait3A_721] : memref<2x4x125x16xf32, #tpu.memory_space<vmem>> -> memref<1x1x125x16xf32, #tpu.memory_space<vmem>>
        %dma_wait3A_723 = tpu.memref_squeeze %dma_wait3A_722 : memref<1x1x125x16xf32, #tpu.memory_space<vmem>> -> memref<125x16xf32, #tpu.memory_space<vmem>>
        %dma_wait3A_724 = arith.constant 0 : i32
        %dma_wait3A_725 = tpu.memref_slice %arg13[%dma_wait3A_716, %dma_wait3A_717, %dma_wait3A_724] : memref<2x4x125xi32, #tpu.memory_space<vmem>> -> memref<1x1x125xi32, #tpu.memory_space<vmem>>
        %dma_wait3A_726 = tpu.memref_squeeze %dma_wait3A_725 : memref<1x1x125xi32, #tpu.memory_space<vmem>> -> memref<125xi32, #tpu.memory_space<vmem>>
        %dma_wait3A_727 = arith.constant 0 : i32
        %dma_wait3A_728 = arith.constant 0 : i32
        %dma_wait3A_729 = tpu.memref_slice %arg2[%dma_wait3A_727, %dma_wait3A_728] : memref<100000x16xf32, #tpu.memory_space<hbm>> -> memref<100000x16xf32, #tpu.memory_space<hbm>>
        tpu.wait_indirect_dma semaphore(%arg18 : memref<!tpu.dma_semaphore, #tpu.memory_space<semaphore_mem>>) src(%dma_wait3A_729 : memref<100000x16xf32, #tpu.memory_space<hbm>>) dst(%dma_wait3A_723 : memref<125x16xf32, #tpu.memory_space<vmem>>)
        %dma_wait3A_730 = arith.constant 1 : i32
        %dma_wait3A_731 = arith.constant 3 : i32
        %dma_wait3A_732 = arith.constant 1 : i32
        %dma_wait3A_733 = arith.constant 3 : i32
        %dma_wait3A_734 = arith.constant 0 : i32
        %dma_wait3A_735 = arith.constant 0 : i32
        %dma_wait3A_736 = tpu.memref_slice %arg15[%dma_wait3A_732, %dma_wait3A_733, %dma_wait3A_734, %dma_wait3A_735] : memref<2x4x125x16xf32, #tpu.memory_space<vmem>> -> memref<1x1x125x16xf32, #tpu.memory_space<vmem>>
        %dma_wait3A_737 = tpu.memref_squeeze %dma_wait3A_736 : memref<1x1x125x16xf32, #tpu.memory_space<vmem>> -> memref<125x16xf32, #tpu.memory_space<vmem>>
        %dma_wait3A_738 = arith.constant 0 : i32
        %dma_wait3A_739 = tpu.memref_slice %arg13[%dma_wait3A_730, %dma_wait3A_731, %dma_wait3A_738] : memref<2x4x125xi32, #tpu.memory_space<vmem>> -> memref<1x1x125xi32, #tpu.memory_space<vmem>>
        %dma_wait3A_740 = tpu.memref_squeeze %dma_wait3A_739 : memref<1x1x125xi32, #tpu.memory_space<vmem>> -> memref<125xi32, #tpu.memory_space<vmem>>
        %dma_wait3A_741 = arith.constant 0 : i32
        %dma_wait3A_742 = arith.constant 0 : i32
        %dma_wait3A_743 = tpu.memref_slice %arg2[%dma_wait3A_741, %dma_wait3A_742] : memref<100000x16xf32, #tpu.memory_space<hbm>> -> memref<100000x16xf32, #tpu.memory_space<hbm>>
        tpu.wait_indirect_dma semaphore(%arg18 : memref<!tpu.dma_semaphore, #tpu.memory_space<semaphore_mem>>) src(%dma_wait3A_743 : memref<100000x16xf32, #tpu.memory_space<hbm>>) dst(%dma_wait3A_737 : memref<125x16xf32, #tpu.memory_space<vmem>>)
        %dma_start3A_744 = arith.constant 1 : i32
        %dma_start3A_745 = arith.constant 0 : i32
        %dma_start3A_746 = arith.constant 1 : i32
        %dma_start3A_747 = arith.constant 0 : i32
        %dma_start3A_748 = arith.constant 0 : i32
        %dma_start3A_749 = arith.constant 0 : i32
        %dma_start3A_750 = tpu.memref_slice %arg15[%dma_start3A_744, %dma_start3A_745, %dma_start3A_748, %dma_start3A_749] : memref<2x4x125x16xf32, #tpu.memory_space<vmem>> -> memref<1x1x125x16xf32, #tpu.memory_space<vmem>>
        %dma_start3A_751 = tpu.memref_squeeze %dma_start3A_750 : memref<1x1x125x16xf32, #tpu.memory_space<vmem>> -> memref<125x16xf32, #tpu.memory_space<vmem>>
        %dma_start3A_752 = arith.constant 0 : i32
        %dma_start3A_753 = tpu.memref_slice %arg14[%dma_start3A_746, %dma_start3A_747, %dma_start3A_752] : memref<2x4x125xi32, #tpu.memory_space<vmem>> -> memref<1x1x125xi32, #tpu.memory_space<vmem>>
        %dma_start3A_754 = tpu.memref_squeeze %dma_start3A_753 : memref<1x1x125xi32, #tpu.memory_space<vmem>> -> memref<125xi32, #tpu.memory_space<vmem>>
        %dma_start3A_755 = arith.constant 0 : i32
        %dma_start3A_756 = arith.constant 0 : i32
        %dma_start3A_757 = tpu.memref_slice %arg12[%dma_start3A_755, %dma_start3A_756] : memref<100000x16xf32, #tpu.memory_space<vmem_shared>> -> memref<100000x16xf32, #tpu.memory_space<vmem_shared>>
        tpu.enqueue_indirect_dma source(%dma_start3A_751 : memref<125x16xf32, #tpu.memory_space<vmem>>) target(%dma_start3A_757 : memref<100000x16xf32, #tpu.memory_space<vmem_shared>>) offsets(%dma_start3A_754 : memref<125xi32, #tpu.memory_space<vmem>>) semaphore(%arg20 : memref<!tpu.dma_semaphore, #tpu.memory_space<semaphore_mem>>) {add = true}
        %dma_start3A_758 = arith.constant 1 : i32
        %dma_start3A_759 = arith.constant 1 : i32
        %dma_start3A_760 = arith.constant 1 : i32
        %dma_start3A_761 = arith.constant 1 : i32
        %dma_start3A_762 = arith.constant 0 : i32
        %dma_start3A_763 = arith.constant 0 : i32
        %dma_start3A_764 = tpu.memref_slice %arg15[%dma_start3A_758, %dma_start3A_759, %dma_start3A_762, %dma_start3A_763] : memref<2x4x125x16xf32, #tpu.memory_space<vmem>> -> memref<1x1x125x16xf32, #tpu.memory_space<vmem>>
        %dma_start3A_765 = tpu.memref_squeeze %dma_start3A_764 : memref<1x1x125x16xf32, #tpu.memory_space<vmem>> -> memref<125x16xf32, #tpu.memory_space<vmem>>
        %dma_start3A_766 = arith.constant 0 : i32
        %dma_start3A_767 = tpu.memref_slice %arg14[%dma_start3A_760, %dma_start3A_761, %dma_start3A_766] : memref<2x4x125xi32, #tpu.memory_space<vmem>> -> memref<1x1x125xi32, #tpu.memory_space<vmem>>
        %dma_start3A_768 = tpu.memref_squeeze %dma_start3A_767 : memref<1x1x125xi32, #tpu.memory_space<vmem>> -> memref<125xi32, #tpu.memory_space<vmem>>
        %dma_start3A_769 = arith.constant 0 : i32
        %dma_start3A_770 = arith.constant 0 : i32
        %dma_start3A_771 = tpu.memref_slice %arg12[%dma_start3A_769, %dma_start3A_770] : memref<100000x16xf32, #tpu.memory_space<vmem_shared>> -> memref<100000x16xf32, #tpu.memory_space<vmem_shared>>
        tpu.enqueue_indirect_dma source(%dma_start3A_765 : memref<125x16xf32, #tpu.memory_space<vmem>>) target(%dma_start3A_771 : memref<100000x16xf32, #tpu.memory_space<vmem_shared>>) offsets(%dma_start3A_768 : memref<125xi32, #tpu.memory_space<vmem>>) semaphore(%arg20 : memref<!tpu.dma_semaphore, #tpu.memory_space<semaphore_mem>>) {add = true}
        %dma_start3A_772 = arith.constant 1 : i32
        %dma_start3A_773 = arith.constant 2 : i32
        %dma_start3A_774 = arith.constant 1 : i32
        %dma_start3A_775 = arith.constant 2 : i32
        %dma_start3A_776 = arith.constant 0 : i32
        %dma_start3A_777 = arith.constant 0 : i32
        %dma_start3A_778 = tpu.memref_slice %arg15[%dma_start3A_772, %dma_start3A_773, %dma_start3A_776, %dma_start3A_777] : memref<2x4x125x16xf32, #tpu.memory_space<vmem>> -> memref<1x1x125x16xf32, #tpu.memory_space<vmem>>
        %dma_start3A_779 = tpu.memref_squeeze %dma_start3A_778 : memref<1x1x125x16xf32, #tpu.memory_space<vmem>> -> memref<125x16xf32, #tpu.memory_space<vmem>>
        %dma_start3A_780 = arith.constant 0 : i32
        %dma_start3A_781 = tpu.memref_slice %arg14[%dma_start3A_774, %dma_start3A_775, %dma_start3A_780] : memref<2x4x125xi32, #tpu.memory_space<vmem>> -> memref<1x1x125xi32, #tpu.memory_space<vmem>>
        %dma_start3A_782 = tpu.memref_squeeze %dma_start3A_781 : memref<1x1x125xi32, #tpu.memory_space<vmem>> -> memref<125xi32, #tpu.memory_space<vmem>>
        %dma_start3A_783 = arith.constant 0 : i32
        %dma_start3A_784 = arith.constant 0 : i32
        %dma_start3A_785 = tpu.memref_slice %arg12[%dma_start3A_783, %dma_start3A_784] : memref<100000x16xf32, #tpu.memory_space<vmem_shared>> -> memref<100000x16xf32, #tpu.memory_space<vmem_shared>>
        tpu.enqueue_indirect_dma source(%dma_start3A_779 : memref<125x16xf32, #tpu.memory_space<vmem>>) target(%dma_start3A_785 : memref<100000x16xf32, #tpu.memory_space<vmem_shared>>) offsets(%dma_start3A_782 : memref<125xi32, #tpu.memory_space<vmem>>) semaphore(%arg20 : memref<!tpu.dma_semaphore, #tpu.memory_space<semaphore_mem>>) {add = true}
        %dma_start3A_786 = arith.constant 1 : i32
        %dma_start3A_787 = arith.constant 3 : i32
        %dma_start3A_788 = arith.constant 1 : i32
        %dma_start3A_789 = arith.constant 3 : i32
        %dma_start3A_790 = arith.constant 0 : i32
        %dma_start3A_791 = arith.constant 0 : i32
        %dma_start3A_792 = tpu.memref_slice %arg15[%dma_start3A_786, %dma_start3A_787, %dma_start3A_790, %dma_start3A_791] : memref<2x4x125x16xf32, #tpu.memory_space<vmem>> -> memref<1x1x125x16xf32, #tpu.memory_space<vmem>>
        %dma_start3A_793 = tpu.memref_squeeze %dma_start3A_792 : memref<1x1x125x16xf32, #tpu.memory_space<vmem>> -> memref<125x16xf32, #tpu.memory_space<vmem>>
        %dma_start3A_794 = arith.constant 0 : i32
        %dma_start3A_795 = tpu.memref_slice %arg14[%dma_start3A_788, %dma_start3A_789, %dma_start3A_794] : memref<2x4x125xi32, #tpu.memory_space<vmem>> -> memref<1x1x125xi32, #tpu.memory_space<vmem>>
        %dma_start3A_796 = tpu.memref_squeeze %dma_start3A_795 : memref<1x1x125xi32, #tpu.memory_space<vmem>> -> memref<125xi32, #tpu.memory_space<vmem>>
        %dma_start3A_797 = arith.constant 0 : i32
        %dma_start3A_798 = arith.constant 0 : i32
        %dma_start3A_799 = tpu.memref_slice %arg12[%dma_start3A_797, %dma_start3A_798] : memref<100000x16xf32, #tpu.memory_space<vmem_shared>> -> memref<100000x16xf32, #tpu.memory_space<vmem_shared>>
        tpu.enqueue_indirect_dma source(%dma_start3A_793 : memref<125x16xf32, #tpu.memory_space<vmem>>) target(%dma_start3A_799 : memref<100000x16xf32, #tpu.memory_space<vmem_shared>>) offsets(%dma_start3A_796 : memref<125xi32, #tpu.memory_space<vmem>>) semaphore(%arg20 : memref<!tpu.dma_semaphore, #tpu.memory_space<semaphore_mem>>) {add = true}
      }
      %scan3A_59 = arith.constant 100 : i32
      %dma_wait3A = arith.constant 1 : i32
      %dma_wait3A_60 = arith.constant 0 : i32
      %dma_wait3A_61 = arith.constant 0 : i32
      %dma_wait3A_62 = arith.constant 0 : i32
      %dma_wait3A_63 = tpu.memref_slice %arg15[%dma_wait3A, %dma_wait3A_60, %dma_wait3A_61, %dma_wait3A_62] : memref<2x4x125x16xf32, #tpu.memory_space<vmem>> -> memref<1x1x125x16xf32, #tpu.memory_space<vmem>>
      %dma_wait3A_64 = tpu.memref_squeeze %dma_wait3A_63 : memref<1x1x125x16xf32, #tpu.memory_space<vmem>> -> memref<125x16xf32, #tpu.memory_space<vmem>>
      %dma_wait3A_65 = arith.constant 0 : i32
      %dma_wait3A_66 = arith.constant 0 : i32
      %dma_wait3A_67 = tpu.memref_slice %arg2[%dma_wait3A_65, %dma_wait3A_66] : memref<100000x16xf32, #tpu.memory_space<hbm>> -> memref<125x16xf32, #tpu.memory_space<hbm>>
      %dma_wait3A_68 = arith.constant 0 : i32
      %dma_wait3A_69 = arith.constant 0 : i32
      %dma_wait3A_70 = tpu.memref_slice %arg15[%dma_wait3A, %dma_wait3A_60, %dma_wait3A_68, %dma_wait3A_69] : memref<2x4x125x16xf32, #tpu.memory_space<vmem>> -> memref<1x1x125x16xf32, #tpu.memory_space<vmem>>
      %dma_wait3A_71 = tpu.memref_squeeze %dma_wait3A_70 : memref<1x1x125x16xf32, #tpu.memory_space<vmem>> -> memref<125x16xf32, #tpu.memory_space<vmem>>
      %dma_wait3A_72 = arith.constant 0 : i32
      %dma_wait3A_73 = arith.constant 0 : i32
      %dma_wait3A_74 = tpu.memref_slice %arg2[%dma_wait3A_72, %dma_wait3A_73] : memref<100000x16xf32, #tpu.memory_space<hbm>> -> memref<125x16xf32, #tpu.memory_space<hbm>>
      tpu.wait_dma2 semaphore(%arg20 : memref<!tpu.dma_semaphore, #tpu.memory_space<semaphore_mem>>) src(%dma_wait3A_74 : memref<125x16xf32, #tpu.memory_space<hbm>>) dst(%dma_wait3A_71 : memref<125x16xf32, #tpu.memory_space<vmem>>)
      %dma_wait3A_75 = arith.constant 1 : i32
      %dma_wait3A_76 = arith.constant 1 : i32
      %dma_wait3A_77 = arith.constant 0 : i32
      %dma_wait3A_78 = arith.constant 0 : i32
      %dma_wait3A_79 = tpu.memref_slice %arg15[%dma_wait3A_75, %dma_wait3A_76, %dma_wait3A_77, %dma_wait3A_78] : memref<2x4x125x16xf32, #tpu.memory_space<vmem>> -> memref<1x1x125x16xf32, #tpu.memory_space<vmem>>
      %dma_wait3A_80 = tpu.memref_squeeze %dma_wait3A_79 : memref<1x1x125x16xf32, #tpu.memory_space<vmem>> -> memref<125x16xf32, #tpu.memory_space<vmem>>
      %dma_wait3A_81 = arith.constant 0 : i32
      %dma_wait3A_82 = arith.constant 0 : i32
      %dma_wait3A_83 = tpu.memref_slice %arg2[%dma_wait3A_81, %dma_wait3A_82] : memref<100000x16xf32, #tpu.memory_space<hbm>> -> memref<125x16xf32, #tpu.memory_space<hbm>>
      %dma_wait3A_84 = arith.constant 0 : i32
      %dma_wait3A_85 = arith.constant 0 : i32
      %dma_wait3A_86 = tpu.memref_slice %arg15[%dma_wait3A_75, %dma_wait3A_76, %dma_wait3A_84, %dma_wait3A_85] : memref<2x4x125x16xf32, #tpu.memory_space<vmem>> -> memref<1x1x125x16xf32, #tpu.memory_space<vmem>>
      %dma_wait3A_87 = tpu.memref_squeeze %dma_wait3A_86 : memref<1x1x125x16xf32, #tpu.memory_space<vmem>> -> memref<125x16xf32, #tpu.memory_space<vmem>>
      %dma_wait3A_88 = arith.constant 0 : i32
      %dma_wait3A_89 = arith.constant 0 : i32
      %dma_wait3A_90 = tpu.memref_slice %arg2[%dma_wait3A_88, %dma_wait3A_89] : memref<100000x16xf32, #tpu.memory_space<hbm>> -> memref<125x16xf32, #tpu.memory_space<hbm>>
      tpu.wait_dma2 semaphore(%arg20 : memref<!tpu.dma_semaphore, #tpu.memory_space<semaphore_mem>>) src(%dma_wait3A_90 : memref<125x16xf32, #tpu.memory_space<hbm>>) dst(%dma_wait3A_87 : memref<125x16xf32, #tpu.memory_space<vmem>>)
      %dma_wait3A_91 = arith.constant 1 : i32
      %dma_wait3A_92 = arith.constant 2 : i32
      %dma_wait3A_93 = arith.constant 0 : i32
      %dma_wait3A_94 = arith.constant 0 : i32
      %dma_wait3A_95 = tpu.memref_slice %arg15[%dma_wait3A_91, %dma_wait3A_92, %dma_wait3A_93, %dma_wait3A_94] : memref<2x4x125x16xf32, #tpu.memory_space<vmem>> -> memref<1x1x125x16xf32, #tpu.memory_space<vmem>>
      %dma_wait3A_96 = tpu.memref_squeeze %dma_wait3A_95 : memref<1x1x125x16xf32, #tpu.memory_space<vmem>> -> memref<125x16xf32, #tpu.memory_space<vmem>>
      %dma_wait3A_97 = arith.constant 0 : i32
      %dma_wait3A_98 = arith.constant 0 : i32
      %dma_wait3A_99 = tpu.memref_slice %arg2[%dma_wait3A_97, %dma_wait3A_98] : memref<100000x16xf32, #tpu.memory_space<hbm>> -> memref<125x16xf32, #tpu.memory_space<hbm>>
      %dma_wait3A_100 = arith.constant 0 : i32
      %dma_wait3A_101 = arith.constant 0 : i32
      %dma_wait3A_102 = tpu.memref_slice %arg15[%dma_wait3A_91, %dma_wait3A_92, %dma_wait3A_100, %dma_wait3A_101] : memref<2x4x125x16xf32, #tpu.memory_space<vmem>> -> memref<1x1x125x16xf32, #tpu.memory_space<vmem>>
      %dma_wait3A_103 = tpu.memref_squeeze %dma_wait3A_102 : memref<1x1x125x16xf32, #tpu.memory_space<vmem>> -> memref<125x16xf32, #tpu.memory_space<vmem>>
      %dma_wait3A_104 = arith.constant 0 : i32
      %dma_wait3A_105 = arith.constant 0 : i32
      %dma_wait3A_106 = tpu.memref_slice %arg2[%dma_wait3A_104, %dma_wait3A_105] : memref<100000x16xf32, #tpu.memory_space<hbm>> -> memref<125x16xf32, #tpu.memory_space<hbm>>
      tpu.wait_dma2 semaphore(%arg20 : memref<!tpu.dma_semaphore, #tpu.memory_space<semaphore_mem>>) src(%dma_wait3A_106 : memref<125x16xf32, #tpu.memory_space<hbm>>) dst(%dma_wait3A_103 : memref<125x16xf32, #tpu.memory_space<vmem>>)
      %dma_wait3A_107 = arith.constant 1 : i32
      %dma_wait3A_108 = arith.constant 3 : i32
      %dma_wait3A_109 = arith.constant 0 : i32
      %dma_wait3A_110 = arith.constant 0 : i32
      %dma_wait3A_111 = tpu.memref_slice %arg15[%dma_wait3A_107, %dma_wait3A_108, %dma_wait3A_109, %dma_wait3A_110] : memref<2x4x125x16xf32, #tpu.memory_space<vmem>> -> memref<1x1x125x16xf32, #tpu.memory_space<vmem>>
      %dma_wait3A_112 = tpu.memref_squeeze %dma_wait3A_111 : memref<1x1x125x16xf32, #tpu.memory_space<vmem>> -> memref<125x16xf32, #tpu.memory_space<vmem>>
      %dma_wait3A_113 = arith.constant 0 : i32
      %dma_wait3A_114 = arith.constant 0 : i32
      %dma_wait3A_115 = tpu.memref_slice %arg2[%dma_wait3A_113, %dma_wait3A_114] : memref<100000x16xf32, #tpu.memory_space<hbm>> -> memref<125x16xf32, #tpu.memory_space<hbm>>
      %dma_wait3A_116 = arith.constant 0 : i32
      %dma_wait3A_117 = arith.constant 0 : i32
      %dma_wait3A_118 = tpu.memref_slice %arg15[%dma_wait3A_107, %dma_wait3A_108, %dma_wait3A_116, %dma_wait3A_117] : memref<2x4x125x16xf32, #tpu.memory_space<vmem>> -> memref<1x1x125x16xf32, #tpu.memory_space<vmem>>
      %dma_wait3A_119 = tpu.memref_squeeze %dma_wait3A_118 : memref<1x1x125x16xf32, #tpu.memory_space<vmem>> -> memref<125x16xf32, #tpu.memory_space<vmem>>
      %dma_wait3A_120 = arith.constant 0 : i32
      %dma_wait3A_121 = arith.constant 0 : i32
      %dma_wait3A_122 = tpu.memref_slice %arg2[%dma_wait3A_120, %dma_wait3A_121] : memref<100000x16xf32, #tpu.memory_space<hbm>> -> memref<125x16xf32, #tpu.memory_space<hbm>>
      tpu.wait_dma2 semaphore(%arg20 : memref<!tpu.dma_semaphore, #tpu.memory_space<semaphore_mem>>) src(%dma_wait3A_122 : memref<125x16xf32, #tpu.memory_space<hbm>>) dst(%dma_wait3A_119 : memref<125x16xf32, #tpu.memory_space<vmem>>)
      %barrier3A_123 = arith.constant 0 : index
      tpu.barrier barrier_id(%barrier3A_123)
      "tpu.region"() ({
        %run_scoped3A = tpu.sem_alloc : memref<!tpu.dma_semaphore, #tpu.memory_space<semaphore_mem>>
        %dma_start3A_240 = arith.constant 0 : i32
        %dma_start3A_241 = tpu.memref_slice %arg8[%mul3A_2, %dma_start3A_240] : memref<100000x16xf32, #tpu.memory_space<hbm>> -> memref<6250x16xf32, #tpu.memory_space<hbm>>
        %dma_start3A_242 = arith.constant 0 : i32
        %dma_start3A_243 = tpu.memref_slice %arg12[%mul3A_2, %dma_start3A_242] : memref<100000x16xf32, #tpu.memory_space<vmem_shared>> -> memref<6250x16xf32, #tpu.memory_space<vmem_shared>>
        tpu.enqueue_dma source(%dma_start3A_243 : memref<6250x16xf32, #tpu.memory_space<vmem_shared>>) target(%dma_start3A_241 : memref<6250x16xf32, #tpu.memory_space<hbm>>) target_semaphore(%run_scoped3A : memref<!tpu.dma_semaphore, #tpu.memory_space<semaphore_mem>>)
        %dma_wait3A_244 = arith.constant 0 : i32
        %dma_wait3A_245 = tpu.memref_slice %arg8[%mul3A_2, %dma_wait3A_244] : memref<100000x16xf32, #tpu.memory_space<hbm>> -> memref<6250x16xf32, #tpu.memory_space<hbm>>
        %dma_wait3A_246 = arith.constant 0 : i32
        %dma_wait3A_247 = tpu.memref_slice %arg12[%mul3A_2, %dma_wait3A_246] : memref<100000x16xf32, #tpu.memory_space<vmem_shared>> -> memref<6250x16xf32, #tpu.memory_space<vmem_shared>>
        tpu.wait_dma2 semaphore(%run_scoped3A : memref<!tpu.dma_semaphore, #tpu.memory_space<semaphore_mem>>) src(%dma_wait3A_247 : memref<6250x16xf32, #tpu.memory_space<vmem_shared>>) dst(%dma_wait3A_245 : memref<6250x16xf32, #tpu.memory_space<hbm>>)
        tpu.yield
      }) : () -> ()
      %barrier3A_124 = arith.constant 0 : index
      tpu.barrier barrier_id(%barrier3A_124)
      "tpu.region"() ({
        %run_scoped3A = tpu.sem_alloc : memref<!tpu.dma_semaphore, #tpu.memory_space<semaphore_mem>>
        %dma_start3A_240 = arith.constant 0 : i32
        %dma_start3A_241 = tpu.memref_slice %arg12[%mul3A_2, %dma_start3A_240] : memref<100000x16xf32, #tpu.memory_space<vmem_shared>> -> memref<6250x16xf32, #tpu.memory_space<vmem_shared>>
        tpu.enqueue_dma source(%arg7 : memref<6250x16xf32, #tpu.memory_space<hbm>>) target(%dma_start3A_241 : memref<6250x16xf32, #tpu.memory_space<vmem_shared>>) target_semaphore(%run_scoped3A : memref<!tpu.dma_semaphore, #tpu.memory_space<semaphore_mem>>)
        %dma_wait3A_242 = arith.constant 0 : i32
        %dma_wait3A_243 = tpu.memref_slice %arg12[%mul3A_2, %dma_wait3A_242] : memref<100000x16xf32, #tpu.memory_space<vmem_shared>> -> memref<6250x16xf32, #tpu.memory_space<vmem_shared>>
        tpu.wait_dma2 semaphore(%run_scoped3A : memref<!tpu.dma_semaphore, #tpu.memory_space<semaphore_mem>>) src(%arg7 : memref<6250x16xf32, #tpu.memory_space<hbm>>) dst(%dma_wait3A_243 : memref<6250x16xf32, #tpu.memory_space<vmem_shared>>)
        tpu.yield
      }) : () -> ()
      %barrier3A_125 = arith.constant 0 : index
      tpu.barrier barrier_id(%barrier3A_125)
      %dma_start3A_126 = arith.constant 0 : i32
      %dma_start3A_127 = arith.constant 0 : i32
      %dma_start3A_128 = arith.constant 0 : i32
      %dma_start3A_129 = tpu.memref_slice %arg13[%dma_start3A_126, %dma_start3A_127, %dma_start3A_128] : memref<2x4x125xi32, #tpu.memory_space<vmem>> -> memref<1x4x125xi32, #tpu.memory_space<vmem>>
      %dma_start3A_130 = tpu.memref_squeeze %dma_start3A_129 : memref<1x4x125xi32, #tpu.memory_space<vmem>> -> memref<4x125xi32, #tpu.memory_space<vmem>>
      %dma_start3A_131 = arith.constant 0 : i32
      %dma_start3A_132 = arith.constant 0 : i32
      %dma_start3A_133 = tpu.memref_slice %arg6[%cond3A, %dma_start3A_131, %dma_start3A_132] : memref<2x12800x125xi32, #tpu.memory_space<hbm>> -> memref<1x12800x125xi32, #tpu.memory_space<hbm>>
      %dma_start3A_134 = tpu.memref_squeeze %dma_start3A_133 : memref<1x12800x125xi32, #tpu.memory_space<hbm>> -> memref<12800x125xi32, #tpu.memory_space<hbm>>
      %dma_start3A_135 = arith.constant 0 : i32
      %dma_start3A_136 = tpu.memref_slice %dma_start3A_134[%mul3A_0, %dma_start3A_135] : memref<12800x125xi32, #tpu.memory_space<hbm>> -> memref<4x125xi32, #tpu.memory_space<hbm>>
      %dma_start3A_137 = arith.constant 0 : i32
      %dma_start3A_138 = arith.constant 0 : i32
      %dma_start3A_139 = tpu.memref_slice %arg13[%dma_start3A_126, %dma_start3A_137, %dma_start3A_138] : memref<2x4x125xi32, #tpu.memory_space<vmem>> -> memref<1x4x125xi32, #tpu.memory_space<vmem>>
      %dma_start3A_140 = tpu.memref_squeeze %dma_start3A_139 : memref<1x4x125xi32, #tpu.memory_space<vmem>> -> memref<4x125xi32, #tpu.memory_space<vmem>>
      %dma_start3A_141 = arith.constant 0 : i32
      %dma_start3A_142 = arith.constant 0 : i32
      %dma_start3A_143 = tpu.memref_slice %arg6[%cond3A, %dma_start3A_141, %dma_start3A_142] : memref<2x12800x125xi32, #tpu.memory_space<hbm>> -> memref<1x12800x125xi32, #tpu.memory_space<hbm>>
      %dma_start3A_144 = tpu.memref_squeeze %dma_start3A_143 : memref<1x12800x125xi32, #tpu.memory_space<hbm>> -> memref<12800x125xi32, #tpu.memory_space<hbm>>
      %dma_start3A_145 = arith.constant 0 : i32
      %dma_start3A_146 = tpu.memref_slice %dma_start3A_144[%mul3A_0, %dma_start3A_145] : memref<12800x125xi32, #tpu.memory_space<hbm>> -> memref<4x125xi32, #tpu.memory_space<hbm>>
      tpu.enqueue_dma source(%dma_start3A_146 : memref<4x125xi32, #tpu.memory_space<hbm>>) target(%dma_start3A_140 : memref<4x125xi32, #tpu.memory_space<vmem>>) target_semaphore(%arg16 : memref<!tpu.dma_semaphore, #tpu.memory_space<semaphore_mem>>)
      %dma_start3A_147 = arith.constant 0 : i32
      %dma_start3A_148 = arith.constant 0 : i32
      %dma_start3A_149 = arith.constant 0 : i32
      %dma_start3A_150 = tpu.memref_slice %arg14[%dma_start3A_147, %dma_start3A_148, %dma_start3A_149] : memref<2x4x125xi32, #tpu.memory_space<vmem>> -> memref<1x4x125xi32, #tpu.memory_space<vmem>>
      %dma_start3A_151 = tpu.memref_squeeze %dma_start3A_150 : memref<1x4x125xi32, #tpu.memory_space<vmem>> -> memref<4x125xi32, #tpu.memory_space<vmem>>
      %dma_start3A_152 = arith.constant 0 : i32
      %dma_start3A_153 = arith.constant 0 : i32
      %dma_start3A_154 = tpu.memref_slice %arg6[%cond3A_4, %dma_start3A_152, %dma_start3A_153] : memref<2x12800x125xi32, #tpu.memory_space<hbm>> -> memref<1x12800x125xi32, #tpu.memory_space<hbm>>
      %dma_start3A_155 = tpu.memref_squeeze %dma_start3A_154 : memref<1x12800x125xi32, #tpu.memory_space<hbm>> -> memref<12800x125xi32, #tpu.memory_space<hbm>>
      %dma_start3A_156 = arith.constant 0 : i32
      %dma_start3A_157 = tpu.memref_slice %dma_start3A_155[%mul3A_0, %dma_start3A_156] : memref<12800x125xi32, #tpu.memory_space<hbm>> -> memref<4x125xi32, #tpu.memory_space<hbm>>
      %dma_start3A_158 = arith.constant 0 : i32
      %dma_start3A_159 = arith.constant 0 : i32
      %dma_start3A_160 = tpu.memref_slice %arg14[%dma_start3A_147, %dma_start3A_158, %dma_start3A_159] : memref<2x4x125xi32, #tpu.memory_space<vmem>> -> memref<1x4x125xi32, #tpu.memory_space<vmem>>
      %dma_start3A_161 = tpu.memref_squeeze %dma_start3A_160 : memref<1x4x125xi32, #tpu.memory_space<vmem>> -> memref<4x125xi32, #tpu.memory_space<vmem>>
      %dma_start3A_162 = arith.constant 0 : i32
      %dma_start3A_163 = arith.constant 0 : i32
      %dma_start3A_164 = tpu.memref_slice %arg6[%cond3A_4, %dma_start3A_162, %dma_start3A_163] : memref<2x12800x125xi32, #tpu.memory_space<hbm>> -> memref<1x12800x125xi32, #tpu.memory_space<hbm>>
      %dma_start3A_165 = tpu.memref_squeeze %dma_start3A_164 : memref<1x12800x125xi32, #tpu.memory_space<hbm>> -> memref<12800x125xi32, #tpu.memory_space<hbm>>
      %dma_start3A_166 = arith.constant 0 : i32
      %dma_start3A_167 = tpu.memref_slice %dma_start3A_165[%mul3A_0, %dma_start3A_166] : memref<12800x125xi32, #tpu.memory_space<hbm>> -> memref<4x125xi32, #tpu.memory_space<hbm>>
      tpu.enqueue_dma source(%dma_start3A_167 : memref<4x125xi32, #tpu.memory_space<hbm>>) target(%dma_start3A_161 : memref<4x125xi32, #tpu.memory_space<vmem>>) target_semaphore(%arg16 : memref<!tpu.dma_semaphore, #tpu.memory_space<semaphore_mem>>)
      %scan3A_168 = arith.constant 0 : i32
      %scan3A_169 = arith.constant 0 : i32
      %scan3A_170 = arith.constant 100 : i32
      %scan3A_171 = arith.addi %scan3A_169, %scan3A_170 : i32
      %scan3A_172 = arith.constant 1 : i32
      scf.for %scan3A_240 = %scan3A_169 to %scan3A_171 step %scan3A_172  : i32 {
        %mul3A_241 = arith.constant 2 : i32
        %mul3A_242 = arith.muli %mul3A_241, %scan3A_240 : i32
        %add3A = arith.constant 0 : i32
        %add3A_243 = arith.addi %mul3A_242, %add3A : i32
        %add3A_244 = arith.constant 1 : i32
        %add3A_245 = arith.addi %add3A_243, %add3A_244 : i32
        %mul3A_246 = arith.constant 4 : i32
        %mul3A_247 = arith.muli %add3A_245, %mul3A_246 : i32
        %add3A_248 = arith.addi %mul3A_0, %mul3A_247 : i32
        %dma_wait3A_249 = arith.constant 0 : i32
        %dma_wait3A_250 = arith.constant 0 : i32
        %dma_wait3A_251 = arith.constant 0 : i32
        %dma_wait3A_252 = tpu.memref_slice %arg13[%dma_wait3A_249, %dma_wait3A_250, %dma_wait3A_251] : memref<2x4x125xi32, #tpu.memory_space<vmem>> -> memref<1x4x125xi32, #tpu.memory_space<vmem>>
        %dma_wait3A_253 = tpu.memref_squeeze %dma_wait3A_252 : memref<1x4x125xi32, #tpu.memory_space<vmem>> -> memref<4x125xi32, #tpu.memory_space<vmem>>
        %dma_wait3A_254 = arith.constant 0 : i32
        %dma_wait3A_255 = arith.constant 0 : i32
        %dma_wait3A_256 = tpu.memref_slice %arg6[%cond3A, %dma_wait3A_254, %dma_wait3A_255] : memref<2x12800x125xi32, #tpu.memory_space<hbm>> -> memref<1x12800x125xi32, #tpu.memory_space<hbm>>
        %dma_wait3A_257 = tpu.memref_squeeze %dma_wait3A_256 : memref<1x12800x125xi32, #tpu.memory_space<hbm>> -> memref<12800x125xi32, #tpu.memory_space<hbm>>
        %dma_wait3A_258 = arith.constant 0 : i32
        %dma_wait3A_259 = arith.constant 0 : i32
        %dma_wait3A_260 = tpu.memref_slice %dma_wait3A_257[%dma_wait3A_258, %dma_wait3A_259] : memref<12800x125xi32, #tpu.memory_space<hbm>> -> memref<4x125xi32, #tpu.memory_space<hbm>>
        %dma_wait3A_261 = arith.constant 0 : i32
        %dma_wait3A_262 = arith.constant 0 : i32
        %dma_wait3A_263 = tpu.memref_slice %arg13[%dma_wait3A_249, %dma_wait3A_261, %dma_wait3A_262] : memref<2x4x125xi32, #tpu.memory_space<vmem>> -> memref<1x4x125xi32, #tpu.memory_space<vmem>>
        %dma_wait3A_264 = tpu.memref_squeeze %dma_wait3A_263 : memref<1x4x125xi32, #tpu.memory_space<vmem>> -> memref<4x125xi32, #tpu.memory_space<vmem>>
        %dma_wait3A_265 = arith.constant 0 : i32
        %dma_wait3A_266 = arith.constant 0 : i32
        %dma_wait3A_267 = tpu.memref_slice %arg6[%cond3A, %dma_wait3A_265, %dma_wait3A_266] : memref<2x12800x125xi32, #tpu.memory_space<hbm>> -> memref<1x12800x125xi32, #tpu.memory_space<hbm>>
        %dma_wait3A_268 = tpu.memref_squeeze %dma_wait3A_267 : memref<1x12800x125xi32, #tpu.memory_space<hbm>> -> memref<12800x125xi32, #tpu.memory_space<hbm>>
        %dma_wait3A_269 = arith.constant 0 : i32
        %dma_wait3A_270 = arith.constant 0 : i32
        %dma_wait3A_271 = tpu.memref_slice %dma_wait3A_268[%dma_wait3A_269, %dma_wait3A_270] : memref<12800x125xi32, #tpu.memory_space<hbm>> -> memref<4x125xi32, #tpu.memory_space<hbm>>
        tpu.wait_dma2 semaphore(%arg16 : memref<!tpu.dma_semaphore, #tpu.memory_space<semaphore_mem>>) src(%dma_wait3A_271 : memref<4x125xi32, #tpu.memory_space<hbm>>) dst(%dma_wait3A_264 : memref<4x125xi32, #tpu.memory_space<vmem>>)
        %dma_wait3A_272 = arith.constant 0 : i32
        %dma_wait3A_273 = arith.constant 0 : i32
        %dma_wait3A_274 = arith.constant 0 : i32
        %dma_wait3A_275 = tpu.memref_slice %arg14[%dma_wait3A_272, %dma_wait3A_273, %dma_wait3A_274] : memref<2x4x125xi32, #tpu.memory_space<vmem>> -> memref<1x4x125xi32, #tpu.memory_space<vmem>>
        %dma_wait3A_276 = tpu.memref_squeeze %dma_wait3A_275 : memref<1x4x125xi32, #tpu.memory_space<vmem>> -> memref<4x125xi32, #tpu.memory_space<vmem>>
        %dma_wait3A_277 = arith.constant 0 : i32
        %dma_wait3A_278 = arith.constant 0 : i32
        %dma_wait3A_279 = tpu.memref_slice %arg6[%cond3A, %dma_wait3A_277, %dma_wait3A_278] : memref<2x12800x125xi32, #tpu.memory_space<hbm>> -> memref<1x12800x125xi32, #tpu.memory_space<hbm>>
        %dma_wait3A_280 = tpu.memref_squeeze %dma_wait3A_279 : memref<1x12800x125xi32, #tpu.memory_space<hbm>> -> memref<12800x125xi32, #tpu.memory_space<hbm>>
        %dma_wait3A_281 = arith.constant 0 : i32
        %dma_wait3A_282 = arith.constant 0 : i32
        %dma_wait3A_283 = tpu.memref_slice %dma_wait3A_280[%dma_wait3A_281, %dma_wait3A_282] : memref<12800x125xi32, #tpu.memory_space<hbm>> -> memref<4x125xi32, #tpu.memory_space<hbm>>
        %dma_wait3A_284 = arith.constant 0 : i32
        %dma_wait3A_285 = arith.constant 0 : i32
        %dma_wait3A_286 = tpu.memref_slice %arg14[%dma_wait3A_272, %dma_wait3A_284, %dma_wait3A_285] : memref<2x4x125xi32, #tpu.memory_space<vmem>> -> memref<1x4x125xi32, #tpu.memory_space<vmem>>
        %dma_wait3A_287 = tpu.memref_squeeze %dma_wait3A_286 : memref<1x4x125xi32, #tpu.memory_space<vmem>> -> memref<4x125xi32, #tpu.memory_space<vmem>>
        %dma_wait3A_288 = arith.constant 0 : i32
        %dma_wait3A_289 = arith.constant 0 : i32
        %dma_wait3A_290 = tpu.memref_slice %arg6[%cond3A, %dma_wait3A_288, %dma_wait3A_289] : memref<2x12800x125xi32, #tpu.memory_space<hbm>> -> memref<1x12800x125xi32, #tpu.memory_space<hbm>>
        %dma_wait3A_291 = tpu.memref_squeeze %dma_wait3A_290 : memref<1x12800x125xi32, #tpu.memory_space<hbm>> -> memref<12800x125xi32, #tpu.memory_space<hbm>>
        %dma_wait3A_292 = arith.constant 0 : i32
        %dma_wait3A_293 = arith.constant 0 : i32
        %dma_wait3A_294 = tpu.memref_slice %dma_wait3A_291[%dma_wait3A_292, %dma_wait3A_293] : memref<12800x125xi32, #tpu.memory_space<hbm>> -> memref<4x125xi32, #tpu.memory_space<hbm>>
        tpu.wait_dma2 semaphore(%arg16 : memref<!tpu.dma_semaphore, #tpu.memory_space<semaphore_mem>>) src(%dma_wait3A_294 : memref<4x125xi32, #tpu.memory_space<hbm>>) dst(%dma_wait3A_287 : memref<4x125xi32, #tpu.memory_space<vmem>>)
        %gt3A = arith.constant 0 : i32
        %gt3A_295 = arith.cmpi sgt, %scan3A_240, %gt3A : i32
        %convert_element_type3A_296 = arith.extui %gt3A_295 : i1 to i32
        %cond3A_297 = arith.constant 0 : i32
        %cond3A_298 = arith.cmpi ne, %convert_element_type3A_296, %cond3A_297 : i32
        scf.if %cond3A_298 {
          %dma_wait3A_800 = arith.constant 1 : i32
          %dma_wait3A_801 = arith.constant 0 : i32
          %dma_wait3A_802 = arith.constant 0 : i32
          %dma_wait3A_803 = arith.constant 0 : i32
          %dma_wait3A_804 = tpu.memref_slice %arg15[%dma_wait3A_800, %dma_wait3A_801, %dma_wait3A_802, %dma_wait3A_803] : memref<2x4x125x16xf32, #tpu.memory_space<vmem>> -> memref<1x1x125x16xf32, #tpu.memory_space<vmem>>
          %dma_wait3A_805 = tpu.memref_squeeze %dma_wait3A_804 : memref<1x1x125x16xf32, #tpu.memory_space<vmem>> -> memref<125x16xf32, #tpu.memory_space<vmem>>
          %dma_wait3A_806 = arith.constant 0 : i32
          %dma_wait3A_807 = arith.constant 0 : i32
          %dma_wait3A_808 = tpu.memref_slice %arg3[%dma_wait3A_806, %dma_wait3A_807] : memref<100000x16xf32, #tpu.memory_space<hbm>> -> memref<125x16xf32, #tpu.memory_space<hbm>>
          %dma_wait3A_809 = arith.constant 0 : i32
          %dma_wait3A_810 = arith.constant 0 : i32
          %dma_wait3A_811 = tpu.memref_slice %arg15[%dma_wait3A_800, %dma_wait3A_801, %dma_wait3A_809, %dma_wait3A_810] : memref<2x4x125x16xf32, #tpu.memory_space<vmem>> -> memref<1x1x125x16xf32, #tpu.memory_space<vmem>>
          %dma_wait3A_812 = tpu.memref_squeeze %dma_wait3A_811 : memref<1x1x125x16xf32, #tpu.memory_space<vmem>> -> memref<125x16xf32, #tpu.memory_space<vmem>>
          %dma_wait3A_813 = arith.constant 0 : i32
          %dma_wait3A_814 = arith.constant 0 : i32
          %dma_wait3A_815 = tpu.memref_slice %arg3[%dma_wait3A_813, %dma_wait3A_814] : memref<100000x16xf32, #tpu.memory_space<hbm>> -> memref<125x16xf32, #tpu.memory_space<hbm>>
          tpu.wait_dma2 semaphore(%arg20 : memref<!tpu.dma_semaphore, #tpu.memory_space<semaphore_mem>>) src(%dma_wait3A_815 : memref<125x16xf32, #tpu.memory_space<hbm>>) dst(%dma_wait3A_812 : memref<125x16xf32, #tpu.memory_space<vmem>>)
          %dma_wait3A_816 = arith.constant 1 : i32
          %dma_wait3A_817 = arith.constant 1 : i32
          %dma_wait3A_818 = arith.constant 0 : i32
          %dma_wait3A_819 = arith.constant 0 : i32
          %dma_wait3A_820 = tpu.memref_slice %arg15[%dma_wait3A_816, %dma_wait3A_817, %dma_wait3A_818, %dma_wait3A_819] : memref<2x4x125x16xf32, #tpu.memory_space<vmem>> -> memref<1x1x125x16xf32, #tpu.memory_space<vmem>>
          %dma_wait3A_821 = tpu.memref_squeeze %dma_wait3A_820 : memref<1x1x125x16xf32, #tpu.memory_space<vmem>> -> memref<125x16xf32, #tpu.memory_space<vmem>>
          %dma_wait3A_822 = arith.constant 0 : i32
          %dma_wait3A_823 = arith.constant 0 : i32
          %dma_wait3A_824 = tpu.memref_slice %arg3[%dma_wait3A_822, %dma_wait3A_823] : memref<100000x16xf32, #tpu.memory_space<hbm>> -> memref<125x16xf32, #tpu.memory_space<hbm>>
          %dma_wait3A_825 = arith.constant 0 : i32
          %dma_wait3A_826 = arith.constant 0 : i32
          %dma_wait3A_827 = tpu.memref_slice %arg15[%dma_wait3A_816, %dma_wait3A_817, %dma_wait3A_825, %dma_wait3A_826] : memref<2x4x125x16xf32, #tpu.memory_space<vmem>> -> memref<1x1x125x16xf32, #tpu.memory_space<vmem>>
          %dma_wait3A_828 = tpu.memref_squeeze %dma_wait3A_827 : memref<1x1x125x16xf32, #tpu.memory_space<vmem>> -> memref<125x16xf32, #tpu.memory_space<vmem>>
          %dma_wait3A_829 = arith.constant 0 : i32
          %dma_wait3A_830 = arith.constant 0 : i32
          %dma_wait3A_831 = tpu.memref_slice %arg3[%dma_wait3A_829, %dma_wait3A_830] : memref<100000x16xf32, #tpu.memory_space<hbm>> -> memref<125x16xf32, #tpu.memory_space<hbm>>
          tpu.wait_dma2 semaphore(%arg20 : memref<!tpu.dma_semaphore, #tpu.memory_space<semaphore_mem>>) src(%dma_wait3A_831 : memref<125x16xf32, #tpu.memory_space<hbm>>) dst(%dma_wait3A_828 : memref<125x16xf32, #tpu.memory_space<vmem>>)
          %dma_wait3A_832 = arith.constant 1 : i32
          %dma_wait3A_833 = arith.constant 2 : i32
          %dma_wait3A_834 = arith.constant 0 : i32
          %dma_wait3A_835 = arith.constant 0 : i32
          %dma_wait3A_836 = tpu.memref_slice %arg15[%dma_wait3A_832, %dma_wait3A_833, %dma_wait3A_834, %dma_wait3A_835] : memref<2x4x125x16xf32, #tpu.memory_space<vmem>> -> memref<1x1x125x16xf32, #tpu.memory_space<vmem>>
          %dma_wait3A_837 = tpu.memref_squeeze %dma_wait3A_836 : memref<1x1x125x16xf32, #tpu.memory_space<vmem>> -> memref<125x16xf32, #tpu.memory_space<vmem>>
          %dma_wait3A_838 = arith.constant 0 : i32
          %dma_wait3A_839 = arith.constant 0 : i32
          %dma_wait3A_840 = tpu.memref_slice %arg3[%dma_wait3A_838, %dma_wait3A_839] : memref<100000x16xf32, #tpu.memory_space<hbm>> -> memref<125x16xf32, #tpu.memory_space<hbm>>
          %dma_wait3A_841 = arith.constant 0 : i32
          %dma_wait3A_842 = arith.constant 0 : i32
          %dma_wait3A_843 = tpu.memref_slice %arg15[%dma_wait3A_832, %dma_wait3A_833, %dma_wait3A_841, %dma_wait3A_842] : memref<2x4x125x16xf32, #tpu.memory_space<vmem>> -> memref<1x1x125x16xf32, #tpu.memory_space<vmem>>
          %dma_wait3A_844 = tpu.memref_squeeze %dma_wait3A_843 : memref<1x1x125x16xf32, #tpu.memory_space<vmem>> -> memref<125x16xf32, #tpu.memory_space<vmem>>
          %dma_wait3A_845 = arith.constant 0 : i32
          %dma_wait3A_846 = arith.constant 0 : i32
          %dma_wait3A_847 = tpu.memref_slice %arg3[%dma_wait3A_845, %dma_wait3A_846] : memref<100000x16xf32, #tpu.memory_space<hbm>> -> memref<125x16xf32, #tpu.memory_space<hbm>>
          tpu.wait_dma2 semaphore(%arg20 : memref<!tpu.dma_semaphore, #tpu.memory_space<semaphore_mem>>) src(%dma_wait3A_847 : memref<125x16xf32, #tpu.memory_space<hbm>>) dst(%dma_wait3A_844 : memref<125x16xf32, #tpu.memory_space<vmem>>)
          %dma_wait3A_848 = arith.constant 1 : i32
          %dma_wait3A_849 = arith.constant 3 : i32
          %dma_wait3A_850 = arith.constant 0 : i32
          %dma_wait3A_851 = arith.constant 0 : i32
          %dma_wait3A_852 = tpu.memref_slice %arg15[%dma_wait3A_848, %dma_wait3A_849, %dma_wait3A_850, %dma_wait3A_851] : memref<2x4x125x16xf32, #tpu.memory_space<vmem>> -> memref<1x1x125x16xf32, #tpu.memory_space<vmem>>
          %dma_wait3A_853 = tpu.memref_squeeze %dma_wait3A_852 : memref<1x1x125x16xf32, #tpu.memory_space<vmem>> -> memref<125x16xf32, #tpu.memory_space<vmem>>
          %dma_wait3A_854 = arith.constant 0 : i32
          %dma_wait3A_855 = arith.constant 0 : i32
          %dma_wait3A_856 = tpu.memref_slice %arg3[%dma_wait3A_854, %dma_wait3A_855] : memref<100000x16xf32, #tpu.memory_space<hbm>> -> memref<125x16xf32, #tpu.memory_space<hbm>>
          %dma_wait3A_857 = arith.constant 0 : i32
          %dma_wait3A_858 = arith.constant 0 : i32
          %dma_wait3A_859 = tpu.memref_slice %arg15[%dma_wait3A_848, %dma_wait3A_849, %dma_wait3A_857, %dma_wait3A_858] : memref<2x4x125x16xf32, #tpu.memory_space<vmem>> -> memref<1x1x125x16xf32, #tpu.memory_space<vmem>>
          %dma_wait3A_860 = tpu.memref_squeeze %dma_wait3A_859 : memref<1x1x125x16xf32, #tpu.memory_space<vmem>> -> memref<125x16xf32, #tpu.memory_space<vmem>>
          %dma_wait3A_861 = arith.constant 0 : i32
          %dma_wait3A_862 = arith.constant 0 : i32
          %dma_wait3A_863 = tpu.memref_slice %arg3[%dma_wait3A_861, %dma_wait3A_862] : memref<100000x16xf32, #tpu.memory_space<hbm>> -> memref<125x16xf32, #tpu.memory_space<hbm>>
          tpu.wait_dma2 semaphore(%arg20 : memref<!tpu.dma_semaphore, #tpu.memory_space<semaphore_mem>>) src(%dma_wait3A_863 : memref<125x16xf32, #tpu.memory_space<hbm>>) dst(%dma_wait3A_860 : memref<125x16xf32, #tpu.memory_space<vmem>>)
        } else {
        }
        %dma_start3A_299 = arith.constant 1 : i32
        %dma_start3A_300 = arith.constant 0 : i32
        %dma_start3A_301 = arith.constant 0 : i32
        %dma_start3A_302 = tpu.memref_slice %arg13[%dma_start3A_299, %dma_start3A_300, %dma_start3A_301] : memref<2x4x125xi32, #tpu.memory_space<vmem>> -> memref<1x4x125xi32, #tpu.memory_space<vmem>>
        %dma_start3A_303 = tpu.memref_squeeze %dma_start3A_302 : memref<1x4x125xi32, #tpu.memory_space<vmem>> -> memref<4x125xi32, #tpu.memory_space<vmem>>
        %dma_start3A_304 = arith.constant 0 : i32
        %dma_start3A_305 = arith.constant 0 : i32
        %dma_start3A_306 = tpu.memref_slice %arg6[%cond3A, %dma_start3A_304, %dma_start3A_305] : memref<2x12800x125xi32, #tpu.memory_space<hbm>> -> memref<1x12800x125xi32, #tpu.memory_space<hbm>>
        %dma_start3A_307 = tpu.memref_squeeze %dma_start3A_306 : memref<1x12800x125xi32, #tpu.memory_space<hbm>> -> memref<12800x125xi32, #tpu.memory_space<hbm>>
        %dma_start3A_308 = arith.constant 0 : i32
        %dma_start3A_309 = tpu.memref_slice %dma_start3A_307[%add3A_248, %dma_start3A_308] : memref<12800x125xi32, #tpu.memory_space<hbm>> -> memref<4x125xi32, #tpu.memory_space<hbm>>
        %dma_start3A_310 = arith.constant 0 : i32
        %dma_start3A_311 = arith.constant 0 : i32
        %dma_start3A_312 = tpu.memref_slice %arg13[%dma_start3A_299, %dma_start3A_310, %dma_start3A_311] : memref<2x4x125xi32, #tpu.memory_space<vmem>> -> memref<1x4x125xi32, #tpu.memory_space<vmem>>
        %dma_start3A_313 = tpu.memref_squeeze %dma_start3A_312 : memref<1x4x125xi32, #tpu.memory_space<vmem>> -> memref<4x125xi32, #tpu.memory_space<vmem>>
        %dma_start3A_314 = arith.constant 0 : i32
        %dma_start3A_315 = arith.constant 0 : i32
        %dma_start3A_316 = tpu.memref_slice %arg6[%cond3A, %dma_start3A_314, %dma_start3A_315] : memref<2x12800x125xi32, #tpu.memory_space<hbm>> -> memref<1x12800x125xi32, #tpu.memory_space<hbm>>
        %dma_start3A_317 = tpu.memref_squeeze %dma_start3A_316 : memref<1x12800x125xi32, #tpu.memory_space<hbm>> -> memref<12800x125xi32, #tpu.memory_space<hbm>>
        %dma_start3A_318 = arith.constant 0 : i32
        %dma_start3A_319 = tpu.memref_slice %dma_start3A_317[%add3A_248, %dma_start3A_318] : memref<12800x125xi32, #tpu.memory_space<hbm>> -> memref<4x125xi32, #tpu.memory_space<hbm>>
        tpu.enqueue_dma source(%dma_start3A_319 : memref<4x125xi32, #tpu.memory_space<hbm>>) target(%dma_start3A_313 : memref<4x125xi32, #tpu.memory_space<vmem>>) target_semaphore(%arg17 : memref<!tpu.dma_semaphore, #tpu.memory_space<semaphore_mem>>)
        %dma_start3A_320 = arith.constant 1 : i32
        %dma_start3A_321 = arith.constant 0 : i32
        %dma_start3A_322 = arith.constant 0 : i32
        %dma_start3A_323 = tpu.memref_slice %arg14[%dma_start3A_320, %dma_start3A_321, %dma_start3A_322] : memref<2x4x125xi32, #tpu.memory_space<vmem>> -> memref<1x4x125xi32, #tpu.memory_space<vmem>>
        %dma_start3A_324 = tpu.memref_squeeze %dma_start3A_323 : memref<1x4x125xi32, #tpu.memory_space<vmem>> -> memref<4x125xi32, #tpu.memory_space<vmem>>
        %dma_start3A_325 = arith.constant 0 : i32
        %dma_start3A_326 = arith.constant 0 : i32
        %dma_start3A_327 = tpu.memref_slice %arg6[%cond3A_4, %dma_start3A_325, %dma_start3A_326] : memref<2x12800x125xi32, #tpu.memory_space<hbm>> -> memref<1x12800x125xi32, #tpu.memory_space<hbm>>
        %dma_start3A_328 = tpu.memref_squeeze %dma_start3A_327 : memref<1x12800x125xi32, #tpu.memory_space<hbm>> -> memref<12800x125xi32, #tpu.memory_space<hbm>>
        %dma_start3A_329 = arith.constant 0 : i32
        %dma_start3A_330 = tpu.memref_slice %dma_start3A_328[%add3A_248, %dma_start3A_329] : memref<12800x125xi32, #tpu.memory_space<hbm>> -> memref<4x125xi32, #tpu.memory_space<hbm>>
        %dma_start3A_331 = arith.constant 0 : i32
        %dma_start3A_332 = arith.constant 0 : i32
        %dma_start3A_333 = tpu.memref_slice %arg14[%dma_start3A_320, %dma_start3A_331, %dma_start3A_332] : memref<2x4x125xi32, #tpu.memory_space<vmem>> -> memref<1x4x125xi32, #tpu.memory_space<vmem>>
        %dma_start3A_334 = tpu.memref_squeeze %dma_start3A_333 : memref<1x4x125xi32, #tpu.memory_space<vmem>> -> memref<4x125xi32, #tpu.memory_space<vmem>>
        %dma_start3A_335 = arith.constant 0 : i32
        %dma_start3A_336 = arith.constant 0 : i32
        %dma_start3A_337 = tpu.memref_slice %arg6[%cond3A_4, %dma_start3A_335, %dma_start3A_336] : memref<2x12800x125xi32, #tpu.memory_space<hbm>> -> memref<1x12800x125xi32, #tpu.memory_space<hbm>>
        %dma_start3A_338 = tpu.memref_squeeze %dma_start3A_337 : memref<1x12800x125xi32, #tpu.memory_space<hbm>> -> memref<12800x125xi32, #tpu.memory_space<hbm>>
        %dma_start3A_339 = arith.constant 0 : i32
        %dma_start3A_340 = tpu.memref_slice %dma_start3A_338[%add3A_248, %dma_start3A_339] : memref<12800x125xi32, #tpu.memory_space<hbm>> -> memref<4x125xi32, #tpu.memory_space<hbm>>
        tpu.enqueue_dma source(%dma_start3A_340 : memref<4x125xi32, #tpu.memory_space<hbm>>) target(%dma_start3A_334 : memref<4x125xi32, #tpu.memory_space<vmem>>) target_semaphore(%arg17 : memref<!tpu.dma_semaphore, #tpu.memory_space<semaphore_mem>>)
        %dma_start3A_341 = arith.constant 0 : i32
        %dma_start3A_342 = arith.constant 0 : i32
        %dma_start3A_343 = arith.constant 0 : i32
        %dma_start3A_344 = arith.constant 0 : i32
        %dma_start3A_345 = arith.constant 0 : i32
        %dma_start3A_346 = arith.constant 0 : i32
        %dma_start3A_347 = tpu.memref_slice %arg15[%dma_start3A_343, %dma_start3A_344, %dma_start3A_345, %dma_start3A_346] : memref<2x4x125x16xf32, #tpu.memory_space<vmem>> -> memref<1x1x125x16xf32, #tpu.memory_space<vmem>>
        %dma_start3A_348 = tpu.memref_squeeze %dma_start3A_347 : memref<1x1x125x16xf32, #tpu.memory_space<vmem>> -> memref<125x16xf32, #tpu.memory_space<vmem>>
        %dma_start3A_349 = arith.constant 0 : i32
        %dma_start3A_350 = tpu.memref_slice %arg13[%dma_start3A_341, %dma_start3A_342, %dma_start3A_349] : memref<2x4x125xi32, #tpu.memory_space<vmem>> -> memref<1x1x125xi32, #tpu.memory_space<vmem>>
        %dma_start3A_351 = tpu.memref_squeeze %dma_start3A_350 : memref<1x1x125xi32, #tpu.memory_space<vmem>> -> memref<125xi32, #tpu.memory_space<vmem>>
        %dma_start3A_352 = arith.constant 0 : i32
        %dma_start3A_353 = arith.constant 0 : i32
        %dma_start3A_354 = tpu.memref_slice %arg3[%dma_start3A_352, %dma_start3A_353] : memref<100000x16xf32, #tpu.memory_space<hbm>> -> memref<100000x16xf32, #tpu.memory_space<hbm>>
        tpu.enqueue_indirect_dma source(%dma_start3A_354 : memref<100000x16xf32, #tpu.memory_space<hbm>>) target(%dma_start3A_348 : memref<125x16xf32, #tpu.memory_space<vmem>>) offsets(%dma_start3A_351 : memref<125xi32, #tpu.memory_space<vmem>>) semaphore(%arg18 : memref<!tpu.dma_semaphore, #tpu.memory_space<semaphore_mem>>)
        %dma_start3A_355 = arith.constant 0 : i32
        %dma_start3A_356 = arith.constant 1 : i32
        %dma_start3A_357 = arith.constant 0 : i32
        %dma_start3A_358 = arith.constant 1 : i32
        %dma_start3A_359 = arith.constant 0 : i32
        %dma_start3A_360 = arith.constant 0 : i32
        %dma_start3A_361 = tpu.memref_slice %arg15[%dma_start3A_357, %dma_start3A_358, %dma_start3A_359, %dma_start3A_360] : memref<2x4x125x16xf32, #tpu.memory_space<vmem>> -> memref<1x1x125x16xf32, #tpu.memory_space<vmem>>
        %dma_start3A_362 = tpu.memref_squeeze %dma_start3A_361 : memref<1x1x125x16xf32, #tpu.memory_space<vmem>> -> memref<125x16xf32, #tpu.memory_space<vmem>>
        %dma_start3A_363 = arith.constant 0 : i32
        %dma_start3A_364 = tpu.memref_slice %arg13[%dma_start3A_355, %dma_start3A_356, %dma_start3A_363] : memref<2x4x125xi32, #tpu.memory_space<vmem>> -> memref<1x1x125xi32, #tpu.memory_space<vmem>>
        %dma_start3A_365 = tpu.memref_squeeze %dma_start3A_364 : memref<1x1x125xi32, #tpu.memory_space<vmem>> -> memref<125xi32, #tpu.memory_space<vmem>>
        %dma_start3A_366 = arith.constant 0 : i32
        %dma_start3A_367 = arith.constant 0 : i32
        %dma_start3A_368 = tpu.memref_slice %arg3[%dma_start3A_366, %dma_start3A_367] : memref<100000x16xf32, #tpu.memory_space<hbm>> -> memref<100000x16xf32, #tpu.memory_space<hbm>>
        tpu.enqueue_indirect_dma source(%dma_start3A_368 : memref<100000x16xf32, #tpu.memory_space<hbm>>) target(%dma_start3A_362 : memref<125x16xf32, #tpu.memory_space<vmem>>) offsets(%dma_start3A_365 : memref<125xi32, #tpu.memory_space<vmem>>) semaphore(%arg18 : memref<!tpu.dma_semaphore, #tpu.memory_space<semaphore_mem>>)
        %dma_start3A_369 = arith.constant 0 : i32
        %dma_start3A_370 = arith.constant 2 : i32
        %dma_start3A_371 = arith.constant 0 : i32
        %dma_start3A_372 = arith.constant 2 : i32
        %dma_start3A_373 = arith.constant 0 : i32
        %dma_start3A_374 = arith.constant 0 : i32
        %dma_start3A_375 = tpu.memref_slice %arg15[%dma_start3A_371, %dma_start3A_372, %dma_start3A_373, %dma_start3A_374] : memref<2x4x125x16xf32, #tpu.memory_space<vmem>> -> memref<1x1x125x16xf32, #tpu.memory_space<vmem>>
        %dma_start3A_376 = tpu.memref_squeeze %dma_start3A_375 : memref<1x1x125x16xf32, #tpu.memory_space<vmem>> -> memref<125x16xf32, #tpu.memory_space<vmem>>
        %dma_start3A_377 = arith.constant 0 : i32
        %dma_start3A_378 = tpu.memref_slice %arg13[%dma_start3A_369, %dma_start3A_370, %dma_start3A_377] : memref<2x4x125xi32, #tpu.memory_space<vmem>> -> memref<1x1x125xi32, #tpu.memory_space<vmem>>
        %dma_start3A_379 = tpu.memref_squeeze %dma_start3A_378 : memref<1x1x125xi32, #tpu.memory_space<vmem>> -> memref<125xi32, #tpu.memory_space<vmem>>
        %dma_start3A_380 = arith.constant 0 : i32
        %dma_start3A_381 = arith.constant 0 : i32
        %dma_start3A_382 = tpu.memref_slice %arg3[%dma_start3A_380, %dma_start3A_381] : memref<100000x16xf32, #tpu.memory_space<hbm>> -> memref<100000x16xf32, #tpu.memory_space<hbm>>
        tpu.enqueue_indirect_dma source(%dma_start3A_382 : memref<100000x16xf32, #tpu.memory_space<hbm>>) target(%dma_start3A_376 : memref<125x16xf32, #tpu.memory_space<vmem>>) offsets(%dma_start3A_379 : memref<125xi32, #tpu.memory_space<vmem>>) semaphore(%arg18 : memref<!tpu.dma_semaphore, #tpu.memory_space<semaphore_mem>>)
        %dma_start3A_383 = arith.constant 0 : i32
        %dma_start3A_384 = arith.constant 3 : i32
        %dma_start3A_385 = arith.constant 0 : i32
        %dma_start3A_386 = arith.constant 3 : i32
        %dma_start3A_387 = arith.constant 0 : i32
        %dma_start3A_388 = arith.constant 0 : i32
        %dma_start3A_389 = tpu.memref_slice %arg15[%dma_start3A_385, %dma_start3A_386, %dma_start3A_387, %dma_start3A_388] : memref<2x4x125x16xf32, #tpu.memory_space<vmem>> -> memref<1x1x125x16xf32, #tpu.memory_space<vmem>>
        %dma_start3A_390 = tpu.memref_squeeze %dma_start3A_389 : memref<1x1x125x16xf32, #tpu.memory_space<vmem>> -> memref<125x16xf32, #tpu.memory_space<vmem>>
        %dma_start3A_391 = arith.constant 0 : i32
        %dma_start3A_392 = tpu.memref_slice %arg13[%dma_start3A_383, %dma_start3A_384, %dma_start3A_391] : memref<2x4x125xi32, #tpu.memory_space<vmem>> -> memref<1x1x125xi32, #tpu.memory_space<vmem>>
        %dma_start3A_393 = tpu.memref_squeeze %dma_start3A_392 : memref<1x1x125xi32, #tpu.memory_space<vmem>> -> memref<125xi32, #tpu.memory_space<vmem>>
        %dma_start3A_394 = arith.constant 0 : i32
        %dma_start3A_395 = arith.constant 0 : i32
        %dma_start3A_396 = tpu.memref_slice %arg3[%dma_start3A_394, %dma_start3A_395] : memref<100000x16xf32, #tpu.memory_space<hbm>> -> memref<100000x16xf32, #tpu.memory_space<hbm>>
        tpu.enqueue_indirect_dma source(%dma_start3A_396 : memref<100000x16xf32, #tpu.memory_space<hbm>>) target(%dma_start3A_390 : memref<125x16xf32, #tpu.memory_space<vmem>>) offsets(%dma_start3A_393 : memref<125xi32, #tpu.memory_space<vmem>>) semaphore(%arg18 : memref<!tpu.dma_semaphore, #tpu.memory_space<semaphore_mem>>)
        %dma_wait3A_397 = arith.constant 0 : i32
        %dma_wait3A_398 = arith.constant 0 : i32
        %dma_wait3A_399 = arith.constant 0 : i32
        %dma_wait3A_400 = arith.constant 0 : i32
        %dma_wait3A_401 = arith.constant 0 : i32
        %dma_wait3A_402 = arith.constant 0 : i32
        %dma_wait3A_403 = tpu.memref_slice %arg15[%dma_wait3A_399, %dma_wait3A_400, %dma_wait3A_401, %dma_wait3A_402] : memref<2x4x125x16xf32, #tpu.memory_space<vmem>> -> memref<1x1x125x16xf32, #tpu.memory_space<vmem>>
        %dma_wait3A_404 = tpu.memref_squeeze %dma_wait3A_403 : memref<1x1x125x16xf32, #tpu.memory_space<vmem>> -> memref<125x16xf32, #tpu.memory_space<vmem>>
        %dma_wait3A_405 = arith.constant 0 : i32
        %dma_wait3A_406 = tpu.memref_slice %arg13[%dma_wait3A_397, %dma_wait3A_398, %dma_wait3A_405] : memref<2x4x125xi32, #tpu.memory_space<vmem>> -> memref<1x1x125xi32, #tpu.memory_space<vmem>>
        %dma_wait3A_407 = tpu.memref_squeeze %dma_wait3A_406 : memref<1x1x125xi32, #tpu.memory_space<vmem>> -> memref<125xi32, #tpu.memory_space<vmem>>
        %dma_wait3A_408 = arith.constant 0 : i32
        %dma_wait3A_409 = arith.constant 0 : i32
        %dma_wait3A_410 = tpu.memref_slice %arg3[%dma_wait3A_408, %dma_wait3A_409] : memref<100000x16xf32, #tpu.memory_space<hbm>> -> memref<100000x16xf32, #tpu.memory_space<hbm>>
        tpu.wait_indirect_dma semaphore(%arg18 : memref<!tpu.dma_semaphore, #tpu.memory_space<semaphore_mem>>) src(%dma_wait3A_410 : memref<100000x16xf32, #tpu.memory_space<hbm>>) dst(%dma_wait3A_404 : memref<125x16xf32, #tpu.memory_space<vmem>>)
        %dma_wait3A_411 = arith.constant 0 : i32
        %dma_wait3A_412 = arith.constant 1 : i32
        %dma_wait3A_413 = arith.constant 0 : i32
        %dma_wait3A_414 = arith.constant 1 : i32
        %dma_wait3A_415 = arith.constant 0 : i32
        %dma_wait3A_416 = arith.constant 0 : i32
        %dma_wait3A_417 = tpu.memref_slice %arg15[%dma_wait3A_413, %dma_wait3A_414, %dma_wait3A_415, %dma_wait3A_416] : memref<2x4x125x16xf32, #tpu.memory_space<vmem>> -> memref<1x1x125x16xf32, #tpu.memory_space<vmem>>
        %dma_wait3A_418 = tpu.memref_squeeze %dma_wait3A_417 : memref<1x1x125x16xf32, #tpu.memory_space<vmem>> -> memref<125x16xf32, #tpu.memory_space<vmem>>
        %dma_wait3A_419 = arith.constant 0 : i32
        %dma_wait3A_420 = tpu.memref_slice %arg13[%dma_wait3A_411, %dma_wait3A_412, %dma_wait3A_419] : memref<2x4x125xi32, #tpu.memory_space<vmem>> -> memref<1x1x125xi32, #tpu.memory_space<vmem>>
        %dma_wait3A_421 = tpu.memref_squeeze %dma_wait3A_420 : memref<1x1x125xi32, #tpu.memory_space<vmem>> -> memref<125xi32, #tpu.memory_space<vmem>>
        %dma_wait3A_422 = arith.constant 0 : i32
        %dma_wait3A_423 = arith.constant 0 : i32
        %dma_wait3A_424 = tpu.memref_slice %arg3[%dma_wait3A_422, %dma_wait3A_423] : memref<100000x16xf32, #tpu.memory_space<hbm>> -> memref<100000x16xf32, #tpu.memory_space<hbm>>
        tpu.wait_indirect_dma semaphore(%arg18 : memref<!tpu.dma_semaphore, #tpu.memory_space<semaphore_mem>>) src(%dma_wait3A_424 : memref<100000x16xf32, #tpu.memory_space<hbm>>) dst(%dma_wait3A_418 : memref<125x16xf32, #tpu.memory_space<vmem>>)
        %dma_wait3A_425 = arith.constant 0 : i32
        %dma_wait3A_426 = arith.constant 2 : i32
        %dma_wait3A_427 = arith.constant 0 : i32
        %dma_wait3A_428 = arith.constant 2 : i32
        %dma_wait3A_429 = arith.constant 0 : i32
        %dma_wait3A_430 = arith.constant 0 : i32
        %dma_wait3A_431 = tpu.memref_slice %arg15[%dma_wait3A_427, %dma_wait3A_428, %dma_wait3A_429, %dma_wait3A_430] : memref<2x4x125x16xf32, #tpu.memory_space<vmem>> -> memref<1x1x125x16xf32, #tpu.memory_space<vmem>>
        %dma_wait3A_432 = tpu.memref_squeeze %dma_wait3A_431 : memref<1x1x125x16xf32, #tpu.memory_space<vmem>> -> memref<125x16xf32, #tpu.memory_space<vmem>>
        %dma_wait3A_433 = arith.constant 0 : i32
        %dma_wait3A_434 = tpu.memref_slice %arg13[%dma_wait3A_425, %dma_wait3A_426, %dma_wait3A_433] : memref<2x4x125xi32, #tpu.memory_space<vmem>> -> memref<1x1x125xi32, #tpu.memory_space<vmem>>
        %dma_wait3A_435 = tpu.memref_squeeze %dma_wait3A_434 : memref<1x1x125xi32, #tpu.memory_space<vmem>> -> memref<125xi32, #tpu.memory_space<vmem>>
        %dma_wait3A_436 = arith.constant 0 : i32
        %dma_wait3A_437 = arith.constant 0 : i32
        %dma_wait3A_438 = tpu.memref_slice %arg3[%dma_wait3A_436, %dma_wait3A_437] : memref<100000x16xf32, #tpu.memory_space<hbm>> -> memref<100000x16xf32, #tpu.memory_space<hbm>>
        tpu.wait_indirect_dma semaphore(%arg18 : memref<!tpu.dma_semaphore, #tpu.memory_space<semaphore_mem>>) src(%dma_wait3A_438 : memref<100000x16xf32, #tpu.memory_space<hbm>>) dst(%dma_wait3A_432 : memref<125x16xf32, #tpu.memory_space<vmem>>)
        %dma_wait3A_439 = arith.constant 0 : i32
        %dma_wait3A_440 = arith.constant 3 : i32
        %dma_wait3A_441 = arith.constant 0 : i32
        %dma_wait3A_442 = arith.constant 3 : i32
        %dma_wait3A_443 = arith.constant 0 : i32
        %dma_wait3A_444 = arith.constant 0 : i32
        %dma_wait3A_445 = tpu.memref_slice %arg15[%dma_wait3A_441, %dma_wait3A_442, %dma_wait3A_443, %dma_wait3A_444] : memref<2x4x125x16xf32, #tpu.memory_space<vmem>> -> memref<1x1x125x16xf32, #tpu.memory_space<vmem>>
        %dma_wait3A_446 = tpu.memref_squeeze %dma_wait3A_445 : memref<1x1x125x16xf32, #tpu.memory_space<vmem>> -> memref<125x16xf32, #tpu.memory_space<vmem>>
        %dma_wait3A_447 = arith.constant 0 : i32
        %dma_wait3A_448 = tpu.memref_slice %arg13[%dma_wait3A_439, %dma_wait3A_440, %dma_wait3A_447] : memref<2x4x125xi32, #tpu.memory_space<vmem>> -> memref<1x1x125xi32, #tpu.memory_space<vmem>>
        %dma_wait3A_449 = tpu.memref_squeeze %dma_wait3A_448 : memref<1x1x125xi32, #tpu.memory_space<vmem>> -> memref<125xi32, #tpu.memory_space<vmem>>
        %dma_wait3A_450 = arith.constant 0 : i32
        %dma_wait3A_451 = arith.constant 0 : i32
        %dma_wait3A_452 = tpu.memref_slice %arg3[%dma_wait3A_450, %dma_wait3A_451] : memref<100000x16xf32, #tpu.memory_space<hbm>> -> memref<100000x16xf32, #tpu.memory_space<hbm>>
        tpu.wait_indirect_dma semaphore(%arg18 : memref<!tpu.dma_semaphore, #tpu.memory_space<semaphore_mem>>) src(%dma_wait3A_452 : memref<100000x16xf32, #tpu.memory_space<hbm>>) dst(%dma_wait3A_446 : memref<125x16xf32, #tpu.memory_space<vmem>>)
        %dma_start3A_453 = arith.constant 0 : i32
        %dma_start3A_454 = arith.constant 0 : i32
        %dma_start3A_455 = arith.constant 0 : i32
        %dma_start3A_456 = arith.constant 0 : i32
        %dma_start3A_457 = arith.constant 0 : i32
        %dma_start3A_458 = arith.constant 0 : i32
        %dma_start3A_459 = tpu.memref_slice %arg15[%dma_start3A_453, %dma_start3A_454, %dma_start3A_457, %dma_start3A_458] : memref<2x4x125x16xf32, #tpu.memory_space<vmem>> -> memref<1x1x125x16xf32, #tpu.memory_space<vmem>>
        %dma_start3A_460 = tpu.memref_squeeze %dma_start3A_459 : memref<1x1x125x16xf32, #tpu.memory_space<vmem>> -> memref<125x16xf32, #tpu.memory_space<vmem>>
        %dma_start3A_461 = arith.constant 0 : i32
        %dma_start3A_462 = tpu.memref_slice %arg14[%dma_start3A_455, %dma_start3A_456, %dma_start3A_461] : memref<2x4x125xi32, #tpu.memory_space<vmem>> -> memref<1x1x125xi32, #tpu.memory_space<vmem>>
        %dma_start3A_463 = tpu.memref_squeeze %dma_start3A_462 : memref<1x1x125xi32, #tpu.memory_space<vmem>> -> memref<125xi32, #tpu.memory_space<vmem>>
        %dma_start3A_464 = arith.constant 0 : i32
        %dma_start3A_465 = arith.constant 0 : i32
        %dma_start3A_466 = tpu.memref_slice %arg12[%dma_start3A_464, %dma_start3A_465] : memref<100000x16xf32, #tpu.memory_space<vmem_shared>> -> memref<100000x16xf32, #tpu.memory_space<vmem_shared>>
        tpu.enqueue_indirect_dma source(%dma_start3A_460 : memref<125x16xf32, #tpu.memory_space<vmem>>) target(%dma_start3A_466 : memref<100000x16xf32, #tpu.memory_space<vmem_shared>>) offsets(%dma_start3A_463 : memref<125xi32, #tpu.memory_space<vmem>>) semaphore(%arg19 : memref<!tpu.dma_semaphore, #tpu.memory_space<semaphore_mem>>) {add = true}
        %dma_start3A_467 = arith.constant 0 : i32
        %dma_start3A_468 = arith.constant 1 : i32
        %dma_start3A_469 = arith.constant 0 : i32
        %dma_start3A_470 = arith.constant 1 : i32
        %dma_start3A_471 = arith.constant 0 : i32
        %dma_start3A_472 = arith.constant 0 : i32
        %dma_start3A_473 = tpu.memref_slice %arg15[%dma_start3A_467, %dma_start3A_468, %dma_start3A_471, %dma_start3A_472] : memref<2x4x125x16xf32, #tpu.memory_space<vmem>> -> memref<1x1x125x16xf32, #tpu.memory_space<vmem>>
        %dma_start3A_474 = tpu.memref_squeeze %dma_start3A_473 : memref<1x1x125x16xf32, #tpu.memory_space<vmem>> -> memref<125x16xf32, #tpu.memory_space<vmem>>
        %dma_start3A_475 = arith.constant 0 : i32
        %dma_start3A_476 = tpu.memref_slice %arg14[%dma_start3A_469, %dma_start3A_470, %dma_start3A_475] : memref<2x4x125xi32, #tpu.memory_space<vmem>> -> memref<1x1x125xi32, #tpu.memory_space<vmem>>
        %dma_start3A_477 = tpu.memref_squeeze %dma_start3A_476 : memref<1x1x125xi32, #tpu.memory_space<vmem>> -> memref<125xi32, #tpu.memory_space<vmem>>
        %dma_start3A_478 = arith.constant 0 : i32
        %dma_start3A_479 = arith.constant 0 : i32
        %dma_start3A_480 = tpu.memref_slice %arg12[%dma_start3A_478, %dma_start3A_479] : memref<100000x16xf32, #tpu.memory_space<vmem_shared>> -> memref<100000x16xf32, #tpu.memory_space<vmem_shared>>
        tpu.enqueue_indirect_dma source(%dma_start3A_474 : memref<125x16xf32, #tpu.memory_space<vmem>>) target(%dma_start3A_480 : memref<100000x16xf32, #tpu.memory_space<vmem_shared>>) offsets(%dma_start3A_477 : memref<125xi32, #tpu.memory_space<vmem>>) semaphore(%arg19 : memref<!tpu.dma_semaphore, #tpu.memory_space<semaphore_mem>>) {add = true}
        %dma_start3A_481 = arith.constant 0 : i32
        %dma_start3A_482 = arith.constant 2 : i32
        %dma_start3A_483 = arith.constant 0 : i32
        %dma_start3A_484 = arith.constant 2 : i32
        %dma_start3A_485 = arith.constant 0 : i32
        %dma_start3A_486 = arith.constant 0 : i32
        %dma_start3A_487 = tpu.memref_slice %arg15[%dma_start3A_481, %dma_start3A_482, %dma_start3A_485, %dma_start3A_486] : memref<2x4x125x16xf32, #tpu.memory_space<vmem>> -> memref<1x1x125x16xf32, #tpu.memory_space<vmem>>
        %dma_start3A_488 = tpu.memref_squeeze %dma_start3A_487 : memref<1x1x125x16xf32, #tpu.memory_space<vmem>> -> memref<125x16xf32, #tpu.memory_space<vmem>>
        %dma_start3A_489 = arith.constant 0 : i32
        %dma_start3A_490 = tpu.memref_slice %arg14[%dma_start3A_483, %dma_start3A_484, %dma_start3A_489] : memref<2x4x125xi32, #tpu.memory_space<vmem>> -> memref<1x1x125xi32, #tpu.memory_space<vmem>>
        %dma_start3A_491 = tpu.memref_squeeze %dma_start3A_490 : memref<1x1x125xi32, #tpu.memory_space<vmem>> -> memref<125xi32, #tpu.memory_space<vmem>>
        %dma_start3A_492 = arith.constant 0 : i32
        %dma_start3A_493 = arith.constant 0 : i32
        %dma_start3A_494 = tpu.memref_slice %arg12[%dma_start3A_492, %dma_start3A_493] : memref<100000x16xf32, #tpu.memory_space<vmem_shared>> -> memref<100000x16xf32, #tpu.memory_space<vmem_shared>>
        tpu.enqueue_indirect_dma source(%dma_start3A_488 : memref<125x16xf32, #tpu.memory_space<vmem>>) target(%dma_start3A_494 : memref<100000x16xf32, #tpu.memory_space<vmem_shared>>) offsets(%dma_start3A_491 : memref<125xi32, #tpu.memory_space<vmem>>) semaphore(%arg19 : memref<!tpu.dma_semaphore, #tpu.memory_space<semaphore_mem>>) {add = true}
        %dma_start3A_495 = arith.constant 0 : i32
        %dma_start3A_496 = arith.constant 3 : i32
        %dma_start3A_497 = arith.constant 0 : i32
        %dma_start3A_498 = arith.constant 3 : i32
        %dma_start3A_499 = arith.constant 0 : i32
        %dma_start3A_500 = arith.constant 0 : i32
        %dma_start3A_501 = tpu.memref_slice %arg15[%dma_start3A_495, %dma_start3A_496, %dma_start3A_499, %dma_start3A_500] : memref<2x4x125x16xf32, #tpu.memory_space<vmem>> -> memref<1x1x125x16xf32, #tpu.memory_space<vmem>>
        %dma_start3A_502 = tpu.memref_squeeze %dma_start3A_501 : memref<1x1x125x16xf32, #tpu.memory_space<vmem>> -> memref<125x16xf32, #tpu.memory_space<vmem>>
        %dma_start3A_503 = arith.constant 0 : i32
        %dma_start3A_504 = tpu.memref_slice %arg14[%dma_start3A_497, %dma_start3A_498, %dma_start3A_503] : memref<2x4x125xi32, #tpu.memory_space<vmem>> -> memref<1x1x125xi32, #tpu.memory_space<vmem>>
        %dma_start3A_505 = tpu.memref_squeeze %dma_start3A_504 : memref<1x1x125xi32, #tpu.memory_space<vmem>> -> memref<125xi32, #tpu.memory_space<vmem>>
        %dma_start3A_506 = arith.constant 0 : i32
        %dma_start3A_507 = arith.constant 0 : i32
        %dma_start3A_508 = tpu.memref_slice %arg12[%dma_start3A_506, %dma_start3A_507] : memref<100000x16xf32, #tpu.memory_space<vmem_shared>> -> memref<100000x16xf32, #tpu.memory_space<vmem_shared>>
        tpu.enqueue_indirect_dma source(%dma_start3A_502 : memref<125x16xf32, #tpu.memory_space<vmem>>) target(%dma_start3A_508 : memref<100000x16xf32, #tpu.memory_space<vmem_shared>>) offsets(%dma_start3A_505 : memref<125xi32, #tpu.memory_space<vmem>>) semaphore(%arg19 : memref<!tpu.dma_semaphore, #tpu.memory_space<semaphore_mem>>) {add = true}
        %mul3A_509 = arith.constant 2 : i32
        %mul3A_510 = arith.muli %mul3A_509, %scan3A_240 : i32
        %add3A_511 = arith.constant 1 : i32
        %add3A_512 = arith.addi %mul3A_510, %add3A_511 : i32
        %add3A_513 = arith.constant 1 : i32
        %add3A_514 = arith.addi %add3A_512, %add3A_513 : i32
        %mul3A_515 = arith.constant 4 : i32
        %mul3A_516 = arith.muli %add3A_514, %mul3A_515 : i32
        %add3A_517 = arith.addi %mul3A_0, %mul3A_516 : i32
        %dma_wait3A_518 = arith.constant 1 : i32
        %dma_wait3A_519 = arith.constant 0 : i32
        %dma_wait3A_520 = arith.constant 0 : i32
        %dma_wait3A_521 = tpu.memref_slice %arg13[%dma_wait3A_518, %dma_wait3A_519, %dma_wait3A_520] : memref<2x4x125xi32, #tpu.memory_space<vmem>> -> memref<1x4x125xi32, #tpu.memory_space<vmem>>
        %dma_wait3A_522 = tpu.memref_squeeze %dma_wait3A_521 : memref<1x4x125xi32, #tpu.memory_space<vmem>> -> memref<4x125xi32, #tpu.memory_space<vmem>>
        %dma_wait3A_523 = arith.constant 0 : i32
        %dma_wait3A_524 = arith.constant 0 : i32
        %dma_wait3A_525 = tpu.memref_slice %arg6[%cond3A, %dma_wait3A_523, %dma_wait3A_524] : memref<2x12800x125xi32, #tpu.memory_space<hbm>> -> memref<1x12800x125xi32, #tpu.memory_space<hbm>>
        %dma_wait3A_526 = tpu.memref_squeeze %dma_wait3A_525 : memref<1x12800x125xi32, #tpu.memory_space<hbm>> -> memref<12800x125xi32, #tpu.memory_space<hbm>>
        %dma_wait3A_527 = arith.constant 0 : i32
        %dma_wait3A_528 = arith.constant 0 : i32
        %dma_wait3A_529 = tpu.memref_slice %dma_wait3A_526[%dma_wait3A_527, %dma_wait3A_528] : memref<12800x125xi32, #tpu.memory_space<hbm>> -> memref<4x125xi32, #tpu.memory_space<hbm>>
        %dma_wait3A_530 = arith.constant 0 : i32
        %dma_wait3A_531 = arith.constant 0 : i32
        %dma_wait3A_532 = tpu.memref_slice %arg13[%dma_wait3A_518, %dma_wait3A_530, %dma_wait3A_531] : memref<2x4x125xi32, #tpu.memory_space<vmem>> -> memref<1x4x125xi32, #tpu.memory_space<vmem>>
        %dma_wait3A_533 = tpu.memref_squeeze %dma_wait3A_532 : memref<1x4x125xi32, #tpu.memory_space<vmem>> -> memref<4x125xi32, #tpu.memory_space<vmem>>
        %dma_wait3A_534 = arith.constant 0 : i32
        %dma_wait3A_535 = arith.constant 0 : i32
        %dma_wait3A_536 = tpu.memref_slice %arg6[%cond3A, %dma_wait3A_534, %dma_wait3A_535] : memref<2x12800x125xi32, #tpu.memory_space<hbm>> -> memref<1x12800x125xi32, #tpu.memory_space<hbm>>
        %dma_wait3A_537 = tpu.memref_squeeze %dma_wait3A_536 : memref<1x12800x125xi32, #tpu.memory_space<hbm>> -> memref<12800x125xi32, #tpu.memory_space<hbm>>
        %dma_wait3A_538 = arith.constant 0 : i32
        %dma_wait3A_539 = arith.constant 0 : i32
        %dma_wait3A_540 = tpu.memref_slice %dma_wait3A_537[%dma_wait3A_538, %dma_wait3A_539] : memref<12800x125xi32, #tpu.memory_space<hbm>> -> memref<4x125xi32, #tpu.memory_space<hbm>>
        tpu.wait_dma2 semaphore(%arg17 : memref<!tpu.dma_semaphore, #tpu.memory_space<semaphore_mem>>) src(%dma_wait3A_540 : memref<4x125xi32, #tpu.memory_space<hbm>>) dst(%dma_wait3A_533 : memref<4x125xi32, #tpu.memory_space<vmem>>)
        %dma_wait3A_541 = arith.constant 1 : i32
        %dma_wait3A_542 = arith.constant 0 : i32
        %dma_wait3A_543 = arith.constant 0 : i32
        %dma_wait3A_544 = tpu.memref_slice %arg14[%dma_wait3A_541, %dma_wait3A_542, %dma_wait3A_543] : memref<2x4x125xi32, #tpu.memory_space<vmem>> -> memref<1x4x125xi32, #tpu.memory_space<vmem>>
        %dma_wait3A_545 = tpu.memref_squeeze %dma_wait3A_544 : memref<1x4x125xi32, #tpu.memory_space<vmem>> -> memref<4x125xi32, #tpu.memory_space<vmem>>
        %dma_wait3A_546 = arith.constant 0 : i32
        %dma_wait3A_547 = arith.constant 0 : i32
        %dma_wait3A_548 = tpu.memref_slice %arg6[%cond3A, %dma_wait3A_546, %dma_wait3A_547] : memref<2x12800x125xi32, #tpu.memory_space<hbm>> -> memref<1x12800x125xi32, #tpu.memory_space<hbm>>
        %dma_wait3A_549 = tpu.memref_squeeze %dma_wait3A_548 : memref<1x12800x125xi32, #tpu.memory_space<hbm>> -> memref<12800x125xi32, #tpu.memory_space<hbm>>
        %dma_wait3A_550 = arith.constant 0 : i32
        %dma_wait3A_551 = arith.constant 0 : i32
        %dma_wait3A_552 = tpu.memref_slice %dma_wait3A_549[%dma_wait3A_550, %dma_wait3A_551] : memref<12800x125xi32, #tpu.memory_space<hbm>> -> memref<4x125xi32, #tpu.memory_space<hbm>>
        %dma_wait3A_553 = arith.constant 0 : i32
        %dma_wait3A_554 = arith.constant 0 : i32
        %dma_wait3A_555 = tpu.memref_slice %arg14[%dma_wait3A_541, %dma_wait3A_553, %dma_wait3A_554] : memref<2x4x125xi32, #tpu.memory_space<vmem>> -> memref<1x4x125xi32, #tpu.memory_space<vmem>>
        %dma_wait3A_556 = tpu.memref_squeeze %dma_wait3A_555 : memref<1x4x125xi32, #tpu.memory_space<vmem>> -> memref<4x125xi32, #tpu.memory_space<vmem>>
        %dma_wait3A_557 = arith.constant 0 : i32
        %dma_wait3A_558 = arith.constant 0 : i32
        %dma_wait3A_559 = tpu.memref_slice %arg6[%cond3A, %dma_wait3A_557, %dma_wait3A_558] : memref<2x12800x125xi32, #tpu.memory_space<hbm>> -> memref<1x12800x125xi32, #tpu.memory_space<hbm>>
        %dma_wait3A_560 = tpu.memref_squeeze %dma_wait3A_559 : memref<1x12800x125xi32, #tpu.memory_space<hbm>> -> memref<12800x125xi32, #tpu.memory_space<hbm>>
        %dma_wait3A_561 = arith.constant 0 : i32
        %dma_wait3A_562 = arith.constant 0 : i32
        %dma_wait3A_563 = tpu.memref_slice %dma_wait3A_560[%dma_wait3A_561, %dma_wait3A_562] : memref<12800x125xi32, #tpu.memory_space<hbm>> -> memref<4x125xi32, #tpu.memory_space<hbm>>
        tpu.wait_dma2 semaphore(%arg17 : memref<!tpu.dma_semaphore, #tpu.memory_space<semaphore_mem>>) src(%dma_wait3A_563 : memref<4x125xi32, #tpu.memory_space<hbm>>) dst(%dma_wait3A_556 : memref<4x125xi32, #tpu.memory_space<vmem>>)
        %dma_wait3A_564 = arith.constant 0 : i32
        %dma_wait3A_565 = arith.constant 0 : i32
        %dma_wait3A_566 = arith.constant 0 : i32
        %dma_wait3A_567 = arith.constant 0 : i32
        %dma_wait3A_568 = tpu.memref_slice %arg15[%dma_wait3A_564, %dma_wait3A_565, %dma_wait3A_566, %dma_wait3A_567] : memref<2x4x125x16xf32, #tpu.memory_space<vmem>> -> memref<1x1x125x16xf32, #tpu.memory_space<vmem>>
        %dma_wait3A_569 = tpu.memref_squeeze %dma_wait3A_568 : memref<1x1x125x16xf32, #tpu.memory_space<vmem>> -> memref<125x16xf32, #tpu.memory_space<vmem>>
        %dma_wait3A_570 = arith.constant 0 : i32
        %dma_wait3A_571 = arith.constant 0 : i32
        %dma_wait3A_572 = tpu.memref_slice %arg3[%dma_wait3A_570, %dma_wait3A_571] : memref<100000x16xf32, #tpu.memory_space<hbm>> -> memref<125x16xf32, #tpu.memory_space<hbm>>
        %dma_wait3A_573 = arith.constant 0 : i32
        %dma_wait3A_574 = arith.constant 0 : i32
        %dma_wait3A_575 = tpu.memref_slice %arg15[%dma_wait3A_564, %dma_wait3A_565, %dma_wait3A_573, %dma_wait3A_574] : memref<2x4x125x16xf32, #tpu.memory_space<vmem>> -> memref<1x1x125x16xf32, #tpu.memory_space<vmem>>
        %dma_wait3A_576 = tpu.memref_squeeze %dma_wait3A_575 : memref<1x1x125x16xf32, #tpu.memory_space<vmem>> -> memref<125x16xf32, #tpu.memory_space<vmem>>
        %dma_wait3A_577 = arith.constant 0 : i32
        %dma_wait3A_578 = arith.constant 0 : i32
        %dma_wait3A_579 = tpu.memref_slice %arg3[%dma_wait3A_577, %dma_wait3A_578] : memref<100000x16xf32, #tpu.memory_space<hbm>> -> memref<125x16xf32, #tpu.memory_space<hbm>>
        tpu.wait_dma2 semaphore(%arg19 : memref<!tpu.dma_semaphore, #tpu.memory_space<semaphore_mem>>) src(%dma_wait3A_579 : memref<125x16xf32, #tpu.memory_space<hbm>>) dst(%dma_wait3A_576 : memref<125x16xf32, #tpu.memory_space<vmem>>)
        %dma_wait3A_580 = arith.constant 0 : i32
        %dma_wait3A_581 = arith.constant 1 : i32
        %dma_wait3A_582 = arith.constant 0 : i32
        %dma_wait3A_583 = arith.constant 0 : i32
        %dma_wait3A_584 = tpu.memref_slice %arg15[%dma_wait3A_580, %dma_wait3A_581, %dma_wait3A_582, %dma_wait3A_583] : memref<2x4x125x16xf32, #tpu.memory_space<vmem>> -> memref<1x1x125x16xf32, #tpu.memory_space<vmem>>
        %dma_wait3A_585 = tpu.memref_squeeze %dma_wait3A_584 : memref<1x1x125x16xf32, #tpu.memory_space<vmem>> -> memref<125x16xf32, #tpu.memory_space<vmem>>
        %dma_wait3A_586 = arith.constant 0 : i32
        %dma_wait3A_587 = arith.constant 0 : i32
        %dma_wait3A_588 = tpu.memref_slice %arg3[%dma_wait3A_586, %dma_wait3A_587] : memref<100000x16xf32, #tpu.memory_space<hbm>> -> memref<125x16xf32, #tpu.memory_space<hbm>>
        %dma_wait3A_589 = arith.constant 0 : i32
        %dma_wait3A_590 = arith.constant 0 : i32
        %dma_wait3A_591 = tpu.memref_slice %arg15[%dma_wait3A_580, %dma_wait3A_581, %dma_wait3A_589, %dma_wait3A_590] : memref<2x4x125x16xf32, #tpu.memory_space<vmem>> -> memref<1x1x125x16xf32, #tpu.memory_space<vmem>>
        %dma_wait3A_592 = tpu.memref_squeeze %dma_wait3A_591 : memref<1x1x125x16xf32, #tpu.memory_space<vmem>> -> memref<125x16xf32, #tpu.memory_space<vmem>>
        %dma_wait3A_593 = arith.constant 0 : i32
        %dma_wait3A_594 = arith.constant 0 : i32
        %dma_wait3A_595 = tpu.memref_slice %arg3[%dma_wait3A_593, %dma_wait3A_594] : memref<100000x16xf32, #tpu.memory_space<hbm>> -> memref<125x16xf32, #tpu.memory_space<hbm>>
        tpu.wait_dma2 semaphore(%arg19 : memref<!tpu.dma_semaphore, #tpu.memory_space<semaphore_mem>>) src(%dma_wait3A_595 : memref<125x16xf32, #tpu.memory_space<hbm>>) dst(%dma_wait3A_592 : memref<125x16xf32, #tpu.memory_space<vmem>>)
        %dma_wait3A_596 = arith.constant 0 : i32
        %dma_wait3A_597 = arith.constant 2 : i32
        %dma_wait3A_598 = arith.constant 0 : i32
        %dma_wait3A_599 = arith.constant 0 : i32
        %dma_wait3A_600 = tpu.memref_slice %arg15[%dma_wait3A_596, %dma_wait3A_597, %dma_wait3A_598, %dma_wait3A_599] : memref<2x4x125x16xf32, #tpu.memory_space<vmem>> -> memref<1x1x125x16xf32, #tpu.memory_space<vmem>>
        %dma_wait3A_601 = tpu.memref_squeeze %dma_wait3A_600 : memref<1x1x125x16xf32, #tpu.memory_space<vmem>> -> memref<125x16xf32, #tpu.memory_space<vmem>>
        %dma_wait3A_602 = arith.constant 0 : i32
        %dma_wait3A_603 = arith.constant 0 : i32
        %dma_wait3A_604 = tpu.memref_slice %arg3[%dma_wait3A_602, %dma_wait3A_603] : memref<100000x16xf32, #tpu.memory_space<hbm>> -> memref<125x16xf32, #tpu.memory_space<hbm>>
        %dma_wait3A_605 = arith.constant 0 : i32
        %dma_wait3A_606 = arith.constant 0 : i32
        %dma_wait3A_607 = tpu.memref_slice %arg15[%dma_wait3A_596, %dma_wait3A_597, %dma_wait3A_605, %dma_wait3A_606] : memref<2x4x125x16xf32, #tpu.memory_space<vmem>> -> memref<1x1x125x16xf32, #tpu.memory_space<vmem>>
        %dma_wait3A_608 = tpu.memref_squeeze %dma_wait3A_607 : memref<1x1x125x16xf32, #tpu.memory_space<vmem>> -> memref<125x16xf32, #tpu.memory_space<vmem>>
        %dma_wait3A_609 = arith.constant 0 : i32
        %dma_wait3A_610 = arith.constant 0 : i32
        %dma_wait3A_611 = tpu.memref_slice %arg3[%dma_wait3A_609, %dma_wait3A_610] : memref<100000x16xf32, #tpu.memory_space<hbm>> -> memref<125x16xf32, #tpu.memory_space<hbm>>
        tpu.wait_dma2 semaphore(%arg19 : memref<!tpu.dma_semaphore, #tpu.memory_space<semaphore_mem>>) src(%dma_wait3A_611 : memref<125x16xf32, #tpu.memory_space<hbm>>) dst(%dma_wait3A_608 : memref<125x16xf32, #tpu.memory_space<vmem>>)
        %dma_wait3A_612 = arith.constant 0 : i32
        %dma_wait3A_613 = arith.constant 3 : i32
        %dma_wait3A_614 = arith.constant 0 : i32
        %dma_wait3A_615 = arith.constant 0 : i32
        %dma_wait3A_616 = tpu.memref_slice %arg15[%dma_wait3A_612, %dma_wait3A_613, %dma_wait3A_614, %dma_wait3A_615] : memref<2x4x125x16xf32, #tpu.memory_space<vmem>> -> memref<1x1x125x16xf32, #tpu.memory_space<vmem>>
        %dma_wait3A_617 = tpu.memref_squeeze %dma_wait3A_616 : memref<1x1x125x16xf32, #tpu.memory_space<vmem>> -> memref<125x16xf32, #tpu.memory_space<vmem>>
        %dma_wait3A_618 = arith.constant 0 : i32
        %dma_wait3A_619 = arith.constant 0 : i32
        %dma_wait3A_620 = tpu.memref_slice %arg3[%dma_wait3A_618, %dma_wait3A_619] : memref<100000x16xf32, #tpu.memory_space<hbm>> -> memref<125x16xf32, #tpu.memory_space<hbm>>
        %dma_wait3A_621 = arith.constant 0 : i32
        %dma_wait3A_622 = arith.constant 0 : i32
        %dma_wait3A_623 = tpu.memref_slice %arg15[%dma_wait3A_612, %dma_wait3A_613, %dma_wait3A_621, %dma_wait3A_622] : memref<2x4x125x16xf32, #tpu.memory_space<vmem>> -> memref<1x1x125x16xf32, #tpu.memory_space<vmem>>
        %dma_wait3A_624 = tpu.memref_squeeze %dma_wait3A_623 : memref<1x1x125x16xf32, #tpu.memory_space<vmem>> -> memref<125x16xf32, #tpu.memory_space<vmem>>
        %dma_wait3A_625 = arith.constant 0 : i32
        %dma_wait3A_626 = arith.constant 0 : i32
        %dma_wait3A_627 = tpu.memref_slice %arg3[%dma_wait3A_625, %dma_wait3A_626] : memref<100000x16xf32, #tpu.memory_space<hbm>> -> memref<125x16xf32, #tpu.memory_space<hbm>>
        tpu.wait_dma2 semaphore(%arg19 : memref<!tpu.dma_semaphore, #tpu.memory_space<semaphore_mem>>) src(%dma_wait3A_627 : memref<125x16xf32, #tpu.memory_space<hbm>>) dst(%dma_wait3A_624 : memref<125x16xf32, #tpu.memory_space<vmem>>)
        %lt3A = arith.constant 99 : i32
        %lt3A_628 = arith.cmpi slt, %scan3A_240, %lt3A : i32
        %convert_element_type3A_629 = arith.extui %lt3A_628 : i1 to i32
        %cond3A_630 = arith.constant 0 : i32
        %cond3A_631 = arith.cmpi ne, %convert_element_type3A_629, %cond3A_630 : i32
        scf.if %cond3A_631 {
          %dma_start3A_800 = arith.constant 0 : i32
          %dma_start3A_801 = arith.constant 0 : i32
          %dma_start3A_802 = arith.constant 0 : i32
          %dma_start3A_803 = tpu.memref_slice %arg13[%dma_start3A_800, %dma_start3A_801, %dma_start3A_802] : memref<2x4x125xi32, #tpu.memory_space<vmem>> -> memref<1x4x125xi32, #tpu.memory_space<vmem>>
          %dma_start3A_804 = tpu.memref_squeeze %dma_start3A_803 : memref<1x4x125xi32, #tpu.memory_space<vmem>> -> memref<4x125xi32, #tpu.memory_space<vmem>>
          %dma_start3A_805 = arith.constant 0 : i32
          %dma_start3A_806 = arith.constant 0 : i32
          %dma_start3A_807 = tpu.memref_slice %arg6[%cond3A, %dma_start3A_805, %dma_start3A_806] : memref<2x12800x125xi32, #tpu.memory_space<hbm>> -> memref<1x12800x125xi32, #tpu.memory_space<hbm>>
          %dma_start3A_808 = tpu.memref_squeeze %dma_start3A_807 : memref<1x12800x125xi32, #tpu.memory_space<hbm>> -> memref<12800x125xi32, #tpu.memory_space<hbm>>
          %dma_start3A_809 = arith.constant 0 : i32
          %dma_start3A_810 = tpu.memref_slice %dma_start3A_808[%add3A_517, %dma_start3A_809] : memref<12800x125xi32, #tpu.memory_space<hbm>> -> memref<4x125xi32, #tpu.memory_space<hbm>>
          %dma_start3A_811 = arith.constant 0 : i32
          %dma_start3A_812 = arith.constant 0 : i32
          %dma_start3A_813 = tpu.memref_slice %arg13[%dma_start3A_800, %dma_start3A_811, %dma_start3A_812] : memref<2x4x125xi32, #tpu.memory_space<vmem>> -> memref<1x4x125xi32, #tpu.memory_space<vmem>>
          %dma_start3A_814 = tpu.memref_squeeze %dma_start3A_813 : memref<1x4x125xi32, #tpu.memory_space<vmem>> -> memref<4x125xi32, #tpu.memory_space<vmem>>
          %dma_start3A_815 = arith.constant 0 : i32
          %dma_start3A_816 = arith.constant 0 : i32
          %dma_start3A_817 = tpu.memref_slice %arg6[%cond3A, %dma_start3A_815, %dma_start3A_816] : memref<2x12800x125xi32, #tpu.memory_space<hbm>> -> memref<1x12800x125xi32, #tpu.memory_space<hbm>>
          %dma_start3A_818 = tpu.memref_squeeze %dma_start3A_817 : memref<1x12800x125xi32, #tpu.memory_space<hbm>> -> memref<12800x125xi32, #tpu.memory_space<hbm>>
          %dma_start3A_819 = arith.constant 0 : i32
          %dma_start3A_820 = tpu.memref_slice %dma_start3A_818[%add3A_517, %dma_start3A_819] : memref<12800x125xi32, #tpu.memory_space<hbm>> -> memref<4x125xi32, #tpu.memory_space<hbm>>
          tpu.enqueue_dma source(%dma_start3A_820 : memref<4x125xi32, #tpu.memory_space<hbm>>) target(%dma_start3A_814 : memref<4x125xi32, #tpu.memory_space<vmem>>) target_semaphore(%arg16 : memref<!tpu.dma_semaphore, #tpu.memory_space<semaphore_mem>>)
          %dma_start3A_821 = arith.constant 0 : i32
          %dma_start3A_822 = arith.constant 0 : i32
          %dma_start3A_823 = arith.constant 0 : i32
          %dma_start3A_824 = tpu.memref_slice %arg14[%dma_start3A_821, %dma_start3A_822, %dma_start3A_823] : memref<2x4x125xi32, #tpu.memory_space<vmem>> -> memref<1x4x125xi32, #tpu.memory_space<vmem>>
          %dma_start3A_825 = tpu.memref_squeeze %dma_start3A_824 : memref<1x4x125xi32, #tpu.memory_space<vmem>> -> memref<4x125xi32, #tpu.memory_space<vmem>>
          %dma_start3A_826 = arith.constant 0 : i32
          %dma_start3A_827 = arith.constant 0 : i32
          %dma_start3A_828 = tpu.memref_slice %arg6[%cond3A_4, %dma_start3A_826, %dma_start3A_827] : memref<2x12800x125xi32, #tpu.memory_space<hbm>> -> memref<1x12800x125xi32, #tpu.memory_space<hbm>>
          %dma_start3A_829 = tpu.memref_squeeze %dma_start3A_828 : memref<1x12800x125xi32, #tpu.memory_space<hbm>> -> memref<12800x125xi32, #tpu.memory_space<hbm>>
          %dma_start3A_830 = arith.constant 0 : i32
          %dma_start3A_831 = tpu.memref_slice %dma_start3A_829[%add3A_517, %dma_start3A_830] : memref<12800x125xi32, #tpu.memory_space<hbm>> -> memref<4x125xi32, #tpu.memory_space<hbm>>
          %dma_start3A_832 = arith.constant 0 : i32
          %dma_start3A_833 = arith.constant 0 : i32
          %dma_start3A_834 = tpu.memref_slice %arg14[%dma_start3A_821, %dma_start3A_832, %dma_start3A_833] : memref<2x4x125xi32, #tpu.memory_space<vmem>> -> memref<1x4x125xi32, #tpu.memory_space<vmem>>
          %dma_start3A_835 = tpu.memref_squeeze %dma_start3A_834 : memref<1x4x125xi32, #tpu.memory_space<vmem>> -> memref<4x125xi32, #tpu.memory_space<vmem>>
          %dma_start3A_836 = arith.constant 0 : i32
          %dma_start3A_837 = arith.constant 0 : i32
          %dma_start3A_838 = tpu.memref_slice %arg6[%cond3A_4, %dma_start3A_836, %dma_start3A_837] : memref<2x12800x125xi32, #tpu.memory_space<hbm>> -> memref<1x12800x125xi32, #tpu.memory_space<hbm>>
          %dma_start3A_839 = tpu.memref_squeeze %dma_start3A_838 : memref<1x12800x125xi32, #tpu.memory_space<hbm>> -> memref<12800x125xi32, #tpu.memory_space<hbm>>
          %dma_start3A_840 = arith.constant 0 : i32
          %dma_start3A_841 = tpu.memref_slice %dma_start3A_839[%add3A_517, %dma_start3A_840] : memref<12800x125xi32, #tpu.memory_space<hbm>> -> memref<4x125xi32, #tpu.memory_space<hbm>>
          tpu.enqueue_dma source(%dma_start3A_841 : memref<4x125xi32, #tpu.memory_space<hbm>>) target(%dma_start3A_835 : memref<4x125xi32, #tpu.memory_space<vmem>>) target_semaphore(%arg16 : memref<!tpu.dma_semaphore, #tpu.memory_space<semaphore_mem>>)
        } else {
        }
        %dma_start3A_632 = arith.constant 1 : i32
        %dma_start3A_633 = arith.constant 0 : i32
        %dma_start3A_634 = arith.constant 1 : i32
        %dma_start3A_635 = arith.constant 0 : i32
        %dma_start3A_636 = arith.constant 0 : i32
        %dma_start3A_637 = arith.constant 0 : i32
        %dma_start3A_638 = tpu.memref_slice %arg15[%dma_start3A_634, %dma_start3A_635, %dma_start3A_636, %dma_start3A_637] : memref<2x4x125x16xf32, #tpu.memory_space<vmem>> -> memref<1x1x125x16xf32, #tpu.memory_space<vmem>>
        %dma_start3A_639 = tpu.memref_squeeze %dma_start3A_638 : memref<1x1x125x16xf32, #tpu.memory_space<vmem>> -> memref<125x16xf32, #tpu.memory_space<vmem>>
        %dma_start3A_640 = arith.constant 0 : i32
        %dma_start3A_641 = tpu.memref_slice %arg13[%dma_start3A_632, %dma_start3A_633, %dma_start3A_640] : memref<2x4x125xi32, #tpu.memory_space<vmem>> -> memref<1x1x125xi32, #tpu.memory_space<vmem>>
        %dma_start3A_642 = tpu.memref_squeeze %dma_start3A_641 : memref<1x1x125xi32, #tpu.memory_space<vmem>> -> memref<125xi32, #tpu.memory_space<vmem>>
        %dma_start3A_643 = arith.constant 0 : i32
        %dma_start3A_644 = arith.constant 0 : i32
        %dma_start3A_645 = tpu.memref_slice %arg3[%dma_start3A_643, %dma_start3A_644] : memref<100000x16xf32, #tpu.memory_space<hbm>> -> memref<100000x16xf32, #tpu.memory_space<hbm>>
        tpu.enqueue_indirect_dma source(%dma_start3A_645 : memref<100000x16xf32, #tpu.memory_space<hbm>>) target(%dma_start3A_639 : memref<125x16xf32, #tpu.memory_space<vmem>>) offsets(%dma_start3A_642 : memref<125xi32, #tpu.memory_space<vmem>>) semaphore(%arg18 : memref<!tpu.dma_semaphore, #tpu.memory_space<semaphore_mem>>)
        %dma_start3A_646 = arith.constant 1 : i32
        %dma_start3A_647 = arith.constant 1 : i32
        %dma_start3A_648 = arith.constant 1 : i32
        %dma_start3A_649 = arith.constant 1 : i32
        %dma_start3A_650 = arith.constant 0 : i32
        %dma_start3A_651 = arith.constant 0 : i32
        %dma_start3A_652 = tpu.memref_slice %arg15[%dma_start3A_648, %dma_start3A_649, %dma_start3A_650, %dma_start3A_651] : memref<2x4x125x16xf32, #tpu.memory_space<vmem>> -> memref<1x1x125x16xf32, #tpu.memory_space<vmem>>
        %dma_start3A_653 = tpu.memref_squeeze %dma_start3A_652 : memref<1x1x125x16xf32, #tpu.memory_space<vmem>> -> memref<125x16xf32, #tpu.memory_space<vmem>>
        %dma_start3A_654 = arith.constant 0 : i32
        %dma_start3A_655 = tpu.memref_slice %arg13[%dma_start3A_646, %dma_start3A_647, %dma_start3A_654] : memref<2x4x125xi32, #tpu.memory_space<vmem>> -> memref<1x1x125xi32, #tpu.memory_space<vmem>>
        %dma_start3A_656 = tpu.memref_squeeze %dma_start3A_655 : memref<1x1x125xi32, #tpu.memory_space<vmem>> -> memref<125xi32, #tpu.memory_space<vmem>>
        %dma_start3A_657 = arith.constant 0 : i32
        %dma_start3A_658 = arith.constant 0 : i32
        %dma_start3A_659 = tpu.memref_slice %arg3[%dma_start3A_657, %dma_start3A_658] : memref<100000x16xf32, #tpu.memory_space<hbm>> -> memref<100000x16xf32, #tpu.memory_space<hbm>>
        tpu.enqueue_indirect_dma source(%dma_start3A_659 : memref<100000x16xf32, #tpu.memory_space<hbm>>) target(%dma_start3A_653 : memref<125x16xf32, #tpu.memory_space<vmem>>) offsets(%dma_start3A_656 : memref<125xi32, #tpu.memory_space<vmem>>) semaphore(%arg18 : memref<!tpu.dma_semaphore, #tpu.memory_space<semaphore_mem>>)
        %dma_start3A_660 = arith.constant 1 : i32
        %dma_start3A_661 = arith.constant 2 : i32
        %dma_start3A_662 = arith.constant 1 : i32
        %dma_start3A_663 = arith.constant 2 : i32
        %dma_start3A_664 = arith.constant 0 : i32
        %dma_start3A_665 = arith.constant 0 : i32
        %dma_start3A_666 = tpu.memref_slice %arg15[%dma_start3A_662, %dma_start3A_663, %dma_start3A_664, %dma_start3A_665] : memref<2x4x125x16xf32, #tpu.memory_space<vmem>> -> memref<1x1x125x16xf32, #tpu.memory_space<vmem>>
        %dma_start3A_667 = tpu.memref_squeeze %dma_start3A_666 : memref<1x1x125x16xf32, #tpu.memory_space<vmem>> -> memref<125x16xf32, #tpu.memory_space<vmem>>
        %dma_start3A_668 = arith.constant 0 : i32
        %dma_start3A_669 = tpu.memref_slice %arg13[%dma_start3A_660, %dma_start3A_661, %dma_start3A_668] : memref<2x4x125xi32, #tpu.memory_space<vmem>> -> memref<1x1x125xi32, #tpu.memory_space<vmem>>
        %dma_start3A_670 = tpu.memref_squeeze %dma_start3A_669 : memref<1x1x125xi32, #tpu.memory_space<vmem>> -> memref<125xi32, #tpu.memory_space<vmem>>
        %dma_start3A_671 = arith.constant 0 : i32
        %dma_start3A_672 = arith.constant 0 : i32
        %dma_start3A_673 = tpu.memref_slice %arg3[%dma_start3A_671, %dma_start3A_672] : memref<100000x16xf32, #tpu.memory_space<hbm>> -> memref<100000x16xf32, #tpu.memory_space<hbm>>
        tpu.enqueue_indirect_dma source(%dma_start3A_673 : memref<100000x16xf32, #tpu.memory_space<hbm>>) target(%dma_start3A_667 : memref<125x16xf32, #tpu.memory_space<vmem>>) offsets(%dma_start3A_670 : memref<125xi32, #tpu.memory_space<vmem>>) semaphore(%arg18 : memref<!tpu.dma_semaphore, #tpu.memory_space<semaphore_mem>>)
        %dma_start3A_674 = arith.constant 1 : i32
        %dma_start3A_675 = arith.constant 3 : i32
        %dma_start3A_676 = arith.constant 1 : i32
        %dma_start3A_677 = arith.constant 3 : i32
        %dma_start3A_678 = arith.constant 0 : i32
        %dma_start3A_679 = arith.constant 0 : i32
        %dma_start3A_680 = tpu.memref_slice %arg15[%dma_start3A_676, %dma_start3A_677, %dma_start3A_678, %dma_start3A_679] : memref<2x4x125x16xf32, #tpu.memory_space<vmem>> -> memref<1x1x125x16xf32, #tpu.memory_space<vmem>>
        %dma_start3A_681 = tpu.memref_squeeze %dma_start3A_680 : memref<1x1x125x16xf32, #tpu.memory_space<vmem>> -> memref<125x16xf32, #tpu.memory_space<vmem>>
        %dma_start3A_682 = arith.constant 0 : i32
        %dma_start3A_683 = tpu.memref_slice %arg13[%dma_start3A_674, %dma_start3A_675, %dma_start3A_682] : memref<2x4x125xi32, #tpu.memory_space<vmem>> -> memref<1x1x125xi32, #tpu.memory_space<vmem>>
        %dma_start3A_684 = tpu.memref_squeeze %dma_start3A_683 : memref<1x1x125xi32, #tpu.memory_space<vmem>> -> memref<125xi32, #tpu.memory_space<vmem>>
        %dma_start3A_685 = arith.constant 0 : i32
        %dma_start3A_686 = arith.constant 0 : i32
        %dma_start3A_687 = tpu.memref_slice %arg3[%dma_start3A_685, %dma_start3A_686] : memref<100000x16xf32, #tpu.memory_space<hbm>> -> memref<100000x16xf32, #tpu.memory_space<hbm>>
        tpu.enqueue_indirect_dma source(%dma_start3A_687 : memref<100000x16xf32, #tpu.memory_space<hbm>>) target(%dma_start3A_681 : memref<125x16xf32, #tpu.memory_space<vmem>>) offsets(%dma_start3A_684 : memref<125xi32, #tpu.memory_space<vmem>>) semaphore(%arg18 : memref<!tpu.dma_semaphore, #tpu.memory_space<semaphore_mem>>)
        %dma_wait3A_688 = arith.constant 1 : i32
        %dma_wait3A_689 = arith.constant 0 : i32
        %dma_wait3A_690 = arith.constant 1 : i32
        %dma_wait3A_691 = arith.constant 0 : i32
        %dma_wait3A_692 = arith.constant 0 : i32
        %dma_wait3A_693 = arith.constant 0 : i32
        %dma_wait3A_694 = tpu.memref_slice %arg15[%dma_wait3A_690, %dma_wait3A_691, %dma_wait3A_692, %dma_wait3A_693] : memref<2x4x125x16xf32, #tpu.memory_space<vmem>> -> memref<1x1x125x16xf32, #tpu.memory_space<vmem>>
        %dma_wait3A_695 = tpu.memref_squeeze %dma_wait3A_694 : memref<1x1x125x16xf32, #tpu.memory_space<vmem>> -> memref<125x16xf32, #tpu.memory_space<vmem>>
        %dma_wait3A_696 = arith.constant 0 : i32
        %dma_wait3A_697 = tpu.memref_slice %arg13[%dma_wait3A_688, %dma_wait3A_689, %dma_wait3A_696] : memref<2x4x125xi32, #tpu.memory_space<vmem>> -> memref<1x1x125xi32, #tpu.memory_space<vmem>>
        %dma_wait3A_698 = tpu.memref_squeeze %dma_wait3A_697 : memref<1x1x125xi32, #tpu.memory_space<vmem>> -> memref<125xi32, #tpu.memory_space<vmem>>
        %dma_wait3A_699 = arith.constant 0 : i32
        %dma_wait3A_700 = arith.constant 0 : i32
        %dma_wait3A_701 = tpu.memref_slice %arg3[%dma_wait3A_699, %dma_wait3A_700] : memref<100000x16xf32, #tpu.memory_space<hbm>> -> memref<100000x16xf32, #tpu.memory_space<hbm>>
        tpu.wait_indirect_dma semaphore(%arg18 : memref<!tpu.dma_semaphore, #tpu.memory_space<semaphore_mem>>) src(%dma_wait3A_701 : memref<100000x16xf32, #tpu.memory_space<hbm>>) dst(%dma_wait3A_695 : memref<125x16xf32, #tpu.memory_space<vmem>>)
        %dma_wait3A_702 = arith.constant 1 : i32
        %dma_wait3A_703 = arith.constant 1 : i32
        %dma_wait3A_704 = arith.constant 1 : i32
        %dma_wait3A_705 = arith.constant 1 : i32
        %dma_wait3A_706 = arith.constant 0 : i32
        %dma_wait3A_707 = arith.constant 0 : i32
        %dma_wait3A_708 = tpu.memref_slice %arg15[%dma_wait3A_704, %dma_wait3A_705, %dma_wait3A_706, %dma_wait3A_707] : memref<2x4x125x16xf32, #tpu.memory_space<vmem>> -> memref<1x1x125x16xf32, #tpu.memory_space<vmem>>
        %dma_wait3A_709 = tpu.memref_squeeze %dma_wait3A_708 : memref<1x1x125x16xf32, #tpu.memory_space<vmem>> -> memref<125x16xf32, #tpu.memory_space<vmem>>
        %dma_wait3A_710 = arith.constant 0 : i32
        %dma_wait3A_711 = tpu.memref_slice %arg13[%dma_wait3A_702, %dma_wait3A_703, %dma_wait3A_710] : memref<2x4x125xi32, #tpu.memory_space<vmem>> -> memref<1x1x125xi32, #tpu.memory_space<vmem>>
        %dma_wait3A_712 = tpu.memref_squeeze %dma_wait3A_711 : memref<1x1x125xi32, #tpu.memory_space<vmem>> -> memref<125xi32, #tpu.memory_space<vmem>>
        %dma_wait3A_713 = arith.constant 0 : i32
        %dma_wait3A_714 = arith.constant 0 : i32
        %dma_wait3A_715 = tpu.memref_slice %arg3[%dma_wait3A_713, %dma_wait3A_714] : memref<100000x16xf32, #tpu.memory_space<hbm>> -> memref<100000x16xf32, #tpu.memory_space<hbm>>
        tpu.wait_indirect_dma semaphore(%arg18 : memref<!tpu.dma_semaphore, #tpu.memory_space<semaphore_mem>>) src(%dma_wait3A_715 : memref<100000x16xf32, #tpu.memory_space<hbm>>) dst(%dma_wait3A_709 : memref<125x16xf32, #tpu.memory_space<vmem>>)
        %dma_wait3A_716 = arith.constant 1 : i32
        %dma_wait3A_717 = arith.constant 2 : i32
        %dma_wait3A_718 = arith.constant 1 : i32
        %dma_wait3A_719 = arith.constant 2 : i32
        %dma_wait3A_720 = arith.constant 0 : i32
        %dma_wait3A_721 = arith.constant 0 : i32
        %dma_wait3A_722 = tpu.memref_slice %arg15[%dma_wait3A_718, %dma_wait3A_719, %dma_wait3A_720, %dma_wait3A_721] : memref<2x4x125x16xf32, #tpu.memory_space<vmem>> -> memref<1x1x125x16xf32, #tpu.memory_space<vmem>>
        %dma_wait3A_723 = tpu.memref_squeeze %dma_wait3A_722 : memref<1x1x125x16xf32, #tpu.memory_space<vmem>> -> memref<125x16xf32, #tpu.memory_space<vmem>>
        %dma_wait3A_724 = arith.constant 0 : i32
        %dma_wait3A_725 = tpu.memref_slice %arg13[%dma_wait3A_716, %dma_wait3A_717, %dma_wait3A_724] : memref<2x4x125xi32, #tpu.memory_space<vmem>> -> memref<1x1x125xi32, #tpu.memory_space<vmem>>
        %dma_wait3A_726 = tpu.memref_squeeze %dma_wait3A_725 : memref<1x1x125xi32, #tpu.memory_space<vmem>> -> memref<125xi32, #tpu.memory_space<vmem>>
        %dma_wait3A_727 = arith.constant 0 : i32
        %dma_wait3A_728 = arith.constant 0 : i32
        %dma_wait3A_729 = tpu.memref_slice %arg3[%dma_wait3A_727, %dma_wait3A_728] : memref<100000x16xf32, #tpu.memory_space<hbm>> -> memref<100000x16xf32, #tpu.memory_space<hbm>>
        tpu.wait_indirect_dma semaphore(%arg18 : memref<!tpu.dma_semaphore, #tpu.memory_space<semaphore_mem>>) src(%dma_wait3A_729 : memref<100000x16xf32, #tpu.memory_space<hbm>>) dst(%dma_wait3A_723 : memref<125x16xf32, #tpu.memory_space<vmem>>)
        %dma_wait3A_730 = arith.constant 1 : i32
        %dma_wait3A_731 = arith.constant 3 : i32
        %dma_wait3A_732 = arith.constant 1 : i32
        %dma_wait3A_733 = arith.constant 3 : i32
        %dma_wait3A_734 = arith.constant 0 : i32
        %dma_wait3A_735 = arith.constant 0 : i32
        %dma_wait3A_736 = tpu.memref_slice %arg15[%dma_wait3A_732, %dma_wait3A_733, %dma_wait3A_734, %dma_wait3A_735] : memref<2x4x125x16xf32, #tpu.memory_space<vmem>> -> memref<1x1x125x16xf32, #tpu.memory_space<vmem>>
        %dma_wait3A_737 = tpu.memref_squeeze %dma_wait3A_736 : memref<1x1x125x16xf32, #tpu.memory_space<vmem>> -> memref<125x16xf32, #tpu.memory_space<vmem>>
        %dma_wait3A_738 = arith.constant 0 : i32
        %dma_wait3A_739 = tpu.memref_slice %arg13[%dma_wait3A_730, %dma_wait3A_731, %dma_wait3A_738] : memref<2x4x125xi32, #tpu.memory_space<vmem>> -> memref<1x1x125xi32, #tpu.memory_space<vmem>>
        %dma_wait3A_740 = tpu.memref_squeeze %dma_wait3A_739 : memref<1x1x125xi32, #tpu.memory_space<vmem>> -> memref<125xi32, #tpu.memory_space<vmem>>
        %dma_wait3A_741 = arith.constant 0 : i32
        %dma_wait3A_742 = arith.constant 0 : i32
        %dma_wait3A_743 = tpu.memref_slice %arg3[%dma_wait3A_741, %dma_wait3A_742] : memref<100000x16xf32, #tpu.memory_space<hbm>> -> memref<100000x16xf32, #tpu.memory_space<hbm>>
        tpu.wait_indirect_dma semaphore(%arg18 : memref<!tpu.dma_semaphore, #tpu.memory_space<semaphore_mem>>) src(%dma_wait3A_743 : memref<100000x16xf32, #tpu.memory_space<hbm>>) dst(%dma_wait3A_737 : memref<125x16xf32, #tpu.memory_space<vmem>>)
        %dma_start3A_744 = arith.constant 1 : i32
        %dma_start3A_745 = arith.constant 0 : i32
        %dma_start3A_746 = arith.constant 1 : i32
        %dma_start3A_747 = arith.constant 0 : i32
        %dma_start3A_748 = arith.constant 0 : i32
        %dma_start3A_749 = arith.constant 0 : i32
        %dma_start3A_750 = tpu.memref_slice %arg15[%dma_start3A_744, %dma_start3A_745, %dma_start3A_748, %dma_start3A_749] : memref<2x4x125x16xf32, #tpu.memory_space<vmem>> -> memref<1x1x125x16xf32, #tpu.memory_space<vmem>>
        %dma_start3A_751 = tpu.memref_squeeze %dma_start3A_750 : memref<1x1x125x16xf32, #tpu.memory_space<vmem>> -> memref<125x16xf32, #tpu.memory_space<vmem>>
        %dma_start3A_752 = arith.constant 0 : i32
        %dma_start3A_753 = tpu.memref_slice %arg14[%dma_start3A_746, %dma_start3A_747, %dma_start3A_752] : memref<2x4x125xi32, #tpu.memory_space<vmem>> -> memref<1x1x125xi32, #tpu.memory_space<vmem>>
        %dma_start3A_754 = tpu.memref_squeeze %dma_start3A_753 : memref<1x1x125xi32, #tpu.memory_space<vmem>> -> memref<125xi32, #tpu.memory_space<vmem>>
        %dma_start3A_755 = arith.constant 0 : i32
        %dma_start3A_756 = arith.constant 0 : i32
        %dma_start3A_757 = tpu.memref_slice %arg12[%dma_start3A_755, %dma_start3A_756] : memref<100000x16xf32, #tpu.memory_space<vmem_shared>> -> memref<100000x16xf32, #tpu.memory_space<vmem_shared>>
        tpu.enqueue_indirect_dma source(%dma_start3A_751 : memref<125x16xf32, #tpu.memory_space<vmem>>) target(%dma_start3A_757 : memref<100000x16xf32, #tpu.memory_space<vmem_shared>>) offsets(%dma_start3A_754 : memref<125xi32, #tpu.memory_space<vmem>>) semaphore(%arg20 : memref<!tpu.dma_semaphore, #tpu.memory_space<semaphore_mem>>) {add = true}
        %dma_start3A_758 = arith.constant 1 : i32
        %dma_start3A_759 = arith.constant 1 : i32
        %dma_start3A_760 = arith.constant 1 : i32
        %dma_start3A_761 = arith.constant 1 : i32
        %dma_start3A_762 = arith.constant 0 : i32
        %dma_start3A_763 = arith.constant 0 : i32
        %dma_start3A_764 = tpu.memref_slice %arg15[%dma_start3A_758, %dma_start3A_759, %dma_start3A_762, %dma_start3A_763] : memref<2x4x125x16xf32, #tpu.memory_space<vmem>> -> memref<1x1x125x16xf32, #tpu.memory_space<vmem>>
        %dma_start3A_765 = tpu.memref_squeeze %dma_start3A_764 : memref<1x1x125x16xf32, #tpu.memory_space<vmem>> -> memref<125x16xf32, #tpu.memory_space<vmem>>
        %dma_start3A_766 = arith.constant 0 : i32
        %dma_start3A_767 = tpu.memref_slice %arg14[%dma_start3A_760, %dma_start3A_761, %dma_start3A_766] : memref<2x4x125xi32, #tpu.memory_space<vmem>> -> memref<1x1x125xi32, #tpu.memory_space<vmem>>
        %dma_start3A_768 = tpu.memref_squeeze %dma_start3A_767 : memref<1x1x125xi32, #tpu.memory_space<vmem>> -> memref<125xi32, #tpu.memory_space<vmem>>
        %dma_start3A_769 = arith.constant 0 : i32
        %dma_start3A_770 = arith.constant 0 : i32
        %dma_start3A_771 = tpu.memref_slice %arg12[%dma_start3A_769, %dma_start3A_770] : memref<100000x16xf32, #tpu.memory_space<vmem_shared>> -> memref<100000x16xf32, #tpu.memory_space<vmem_shared>>
        tpu.enqueue_indirect_dma source(%dma_start3A_765 : memref<125x16xf32, #tpu.memory_space<vmem>>) target(%dma_start3A_771 : memref<100000x16xf32, #tpu.memory_space<vmem_shared>>) offsets(%dma_start3A_768 : memref<125xi32, #tpu.memory_space<vmem>>) semaphore(%arg20 : memref<!tpu.dma_semaphore, #tpu.memory_space<semaphore_mem>>) {add = true}
        %dma_start3A_772 = arith.constant 1 : i32
        %dma_start3A_773 = arith.constant 2 : i32
        %dma_start3A_774 = arith.constant 1 : i32
        %dma_start3A_775 = arith.constant 2 : i32
        %dma_start3A_776 = arith.constant 0 : i32
        %dma_start3A_777 = arith.constant 0 : i32
        %dma_start3A_778 = tpu.memref_slice %arg15[%dma_start3A_772, %dma_start3A_773, %dma_start3A_776, %dma_start3A_777] : memref<2x4x125x16xf32, #tpu.memory_space<vmem>> -> memref<1x1x125x16xf32, #tpu.memory_space<vmem>>
        %dma_start3A_779 = tpu.memref_squeeze %dma_start3A_778 : memref<1x1x125x16xf32, #tpu.memory_space<vmem>> -> memref<125x16xf32, #tpu.memory_space<vmem>>
        %dma_start3A_780 = arith.constant 0 : i32
        %dma_start3A_781 = tpu.memref_slice %arg14[%dma_start3A_774, %dma_start3A_775, %dma_start3A_780] : memref<2x4x125xi32, #tpu.memory_space<vmem>> -> memref<1x1x125xi32, #tpu.memory_space<vmem>>
        %dma_start3A_782 = tpu.memref_squeeze %dma_start3A_781 : memref<1x1x125xi32, #tpu.memory_space<vmem>> -> memref<125xi32, #tpu.memory_space<vmem>>
        %dma_start3A_783 = arith.constant 0 : i32
        %dma_start3A_784 = arith.constant 0 : i32
        %dma_start3A_785 = tpu.memref_slice %arg12[%dma_start3A_783, %dma_start3A_784] : memref<100000x16xf32, #tpu.memory_space<vmem_shared>> -> memref<100000x16xf32, #tpu.memory_space<vmem_shared>>
        tpu.enqueue_indirect_dma source(%dma_start3A_779 : memref<125x16xf32, #tpu.memory_space<vmem>>) target(%dma_start3A_785 : memref<100000x16xf32, #tpu.memory_space<vmem_shared>>) offsets(%dma_start3A_782 : memref<125xi32, #tpu.memory_space<vmem>>) semaphore(%arg20 : memref<!tpu.dma_semaphore, #tpu.memory_space<semaphore_mem>>) {add = true}
        %dma_start3A_786 = arith.constant 1 : i32
        %dma_start3A_787 = arith.constant 3 : i32
        %dma_start3A_788 = arith.constant 1 : i32
        %dma_start3A_789 = arith.constant 3 : i32
        %dma_start3A_790 = arith.constant 0 : i32
        %dma_start3A_791 = arith.constant 0 : i32
        %dma_start3A_792 = tpu.memref_slice %arg15[%dma_start3A_786, %dma_start3A_787, %dma_start3A_790, %dma_start3A_791] : memref<2x4x125x16xf32, #tpu.memory_space<vmem>> -> memref<1x1x125x16xf32, #tpu.memory_space<vmem>>
        %dma_start3A_793 = tpu.memref_squeeze %dma_start3A_792 : memref<1x1x125x16xf32, #tpu.memory_space<vmem>> -> memref<125x16xf32, #tpu.memory_space<vmem>>
        %dma_start3A_794 = arith.constant 0 : i32
        %dma_start3A_795 = tpu.memref_slice %arg14[%dma_start3A_788, %dma_start3A_789, %dma_start3A_794] : memref<2x4x125xi32, #tpu.memory_space<vmem>> -> memref<1x1x125xi32, #tpu.memory_space<vmem>>
        %dma_start3A_796 = tpu.memref_squeeze %dma_start3A_795 : memref<1x1x125xi32, #tpu.memory_space<vmem>> -> memref<125xi32, #tpu.memory_space<vmem>>
        %dma_start3A_797 = arith.constant 0 : i32
        %dma_start3A_798 = arith.constant 0 : i32
        %dma_start3A_799 = tpu.memref_slice %arg12[%dma_start3A_797, %dma_start3A_798] : memref<100000x16xf32, #tpu.memory_space<vmem_shared>> -> memref<100000x16xf32, #tpu.memory_space<vmem_shared>>
        tpu.enqueue_indirect_dma source(%dma_start3A_793 : memref<125x16xf32, #tpu.memory_space<vmem>>) target(%dma_start3A_799 : memref<100000x16xf32, #tpu.memory_space<vmem_shared>>) offsets(%dma_start3A_796 : memref<125xi32, #tpu.memory_space<vmem>>) semaphore(%arg20 : memref<!tpu.dma_semaphore, #tpu.memory_space<semaphore_mem>>) {add = true}
      }
      %scan3A_173 = arith.constant 100 : i32
      %dma_wait3A_174 = arith.constant 1 : i32
      %dma_wait3A_175 = arith.constant 0 : i32
      %dma_wait3A_176 = arith.constant 0 : i32
      %dma_wait3A_177 = arith.constant 0 : i32
      %dma_wait3A_178 = tpu.memref_slice %arg15[%dma_wait3A_174, %dma_wait3A_175, %dma_wait3A_176, %dma_wait3A_177] : memref<2x4x125x16xf32, #tpu.memory_space<vmem>> -> memref<1x1x125x16xf32, #tpu.memory_space<vmem>>
      %dma_wait3A_179 = tpu.memref_squeeze %dma_wait3A_178 : memref<1x1x125x16xf32, #tpu.memory_space<vmem>> -> memref<125x16xf32, #tpu.memory_space<vmem>>
      %dma_wait3A_180 = arith.constant 0 : i32
      %dma_wait3A_181 = arith.constant 0 : i32
      %dma_wait3A_182 = tpu.memref_slice %arg3[%dma_wait3A_180, %dma_wait3A_181] : memref<100000x16xf32, #tpu.memory_space<hbm>> -> memref<125x16xf32, #tpu.memory_space<hbm>>
      %dma_wait3A_183 = arith.constant 0 : i32
      %dma_wait3A_184 = arith.constant 0 : i32
      %dma_wait3A_185 = tpu.memref_slice %arg15[%dma_wait3A_174, %dma_wait3A_175, %dma_wait3A_183, %dma_wait3A_184] : memref<2x4x125x16xf32, #tpu.memory_space<vmem>> -> memref<1x1x125x16xf32, #tpu.memory_space<vmem>>
      %dma_wait3A_186 = tpu.memref_squeeze %dma_wait3A_185 : memref<1x1x125x16xf32, #tpu.memory_space<vmem>> -> memref<125x16xf32, #tpu.memory_space<vmem>>
      %dma_wait3A_187 = arith.constant 0 : i32
      %dma_wait3A_188 = arith.constant 0 : i32
      %dma_wait3A_189 = tpu.memref_slice %arg3[%dma_wait3A_187, %dma_wait3A_188] : memref<100000x16xf32, #tpu.memory_space<hbm>> -> memref<125x16xf32, #tpu.memory_space<hbm>>
      tpu.wait_dma2 semaphore(%arg20 : memref<!tpu.dma_semaphore, #tpu.memory_space<semaphore_mem>>) src(%dma_wait3A_189 : memref<125x16xf32, #tpu.memory_space<hbm>>) dst(%dma_wait3A_186 : memref<125x16xf32, #tpu.memory_space<vmem>>)
      %dma_wait3A_190 = arith.constant 1 : i32
      %dma_wait3A_191 = arith.constant 1 : i32
      %dma_wait3A_192 = arith.constant 0 : i32
      %dma_wait3A_193 = arith.constant 0 : i32
      %dma_wait3A_194 = tpu.memref_slice %arg15[%dma_wait3A_190, %dma_wait3A_191, %dma_wait3A_192, %dma_wait3A_193] : memref<2x4x125x16xf32, #tpu.memory_space<vmem>> -> memref<1x1x125x16xf32, #tpu.memory_space<vmem>>
      %dma_wait3A_195 = tpu.memref_squeeze %dma_wait3A_194 : memref<1x1x125x16xf32, #tpu.memory_space<vmem>> -> memref<125x16xf32, #tpu.memory_space<vmem>>
      %dma_wait3A_196 = arith.constant 0 : i32
      %dma_wait3A_197 = arith.constant 0 : i32
      %dma_wait3A_198 = tpu.memref_slice %arg3[%dma_wait3A_196, %dma_wait3A_197] : memref<100000x16xf32, #tpu.memory_space<hbm>> -> memref<125x16xf32, #tpu.memory_space<hbm>>
      %dma_wait3A_199 = arith.constant 0 : i32
      %dma_wait3A_200 = arith.constant 0 : i32
      %dma_wait3A_201 = tpu.memref_slice %arg15[%dma_wait3A_190, %dma_wait3A_191, %dma_wait3A_199, %dma_wait3A_200] : memref<2x4x125x16xf32, #tpu.memory_space<vmem>> -> memref<1x1x125x16xf32, #tpu.memory_space<vmem>>
      %dma_wait3A_202 = tpu.memref_squeeze %dma_wait3A_201 : memref<1x1x125x16xf32, #tpu.memory_space<vmem>> -> memref<125x16xf32, #tpu.memory_space<vmem>>
      %dma_wait3A_203 = arith.constant 0 : i32
      %dma_wait3A_204 = arith.constant 0 : i32
      %dma_wait3A_205 = tpu.memref_slice %arg3[%dma_wait3A_203, %dma_wait3A_204] : memref<100000x16xf32, #tpu.memory_space<hbm>> -> memref<125x16xf32, #tpu.memory_space<hbm>>
      tpu.wait_dma2 semaphore(%arg20 : memref<!tpu.dma_semaphore, #tpu.memory_space<semaphore_mem>>) src(%dma_wait3A_205 : memref<125x16xf32, #tpu.memory_space<hbm>>) dst(%dma_wait3A_202 : memref<125x16xf32, #tpu.memory_space<vmem>>)
      %dma_wait3A_206 = arith.constant 1 : i32
      %dma_wait3A_207 = arith.constant 2 : i32
      %dma_wait3A_208 = arith.constant 0 : i32
      %dma_wait3A_209 = arith.constant 0 : i32
      %dma_wait3A_210 = tpu.memref_slice %arg15[%dma_wait3A_206, %dma_wait3A_207, %dma_wait3A_208, %dma_wait3A_209] : memref<2x4x125x16xf32, #tpu.memory_space<vmem>> -> memref<1x1x125x16xf32, #tpu.memory_space<vmem>>
      %dma_wait3A_211 = tpu.memref_squeeze %dma_wait3A_210 : memref<1x1x125x16xf32, #tpu.memory_space<vmem>> -> memref<125x16xf32, #tpu.memory_space<vmem>>
      %dma_wait3A_212 = arith.constant 0 : i32
      %dma_wait3A_213 = arith.constant 0 : i32
      %dma_wait3A_214 = tpu.memref_slice %arg3[%dma_wait3A_212, %dma_wait3A_213] : memref<100000x16xf32, #tpu.memory_space<hbm>> -> memref<125x16xf32, #tpu.memory_space<hbm>>
      %dma_wait3A_215 = arith.constant 0 : i32
      %dma_wait3A_216 = arith.constant 0 : i32
      %dma_wait3A_217 = tpu.memref_slice %arg15[%dma_wait3A_206, %dma_wait3A_207, %dma_wait3A_215, %dma_wait3A_216] : memref<2x4x125x16xf32, #tpu.memory_space<vmem>> -> memref<1x1x125x16xf32, #tpu.memory_space<vmem>>
      %dma_wait3A_218 = tpu.memref_squeeze %dma_wait3A_217 : memref<1x1x125x16xf32, #tpu.memory_space<vmem>> -> memref<125x16xf32, #tpu.memory_space<vmem>>
      %dma_wait3A_219 = arith.constant 0 : i32
      %dma_wait3A_220 = arith.constant 0 : i32
      %dma_wait3A_221 = tpu.memref_slice %arg3[%dma_wait3A_219, %dma_wait3A_220] : memref<100000x16xf32, #tpu.memory_space<hbm>> -> memref<125x16xf32, #tpu.memory_space<hbm>>
      tpu.wait_dma2 semaphore(%arg20 : memref<!tpu.dma_semaphore, #tpu.memory_space<semaphore_mem>>) src(%dma_wait3A_221 : memref<125x16xf32, #tpu.memory_space<hbm>>) dst(%dma_wait3A_218 : memref<125x16xf32, #tpu.memory_space<vmem>>)
      %dma_wait3A_222 = arith.constant 1 : i32
      %dma_wait3A_223 = arith.constant 3 : i32
      %dma_wait3A_224 = arith.constant 0 : i32
      %dma_wait3A_225 = arith.constant 0 : i32
      %dma_wait3A_226 = tpu.memref_slice %arg15[%dma_wait3A_222, %dma_wait3A_223, %dma_wait3A_224, %dma_wait3A_225] : memref<2x4x125x16xf32, #tpu.memory_space<vmem>> -> memref<1x1x125x16xf32, #tpu.memory_space<vmem>>
      %dma_wait3A_227 = tpu.memref_squeeze %dma_wait3A_226 : memref<1x1x125x16xf32, #tpu.memory_space<vmem>> -> memref<125x16xf32, #tpu.memory_space<vmem>>
      %dma_wait3A_228 = arith.constant 0 : i32
      %dma_wait3A_229 = arith.constant 0 : i32
      %dma_wait3A_230 = tpu.memref_slice %arg3[%dma_wait3A_228, %dma_wait3A_229] : memref<100000x16xf32, #tpu.memory_space<hbm>> -> memref<125x16xf32, #tpu.memory_space<hbm>>
      %dma_wait3A_231 = arith.constant 0 : i32
      %dma_wait3A_232 = arith.constant 0 : i32
      %dma_wait3A_233 = tpu.memref_slice %arg15[%dma_wait3A_222, %dma_wait3A_223, %dma_wait3A_231, %dma_wait3A_232] : memref<2x4x125x16xf32, #tpu.memory_space<vmem>> -> memref<1x1x125x16xf32, #tpu.memory_space<vmem>>
      %dma_wait3A_234 = tpu.memref_squeeze %dma_wait3A_233 : memref<1x1x125x16xf32, #tpu.memory_space<vmem>> -> memref<125x16xf32, #tpu.memory_space<vmem>>
      %dma_wait3A_235 = arith.constant 0 : i32
      %dma_wait3A_236 = arith.constant 0 : i32
      %dma_wait3A_237 = tpu.memref_slice %arg3[%dma_wait3A_235, %dma_wait3A_236] : memref<100000x16xf32, #tpu.memory_space<hbm>> -> memref<125x16xf32, #tpu.memory_space<hbm>>
      tpu.wait_dma2 semaphore(%arg20 : memref<!tpu.dma_semaphore, #tpu.memory_space<semaphore_mem>>) src(%dma_wait3A_237 : memref<125x16xf32, #tpu.memory_space<hbm>>) dst(%dma_wait3A_234 : memref<125x16xf32, #tpu.memory_space<vmem>>)
      %barrier3A_238 = arith.constant 0 : index
      tpu.barrier barrier_id(%barrier3A_238)
      "tpu.region"() ({
        %run_scoped3A = tpu.sem_alloc : memref<!tpu.dma_semaphore, #tpu.memory_space<semaphore_mem>>
        %dma_start3A_240 = arith.constant 0 : i32
        %dma_start3A_241 = tpu.memref_slice %arg9[%mul3A_2, %dma_start3A_240] : memref<100000x16xf32, #tpu.memory_space<hbm>> -> memref<6250x16xf32, #tpu.memory_space<hbm>>
        %dma_start3A_242 = arith.constant 0 : i32
        %dma_start3A_243 = tpu.memref_slice %arg12[%mul3A_2, %dma_start3A_242] : memref<100000x16xf32, #tpu.memory_space<vmem_shared>> -> memref<6250x16xf32, #tpu.memory_space<vmem_shared>>
        tpu.enqueue_dma source(%dma_start3A_243 : memref<6250x16xf32, #tpu.memory_space<vmem_shared>>) target(%dma_start3A_241 : memref<6250x16xf32, #tpu.memory_space<hbm>>) target_semaphore(%run_scoped3A : memref<!tpu.dma_semaphore, #tpu.memory_space<semaphore_mem>>)
        %dma_wait3A_244 = arith.constant 0 : i32
        %dma_wait3A_245 = tpu.memref_slice %arg9[%mul3A_2, %dma_wait3A_244] : memref<100000x16xf32, #tpu.memory_space<hbm>> -> memref<6250x16xf32, #tpu.memory_space<hbm>>
        %dma_wait3A_246 = arith.constant 0 : i32
        %dma_wait3A_247 = tpu.memref_slice %arg12[%mul3A_2, %dma_wait3A_246] : memref<100000x16xf32, #tpu.memory_space<vmem_shared>> -> memref<6250x16xf32, #tpu.memory_space<vmem_shared>>
        tpu.wait_dma2 semaphore(%run_scoped3A : memref<!tpu.dma_semaphore, #tpu.memory_space<semaphore_mem>>) src(%dma_wait3A_247 : memref<6250x16xf32, #tpu.memory_space<vmem_shared>>) dst(%dma_wait3A_245 : memref<6250x16xf32, #tpu.memory_space<hbm>>)
        tpu.yield
      }) : () -> ()
      %barrier3A_239 = arith.constant 0 : index
      tpu.barrier barrier_id(%barrier3A_239)
    } else {
    }
    %eq3A_7 = arith.constant 1 : i32
    %eq3A_8 = arith.cmpi eq, %arg0, %eq3A_7 : i32
    %convert_element_type3A_9 = arith.extui %eq3A_8 : i1 to i32
    %cond3A_10 = arith.constant 0 : i32
    %cond3A_11 = arith.constant 1 : i32
    %cond3A_12 = arith.constant 0 : i32
    %cond3A_13 = arith.cmpi ne, %convert_element_type3A_9, %cond3A_12 : i32
    scf.if %cond3A_13 {
      "tpu.region"() ({
        %run_scoped3A = tpu.sem_alloc : memref<!tpu.dma_semaphore, #tpu.memory_space<semaphore_mem>>
        %dma_start3A_240 = arith.constant 0 : i32
        %dma_start3A_241 = tpu.memref_slice %arg12[%mul3A_2, %dma_start3A_240] : memref<100000x16xf32, #tpu.memory_space<vmem_shared>> -> memref<6250x16xf32, #tpu.memory_space<vmem_shared>>
        tpu.enqueue_dma source(%arg7 : memref<6250x16xf32, #tpu.memory_space<hbm>>) target(%dma_start3A_241 : memref<6250x16xf32, #tpu.memory_space<vmem_shared>>) target_semaphore(%run_scoped3A : memref<!tpu.dma_semaphore, #tpu.memory_space<semaphore_mem>>)
        %dma_wait3A_242 = arith.constant 0 : i32
        %dma_wait3A_243 = tpu.memref_slice %arg12[%mul3A_2, %dma_wait3A_242] : memref<100000x16xf32, #tpu.memory_space<vmem_shared>> -> memref<6250x16xf32, #tpu.memory_space<vmem_shared>>
        tpu.wait_dma2 semaphore(%run_scoped3A : memref<!tpu.dma_semaphore, #tpu.memory_space<semaphore_mem>>) src(%arg7 : memref<6250x16xf32, #tpu.memory_space<hbm>>) dst(%dma_wait3A_243 : memref<6250x16xf32, #tpu.memory_space<vmem_shared>>)
        tpu.yield
      }) : () -> ()
      %barrier3A = arith.constant 0 : index
      tpu.barrier barrier_id(%barrier3A)
      %dma_start3A = arith.constant 0 : i32
      %dma_start3A_14 = arith.constant 0 : i32
      %dma_start3A_15 = arith.constant 0 : i32
      %dma_start3A_16 = tpu.memref_slice %arg13[%dma_start3A, %dma_start3A_14, %dma_start3A_15] : memref<2x4x125xi32, #tpu.memory_space<vmem>> -> memref<1x4x125xi32, #tpu.memory_space<vmem>>
      %dma_start3A_17 = tpu.memref_squeeze %dma_start3A_16 : memref<1x4x125xi32, #tpu.memory_space<vmem>> -> memref<4x125xi32, #tpu.memory_space<vmem>>
      %dma_start3A_18 = arith.constant 0 : i32
      %dma_start3A_19 = arith.constant 0 : i32
      %dma_start3A_20 = tpu.memref_slice %arg6[%cond3A_10, %dma_start3A_18, %dma_start3A_19] : memref<2x12800x125xi32, #tpu.memory_space<hbm>> -> memref<1x12800x125xi32, #tpu.memory_space<hbm>>
      %dma_start3A_21 = tpu.memref_squeeze %dma_start3A_20 : memref<1x12800x125xi32, #tpu.memory_space<hbm>> -> memref<12800x125xi32, #tpu.memory_space<hbm>>
      %dma_start3A_22 = arith.constant 0 : i32
      %dma_start3A_23 = tpu.memref_slice %dma_start3A_21[%mul3A_0, %dma_start3A_22] : memref<12800x125xi32, #tpu.memory_space<hbm>> -> memref<4x125xi32, #tpu.memory_space<hbm>>
      %dma_start3A_24 = arith.constant 0 : i32
      %dma_start3A_25 = arith.constant 0 : i32
      %dma_start3A_26 = tpu.memref_slice %arg13[%dma_start3A, %dma_start3A_24, %dma_start3A_25] : memref<2x4x125xi32, #tpu.memory_space<vmem>> -> memref<1x4x125xi32, #tpu.memory_space<vmem>>
      %dma_start3A_27 = tpu.memref_squeeze %dma_start3A_26 : memref<1x4x125xi32, #tpu.memory_space<vmem>> -> memref<4x125xi32, #tpu.memory_space<vmem>>
      %dma_start3A_28 = arith.constant 0 : i32
      %dma_start3A_29 = arith.constant 0 : i32
      %dma_start3A_30 = tpu.memref_slice %arg6[%cond3A_10, %dma_start3A_28, %dma_start3A_29] : memref<2x12800x125xi32, #tpu.memory_space<hbm>> -> memref<1x12800x125xi32, #tpu.memory_space<hbm>>
      %dma_start3A_31 = tpu.memref_squeeze %dma_start3A_30 : memref<1x12800x125xi32, #tpu.memory_space<hbm>> -> memref<12800x125xi32, #tpu.memory_space<hbm>>
      %dma_start3A_32 = arith.constant 0 : i32
      %dma_start3A_33 = tpu.memref_slice %dma_start3A_31[%mul3A_0, %dma_start3A_32] : memref<12800x125xi32, #tpu.memory_space<hbm>> -> memref<4x125xi32, #tpu.memory_space<hbm>>
      tpu.enqueue_dma source(%dma_start3A_33 : memref<4x125xi32, #tpu.memory_space<hbm>>) target(%dma_start3A_27 : memref<4x125xi32, #tpu.memory_space<vmem>>) target_semaphore(%arg16 : memref<!tpu.dma_semaphore, #tpu.memory_space<semaphore_mem>>)
      %dma_start3A_34 = arith.constant 0 : i32
      %dma_start3A_35 = arith.constant 0 : i32
      %dma_start3A_36 = arith.constant 0 : i32
      %dma_start3A_37 = tpu.memref_slice %arg14[%dma_start3A_34, %dma_start3A_35, %dma_start3A_36] : memref<2x4x125xi32, #tpu.memory_space<vmem>> -> memref<1x4x125xi32, #tpu.memory_space<vmem>>
      %dma_start3A_38 = tpu.memref_squeeze %dma_start3A_37 : memref<1x4x125xi32, #tpu.memory_space<vmem>> -> memref<4x125xi32, #tpu.memory_space<vmem>>
      %dma_start3A_39 = arith.constant 0 : i32
      %dma_start3A_40 = arith.constant 0 : i32
      %dma_start3A_41 = tpu.memref_slice %arg6[%cond3A_11, %dma_start3A_39, %dma_start3A_40] : memref<2x12800x125xi32, #tpu.memory_space<hbm>> -> memref<1x12800x125xi32, #tpu.memory_space<hbm>>
      %dma_start3A_42 = tpu.memref_squeeze %dma_start3A_41 : memref<1x12800x125xi32, #tpu.memory_space<hbm>> -> memref<12800x125xi32, #tpu.memory_space<hbm>>
      %dma_start3A_43 = arith.constant 0 : i32
      %dma_start3A_44 = tpu.memref_slice %dma_start3A_42[%mul3A_0, %dma_start3A_43] : memref<12800x125xi32, #tpu.memory_space<hbm>> -> memref<4x125xi32, #tpu.memory_space<hbm>>
      %dma_start3A_45 = arith.constant 0 : i32
      %dma_start3A_46 = arith.constant 0 : i32
      %dma_start3A_47 = tpu.memref_slice %arg14[%dma_start3A_34, %dma_start3A_45, %dma_start3A_46] : memref<2x4x125xi32, #tpu.memory_space<vmem>> -> memref<1x4x125xi32, #tpu.memory_space<vmem>>
      %dma_start3A_48 = tpu.memref_squeeze %dma_start3A_47 : memref<1x4x125xi32, #tpu.memory_space<vmem>> -> memref<4x125xi32, #tpu.memory_space<vmem>>
      %dma_start3A_49 = arith.constant 0 : i32
      %dma_start3A_50 = arith.constant 0 : i32
      %dma_start3A_51 = tpu.memref_slice %arg6[%cond3A_11, %dma_start3A_49, %dma_start3A_50] : memref<2x12800x125xi32, #tpu.memory_space<hbm>> -> memref<1x12800x125xi32, #tpu.memory_space<hbm>>
      %dma_start3A_52 = tpu.memref_squeeze %dma_start3A_51 : memref<1x12800x125xi32, #tpu.memory_space<hbm>> -> memref<12800x125xi32, #tpu.memory_space<hbm>>
      %dma_start3A_53 = arith.constant 0 : i32
      %dma_start3A_54 = tpu.memref_slice %dma_start3A_52[%mul3A_0, %dma_start3A_53] : memref<12800x125xi32, #tpu.memory_space<hbm>> -> memref<4x125xi32, #tpu.memory_space<hbm>>
      tpu.enqueue_dma source(%dma_start3A_54 : memref<4x125xi32, #tpu.memory_space<hbm>>) target(%dma_start3A_48 : memref<4x125xi32, #tpu.memory_space<vmem>>) target_semaphore(%arg16 : memref<!tpu.dma_semaphore, #tpu.memory_space<semaphore_mem>>)
      %scan3A = arith.constant 0 : i32
      %scan3A_55 = arith.constant 0 : i32
      %scan3A_56 = arith.constant 100 : i32
      %scan3A_57 = arith.addi %scan3A_55, %scan3A_56 : i32
      %scan3A_58 = arith.constant 1 : i32
      scf.for %scan3A_240 = %scan3A_55 to %scan3A_57 step %scan3A_58  : i32 {
        %mul3A_241 = arith.constant 2 : i32
        %mul3A_242 = arith.muli %mul3A_241, %scan3A_240 : i32
        %add3A = arith.constant 0 : i32
        %add3A_243 = arith.addi %mul3A_242, %add3A : i32
        %add3A_244 = arith.constant 1 : i32
        %add3A_245 = arith.addi %add3A_243, %add3A_244 : i32
        %mul3A_246 = arith.constant 4 : i32
        %mul3A_247 = arith.muli %add3A_245, %mul3A_246 : i32
        %add3A_248 = arith.addi %mul3A_0, %mul3A_247 : i32
        %dma_wait3A_249 = arith.constant 0 : i32
        %dma_wait3A_250 = arith.constant 0 : i32
        %dma_wait3A_251 = arith.constant 0 : i32
        %dma_wait3A_252 = tpu.memref_slice %arg13[%dma_wait3A_249, %dma_wait3A_250, %dma_wait3A_251] : memref<2x4x125xi32, #tpu.memory_space<vmem>> -> memref<1x4x125xi32, #tpu.memory_space<vmem>>
        %dma_wait3A_253 = tpu.memref_squeeze %dma_wait3A_252 : memref<1x4x125xi32, #tpu.memory_space<vmem>> -> memref<4x125xi32, #tpu.memory_space<vmem>>
        %dma_wait3A_254 = arith.constant 0 : i32
        %dma_wait3A_255 = arith.constant 0 : i32
        %dma_wait3A_256 = tpu.memref_slice %arg6[%cond3A_10, %dma_wait3A_254, %dma_wait3A_255] : memref<2x12800x125xi32, #tpu.memory_space<hbm>> -> memref<1x12800x125xi32, #tpu.memory_space<hbm>>
        %dma_wait3A_257 = tpu.memref_squeeze %dma_wait3A_256 : memref<1x12800x125xi32, #tpu.memory_space<hbm>> -> memref<12800x125xi32, #tpu.memory_space<hbm>>
        %dma_wait3A_258 = arith.constant 0 : i32
        %dma_wait3A_259 = arith.constant 0 : i32
        %dma_wait3A_260 = tpu.memref_slice %dma_wait3A_257[%dma_wait3A_258, %dma_wait3A_259] : memref<12800x125xi32, #tpu.memory_space<hbm>> -> memref<4x125xi32, #tpu.memory_space<hbm>>
        %dma_wait3A_261 = arith.constant 0 : i32
        %dma_wait3A_262 = arith.constant 0 : i32
        %dma_wait3A_263 = tpu.memref_slice %arg13[%dma_wait3A_249, %dma_wait3A_261, %dma_wait3A_262] : memref<2x4x125xi32, #tpu.memory_space<vmem>> -> memref<1x4x125xi32, #tpu.memory_space<vmem>>
        %dma_wait3A_264 = tpu.memref_squeeze %dma_wait3A_263 : memref<1x4x125xi32, #tpu.memory_space<vmem>> -> memref<4x125xi32, #tpu.memory_space<vmem>>
        %dma_wait3A_265 = arith.constant 0 : i32
        %dma_wait3A_266 = arith.constant 0 : i32
        %dma_wait3A_267 = tpu.memref_slice %arg6[%cond3A_10, %dma_wait3A_265, %dma_wait3A_266] : memref<2x12800x125xi32, #tpu.memory_space<hbm>> -> memref<1x12800x125xi32, #tpu.memory_space<hbm>>
        %dma_wait3A_268 = tpu.memref_squeeze %dma_wait3A_267 : memref<1x12800x125xi32, #tpu.memory_space<hbm>> -> memref<12800x125xi32, #tpu.memory_space<hbm>>
        %dma_wait3A_269 = arith.constant 0 : i32
        %dma_wait3A_270 = arith.constant 0 : i32
        %dma_wait3A_271 = tpu.memref_slice %dma_wait3A_268[%dma_wait3A_269, %dma_wait3A_270] : memref<12800x125xi32, #tpu.memory_space<hbm>> -> memref<4x125xi32, #tpu.memory_space<hbm>>
        tpu.wait_dma2 semaphore(%arg16 : memref<!tpu.dma_semaphore, #tpu.memory_space<semaphore_mem>>) src(%dma_wait3A_271 : memref<4x125xi32, #tpu.memory_space<hbm>>) dst(%dma_wait3A_264 : memref<4x125xi32, #tpu.memory_space<vmem>>)
        %dma_wait3A_272 = arith.constant 0 : i32
        %dma_wait3A_273 = arith.constant 0 : i32
        %dma_wait3A_274 = arith.constant 0 : i32
        %dma_wait3A_275 = tpu.memref_slice %arg14[%dma_wait3A_272, %dma_wait3A_273, %dma_wait3A_274] : memref<2x4x125xi32, #tpu.memory_space<vmem>> -> memref<1x4x125xi32, #tpu.memory_space<vmem>>
        %dma_wait3A_276 = tpu.memref_squeeze %dma_wait3A_275 : memref<1x4x125xi32, #tpu.memory_space<vmem>> -> memref<4x125xi32, #tpu.memory_space<vmem>>
        %dma_wait3A_277 = arith.constant 0 : i32
        %dma_wait3A_278 = arith.constant 0 : i32
        %dma_wait3A_279 = tpu.memref_slice %arg6[%cond3A_10, %dma_wait3A_277, %dma_wait3A_278] : memref<2x12800x125xi32, #tpu.memory_space<hbm>> -> memref<1x12800x125xi32, #tpu.memory_space<hbm>>
        %dma_wait3A_280 = tpu.memref_squeeze %dma_wait3A_279 : memref<1x12800x125xi32, #tpu.memory_space<hbm>> -> memref<12800x125xi32, #tpu.memory_space<hbm>>
        %dma_wait3A_281 = arith.constant 0 : i32
        %dma_wait3A_282 = arith.constant 0 : i32
        %dma_wait3A_283 = tpu.memref_slice %dma_wait3A_280[%dma_wait3A_281, %dma_wait3A_282] : memref<12800x125xi32, #tpu.memory_space<hbm>> -> memref<4x125xi32, #tpu.memory_space<hbm>>
        %dma_wait3A_284 = arith.constant 0 : i32
        %dma_wait3A_285 = arith.constant 0 : i32
        %dma_wait3A_286 = tpu.memref_slice %arg14[%dma_wait3A_272, %dma_wait3A_284, %dma_wait3A_285] : memref<2x4x125xi32, #tpu.memory_space<vmem>> -> memref<1x4x125xi32, #tpu.memory_space<vmem>>
        %dma_wait3A_287 = tpu.memref_squeeze %dma_wait3A_286 : memref<1x4x125xi32, #tpu.memory_space<vmem>> -> memref<4x125xi32, #tpu.memory_space<vmem>>
        %dma_wait3A_288 = arith.constant 0 : i32
        %dma_wait3A_289 = arith.constant 0 : i32
        %dma_wait3A_290 = tpu.memref_slice %arg6[%cond3A_10, %dma_wait3A_288, %dma_wait3A_289] : memref<2x12800x125xi32, #tpu.memory_space<hbm>> -> memref<1x12800x125xi32, #tpu.memory_space<hbm>>
        %dma_wait3A_291 = tpu.memref_squeeze %dma_wait3A_290 : memref<1x12800x125xi32, #tpu.memory_space<hbm>> -> memref<12800x125xi32, #tpu.memory_space<hbm>>
        %dma_wait3A_292 = arith.constant 0 : i32
        %dma_wait3A_293 = arith.constant 0 : i32
        %dma_wait3A_294 = tpu.memref_slice %dma_wait3A_291[%dma_wait3A_292, %dma_wait3A_293] : memref<12800x125xi32, #tpu.memory_space<hbm>> -> memref<4x125xi32, #tpu.memory_space<hbm>>
        tpu.wait_dma2 semaphore(%arg16 : memref<!tpu.dma_semaphore, #tpu.memory_space<semaphore_mem>>) src(%dma_wait3A_294 : memref<4x125xi32, #tpu.memory_space<hbm>>) dst(%dma_wait3A_287 : memref<4x125xi32, #tpu.memory_space<vmem>>)
        %gt3A = arith.constant 0 : i32
        %gt3A_295 = arith.cmpi sgt, %scan3A_240, %gt3A : i32
        %convert_element_type3A_296 = arith.extui %gt3A_295 : i1 to i32
        %cond3A_297 = arith.constant 0 : i32
        %cond3A_298 = arith.cmpi ne, %convert_element_type3A_296, %cond3A_297 : i32
        scf.if %cond3A_298 {
          %dma_wait3A_800 = arith.constant 1 : i32
          %dma_wait3A_801 = arith.constant 0 : i32
          %dma_wait3A_802 = arith.constant 0 : i32
          %dma_wait3A_803 = arith.constant 0 : i32
          %dma_wait3A_804 = tpu.memref_slice %arg15[%dma_wait3A_800, %dma_wait3A_801, %dma_wait3A_802, %dma_wait3A_803] : memref<2x4x125x16xf32, #tpu.memory_space<vmem>> -> memref<1x1x125x16xf32, #tpu.memory_space<vmem>>
          %dma_wait3A_805 = tpu.memref_squeeze %dma_wait3A_804 : memref<1x1x125x16xf32, #tpu.memory_space<vmem>> -> memref<125x16xf32, #tpu.memory_space<vmem>>
          %dma_wait3A_806 = arith.constant 0 : i32
          %dma_wait3A_807 = arith.constant 0 : i32
          %dma_wait3A_808 = tpu.memref_slice %arg4[%dma_wait3A_806, %dma_wait3A_807] : memref<100000x16xf32, #tpu.memory_space<hbm>> -> memref<125x16xf32, #tpu.memory_space<hbm>>
          %dma_wait3A_809 = arith.constant 0 : i32
          %dma_wait3A_810 = arith.constant 0 : i32
          %dma_wait3A_811 = tpu.memref_slice %arg15[%dma_wait3A_800, %dma_wait3A_801, %dma_wait3A_809, %dma_wait3A_810] : memref<2x4x125x16xf32, #tpu.memory_space<vmem>> -> memref<1x1x125x16xf32, #tpu.memory_space<vmem>>
          %dma_wait3A_812 = tpu.memref_squeeze %dma_wait3A_811 : memref<1x1x125x16xf32, #tpu.memory_space<vmem>> -> memref<125x16xf32, #tpu.memory_space<vmem>>
          %dma_wait3A_813 = arith.constant 0 : i32
          %dma_wait3A_814 = arith.constant 0 : i32
          %dma_wait3A_815 = tpu.memref_slice %arg4[%dma_wait3A_813, %dma_wait3A_814] : memref<100000x16xf32, #tpu.memory_space<hbm>> -> memref<125x16xf32, #tpu.memory_space<hbm>>
          tpu.wait_dma2 semaphore(%arg20 : memref<!tpu.dma_semaphore, #tpu.memory_space<semaphore_mem>>) src(%dma_wait3A_815 : memref<125x16xf32, #tpu.memory_space<hbm>>) dst(%dma_wait3A_812 : memref<125x16xf32, #tpu.memory_space<vmem>>)
          %dma_wait3A_816 = arith.constant 1 : i32
          %dma_wait3A_817 = arith.constant 1 : i32
          %dma_wait3A_818 = arith.constant 0 : i32
          %dma_wait3A_819 = arith.constant 0 : i32
          %dma_wait3A_820 = tpu.memref_slice %arg15[%dma_wait3A_816, %dma_wait3A_817, %dma_wait3A_818, %dma_wait3A_819] : memref<2x4x125x16xf32, #tpu.memory_space<vmem>> -> memref<1x1x125x16xf32, #tpu.memory_space<vmem>>
          %dma_wait3A_821 = tpu.memref_squeeze %dma_wait3A_820 : memref<1x1x125x16xf32, #tpu.memory_space<vmem>> -> memref<125x16xf32, #tpu.memory_space<vmem>>
          %dma_wait3A_822 = arith.constant 0 : i32
          %dma_wait3A_823 = arith.constant 0 : i32
          %dma_wait3A_824 = tpu.memref_slice %arg4[%dma_wait3A_822, %dma_wait3A_823] : memref<100000x16xf32, #tpu.memory_space<hbm>> -> memref<125x16xf32, #tpu.memory_space<hbm>>
          %dma_wait3A_825 = arith.constant 0 : i32
          %dma_wait3A_826 = arith.constant 0 : i32
          %dma_wait3A_827 = tpu.memref_slice %arg15[%dma_wait3A_816, %dma_wait3A_817, %dma_wait3A_825, %dma_wait3A_826] : memref<2x4x125x16xf32, #tpu.memory_space<vmem>> -> memref<1x1x125x16xf32, #tpu.memory_space<vmem>>
          %dma_wait3A_828 = tpu.memref_squeeze %dma_wait3A_827 : memref<1x1x125x16xf32, #tpu.memory_space<vmem>> -> memref<125x16xf32, #tpu.memory_space<vmem>>
          %dma_wait3A_829 = arith.constant 0 : i32
          %dma_wait3A_830 = arith.constant 0 : i32
          %dma_wait3A_831 = tpu.memref_slice %arg4[%dma_wait3A_829, %dma_wait3A_830] : memref<100000x16xf32, #tpu.memory_space<hbm>> -> memref<125x16xf32, #tpu.memory_space<hbm>>
          tpu.wait_dma2 semaphore(%arg20 : memref<!tpu.dma_semaphore, #tpu.memory_space<semaphore_mem>>) src(%dma_wait3A_831 : memref<125x16xf32, #tpu.memory_space<hbm>>) dst(%dma_wait3A_828 : memref<125x16xf32, #tpu.memory_space<vmem>>)
          %dma_wait3A_832 = arith.constant 1 : i32
          %dma_wait3A_833 = arith.constant 2 : i32
          %dma_wait3A_834 = arith.constant 0 : i32
          %dma_wait3A_835 = arith.constant 0 : i32
          %dma_wait3A_836 = tpu.memref_slice %arg15[%dma_wait3A_832, %dma_wait3A_833, %dma_wait3A_834, %dma_wait3A_835] : memref<2x4x125x16xf32, #tpu.memory_space<vmem>> -> memref<1x1x125x16xf32, #tpu.memory_space<vmem>>
          %dma_wait3A_837 = tpu.memref_squeeze %dma_wait3A_836 : memref<1x1x125x16xf32, #tpu.memory_space<vmem>> -> memref<125x16xf32, #tpu.memory_space<vmem>>
          %dma_wait3A_838 = arith.constant 0 : i32
          %dma_wait3A_839 = arith.constant 0 : i32
          %dma_wait3A_840 = tpu.memref_slice %arg4[%dma_wait3A_838, %dma_wait3A_839] : memref<100000x16xf32, #tpu.memory_space<hbm>> -> memref<125x16xf32, #tpu.memory_space<hbm>>
          %dma_wait3A_841 = arith.constant 0 : i32
          %dma_wait3A_842 = arith.constant 0 : i32
          %dma_wait3A_843 = tpu.memref_slice %arg15[%dma_wait3A_832, %dma_wait3A_833, %dma_wait3A_841, %dma_wait3A_842] : memref<2x4x125x16xf32, #tpu.memory_space<vmem>> -> memref<1x1x125x16xf32, #tpu.memory_space<vmem>>
          %dma_wait3A_844 = tpu.memref_squeeze %dma_wait3A_843 : memref<1x1x125x16xf32, #tpu.memory_space<vmem>> -> memref<125x16xf32, #tpu.memory_space<vmem>>
          %dma_wait3A_845 = arith.constant 0 : i32
          %dma_wait3A_846 = arith.constant 0 : i32
          %dma_wait3A_847 = tpu.memref_slice %arg4[%dma_wait3A_845, %dma_wait3A_846] : memref<100000x16xf32, #tpu.memory_space<hbm>> -> memref<125x16xf32, #tpu.memory_space<hbm>>
          tpu.wait_dma2 semaphore(%arg20 : memref<!tpu.dma_semaphore, #tpu.memory_space<semaphore_mem>>) src(%dma_wait3A_847 : memref<125x16xf32, #tpu.memory_space<hbm>>) dst(%dma_wait3A_844 : memref<125x16xf32, #tpu.memory_space<vmem>>)
          %dma_wait3A_848 = arith.constant 1 : i32
          %dma_wait3A_849 = arith.constant 3 : i32
          %dma_wait3A_850 = arith.constant 0 : i32
          %dma_wait3A_851 = arith.constant 0 : i32
          %dma_wait3A_852 = tpu.memref_slice %arg15[%dma_wait3A_848, %dma_wait3A_849, %dma_wait3A_850, %dma_wait3A_851] : memref<2x4x125x16xf32, #tpu.memory_space<vmem>> -> memref<1x1x125x16xf32, #tpu.memory_space<vmem>>
          %dma_wait3A_853 = tpu.memref_squeeze %dma_wait3A_852 : memref<1x1x125x16xf32, #tpu.memory_space<vmem>> -> memref<125x16xf32, #tpu.memory_space<vmem>>
          %dma_wait3A_854 = arith.constant 0 : i32
          %dma_wait3A_855 = arith.constant 0 : i32
          %dma_wait3A_856 = tpu.memref_slice %arg4[%dma_wait3A_854, %dma_wait3A_855] : memref<100000x16xf32, #tpu.memory_space<hbm>> -> memref<125x16xf32, #tpu.memory_space<hbm>>
          %dma_wait3A_857 = arith.constant 0 : i32
          %dma_wait3A_858 = arith.constant 0 : i32
          %dma_wait3A_859 = tpu.memref_slice %arg15[%dma_wait3A_848, %dma_wait3A_849, %dma_wait3A_857, %dma_wait3A_858] : memref<2x4x125x16xf32, #tpu.memory_space<vmem>> -> memref<1x1x125x16xf32, #tpu.memory_space<vmem>>
          %dma_wait3A_860 = tpu.memref_squeeze %dma_wait3A_859 : memref<1x1x125x16xf32, #tpu.memory_space<vmem>> -> memref<125x16xf32, #tpu.memory_space<vmem>>
          %dma_wait3A_861 = arith.constant 0 : i32
          %dma_wait3A_862 = arith.constant 0 : i32
          %dma_wait3A_863 = tpu.memref_slice %arg4[%dma_wait3A_861, %dma_wait3A_862] : memref<100000x16xf32, #tpu.memory_space<hbm>> -> memref<125x16xf32, #tpu.memory_space<hbm>>
          tpu.wait_dma2 semaphore(%arg20 : memref<!tpu.dma_semaphore, #tpu.memory_space<semaphore_mem>>) src(%dma_wait3A_863 : memref<125x16xf32, #tpu.memory_space<hbm>>) dst(%dma_wait3A_860 : memref<125x16xf32, #tpu.memory_space<vmem>>)
        } else {
        }
        %dma_start3A_299 = arith.constant 1 : i32
        %dma_start3A_300 = arith.constant 0 : i32
        %dma_start3A_301 = arith.constant 0 : i32
        %dma_start3A_302 = tpu.memref_slice %arg13[%dma_start3A_299, %dma_start3A_300, %dma_start3A_301] : memref<2x4x125xi32, #tpu.memory_space<vmem>> -> memref<1x4x125xi32, #tpu.memory_space<vmem>>
        %dma_start3A_303 = tpu.memref_squeeze %dma_start3A_302 : memref<1x4x125xi32, #tpu.memory_space<vmem>> -> memref<4x125xi32, #tpu.memory_space<vmem>>
        %dma_start3A_304 = arith.constant 0 : i32
        %dma_start3A_305 = arith.constant 0 : i32
        %dma_start3A_306 = tpu.memref_slice %arg6[%cond3A_10, %dma_start3A_304, %dma_start3A_305] : memref<2x12800x125xi32, #tpu.memory_space<hbm>> -> memref<1x12800x125xi32, #tpu.memory_space<hbm>>
        %dma_start3A_307 = tpu.memref_squeeze %dma_start3A_306 : memref<1x12800x125xi32, #tpu.memory_space<hbm>> -> memref<12800x125xi32, #tpu.memory_space<hbm>>
        %dma_start3A_308 = arith.constant 0 : i32
        %dma_start3A_309 = tpu.memref_slice %dma_start3A_307[%add3A_248, %dma_start3A_308] : memref<12800x125xi32, #tpu.memory_space<hbm>> -> memref<4x125xi32, #tpu.memory_space<hbm>>
        %dma_start3A_310 = arith.constant 0 : i32
        %dma_start3A_311 = arith.constant 0 : i32
        %dma_start3A_312 = tpu.memref_slice %arg13[%dma_start3A_299, %dma_start3A_310, %dma_start3A_311] : memref<2x4x125xi32, #tpu.memory_space<vmem>> -> memref<1x4x125xi32, #tpu.memory_space<vmem>>
        %dma_start3A_313 = tpu.memref_squeeze %dma_start3A_312 : memref<1x4x125xi32, #tpu.memory_space<vmem>> -> memref<4x125xi32, #tpu.memory_space<vmem>>
        %dma_start3A_314 = arith.constant 0 : i32
        %dma_start3A_315 = arith.constant 0 : i32
        %dma_start3A_316 = tpu.memref_slice %arg6[%cond3A_10, %dma_start3A_314, %dma_start3A_315] : memref<2x12800x125xi32, #tpu.memory_space<hbm>> -> memref<1x12800x125xi32, #tpu.memory_space<hbm>>
        %dma_start3A_317 = tpu.memref_squeeze %dma_start3A_316 : memref<1x12800x125xi32, #tpu.memory_space<hbm>> -> memref<12800x125xi32, #tpu.memory_space<hbm>>
        %dma_start3A_318 = arith.constant 0 : i32
        %dma_start3A_319 = tpu.memref_slice %dma_start3A_317[%add3A_248, %dma_start3A_318] : memref<12800x125xi32, #tpu.memory_space<hbm>> -> memref<4x125xi32, #tpu.memory_space<hbm>>
        tpu.enqueue_dma source(%dma_start3A_319 : memref<4x125xi32, #tpu.memory_space<hbm>>) target(%dma_start3A_313 : memref<4x125xi32, #tpu.memory_space<vmem>>) target_semaphore(%arg17 : memref<!tpu.dma_semaphore, #tpu.memory_space<semaphore_mem>>)
        %dma_start3A_320 = arith.constant 1 : i32
        %dma_start3A_321 = arith.constant 0 : i32
        %dma_start3A_322 = arith.constant 0 : i32
        %dma_start3A_323 = tpu.memref_slice %arg14[%dma_start3A_320, %dma_start3A_321, %dma_start3A_322] : memref<2x4x125xi32, #tpu.memory_space<vmem>> -> memref<1x4x125xi32, #tpu.memory_space<vmem>>
        %dma_start3A_324 = tpu.memref_squeeze %dma_start3A_323 : memref<1x4x125xi32, #tpu.memory_space<vmem>> -> memref<4x125xi32, #tpu.memory_space<vmem>>
        %dma_start3A_325 = arith.constant 0 : i32
        %dma_start3A_326 = arith.constant 0 : i32
        %dma_start3A_327 = tpu.memref_slice %arg6[%cond3A_11, %dma_start3A_325, %dma_start3A_326] : memref<2x12800x125xi32, #tpu.memory_space<hbm>> -> memref<1x12800x125xi32, #tpu.memory_space<hbm>>
        %dma_start3A_328 = tpu.memref_squeeze %dma_start3A_327 : memref<1x12800x125xi32, #tpu.memory_space<hbm>> -> memref<12800x125xi32, #tpu.memory_space<hbm>>
        %dma_start3A_329 = arith.constant 0 : i32
        %dma_start3A_330 = tpu.memref_slice %dma_start3A_328[%add3A_248, %dma_start3A_329] : memref<12800x125xi32, #tpu.memory_space<hbm>> -> memref<4x125xi32, #tpu.memory_space<hbm>>
        %dma_start3A_331 = arith.constant 0 : i32
        %dma_start3A_332 = arith.constant 0 : i32
        %dma_start3A_333 = tpu.memref_slice %arg14[%dma_start3A_320, %dma_start3A_331, %dma_start3A_332] : memref<2x4x125xi32, #tpu.memory_space<vmem>> -> memref<1x4x125xi32, #tpu.memory_space<vmem>>
        %dma_start3A_334 = tpu.memref_squeeze %dma_start3A_333 : memref<1x4x125xi32, #tpu.memory_space<vmem>> -> memref<4x125xi32, #tpu.memory_space<vmem>>
        %dma_start3A_335 = arith.constant 0 : i32
        %dma_start3A_336 = arith.constant 0 : i32
        %dma_start3A_337 = tpu.memref_slice %arg6[%cond3A_11, %dma_start3A_335, %dma_start3A_336] : memref<2x12800x125xi32, #tpu.memory_space<hbm>> -> memref<1x12800x125xi32, #tpu.memory_space<hbm>>
        %dma_start3A_338 = tpu.memref_squeeze %dma_start3A_337 : memref<1x12800x125xi32, #tpu.memory_space<hbm>> -> memref<12800x125xi32, #tpu.memory_space<hbm>>
        %dma_start3A_339 = arith.constant 0 : i32
        %dma_start3A_340 = tpu.memref_slice %dma_start3A_338[%add3A_248, %dma_start3A_339] : memref<12800x125xi32, #tpu.memory_space<hbm>> -> memref<4x125xi32, #tpu.memory_space<hbm>>
        tpu.enqueue_dma source(%dma_start3A_340 : memref<4x125xi32, #tpu.memory_space<hbm>>) target(%dma_start3A_334 : memref<4x125xi32, #tpu.memory_space<vmem>>) target_semaphore(%arg17 : memref<!tpu.dma_semaphore, #tpu.memory_space<semaphore_mem>>)
        %dma_start3A_341 = arith.constant 0 : i32
        %dma_start3A_342 = arith.constant 0 : i32
        %dma_start3A_343 = arith.constant 0 : i32
        %dma_start3A_344 = arith.constant 0 : i32
        %dma_start3A_345 = arith.constant 0 : i32
        %dma_start3A_346 = arith.constant 0 : i32
        %dma_start3A_347 = tpu.memref_slice %arg15[%dma_start3A_343, %dma_start3A_344, %dma_start3A_345, %dma_start3A_346] : memref<2x4x125x16xf32, #tpu.memory_space<vmem>> -> memref<1x1x125x16xf32, #tpu.memory_space<vmem>>
        %dma_start3A_348 = tpu.memref_squeeze %dma_start3A_347 : memref<1x1x125x16xf32, #tpu.memory_space<vmem>> -> memref<125x16xf32, #tpu.memory_space<vmem>>
        %dma_start3A_349 = arith.constant 0 : i32
        %dma_start3A_350 = tpu.memref_slice %arg13[%dma_start3A_341, %dma_start3A_342, %dma_start3A_349] : memref<2x4x125xi32, #tpu.memory_space<vmem>> -> memref<1x1x125xi32, #tpu.memory_space<vmem>>
        %dma_start3A_351 = tpu.memref_squeeze %dma_start3A_350 : memref<1x1x125xi32, #tpu.memory_space<vmem>> -> memref<125xi32, #tpu.memory_space<vmem>>
        %dma_start3A_352 = arith.constant 0 : i32
        %dma_start3A_353 = arith.constant 0 : i32
        %dma_start3A_354 = tpu.memref_slice %arg4[%dma_start3A_352, %dma_start3A_353] : memref<100000x16xf32, #tpu.memory_space<hbm>> -> memref<100000x16xf32, #tpu.memory_space<hbm>>
        tpu.enqueue_indirect_dma source(%dma_start3A_354 : memref<100000x16xf32, #tpu.memory_space<hbm>>) target(%dma_start3A_348 : memref<125x16xf32, #tpu.memory_space<vmem>>) offsets(%dma_start3A_351 : memref<125xi32, #tpu.memory_space<vmem>>) semaphore(%arg18 : memref<!tpu.dma_semaphore, #tpu.memory_space<semaphore_mem>>)
        %dma_start3A_355 = arith.constant 0 : i32
        %dma_start3A_356 = arith.constant 1 : i32
        %dma_start3A_357 = arith.constant 0 : i32
        %dma_start3A_358 = arith.constant 1 : i32
        %dma_start3A_359 = arith.constant 0 : i32
        %dma_start3A_360 = arith.constant 0 : i32
        %dma_start3A_361 = tpu.memref_slice %arg15[%dma_start3A_357, %dma_start3A_358, %dma_start3A_359, %dma_start3A_360] : memref<2x4x125x16xf32, #tpu.memory_space<vmem>> -> memref<1x1x125x16xf32, #tpu.memory_space<vmem>>
        %dma_start3A_362 = tpu.memref_squeeze %dma_start3A_361 : memref<1x1x125x16xf32, #tpu.memory_space<vmem>> -> memref<125x16xf32, #tpu.memory_space<vmem>>
        %dma_start3A_363 = arith.constant 0 : i32
        %dma_start3A_364 = tpu.memref_slice %arg13[%dma_start3A_355, %dma_start3A_356, %dma_start3A_363] : memref<2x4x125xi32, #tpu.memory_space<vmem>> -> memref<1x1x125xi32, #tpu.memory_space<vmem>>
        %dma_start3A_365 = tpu.memref_squeeze %dma_start3A_364 : memref<1x1x125xi32, #tpu.memory_space<vmem>> -> memref<125xi32, #tpu.memory_space<vmem>>
        %dma_start3A_366 = arith.constant 0 : i32
        %dma_start3A_367 = arith.constant 0 : i32
        %dma_start3A_368 = tpu.memref_slice %arg4[%dma_start3A_366, %dma_start3A_367] : memref<100000x16xf32, #tpu.memory_space<hbm>> -> memref<100000x16xf32, #tpu.memory_space<hbm>>
        tpu.enqueue_indirect_dma source(%dma_start3A_368 : memref<100000x16xf32, #tpu.memory_space<hbm>>) target(%dma_start3A_362 : memref<125x16xf32, #tpu.memory_space<vmem>>) offsets(%dma_start3A_365 : memref<125xi32, #tpu.memory_space<vmem>>) semaphore(%arg18 : memref<!tpu.dma_semaphore, #tpu.memory_space<semaphore_mem>>)
        %dma_start3A_369 = arith.constant 0 : i32
        %dma_start3A_370 = arith.constant 2 : i32
        %dma_start3A_371 = arith.constant 0 : i32
        %dma_start3A_372 = arith.constant 2 : i32
        %dma_start3A_373 = arith.constant 0 : i32
        %dma_start3A_374 = arith.constant 0 : i32
        %dma_start3A_375 = tpu.memref_slice %arg15[%dma_start3A_371, %dma_start3A_372, %dma_start3A_373, %dma_start3A_374] : memref<2x4x125x16xf32, #tpu.memory_space<vmem>> -> memref<1x1x125x16xf32, #tpu.memory_space<vmem>>
        %dma_start3A_376 = tpu.memref_squeeze %dma_start3A_375 : memref<1x1x125x16xf32, #tpu.memory_space<vmem>> -> memref<125x16xf32, #tpu.memory_space<vmem>>
        %dma_start3A_377 = arith.constant 0 : i32
        %dma_start3A_378 = tpu.memref_slice %arg13[%dma_start3A_369, %dma_start3A_370, %dma_start3A_377] : memref<2x4x125xi32, #tpu.memory_space<vmem>> -> memref<1x1x125xi32, #tpu.memory_space<vmem>>
        %dma_start3A_379 = tpu.memref_squeeze %dma_start3A_378 : memref<1x1x125xi32, #tpu.memory_space<vmem>> -> memref<125xi32, #tpu.memory_space<vmem>>
        %dma_start3A_380 = arith.constant 0 : i32
        %dma_start3A_381 = arith.constant 0 : i32
        %dma_start3A_382 = tpu.memref_slice %arg4[%dma_start3A_380, %dma_start3A_381] : memref<100000x16xf32, #tpu.memory_space<hbm>> -> memref<100000x16xf32, #tpu.memory_space<hbm>>
        tpu.enqueue_indirect_dma source(%dma_start3A_382 : memref<100000x16xf32, #tpu.memory_space<hbm>>) target(%dma_start3A_376 : memref<125x16xf32, #tpu.memory_space<vmem>>) offsets(%dma_start3A_379 : memref<125xi32, #tpu.memory_space<vmem>>) semaphore(%arg18 : memref<!tpu.dma_semaphore, #tpu.memory_space<semaphore_mem>>)
        %dma_start3A_383 = arith.constant 0 : i32
        %dma_start3A_384 = arith.constant 3 : i32
        %dma_start3A_385 = arith.constant 0 : i32
        %dma_start3A_386 = arith.constant 3 : i32
        %dma_start3A_387 = arith.constant 0 : i32
        %dma_start3A_388 = arith.constant 0 : i32
        %dma_start3A_389 = tpu.memref_slice %arg15[%dma_start3A_385, %dma_start3A_386, %dma_start3A_387, %dma_start3A_388] : memref<2x4x125x16xf32, #tpu.memory_space<vmem>> -> memref<1x1x125x16xf32, #tpu.memory_space<vmem>>
        %dma_start3A_390 = tpu.memref_squeeze %dma_start3A_389 : memref<1x1x125x16xf32, #tpu.memory_space<vmem>> -> memref<125x16xf32, #tpu.memory_space<vmem>>
        %dma_start3A_391 = arith.constant 0 : i32
        %dma_start3A_392 = tpu.memref_slice %arg13[%dma_start3A_383, %dma_start3A_384, %dma_start3A_391] : memref<2x4x125xi32, #tpu.memory_space<vmem>> -> memref<1x1x125xi32, #tpu.memory_space<vmem>>
        %dma_start3A_393 = tpu.memref_squeeze %dma_start3A_392 : memref<1x1x125xi32, #tpu.memory_space<vmem>> -> memref<125xi32, #tpu.memory_space<vmem>>
        %dma_start3A_394 = arith.constant 0 : i32
        %dma_start3A_395 = arith.constant 0 : i32
        %dma_start3A_396 = tpu.memref_slice %arg4[%dma_start3A_394, %dma_start3A_395] : memref<100000x16xf32, #tpu.memory_space<hbm>> -> memref<100000x16xf32, #tpu.memory_space<hbm>>
        tpu.enqueue_indirect_dma source(%dma_start3A_396 : memref<100000x16xf32, #tpu.memory_space<hbm>>) target(%dma_start3A_390 : memref<125x16xf32, #tpu.memory_space<vmem>>) offsets(%dma_start3A_393 : memref<125xi32, #tpu.memory_space<vmem>>) semaphore(%arg18 : memref<!tpu.dma_semaphore, #tpu.memory_space<semaphore_mem>>)
        %dma_wait3A_397 = arith.constant 0 : i32
        %dma_wait3A_398 = arith.constant 0 : i32
        %dma_wait3A_399 = arith.constant 0 : i32
        %dma_wait3A_400 = arith.constant 0 : i32
        %dma_wait3A_401 = arith.constant 0 : i32
        %dma_wait3A_402 = arith.constant 0 : i32
        %dma_wait3A_403 = tpu.memref_slice %arg15[%dma_wait3A_399, %dma_wait3A_400, %dma_wait3A_401, %dma_wait3A_402] : memref<2x4x125x16xf32, #tpu.memory_space<vmem>> -> memref<1x1x125x16xf32, #tpu.memory_space<vmem>>
        %dma_wait3A_404 = tpu.memref_squeeze %dma_wait3A_403 : memref<1x1x125x16xf32, #tpu.memory_space<vmem>> -> memref<125x16xf32, #tpu.memory_space<vmem>>
        %dma_wait3A_405 = arith.constant 0 : i32
        %dma_wait3A_406 = tpu.memref_slice %arg13[%dma_wait3A_397, %dma_wait3A_398, %dma_wait3A_405] : memref<2x4x125xi32, #tpu.memory_space<vmem>> -> memref<1x1x125xi32, #tpu.memory_space<vmem>>
        %dma_wait3A_407 = tpu.memref_squeeze %dma_wait3A_406 : memref<1x1x125xi32, #tpu.memory_space<vmem>> -> memref<125xi32, #tpu.memory_space<vmem>>
        %dma_wait3A_408 = arith.constant 0 : i32
        %dma_wait3A_409 = arith.constant 0 : i32
        %dma_wait3A_410 = tpu.memref_slice %arg4[%dma_wait3A_408, %dma_wait3A_409] : memref<100000x16xf32, #tpu.memory_space<hbm>> -> memref<100000x16xf32, #tpu.memory_space<hbm>>
        tpu.wait_indirect_dma semaphore(%arg18 : memref<!tpu.dma_semaphore, #tpu.memory_space<semaphore_mem>>) src(%dma_wait3A_410 : memref<100000x16xf32, #tpu.memory_space<hbm>>) dst(%dma_wait3A_404 : memref<125x16xf32, #tpu.memory_space<vmem>>)
        %dma_wait3A_411 = arith.constant 0 : i32
        %dma_wait3A_412 = arith.constant 1 : i32
        %dma_wait3A_413 = arith.constant 0 : i32
        %dma_wait3A_414 = arith.constant 1 : i32
        %dma_wait3A_415 = arith.constant 0 : i32
        %dma_wait3A_416 = arith.constant 0 : i32
        %dma_wait3A_417 = tpu.memref_slice %arg15[%dma_wait3A_413, %dma_wait3A_414, %dma_wait3A_415, %dma_wait3A_416] : memref<2x4x125x16xf32, #tpu.memory_space<vmem>> -> memref<1x1x125x16xf32, #tpu.memory_space<vmem>>
        %dma_wait3A_418 = tpu.memref_squeeze %dma_wait3A_417 : memref<1x1x125x16xf32, #tpu.memory_space<vmem>> -> memref<125x16xf32, #tpu.memory_space<vmem>>
        %dma_wait3A_419 = arith.constant 0 : i32
        %dma_wait3A_420 = tpu.memref_slice %arg13[%dma_wait3A_411, %dma_wait3A_412, %dma_wait3A_419] : memref<2x4x125xi32, #tpu.memory_space<vmem>> -> memref<1x1x125xi32, #tpu.memory_space<vmem>>
        %dma_wait3A_421 = tpu.memref_squeeze %dma_wait3A_420 : memref<1x1x125xi32, #tpu.memory_space<vmem>> -> memref<125xi32, #tpu.memory_space<vmem>>
        %dma_wait3A_422 = arith.constant 0 : i32
        %dma_wait3A_423 = arith.constant 0 : i32
        %dma_wait3A_424 = tpu.memref_slice %arg4[%dma_wait3A_422, %dma_wait3A_423] : memref<100000x16xf32, #tpu.memory_space<hbm>> -> memref<100000x16xf32, #tpu.memory_space<hbm>>
        tpu.wait_indirect_dma semaphore(%arg18 : memref<!tpu.dma_semaphore, #tpu.memory_space<semaphore_mem>>) src(%dma_wait3A_424 : memref<100000x16xf32, #tpu.memory_space<hbm>>) dst(%dma_wait3A_418 : memref<125x16xf32, #tpu.memory_space<vmem>>)
        %dma_wait3A_425 = arith.constant 0 : i32
        %dma_wait3A_426 = arith.constant 2 : i32
        %dma_wait3A_427 = arith.constant 0 : i32
        %dma_wait3A_428 = arith.constant 2 : i32
        %dma_wait3A_429 = arith.constant 0 : i32
        %dma_wait3A_430 = arith.constant 0 : i32
        %dma_wait3A_431 = tpu.memref_slice %arg15[%dma_wait3A_427, %dma_wait3A_428, %dma_wait3A_429, %dma_wait3A_430] : memref<2x4x125x16xf32, #tpu.memory_space<vmem>> -> memref<1x1x125x16xf32, #tpu.memory_space<vmem>>
        %dma_wait3A_432 = tpu.memref_squeeze %dma_wait3A_431 : memref<1x1x125x16xf32, #tpu.memory_space<vmem>> -> memref<125x16xf32, #tpu.memory_space<vmem>>
        %dma_wait3A_433 = arith.constant 0 : i32
        %dma_wait3A_434 = tpu.memref_slice %arg13[%dma_wait3A_425, %dma_wait3A_426, %dma_wait3A_433] : memref<2x4x125xi32, #tpu.memory_space<vmem>> -> memref<1x1x125xi32, #tpu.memory_space<vmem>>
        %dma_wait3A_435 = tpu.memref_squeeze %dma_wait3A_434 : memref<1x1x125xi32, #tpu.memory_space<vmem>> -> memref<125xi32, #tpu.memory_space<vmem>>
        %dma_wait3A_436 = arith.constant 0 : i32
        %dma_wait3A_437 = arith.constant 0 : i32
        %dma_wait3A_438 = tpu.memref_slice %arg4[%dma_wait3A_436, %dma_wait3A_437] : memref<100000x16xf32, #tpu.memory_space<hbm>> -> memref<100000x16xf32, #tpu.memory_space<hbm>>
        tpu.wait_indirect_dma semaphore(%arg18 : memref<!tpu.dma_semaphore, #tpu.memory_space<semaphore_mem>>) src(%dma_wait3A_438 : memref<100000x16xf32, #tpu.memory_space<hbm>>) dst(%dma_wait3A_432 : memref<125x16xf32, #tpu.memory_space<vmem>>)
        %dma_wait3A_439 = arith.constant 0 : i32
        %dma_wait3A_440 = arith.constant 3 : i32
        %dma_wait3A_441 = arith.constant 0 : i32
        %dma_wait3A_442 = arith.constant 3 : i32
        %dma_wait3A_443 = arith.constant 0 : i32
        %dma_wait3A_444 = arith.constant 0 : i32
        %dma_wait3A_445 = tpu.memref_slice %arg15[%dma_wait3A_441, %dma_wait3A_442, %dma_wait3A_443, %dma_wait3A_444] : memref<2x4x125x16xf32, #tpu.memory_space<vmem>> -> memref<1x1x125x16xf32, #tpu.memory_space<vmem>>
        %dma_wait3A_446 = tpu.memref_squeeze %dma_wait3A_445 : memref<1x1x125x16xf32, #tpu.memory_space<vmem>> -> memref<125x16xf32, #tpu.memory_space<vmem>>
        %dma_wait3A_447 = arith.constant 0 : i32
        %dma_wait3A_448 = tpu.memref_slice %arg13[%dma_wait3A_439, %dma_wait3A_440, %dma_wait3A_447] : memref<2x4x125xi32, #tpu.memory_space<vmem>> -> memref<1x1x125xi32, #tpu.memory_space<vmem>>
        %dma_wait3A_449 = tpu.memref_squeeze %dma_wait3A_448 : memref<1x1x125xi32, #tpu.memory_space<vmem>> -> memref<125xi32, #tpu.memory_space<vmem>>
        %dma_wait3A_450 = arith.constant 0 : i32
        %dma_wait3A_451 = arith.constant 0 : i32
        %dma_wait3A_452 = tpu.memref_slice %arg4[%dma_wait3A_450, %dma_wait3A_451] : memref<100000x16xf32, #tpu.memory_space<hbm>> -> memref<100000x16xf32, #tpu.memory_space<hbm>>
        tpu.wait_indirect_dma semaphore(%arg18 : memref<!tpu.dma_semaphore, #tpu.memory_space<semaphore_mem>>) src(%dma_wait3A_452 : memref<100000x16xf32, #tpu.memory_space<hbm>>) dst(%dma_wait3A_446 : memref<125x16xf32, #tpu.memory_space<vmem>>)
        %dma_start3A_453 = arith.constant 0 : i32
        %dma_start3A_454 = arith.constant 0 : i32
        %dma_start3A_455 = arith.constant 0 : i32
        %dma_start3A_456 = arith.constant 0 : i32
        %dma_start3A_457 = arith.constant 0 : i32
        %dma_start3A_458 = arith.constant 0 : i32
        %dma_start3A_459 = tpu.memref_slice %arg15[%dma_start3A_453, %dma_start3A_454, %dma_start3A_457, %dma_start3A_458] : memref<2x4x125x16xf32, #tpu.memory_space<vmem>> -> memref<1x1x125x16xf32, #tpu.memory_space<vmem>>
        %dma_start3A_460 = tpu.memref_squeeze %dma_start3A_459 : memref<1x1x125x16xf32, #tpu.memory_space<vmem>> -> memref<125x16xf32, #tpu.memory_space<vmem>>
        %dma_start3A_461 = arith.constant 0 : i32
        %dma_start3A_462 = tpu.memref_slice %arg14[%dma_start3A_455, %dma_start3A_456, %dma_start3A_461] : memref<2x4x125xi32, #tpu.memory_space<vmem>> -> memref<1x1x125xi32, #tpu.memory_space<vmem>>
        %dma_start3A_463 = tpu.memref_squeeze %dma_start3A_462 : memref<1x1x125xi32, #tpu.memory_space<vmem>> -> memref<125xi32, #tpu.memory_space<vmem>>
        %dma_start3A_464 = arith.constant 0 : i32
        %dma_start3A_465 = arith.constant 0 : i32
        %dma_start3A_466 = tpu.memref_slice %arg12[%dma_start3A_464, %dma_start3A_465] : memref<100000x16xf32, #tpu.memory_space<vmem_shared>> -> memref<100000x16xf32, #tpu.memory_space<vmem_shared>>
        tpu.enqueue_indirect_dma source(%dma_start3A_460 : memref<125x16xf32, #tpu.memory_space<vmem>>) target(%dma_start3A_466 : memref<100000x16xf32, #tpu.memory_space<vmem_shared>>) offsets(%dma_start3A_463 : memref<125xi32, #tpu.memory_space<vmem>>) semaphore(%arg19 : memref<!tpu.dma_semaphore, #tpu.memory_space<semaphore_mem>>) {add = true}
        %dma_start3A_467 = arith.constant 0 : i32
        %dma_start3A_468 = arith.constant 1 : i32
        %dma_start3A_469 = arith.constant 0 : i32
        %dma_start3A_470 = arith.constant 1 : i32
        %dma_start3A_471 = arith.constant 0 : i32
        %dma_start3A_472 = arith.constant 0 : i32
        %dma_start3A_473 = tpu.memref_slice %arg15[%dma_start3A_467, %dma_start3A_468, %dma_start3A_471, %dma_start3A_472] : memref<2x4x125x16xf32, #tpu.memory_space<vmem>> -> memref<1x1x125x16xf32, #tpu.memory_space<vmem>>
        %dma_start3A_474 = tpu.memref_squeeze %dma_start3A_473 : memref<1x1x125x16xf32, #tpu.memory_space<vmem>> -> memref<125x16xf32, #tpu.memory_space<vmem>>
        %dma_start3A_475 = arith.constant 0 : i32
        %dma_start3A_476 = tpu.memref_slice %arg14[%dma_start3A_469, %dma_start3A_470, %dma_start3A_475] : memref<2x4x125xi32, #tpu.memory_space<vmem>> -> memref<1x1x125xi32, #tpu.memory_space<vmem>>
        %dma_start3A_477 = tpu.memref_squeeze %dma_start3A_476 : memref<1x1x125xi32, #tpu.memory_space<vmem>> -> memref<125xi32, #tpu.memory_space<vmem>>
        %dma_start3A_478 = arith.constant 0 : i32
        %dma_start3A_479 = arith.constant 0 : i32
        %dma_start3A_480 = tpu.memref_slice %arg12[%dma_start3A_478, %dma_start3A_479] : memref<100000x16xf32, #tpu.memory_space<vmem_shared>> -> memref<100000x16xf32, #tpu.memory_space<vmem_shared>>
        tpu.enqueue_indirect_dma source(%dma_start3A_474 : memref<125x16xf32, #tpu.memory_space<vmem>>) target(%dma_start3A_480 : memref<100000x16xf32, #tpu.memory_space<vmem_shared>>) offsets(%dma_start3A_477 : memref<125xi32, #tpu.memory_space<vmem>>) semaphore(%arg19 : memref<!tpu.dma_semaphore, #tpu.memory_space<semaphore_mem>>) {add = true}
        %dma_start3A_481 = arith.constant 0 : i32
        %dma_start3A_482 = arith.constant 2 : i32
        %dma_start3A_483 = arith.constant 0 : i32
        %dma_start3A_484 = arith.constant 2 : i32
        %dma_start3A_485 = arith.constant 0 : i32
        %dma_start3A_486 = arith.constant 0 : i32
        %dma_start3A_487 = tpu.memref_slice %arg15[%dma_start3A_481, %dma_start3A_482, %dma_start3A_485, %dma_start3A_486] : memref<2x4x125x16xf32, #tpu.memory_space<vmem>> -> memref<1x1x125x16xf32, #tpu.memory_space<vmem>>
        %dma_start3A_488 = tpu.memref_squeeze %dma_start3A_487 : memref<1x1x125x16xf32, #tpu.memory_space<vmem>> -> memref<125x16xf32, #tpu.memory_space<vmem>>
        %dma_start3A_489 = arith.constant 0 : i32
        %dma_start3A_490 = tpu.memref_slice %arg14[%dma_start3A_483, %dma_start3A_484, %dma_start3A_489] : memref<2x4x125xi32, #tpu.memory_space<vmem>> -> memref<1x1x125xi32, #tpu.memory_space<vmem>>
        %dma_start3A_491 = tpu.memref_squeeze %dma_start3A_490 : memref<1x1x125xi32, #tpu.memory_space<vmem>> -> memref<125xi32, #tpu.memory_space<vmem>>
        %dma_start3A_492 = arith.constant 0 : i32
        %dma_start3A_493 = arith.constant 0 : i32
        %dma_start3A_494 = tpu.memref_slice %arg12[%dma_start3A_492, %dma_start3A_493] : memref<100000x16xf32, #tpu.memory_space<vmem_shared>> -> memref<100000x16xf32, #tpu.memory_space<vmem_shared>>
        tpu.enqueue_indirect_dma source(%dma_start3A_488 : memref<125x16xf32, #tpu.memory_space<vmem>>) target(%dma_start3A_494 : memref<100000x16xf32, #tpu.memory_space<vmem_shared>>) offsets(%dma_start3A_491 : memref<125xi32, #tpu.memory_space<vmem>>) semaphore(%arg19 : memref<!tpu.dma_semaphore, #tpu.memory_space<semaphore_mem>>) {add = true}
        %dma_start3A_495 = arith.constant 0 : i32
        %dma_start3A_496 = arith.constant 3 : i32
        %dma_start3A_497 = arith.constant 0 : i32
        %dma_start3A_498 = arith.constant 3 : i32
        %dma_start3A_499 = arith.constant 0 : i32
        %dma_start3A_500 = arith.constant 0 : i32
        %dma_start3A_501 = tpu.memref_slice %arg15[%dma_start3A_495, %dma_start3A_496, %dma_start3A_499, %dma_start3A_500] : memref<2x4x125x16xf32, #tpu.memory_space<vmem>> -> memref<1x1x125x16xf32, #tpu.memory_space<vmem>>
        %dma_start3A_502 = tpu.memref_squeeze %dma_start3A_501 : memref<1x1x125x16xf32, #tpu.memory_space<vmem>> -> memref<125x16xf32, #tpu.memory_space<vmem>>
        %dma_start3A_503 = arith.constant 0 : i32
        %dma_start3A_504 = tpu.memref_slice %arg14[%dma_start3A_497, %dma_start3A_498, %dma_start3A_503] : memref<2x4x125xi32, #tpu.memory_space<vmem>> -> memref<1x1x125xi32, #tpu.memory_space<vmem>>
        %dma_start3A_505 = tpu.memref_squeeze %dma_start3A_504 : memref<1x1x125xi32, #tpu.memory_space<vmem>> -> memref<125xi32, #tpu.memory_space<vmem>>
        %dma_start3A_506 = arith.constant 0 : i32
        %dma_start3A_507 = arith.constant 0 : i32
        %dma_start3A_508 = tpu.memref_slice %arg12[%dma_start3A_506, %dma_start3A_507] : memref<100000x16xf32, #tpu.memory_space<vmem_shared>> -> memref<100000x16xf32, #tpu.memory_space<vmem_shared>>
        tpu.enqueue_indirect_dma source(%dma_start3A_502 : memref<125x16xf32, #tpu.memory_space<vmem>>) target(%dma_start3A_508 : memref<100000x16xf32, #tpu.memory_space<vmem_shared>>) offsets(%dma_start3A_505 : memref<125xi32, #tpu.memory_space<vmem>>) semaphore(%arg19 : memref<!tpu.dma_semaphore, #tpu.memory_space<semaphore_mem>>) {add = true}
        %mul3A_509 = arith.constant 2 : i32
        %mul3A_510 = arith.muli %mul3A_509, %scan3A_240 : i32
        %add3A_511 = arith.constant 1 : i32
        %add3A_512 = arith.addi %mul3A_510, %add3A_511 : i32
        %add3A_513 = arith.constant 1 : i32
        %add3A_514 = arith.addi %add3A_512, %add3A_513 : i32
        %mul3A_515 = arith.constant 4 : i32
        %mul3A_516 = arith.muli %add3A_514, %mul3A_515 : i32
        %add3A_517 = arith.addi %mul3A_0, %mul3A_516 : i32
        %dma_wait3A_518 = arith.constant 1 : i32
        %dma_wait3A_519 = arith.constant 0 : i32
        %dma_wait3A_520 = arith.constant 0 : i32
        %dma_wait3A_521 = tpu.memref_slice %arg13[%dma_wait3A_518, %dma_wait3A_519, %dma_wait3A_520] : memref<2x4x125xi32, #tpu.memory_space<vmem>> -> memref<1x4x125xi32, #tpu.memory_space<vmem>>
        %dma_wait3A_522 = tpu.memref_squeeze %dma_wait3A_521 : memref<1x4x125xi32, #tpu.memory_space<vmem>> -> memref<4x125xi32, #tpu.memory_space<vmem>>
        %dma_wait3A_523 = arith.constant 0 : i32
        %dma_wait3A_524 = arith.constant 0 : i32
        %dma_wait3A_525 = tpu.memref_slice %arg6[%cond3A_10, %dma_wait3A_523, %dma_wait3A_524] : memref<2x12800x125xi32, #tpu.memory_space<hbm>> -> memref<1x12800x125xi32, #tpu.memory_space<hbm>>
        %dma_wait3A_526 = tpu.memref_squeeze %dma_wait3A_525 : memref<1x12800x125xi32, #tpu.memory_space<hbm>> -> memref<12800x125xi32, #tpu.memory_space<hbm>>
        %dma_wait3A_527 = arith.constant 0 : i32
        %dma_wait3A_528 = arith.constant 0 : i32
        %dma_wait3A_529 = tpu.memref_slice %dma_wait3A_526[%dma_wait3A_527, %dma_wait3A_528] : memref<12800x125xi32, #tpu.memory_space<hbm>> -> memref<4x125xi32, #tpu.memory_space<hbm>>
        %dma_wait3A_530 = arith.constant 0 : i32
        %dma_wait3A_531 = arith.constant 0 : i32
        %dma_wait3A_532 = tpu.memref_slice %arg13[%dma_wait3A_518, %dma_wait3A_530, %dma_wait3A_531] : memref<2x4x125xi32, #tpu.memory_space<vmem>> -> memref<1x4x125xi32, #tpu.memory_space<vmem>>
        %dma_wait3A_533 = tpu.memref_squeeze %dma_wait3A_532 : memref<1x4x125xi32, #tpu.memory_space<vmem>> -> memref<4x125xi32, #tpu.memory_space<vmem>>
        %dma_wait3A_534 = arith.constant 0 : i32
        %dma_wait3A_535 = arith.constant 0 : i32
        %dma_wait3A_536 = tpu.memref_slice %arg6[%cond3A_10, %dma_wait3A_534, %dma_wait3A_535] : memref<2x12800x125xi32, #tpu.memory_space<hbm>> -> memref<1x12800x125xi32, #tpu.memory_space<hbm>>
        %dma_wait3A_537 = tpu.memref_squeeze %dma_wait3A_536 : memref<1x12800x125xi32, #tpu.memory_space<hbm>> -> memref<12800x125xi32, #tpu.memory_space<hbm>>
        %dma_wait3A_538 = arith.constant 0 : i32
        %dma_wait3A_539 = arith.constant 0 : i32
        %dma_wait3A_540 = tpu.memref_slice %dma_wait3A_537[%dma_wait3A_538, %dma_wait3A_539] : memref<12800x125xi32, #tpu.memory_space<hbm>> -> memref<4x125xi32, #tpu.memory_space<hbm>>
        tpu.wait_dma2 semaphore(%arg17 : memref<!tpu.dma_semaphore, #tpu.memory_space<semaphore_mem>>) src(%dma_wait3A_540 : memref<4x125xi32, #tpu.memory_space<hbm>>) dst(%dma_wait3A_533 : memref<4x125xi32, #tpu.memory_space<vmem>>)
        %dma_wait3A_541 = arith.constant 1 : i32
        %dma_wait3A_542 = arith.constant 0 : i32
        %dma_wait3A_543 = arith.constant 0 : i32
        %dma_wait3A_544 = tpu.memref_slice %arg14[%dma_wait3A_541, %dma_wait3A_542, %dma_wait3A_543] : memref<2x4x125xi32, #tpu.memory_space<vmem>> -> memref<1x4x125xi32, #tpu.memory_space<vmem>>
        %dma_wait3A_545 = tpu.memref_squeeze %dma_wait3A_544 : memref<1x4x125xi32, #tpu.memory_space<vmem>> -> memref<4x125xi32, #tpu.memory_space<vmem>>
        %dma_wait3A_546 = arith.constant 0 : i32
        %dma_wait3A_547 = arith.constant 0 : i32
        %dma_wait3A_548 = tpu.memref_slice %arg6[%cond3A_10, %dma_wait3A_546, %dma_wait3A_547] : memref<2x12800x125xi32, #tpu.memory_space<hbm>> -> memref<1x12800x125xi32, #tpu.memory_space<hbm>>
        %dma_wait3A_549 = tpu.memref_squeeze %dma_wait3A_548 : memref<1x12800x125xi32, #tpu.memory_space<hbm>> -> memref<12800x125xi32, #tpu.memory_space<hbm>>
        %dma_wait3A_550 = arith.constant 0 : i32
        %dma_wait3A_551 = arith.constant 0 : i32
        %dma_wait3A_552 = tpu.memref_slice %dma_wait3A_549[%dma_wait3A_550, %dma_wait3A_551] : memref<12800x125xi32, #tpu.memory_space<hbm>> -> memref<4x125xi32, #tpu.memory_space<hbm>>
        %dma_wait3A_553 = arith.constant 0 : i32
        %dma_wait3A_554 = arith.constant 0 : i32
        %dma_wait3A_555 = tpu.memref_slice %arg14[%dma_wait3A_541, %dma_wait3A_553, %dma_wait3A_554] : memref<2x4x125xi32, #tpu.memory_space<vmem>> -> memref<1x4x125xi32, #tpu.memory_space<vmem>>
        %dma_wait3A_556 = tpu.memref_squeeze %dma_wait3A_555 : memref<1x4x125xi32, #tpu.memory_space<vmem>> -> memref<4x125xi32, #tpu.memory_space<vmem>>
        %dma_wait3A_557 = arith.constant 0 : i32
        %dma_wait3A_558 = arith.constant 0 : i32
        %dma_wait3A_559 = tpu.memref_slice %arg6[%cond3A_10, %dma_wait3A_557, %dma_wait3A_558] : memref<2x12800x125xi32, #tpu.memory_space<hbm>> -> memref<1x12800x125xi32, #tpu.memory_space<hbm>>
        %dma_wait3A_560 = tpu.memref_squeeze %dma_wait3A_559 : memref<1x12800x125xi32, #tpu.memory_space<hbm>> -> memref<12800x125xi32, #tpu.memory_space<hbm>>
        %dma_wait3A_561 = arith.constant 0 : i32
        %dma_wait3A_562 = arith.constant 0 : i32
        %dma_wait3A_563 = tpu.memref_slice %dma_wait3A_560[%dma_wait3A_561, %dma_wait3A_562] : memref<12800x125xi32, #tpu.memory_space<hbm>> -> memref<4x125xi32, #tpu.memory_space<hbm>>
        tpu.wait_dma2 semaphore(%arg17 : memref<!tpu.dma_semaphore, #tpu.memory_space<semaphore_mem>>) src(%dma_wait3A_563 : memref<4x125xi32, #tpu.memory_space<hbm>>) dst(%dma_wait3A_556 : memref<4x125xi32, #tpu.memory_space<vmem>>)
        %dma_wait3A_564 = arith.constant 0 : i32
        %dma_wait3A_565 = arith.constant 0 : i32
        %dma_wait3A_566 = arith.constant 0 : i32
        %dma_wait3A_567 = arith.constant 0 : i32
        %dma_wait3A_568 = tpu.memref_slice %arg15[%dma_wait3A_564, %dma_wait3A_565, %dma_wait3A_566, %dma_wait3A_567] : memref<2x4x125x16xf32, #tpu.memory_space<vmem>> -> memref<1x1x125x16xf32, #tpu.memory_space<vmem>>
        %dma_wait3A_569 = tpu.memref_squeeze %dma_wait3A_568 : memref<1x1x125x16xf32, #tpu.memory_space<vmem>> -> memref<125x16xf32, #tpu.memory_space<vmem>>
        %dma_wait3A_570 = arith.constant 0 : i32
        %dma_wait3A_571 = arith.constant 0 : i32
        %dma_wait3A_572 = tpu.memref_slice %arg4[%dma_wait3A_570, %dma_wait3A_571] : memref<100000x16xf32, #tpu.memory_space<hbm>> -> memref<125x16xf32, #tpu.memory_space<hbm>>
        %dma_wait3A_573 = arith.constant 0 : i32
        %dma_wait3A_574 = arith.constant 0 : i32
        %dma_wait3A_575 = tpu.memref_slice %arg15[%dma_wait3A_564, %dma_wait3A_565, %dma_wait3A_573, %dma_wait3A_574] : memref<2x4x125x16xf32, #tpu.memory_space<vmem>> -> memref<1x1x125x16xf32, #tpu.memory_space<vmem>>
        %dma_wait3A_576 = tpu.memref_squeeze %dma_wait3A_575 : memref<1x1x125x16xf32, #tpu.memory_space<vmem>> -> memref<125x16xf32, #tpu.memory_space<vmem>>
        %dma_wait3A_577 = arith.constant 0 : i32
        %dma_wait3A_578 = arith.constant 0 : i32
        %dma_wait3A_579 = tpu.memref_slice %arg4[%dma_wait3A_577, %dma_wait3A_578] : memref<100000x16xf32, #tpu.memory_space<hbm>> -> memref<125x16xf32, #tpu.memory_space<hbm>>
        tpu.wait_dma2 semaphore(%arg19 : memref<!tpu.dma_semaphore, #tpu.memory_space<semaphore_mem>>) src(%dma_wait3A_579 : memref<125x16xf32, #tpu.memory_space<hbm>>) dst(%dma_wait3A_576 : memref<125x16xf32, #tpu.memory_space<vmem>>)
        %dma_wait3A_580 = arith.constant 0 : i32
        %dma_wait3A_581 = arith.constant 1 : i32
        %dma_wait3A_582 = arith.constant 0 : i32
        %dma_wait3A_583 = arith.constant 0 : i32
        %dma_wait3A_584 = tpu.memref_slice %arg15[%dma_wait3A_580, %dma_wait3A_581, %dma_wait3A_582, %dma_wait3A_583] : memref<2x4x125x16xf32, #tpu.memory_space<vmem>> -> memref<1x1x125x16xf32, #tpu.memory_space<vmem>>
        %dma_wait3A_585 = tpu.memref_squeeze %dma_wait3A_584 : memref<1x1x125x16xf32, #tpu.memory_space<vmem>> -> memref<125x16xf32, #tpu.memory_space<vmem>>
        %dma_wait3A_586 = arith.constant 0 : i32
        %dma_wait3A_587 = arith.constant 0 : i32
        %dma_wait3A_588 = tpu.memref_slice %arg4[%dma_wait3A_586, %dma_wait3A_587] : memref<100000x16xf32, #tpu.memory_space<hbm>> -> memref<125x16xf32, #tpu.memory_space<hbm>>
        %dma_wait3A_589 = arith.constant 0 : i32
        %dma_wait3A_590 = arith.constant 0 : i32
        %dma_wait3A_591 = tpu.memref_slice %arg15[%dma_wait3A_580, %dma_wait3A_581, %dma_wait3A_589, %dma_wait3A_590] : memref<2x4x125x16xf32, #tpu.memory_space<vmem>> -> memref<1x1x125x16xf32, #tpu.memory_space<vmem>>
        %dma_wait3A_592 = tpu.memref_squeeze %dma_wait3A_591 : memref<1x1x125x16xf32, #tpu.memory_space<vmem>> -> memref<125x16xf32, #tpu.memory_space<vmem>>
        %dma_wait3A_593 = arith.constant 0 : i32
        %dma_wait3A_594 = arith.constant 0 : i32
        %dma_wait3A_595 = tpu.memref_slice %arg4[%dma_wait3A_593, %dma_wait3A_594] : memref<100000x16xf32, #tpu.memory_space<hbm>> -> memref<125x16xf32, #tpu.memory_space<hbm>>
        tpu.wait_dma2 semaphore(%arg19 : memref<!tpu.dma_semaphore, #tpu.memory_space<semaphore_mem>>) src(%dma_wait3A_595 : memref<125x16xf32, #tpu.memory_space<hbm>>) dst(%dma_wait3A_592 : memref<125x16xf32, #tpu.memory_space<vmem>>)
        %dma_wait3A_596 = arith.constant 0 : i32
        %dma_wait3A_597 = arith.constant 2 : i32
        %dma_wait3A_598 = arith.constant 0 : i32
        %dma_wait3A_599 = arith.constant 0 : i32
        %dma_wait3A_600 = tpu.memref_slice %arg15[%dma_wait3A_596, %dma_wait3A_597, %dma_wait3A_598, %dma_wait3A_599] : memref<2x4x125x16xf32, #tpu.memory_space<vmem>> -> memref<1x1x125x16xf32, #tpu.memory_space<vmem>>
        %dma_wait3A_601 = tpu.memref_squeeze %dma_wait3A_600 : memref<1x1x125x16xf32, #tpu.memory_space<vmem>> -> memref<125x16xf32, #tpu.memory_space<vmem>>
        %dma_wait3A_602 = arith.constant 0 : i32
        %dma_wait3A_603 = arith.constant 0 : i32
        %dma_wait3A_604 = tpu.memref_slice %arg4[%dma_wait3A_602, %dma_wait3A_603] : memref<100000x16xf32, #tpu.memory_space<hbm>> -> memref<125x16xf32, #tpu.memory_space<hbm>>
        %dma_wait3A_605 = arith.constant 0 : i32
        %dma_wait3A_606 = arith.constant 0 : i32
        %dma_wait3A_607 = tpu.memref_slice %arg15[%dma_wait3A_596, %dma_wait3A_597, %dma_wait3A_605, %dma_wait3A_606] : memref<2x4x125x16xf32, #tpu.memory_space<vmem>> -> memref<1x1x125x16xf32, #tpu.memory_space<vmem>>
        %dma_wait3A_608 = tpu.memref_squeeze %dma_wait3A_607 : memref<1x1x125x16xf32, #tpu.memory_space<vmem>> -> memref<125x16xf32, #tpu.memory_space<vmem>>
        %dma_wait3A_609 = arith.constant 0 : i32
        %dma_wait3A_610 = arith.constant 0 : i32
        %dma_wait3A_611 = tpu.memref_slice %arg4[%dma_wait3A_609, %dma_wait3A_610] : memref<100000x16xf32, #tpu.memory_space<hbm>> -> memref<125x16xf32, #tpu.memory_space<hbm>>
        tpu.wait_dma2 semaphore(%arg19 : memref<!tpu.dma_semaphore, #tpu.memory_space<semaphore_mem>>) src(%dma_wait3A_611 : memref<125x16xf32, #tpu.memory_space<hbm>>) dst(%dma_wait3A_608 : memref<125x16xf32, #tpu.memory_space<vmem>>)
        %dma_wait3A_612 = arith.constant 0 : i32
        %dma_wait3A_613 = arith.constant 3 : i32
        %dma_wait3A_614 = arith.constant 0 : i32
        %dma_wait3A_615 = arith.constant 0 : i32
        %dma_wait3A_616 = tpu.memref_slice %arg15[%dma_wait3A_612, %dma_wait3A_613, %dma_wait3A_614, %dma_wait3A_615] : memref<2x4x125x16xf32, #tpu.memory_space<vmem>> -> memref<1x1x125x16xf32, #tpu.memory_space<vmem>>
        %dma_wait3A_617 = tpu.memref_squeeze %dma_wait3A_616 : memref<1x1x125x16xf32, #tpu.memory_space<vmem>> -> memref<125x16xf32, #tpu.memory_space<vmem>>
        %dma_wait3A_618 = arith.constant 0 : i32
        %dma_wait3A_619 = arith.constant 0 : i32
        %dma_wait3A_620 = tpu.memref_slice %arg4[%dma_wait3A_618, %dma_wait3A_619] : memref<100000x16xf32, #tpu.memory_space<hbm>> -> memref<125x16xf32, #tpu.memory_space<hbm>>
        %dma_wait3A_621 = arith.constant 0 : i32
        %dma_wait3A_622 = arith.constant 0 : i32
        %dma_wait3A_623 = tpu.memref_slice %arg15[%dma_wait3A_612, %dma_wait3A_613, %dma_wait3A_621, %dma_wait3A_622] : memref<2x4x125x16xf32, #tpu.memory_space<vmem>> -> memref<1x1x125x16xf32, #tpu.memory_space<vmem>>
        %dma_wait3A_624 = tpu.memref_squeeze %dma_wait3A_623 : memref<1x1x125x16xf32, #tpu.memory_space<vmem>> -> memref<125x16xf32, #tpu.memory_space<vmem>>
        %dma_wait3A_625 = arith.constant 0 : i32
        %dma_wait3A_626 = arith.constant 0 : i32
        %dma_wait3A_627 = tpu.memref_slice %arg4[%dma_wait3A_625, %dma_wait3A_626] : memref<100000x16xf32, #tpu.memory_space<hbm>> -> memref<125x16xf32, #tpu.memory_space<hbm>>
        tpu.wait_dma2 semaphore(%arg19 : memref<!tpu.dma_semaphore, #tpu.memory_space<semaphore_mem>>) src(%dma_wait3A_627 : memref<125x16xf32, #tpu.memory_space<hbm>>) dst(%dma_wait3A_624 : memref<125x16xf32, #tpu.memory_space<vmem>>)
        %lt3A = arith.constant 99 : i32
        %lt3A_628 = arith.cmpi slt, %scan3A_240, %lt3A : i32
        %convert_element_type3A_629 = arith.extui %lt3A_628 : i1 to i32
        %cond3A_630 = arith.constant 0 : i32
        %cond3A_631 = arith.cmpi ne, %convert_element_type3A_629, %cond3A_630 : i32
        scf.if %cond3A_631 {
          %dma_start3A_800 = arith.constant 0 : i32
          %dma_start3A_801 = arith.constant 0 : i32
          %dma_start3A_802 = arith.constant 0 : i32
          %dma_start3A_803 = tpu.memref_slice %arg13[%dma_start3A_800, %dma_start3A_801, %dma_start3A_802] : memref<2x4x125xi32, #tpu.memory_space<vmem>> -> memref<1x4x125xi32, #tpu.memory_space<vmem>>
          %dma_start3A_804 = tpu.memref_squeeze %dma_start3A_803 : memref<1x4x125xi32, #tpu.memory_space<vmem>> -> memref<4x125xi32, #tpu.memory_space<vmem>>
          %dma_start3A_805 = arith.constant 0 : i32
          %dma_start3A_806 = arith.constant 0 : i32
          %dma_start3A_807 = tpu.memref_slice %arg6[%cond3A_10, %dma_start3A_805, %dma_start3A_806] : memref<2x12800x125xi32, #tpu.memory_space<hbm>> -> memref<1x12800x125xi32, #tpu.memory_space<hbm>>
          %dma_start3A_808 = tpu.memref_squeeze %dma_start3A_807 : memref<1x12800x125xi32, #tpu.memory_space<hbm>> -> memref<12800x125xi32, #tpu.memory_space<hbm>>
          %dma_start3A_809 = arith.constant 0 : i32
          %dma_start3A_810 = tpu.memref_slice %dma_start3A_808[%add3A_517, %dma_start3A_809] : memref<12800x125xi32, #tpu.memory_space<hbm>> -> memref<4x125xi32, #tpu.memory_space<hbm>>
          %dma_start3A_811 = arith.constant 0 : i32
          %dma_start3A_812 = arith.constant 0 : i32
          %dma_start3A_813 = tpu.memref_slice %arg13[%dma_start3A_800, %dma_start3A_811, %dma_start3A_812] : memref<2x4x125xi32, #tpu.memory_space<vmem>> -> memref<1x4x125xi32, #tpu.memory_space<vmem>>
          %dma_start3A_814 = tpu.memref_squeeze %dma_start3A_813 : memref<1x4x125xi32, #tpu.memory_space<vmem>> -> memref<4x125xi32, #tpu.memory_space<vmem>>
          %dma_start3A_815 = arith.constant 0 : i32
          %dma_start3A_816 = arith.constant 0 : i32
          %dma_start3A_817 = tpu.memref_slice %arg6[%cond3A_10, %dma_start3A_815, %dma_start3A_816] : memref<2x12800x125xi32, #tpu.memory_space<hbm>> -> memref<1x12800x125xi32, #tpu.memory_space<hbm>>
          %dma_start3A_818 = tpu.memref_squeeze %dma_start3A_817 : memref<1x12800x125xi32, #tpu.memory_space<hbm>> -> memref<12800x125xi32, #tpu.memory_space<hbm>>
          %dma_start3A_819 = arith.constant 0 : i32
          %dma_start3A_820 = tpu.memref_slice %dma_start3A_818[%add3A_517, %dma_start3A_819] : memref<12800x125xi32, #tpu.memory_space<hbm>> -> memref<4x125xi32, #tpu.memory_space<hbm>>
          tpu.enqueue_dma source(%dma_start3A_820 : memref<4x125xi32, #tpu.memory_space<hbm>>) target(%dma_start3A_814 : memref<4x125xi32, #tpu.memory_space<vmem>>) target_semaphore(%arg16 : memref<!tpu.dma_semaphore, #tpu.memory_space<semaphore_mem>>)
          %dma_start3A_821 = arith.constant 0 : i32
          %dma_start3A_822 = arith.constant 0 : i32
          %dma_start3A_823 = arith.constant 0 : i32
          %dma_start3A_824 = tpu.memref_slice %arg14[%dma_start3A_821, %dma_start3A_822, %dma_start3A_823] : memref<2x4x125xi32, #tpu.memory_space<vmem>> -> memref<1x4x125xi32, #tpu.memory_space<vmem>>
          %dma_start3A_825 = tpu.memref_squeeze %dma_start3A_824 : memref<1x4x125xi32, #tpu.memory_space<vmem>> -> memref<4x125xi32, #tpu.memory_space<vmem>>
          %dma_start3A_826 = arith.constant 0 : i32
          %dma_start3A_827 = arith.constant 0 : i32
          %dma_start3A_828 = tpu.memref_slice %arg6[%cond3A_11, %dma_start3A_826, %dma_start3A_827] : memref<2x12800x125xi32, #tpu.memory_space<hbm>> -> memref<1x12800x125xi32, #tpu.memory_space<hbm>>
          %dma_start3A_829 = tpu.memref_squeeze %dma_start3A_828 : memref<1x12800x125xi32, #tpu.memory_space<hbm>> -> memref<12800x125xi32, #tpu.memory_space<hbm>>
          %dma_start3A_830 = arith.constant 0 : i32
          %dma_start3A_831 = tpu.memref_slice %dma_start3A_829[%add3A_517, %dma_start3A_830] : memref<12800x125xi32, #tpu.memory_space<hbm>> -> memref<4x125xi32, #tpu.memory_space<hbm>>
          %dma_start3A_832 = arith.constant 0 : i32
          %dma_start3A_833 = arith.constant 0 : i32
          %dma_start3A_834 = tpu.memref_slice %arg14[%dma_start3A_821, %dma_start3A_832, %dma_start3A_833] : memref<2x4x125xi32, #tpu.memory_space<vmem>> -> memref<1x4x125xi32, #tpu.memory_space<vmem>>
          %dma_start3A_835 = tpu.memref_squeeze %dma_start3A_834 : memref<1x4x125xi32, #tpu.memory_space<vmem>> -> memref<4x125xi32, #tpu.memory_space<vmem>>
          %dma_start3A_836 = arith.constant 0 : i32
          %dma_start3A_837 = arith.constant 0 : i32
          %dma_start3A_838 = tpu.memref_slice %arg6[%cond3A_11, %dma_start3A_836, %dma_start3A_837] : memref<2x12800x125xi32, #tpu.memory_space<hbm>> -> memref<1x12800x125xi32, #tpu.memory_space<hbm>>
          %dma_start3A_839 = tpu.memref_squeeze %dma_start3A_838 : memref<1x12800x125xi32, #tpu.memory_space<hbm>> -> memref<12800x125xi32, #tpu.memory_space<hbm>>
          %dma_start3A_840 = arith.constant 0 : i32
          %dma_start3A_841 = tpu.memref_slice %dma_start3A_839[%add3A_517, %dma_start3A_840] : memref<12800x125xi32, #tpu.memory_space<hbm>> -> memref<4x125xi32, #tpu.memory_space<hbm>>
          tpu.enqueue_dma source(%dma_start3A_841 : memref<4x125xi32, #tpu.memory_space<hbm>>) target(%dma_start3A_835 : memref<4x125xi32, #tpu.memory_space<vmem>>) target_semaphore(%arg16 : memref<!tpu.dma_semaphore, #tpu.memory_space<semaphore_mem>>)
        } else {
        }
        %dma_start3A_632 = arith.constant 1 : i32
        %dma_start3A_633 = arith.constant 0 : i32
        %dma_start3A_634 = arith.constant 1 : i32
        %dma_start3A_635 = arith.constant 0 : i32
        %dma_start3A_636 = arith.constant 0 : i32
        %dma_start3A_637 = arith.constant 0 : i32
        %dma_start3A_638 = tpu.memref_slice %arg15[%dma_start3A_634, %dma_start3A_635, %dma_start3A_636, %dma_start3A_637] : memref<2x4x125x16xf32, #tpu.memory_space<vmem>> -> memref<1x1x125x16xf32, #tpu.memory_space<vmem>>
        %dma_start3A_639 = tpu.memref_squeeze %dma_start3A_638 : memref<1x1x125x16xf32, #tpu.memory_space<vmem>> -> memref<125x16xf32, #tpu.memory_space<vmem>>
        %dma_start3A_640 = arith.constant 0 : i32
        %dma_start3A_641 = tpu.memref_slice %arg13[%dma_start3A_632, %dma_start3A_633, %dma_start3A_640] : memref<2x4x125xi32, #tpu.memory_space<vmem>> -> memref<1x1x125xi32, #tpu.memory_space<vmem>>
        %dma_start3A_642 = tpu.memref_squeeze %dma_start3A_641 : memref<1x1x125xi32, #tpu.memory_space<vmem>> -> memref<125xi32, #tpu.memory_space<vmem>>
        %dma_start3A_643 = arith.constant 0 : i32
        %dma_start3A_644 = arith.constant 0 : i32
        %dma_start3A_645 = tpu.memref_slice %arg4[%dma_start3A_643, %dma_start3A_644] : memref<100000x16xf32, #tpu.memory_space<hbm>> -> memref<100000x16xf32, #tpu.memory_space<hbm>>
        tpu.enqueue_indirect_dma source(%dma_start3A_645 : memref<100000x16xf32, #tpu.memory_space<hbm>>) target(%dma_start3A_639 : memref<125x16xf32, #tpu.memory_space<vmem>>) offsets(%dma_start3A_642 : memref<125xi32, #tpu.memory_space<vmem>>) semaphore(%arg18 : memref<!tpu.dma_semaphore, #tpu.memory_space<semaphore_mem>>)
        %dma_start3A_646 = arith.constant 1 : i32
        %dma_start3A_647 = arith.constant 1 : i32
        %dma_start3A_648 = arith.constant 1 : i32
        %dma_start3A_649 = arith.constant 1 : i32
        %dma_start3A_650 = arith.constant 0 : i32
        %dma_start3A_651 = arith.constant 0 : i32
        %dma_start3A_652 = tpu.memref_slice %arg15[%dma_start3A_648, %dma_start3A_649, %dma_start3A_650, %dma_start3A_651] : memref<2x4x125x16xf32, #tpu.memory_space<vmem>> -> memref<1x1x125x16xf32, #tpu.memory_space<vmem>>
        %dma_start3A_653 = tpu.memref_squeeze %dma_start3A_652 : memref<1x1x125x16xf32, #tpu.memory_space<vmem>> -> memref<125x16xf32, #tpu.memory_space<vmem>>
        %dma_start3A_654 = arith.constant 0 : i32
        %dma_start3A_655 = tpu.memref_slice %arg13[%dma_start3A_646, %dma_start3A_647, %dma_start3A_654] : memref<2x4x125xi32, #tpu.memory_space<vmem>> -> memref<1x1x125xi32, #tpu.memory_space<vmem>>
        %dma_start3A_656 = tpu.memref_squeeze %dma_start3A_655 : memref<1x1x125xi32, #tpu.memory_space<vmem>> -> memref<125xi32, #tpu.memory_space<vmem>>
        %dma_start3A_657 = arith.constant 0 : i32
        %dma_start3A_658 = arith.constant 0 : i32
        %dma_start3A_659 = tpu.memref_slice %arg4[%dma_start3A_657, %dma_start3A_658] : memref<100000x16xf32, #tpu.memory_space<hbm>> -> memref<100000x16xf32, #tpu.memory_space<hbm>>
        tpu.enqueue_indirect_dma source(%dma_start3A_659 : memref<100000x16xf32, #tpu.memory_space<hbm>>) target(%dma_start3A_653 : memref<125x16xf32, #tpu.memory_space<vmem>>) offsets(%dma_start3A_656 : memref<125xi32, #tpu.memory_space<vmem>>) semaphore(%arg18 : memref<!tpu.dma_semaphore, #tpu.memory_space<semaphore_mem>>)
        %dma_start3A_660 = arith.constant 1 : i32
        %dma_start3A_661 = arith.constant 2 : i32
        %dma_start3A_662 = arith.constant 1 : i32
        %dma_start3A_663 = arith.constant 2 : i32
        %dma_start3A_664 = arith.constant 0 : i32
        %dma_start3A_665 = arith.constant 0 : i32
        %dma_start3A_666 = tpu.memref_slice %arg15[%dma_start3A_662, %dma_start3A_663, %dma_start3A_664, %dma_start3A_665] : memref<2x4x125x16xf32, #tpu.memory_space<vmem>> -> memref<1x1x125x16xf32, #tpu.memory_space<vmem>>
        %dma_start3A_667 = tpu.memref_squeeze %dma_start3A_666 : memref<1x1x125x16xf32, #tpu.memory_space<vmem>> -> memref<125x16xf32, #tpu.memory_space<vmem>>
        %dma_start3A_668 = arith.constant 0 : i32
        %dma_start3A_669 = tpu.memref_slice %arg13[%dma_start3A_660, %dma_start3A_661, %dma_start3A_668] : memref<2x4x125xi32, #tpu.memory_space<vmem>> -> memref<1x1x125xi32, #tpu.memory_space<vmem>>
        %dma_start3A_670 = tpu.memref_squeeze %dma_start3A_669 : memref<1x1x125xi32, #tpu.memory_space<vmem>> -> memref<125xi32, #tpu.memory_space<vmem>>
        %dma_start3A_671 = arith.constant 0 : i32
        %dma_start3A_672 = arith.constant 0 : i32
        %dma_start3A_673 = tpu.memref_slice %arg4[%dma_start3A_671, %dma_start3A_672] : memref<100000x16xf32, #tpu.memory_space<hbm>> -> memref<100000x16xf32, #tpu.memory_space<hbm>>
        tpu.enqueue_indirect_dma source(%dma_start3A_673 : memref<100000x16xf32, #tpu.memory_space<hbm>>) target(%dma_start3A_667 : memref<125x16xf32, #tpu.memory_space<vmem>>) offsets(%dma_start3A_670 : memref<125xi32, #tpu.memory_space<vmem>>) semaphore(%arg18 : memref<!tpu.dma_semaphore, #tpu.memory_space<semaphore_mem>>)
        %dma_start3A_674 = arith.constant 1 : i32
        %dma_start3A_675 = arith.constant 3 : i32
        %dma_start3A_676 = arith.constant 1 : i32
        %dma_start3A_677 = arith.constant 3 : i32
        %dma_start3A_678 = arith.constant 0 : i32
        %dma_start3A_679 = arith.constant 0 : i32
        %dma_start3A_680 = tpu.memref_slice %arg15[%dma_start3A_676, %dma_start3A_677, %dma_start3A_678, %dma_start3A_679] : memref<2x4x125x16xf32, #tpu.memory_space<vmem>> -> memref<1x1x125x16xf32, #tpu.memory_space<vmem>>
        %dma_start3A_681 = tpu.memref_squeeze %dma_start3A_680 : memref<1x1x125x16xf32, #tpu.memory_space<vmem>> -> memref<125x16xf32, #tpu.memory_space<vmem>>
        %dma_start3A_682 = arith.constant 0 : i32
        %dma_start3A_683 = tpu.memref_slice %arg13[%dma_start3A_674, %dma_start3A_675, %dma_start3A_682] : memref<2x4x125xi32, #tpu.memory_space<vmem>> -> memref<1x1x125xi32, #tpu.memory_space<vmem>>
        %dma_start3A_684 = tpu.memref_squeeze %dma_start3A_683 : memref<1x1x125xi32, #tpu.memory_space<vmem>> -> memref<125xi32, #tpu.memory_space<vmem>>
        %dma_start3A_685 = arith.constant 0 : i32
        %dma_start3A_686 = arith.constant 0 : i32
        %dma_start3A_687 = tpu.memref_slice %arg4[%dma_start3A_685, %dma_start3A_686] : memref<100000x16xf32, #tpu.memory_space<hbm>> -> memref<100000x16xf32, #tpu.memory_space<hbm>>
        tpu.enqueue_indirect_dma source(%dma_start3A_687 : memref<100000x16xf32, #tpu.memory_space<hbm>>) target(%dma_start3A_681 : memref<125x16xf32, #tpu.memory_space<vmem>>) offsets(%dma_start3A_684 : memref<125xi32, #tpu.memory_space<vmem>>) semaphore(%arg18 : memref<!tpu.dma_semaphore, #tpu.memory_space<semaphore_mem>>)
        %dma_wait3A_688 = arith.constant 1 : i32
        %dma_wait3A_689 = arith.constant 0 : i32
        %dma_wait3A_690 = arith.constant 1 : i32
        %dma_wait3A_691 = arith.constant 0 : i32
        %dma_wait3A_692 = arith.constant 0 : i32
        %dma_wait3A_693 = arith.constant 0 : i32
        %dma_wait3A_694 = tpu.memref_slice %arg15[%dma_wait3A_690, %dma_wait3A_691, %dma_wait3A_692, %dma_wait3A_693] : memref<2x4x125x16xf32, #tpu.memory_space<vmem>> -> memref<1x1x125x16xf32, #tpu.memory_space<vmem>>
        %dma_wait3A_695 = tpu.memref_squeeze %dma_wait3A_694 : memref<1x1x125x16xf32, #tpu.memory_space<vmem>> -> memref<125x16xf32, #tpu.memory_space<vmem>>
        %dma_wait3A_696 = arith.constant 0 : i32
        %dma_wait3A_697 = tpu.memref_slice %arg13[%dma_wait3A_688, %dma_wait3A_689, %dma_wait3A_696] : memref<2x4x125xi32, #tpu.memory_space<vmem>> -> memref<1x1x125xi32, #tpu.memory_space<vmem>>
        %dma_wait3A_698 = tpu.memref_squeeze %dma_wait3A_697 : memref<1x1x125xi32, #tpu.memory_space<vmem>> -> memref<125xi32, #tpu.memory_space<vmem>>
        %dma_wait3A_699 = arith.constant 0 : i32
        %dma_wait3A_700 = arith.constant 0 : i32
        %dma_wait3A_701 = tpu.memref_slice %arg4[%dma_wait3A_699, %dma_wait3A_700] : memref<100000x16xf32, #tpu.memory_space<hbm>> -> memref<100000x16xf32, #tpu.memory_space<hbm>>
        tpu.wait_indirect_dma semaphore(%arg18 : memref<!tpu.dma_semaphore, #tpu.memory_space<semaphore_mem>>) src(%dma_wait3A_701 : memref<100000x16xf32, #tpu.memory_space<hbm>>) dst(%dma_wait3A_695 : memref<125x16xf32, #tpu.memory_space<vmem>>)
        %dma_wait3A_702 = arith.constant 1 : i32
        %dma_wait3A_703 = arith.constant 1 : i32
        %dma_wait3A_704 = arith.constant 1 : i32
        %dma_wait3A_705 = arith.constant 1 : i32
        %dma_wait3A_706 = arith.constant 0 : i32
        %dma_wait3A_707 = arith.constant 0 : i32
        %dma_wait3A_708 = tpu.memref_slice %arg15[%dma_wait3A_704, %dma_wait3A_705, %dma_wait3A_706, %dma_wait3A_707] : memref<2x4x125x16xf32, #tpu.memory_space<vmem>> -> memref<1x1x125x16xf32, #tpu.memory_space<vmem>>
        %dma_wait3A_709 = tpu.memref_squeeze %dma_wait3A_708 : memref<1x1x125x16xf32, #tpu.memory_space<vmem>> -> memref<125x16xf32, #tpu.memory_space<vmem>>
        %dma_wait3A_710 = arith.constant 0 : i32
        %dma_wait3A_711 = tpu.memref_slice %arg13[%dma_wait3A_702, %dma_wait3A_703, %dma_wait3A_710] : memref<2x4x125xi32, #tpu.memory_space<vmem>> -> memref<1x1x125xi32, #tpu.memory_space<vmem>>
        %dma_wait3A_712 = tpu.memref_squeeze %dma_wait3A_711 : memref<1x1x125xi32, #tpu.memory_space<vmem>> -> memref<125xi32, #tpu.memory_space<vmem>>
        %dma_wait3A_713 = arith.constant 0 : i32
        %dma_wait3A_714 = arith.constant 0 : i32
        %dma_wait3A_715 = tpu.memref_slice %arg4[%dma_wait3A_713, %dma_wait3A_714] : memref<100000x16xf32, #tpu.memory_space<hbm>> -> memref<100000x16xf32, #tpu.memory_space<hbm>>
        tpu.wait_indirect_dma semaphore(%arg18 : memref<!tpu.dma_semaphore, #tpu.memory_space<semaphore_mem>>) src(%dma_wait3A_715 : memref<100000x16xf32, #tpu.memory_space<hbm>>) dst(%dma_wait3A_709 : memref<125x16xf32, #tpu.memory_space<vmem>>)
        %dma_wait3A_716 = arith.constant 1 : i32
        %dma_wait3A_717 = arith.constant 2 : i32
        %dma_wait3A_718 = arith.constant 1 : i32
        %dma_wait3A_719 = arith.constant 2 : i32
        %dma_wait3A_720 = arith.constant 0 : i32
        %dma_wait3A_721 = arith.constant 0 : i32
        %dma_wait3A_722 = tpu.memref_slice %arg15[%dma_wait3A_718, %dma_wait3A_719, %dma_wait3A_720, %dma_wait3A_721] : memref<2x4x125x16xf32, #tpu.memory_space<vmem>> -> memref<1x1x125x16xf32, #tpu.memory_space<vmem>>
        %dma_wait3A_723 = tpu.memref_squeeze %dma_wait3A_722 : memref<1x1x125x16xf32, #tpu.memory_space<vmem>> -> memref<125x16xf32, #tpu.memory_space<vmem>>
        %dma_wait3A_724 = arith.constant 0 : i32
        %dma_wait3A_725 = tpu.memref_slice %arg13[%dma_wait3A_716, %dma_wait3A_717, %dma_wait3A_724] : memref<2x4x125xi32, #tpu.memory_space<vmem>> -> memref<1x1x125xi32, #tpu.memory_space<vmem>>
        %dma_wait3A_726 = tpu.memref_squeeze %dma_wait3A_725 : memref<1x1x125xi32, #tpu.memory_space<vmem>> -> memref<125xi32, #tpu.memory_space<vmem>>
        %dma_wait3A_727 = arith.constant 0 : i32
        %dma_wait3A_728 = arith.constant 0 : i32
        %dma_wait3A_729 = tpu.memref_slice %arg4[%dma_wait3A_727, %dma_wait3A_728] : memref<100000x16xf32, #tpu.memory_space<hbm>> -> memref<100000x16xf32, #tpu.memory_space<hbm>>
        tpu.wait_indirect_dma semaphore(%arg18 : memref<!tpu.dma_semaphore, #tpu.memory_space<semaphore_mem>>) src(%dma_wait3A_729 : memref<100000x16xf32, #tpu.memory_space<hbm>>) dst(%dma_wait3A_723 : memref<125x16xf32, #tpu.memory_space<vmem>>)
        %dma_wait3A_730 = arith.constant 1 : i32
        %dma_wait3A_731 = arith.constant 3 : i32
        %dma_wait3A_732 = arith.constant 1 : i32
        %dma_wait3A_733 = arith.constant 3 : i32
        %dma_wait3A_734 = arith.constant 0 : i32
        %dma_wait3A_735 = arith.constant 0 : i32
        %dma_wait3A_736 = tpu.memref_slice %arg15[%dma_wait3A_732, %dma_wait3A_733, %dma_wait3A_734, %dma_wait3A_735] : memref<2x4x125x16xf32, #tpu.memory_space<vmem>> -> memref<1x1x125x16xf32, #tpu.memory_space<vmem>>
        %dma_wait3A_737 = tpu.memref_squeeze %dma_wait3A_736 : memref<1x1x125x16xf32, #tpu.memory_space<vmem>> -> memref<125x16xf32, #tpu.memory_space<vmem>>
        %dma_wait3A_738 = arith.constant 0 : i32
        %dma_wait3A_739 = tpu.memref_slice %arg13[%dma_wait3A_730, %dma_wait3A_731, %dma_wait3A_738] : memref<2x4x125xi32, #tpu.memory_space<vmem>> -> memref<1x1x125xi32, #tpu.memory_space<vmem>>
        %dma_wait3A_740 = tpu.memref_squeeze %dma_wait3A_739 : memref<1x1x125xi32, #tpu.memory_space<vmem>> -> memref<125xi32, #tpu.memory_space<vmem>>
        %dma_wait3A_741 = arith.constant 0 : i32
        %dma_wait3A_742 = arith.constant 0 : i32
        %dma_wait3A_743 = tpu.memref_slice %arg4[%dma_wait3A_741, %dma_wait3A_742] : memref<100000x16xf32, #tpu.memory_space<hbm>> -> memref<100000x16xf32, #tpu.memory_space<hbm>>
        tpu.wait_indirect_dma semaphore(%arg18 : memref<!tpu.dma_semaphore, #tpu.memory_space<semaphore_mem>>) src(%dma_wait3A_743 : memref<100000x16xf32, #tpu.memory_space<hbm>>) dst(%dma_wait3A_737 : memref<125x16xf32, #tpu.memory_space<vmem>>)
        %dma_start3A_744 = arith.constant 1 : i32
        %dma_start3A_745 = arith.constant 0 : i32
        %dma_start3A_746 = arith.constant 1 : i32
        %dma_start3A_747 = arith.constant 0 : i32
        %dma_start3A_748 = arith.constant 0 : i32
        %dma_start3A_749 = arith.constant 0 : i32
        %dma_start3A_750 = tpu.memref_slice %arg15[%dma_start3A_744, %dma_start3A_745, %dma_start3A_748, %dma_start3A_749] : memref<2x4x125x16xf32, #tpu.memory_space<vmem>> -> memref<1x1x125x16xf32, #tpu.memory_space<vmem>>
        %dma_start3A_751 = tpu.memref_squeeze %dma_start3A_750 : memref<1x1x125x16xf32, #tpu.memory_space<vmem>> -> memref<125x16xf32, #tpu.memory_space<vmem>>
        %dma_start3A_752 = arith.constant 0 : i32
        %dma_start3A_753 = tpu.memref_slice %arg14[%dma_start3A_746, %dma_start3A_747, %dma_start3A_752] : memref<2x4x125xi32, #tpu.memory_space<vmem>> -> memref<1x1x125xi32, #tpu.memory_space<vmem>>
        %dma_start3A_754 = tpu.memref_squeeze %dma_start3A_753 : memref<1x1x125xi32, #tpu.memory_space<vmem>> -> memref<125xi32, #tpu.memory_space<vmem>>
        %dma_start3A_755 = arith.constant 0 : i32
        %dma_start3A_756 = arith.constant 0 : i32
        %dma_start3A_757 = tpu.memref_slice %arg12[%dma_start3A_755, %dma_start3A_756] : memref<100000x16xf32, #tpu.memory_space<vmem_shared>> -> memref<100000x16xf32, #tpu.memory_space<vmem_shared>>
        tpu.enqueue_indirect_dma source(%dma_start3A_751 : memref<125x16xf32, #tpu.memory_space<vmem>>) target(%dma_start3A_757 : memref<100000x16xf32, #tpu.memory_space<vmem_shared>>) offsets(%dma_start3A_754 : memref<125xi32, #tpu.memory_space<vmem>>) semaphore(%arg20 : memref<!tpu.dma_semaphore, #tpu.memory_space<semaphore_mem>>) {add = true}
        %dma_start3A_758 = arith.constant 1 : i32
        %dma_start3A_759 = arith.constant 1 : i32
        %dma_start3A_760 = arith.constant 1 : i32
        %dma_start3A_761 = arith.constant 1 : i32
        %dma_start3A_762 = arith.constant 0 : i32
        %dma_start3A_763 = arith.constant 0 : i32
        %dma_start3A_764 = tpu.memref_slice %arg15[%dma_start3A_758, %dma_start3A_759, %dma_start3A_762, %dma_start3A_763] : memref<2x4x125x16xf32, #tpu.memory_space<vmem>> -> memref<1x1x125x16xf32, #tpu.memory_space<vmem>>
        %dma_start3A_765 = tpu.memref_squeeze %dma_start3A_764 : memref<1x1x125x16xf32, #tpu.memory_space<vmem>> -> memref<125x16xf32, #tpu.memory_space<vmem>>
        %dma_start3A_766 = arith.constant 0 : i32
        %dma_start3A_767 = tpu.memref_slice %arg14[%dma_start3A_760, %dma_start3A_761, %dma_start3A_766] : memref<2x4x125xi32, #tpu.memory_space<vmem>> -> memref<1x1x125xi32, #tpu.memory_space<vmem>>
        %dma_start3A_768 = tpu.memref_squeeze %dma_start3A_767 : memref<1x1x125xi32, #tpu.memory_space<vmem>> -> memref<125xi32, #tpu.memory_space<vmem>>
        %dma_start3A_769 = arith.constant 0 : i32
        %dma_start3A_770 = arith.constant 0 : i32
        %dma_start3A_771 = tpu.memref_slice %arg12[%dma_start3A_769, %dma_start3A_770] : memref<100000x16xf32, #tpu.memory_space<vmem_shared>> -> memref<100000x16xf32, #tpu.memory_space<vmem_shared>>
        tpu.enqueue_indirect_dma source(%dma_start3A_765 : memref<125x16xf32, #tpu.memory_space<vmem>>) target(%dma_start3A_771 : memref<100000x16xf32, #tpu.memory_space<vmem_shared>>) offsets(%dma_start3A_768 : memref<125xi32, #tpu.memory_space<vmem>>) semaphore(%arg20 : memref<!tpu.dma_semaphore, #tpu.memory_space<semaphore_mem>>) {add = true}
        %dma_start3A_772 = arith.constant 1 : i32
        %dma_start3A_773 = arith.constant 2 : i32
        %dma_start3A_774 = arith.constant 1 : i32
        %dma_start3A_775 = arith.constant 2 : i32
        %dma_start3A_776 = arith.constant 0 : i32
        %dma_start3A_777 = arith.constant 0 : i32
        %dma_start3A_778 = tpu.memref_slice %arg15[%dma_start3A_772, %dma_start3A_773, %dma_start3A_776, %dma_start3A_777] : memref<2x4x125x16xf32, #tpu.memory_space<vmem>> -> memref<1x1x125x16xf32, #tpu.memory_space<vmem>>
        %dma_start3A_779 = tpu.memref_squeeze %dma_start3A_778 : memref<1x1x125x16xf32, #tpu.memory_space<vmem>> -> memref<125x16xf32, #tpu.memory_space<vmem>>
        %dma_start3A_780 = arith.constant 0 : i32
        %dma_start3A_781 = tpu.memref_slice %arg14[%dma_start3A_774, %dma_start3A_775, %dma_start3A_780] : memref<2x4x125xi32, #tpu.memory_space<vmem>> -> memref<1x1x125xi32, #tpu.memory_space<vmem>>
        %dma_start3A_782 = tpu.memref_squeeze %dma_start3A_781 : memref<1x1x125xi32, #tpu.memory_space<vmem>> -> memref<125xi32, #tpu.memory_space<vmem>>
        %dma_start3A_783 = arith.constant 0 : i32
        %dma_start3A_784 = arith.constant 0 : i32
        %dma_start3A_785 = tpu.memref_slice %arg12[%dma_start3A_783, %dma_start3A_784] : memref<100000x16xf32, #tpu.memory_space<vmem_shared>> -> memref<100000x16xf32, #tpu.memory_space<vmem_shared>>
        tpu.enqueue_indirect_dma source(%dma_start3A_779 : memref<125x16xf32, #tpu.memory_space<vmem>>) target(%dma_start3A_785 : memref<100000x16xf32, #tpu.memory_space<vmem_shared>>) offsets(%dma_start3A_782 : memref<125xi32, #tpu.memory_space<vmem>>) semaphore(%arg20 : memref<!tpu.dma_semaphore, #tpu.memory_space<semaphore_mem>>) {add = true}
        %dma_start3A_786 = arith.constant 1 : i32
        %dma_start3A_787 = arith.constant 3 : i32
        %dma_start3A_788 = arith.constant 1 : i32
        %dma_start3A_789 = arith.constant 3 : i32
        %dma_start3A_790 = arith.constant 0 : i32
        %dma_start3A_791 = arith.constant 0 : i32
        %dma_start3A_792 = tpu.memref_slice %arg15[%dma_start3A_786, %dma_start3A_787, %dma_start3A_790, %dma_start3A_791] : memref<2x4x125x16xf32, #tpu.memory_space<vmem>> -> memref<1x1x125x16xf32, #tpu.memory_space<vmem>>
        %dma_start3A_793 = tpu.memref_squeeze %dma_start3A_792 : memref<1x1x125x16xf32, #tpu.memory_space<vmem>> -> memref<125x16xf32, #tpu.memory_space<vmem>>
        %dma_start3A_794 = arith.constant 0 : i32
        %dma_start3A_795 = tpu.memref_slice %arg14[%dma_start3A_788, %dma_start3A_789, %dma_start3A_794] : memref<2x4x125xi32, #tpu.memory_space<vmem>> -> memref<1x1x125xi32, #tpu.memory_space<vmem>>
        %dma_start3A_796 = tpu.memref_squeeze %dma_start3A_795 : memref<1x1x125xi32, #tpu.memory_space<vmem>> -> memref<125xi32, #tpu.memory_space<vmem>>
        %dma_start3A_797 = arith.constant 0 : i32
        %dma_start3A_798 = arith.constant 0 : i32
        %dma_start3A_799 = tpu.memref_slice %arg12[%dma_start3A_797, %dma_start3A_798] : memref<100000x16xf32, #tpu.memory_space<vmem_shared>> -> memref<100000x16xf32, #tpu.memory_space<vmem_shared>>
        tpu.enqueue_indirect_dma source(%dma_start3A_793 : memref<125x16xf32, #tpu.memory_space<vmem>>) target(%dma_start3A_799 : memref<100000x16xf32, #tpu.memory_space<vmem_shared>>) offsets(%dma_start3A_796 : memref<125xi32, #tpu.memory_space<vmem>>) semaphore(%arg20 : memref<!tpu.dma_semaphore, #tpu.memory_space<semaphore_mem>>) {add = true}
      }
      %scan3A_59 = arith.constant 100 : i32
      %dma_wait3A = arith.constant 1 : i32
      %dma_wait3A_60 = arith.constant 0 : i32
      %dma_wait3A_61 = arith.constant 0 : i32
      %dma_wait3A_62 = arith.constant 0 : i32
      %dma_wait3A_63 = tpu.memref_slice %arg15[%dma_wait3A, %dma_wait3A_60, %dma_wait3A_61, %dma_wait3A_62] : memref<2x4x125x16xf32, #tpu.memory_space<vmem>> -> memref<1x1x125x16xf32, #tpu.memory_space<vmem>>
      %dma_wait3A_64 = tpu.memref_squeeze %dma_wait3A_63 : memref<1x1x125x16xf32, #tpu.memory_space<vmem>> -> memref<125x16xf32, #tpu.memory_space<vmem>>
      %dma_wait3A_65 = arith.constant 0 : i32
      %dma_wait3A_66 = arith.constant 0 : i32
      %dma_wait3A_67 = tpu.memref_slice %arg4[%dma_wait3A_65, %dma_wait3A_66] : memref<100000x16xf32, #tpu.memory_space<hbm>> -> memref<125x16xf32, #tpu.memory_space<hbm>>
      %dma_wait3A_68 = arith.constant 0 : i32
      %dma_wait3A_69 = arith.constant 0 : i32
      %dma_wait3A_70 = tpu.memref_slice %arg15[%dma_wait3A, %dma_wait3A_60, %dma_wait3A_68, %dma_wait3A_69] : memref<2x4x125x16xf32, #tpu.memory_space<vmem>> -> memref<1x1x125x16xf32, #tpu.memory_space<vmem>>
      %dma_wait3A_71 = tpu.memref_squeeze %dma_wait3A_70 : memref<1x1x125x16xf32, #tpu.memory_space<vmem>> -> memref<125x16xf32, #tpu.memory_space<vmem>>
      %dma_wait3A_72 = arith.constant 0 : i32
      %dma_wait3A_73 = arith.constant 0 : i32
      %dma_wait3A_74 = tpu.memref_slice %arg4[%dma_wait3A_72, %dma_wait3A_73] : memref<100000x16xf32, #tpu.memory_space<hbm>> -> memref<125x16xf32, #tpu.memory_space<hbm>>
      tpu.wait_dma2 semaphore(%arg20 : memref<!tpu.dma_semaphore, #tpu.memory_space<semaphore_mem>>) src(%dma_wait3A_74 : memref<125x16xf32, #tpu.memory_space<hbm>>) dst(%dma_wait3A_71 : memref<125x16xf32, #tpu.memory_space<vmem>>)
      %dma_wait3A_75 = arith.constant 1 : i32
      %dma_wait3A_76 = arith.constant 1 : i32
      %dma_wait3A_77 = arith.constant 0 : i32
      %dma_wait3A_78 = arith.constant 0 : i32
      %dma_wait3A_79 = tpu.memref_slice %arg15[%dma_wait3A_75, %dma_wait3A_76, %dma_wait3A_77, %dma_wait3A_78] : memref<2x4x125x16xf32, #tpu.memory_space<vmem>> -> memref<1x1x125x16xf32, #tpu.memory_space<vmem>>
      %dma_wait3A_80 = tpu.memref_squeeze %dma_wait3A_79 : memref<1x1x125x16xf32, #tpu.memory_space<vmem>> -> memref<125x16xf32, #tpu.memory_space<vmem>>
      %dma_wait3A_81 = arith.constant 0 : i32
      %dma_wait3A_82 = arith.constant 0 : i32
      %dma_wait3A_83 = tpu.memref_slice %arg4[%dma_wait3A_81, %dma_wait3A_82] : memref<100000x16xf32, #tpu.memory_space<hbm>> -> memref<125x16xf32, #tpu.memory_space<hbm>>
      %dma_wait3A_84 = arith.constant 0 : i32
      %dma_wait3A_85 = arith.constant 0 : i32
      %dma_wait3A_86 = tpu.memref_slice %arg15[%dma_wait3A_75, %dma_wait3A_76, %dma_wait3A_84, %dma_wait3A_85] : memref<2x4x125x16xf32, #tpu.memory_space<vmem>> -> memref<1x1x125x16xf32, #tpu.memory_space<vmem>>
      %dma_wait3A_87 = tpu.memref_squeeze %dma_wait3A_86 : memref<1x1x125x16xf32, #tpu.memory_space<vmem>> -> memref<125x16xf32, #tpu.memory_space<vmem>>
      %dma_wait3A_88 = arith.constant 0 : i32
      %dma_wait3A_89 = arith.constant 0 : i32
      %dma_wait3A_90 = tpu.memref_slice %arg4[%dma_wait3A_88, %dma_wait3A_89] : memref<100000x16xf32, #tpu.memory_space<hbm>> -> memref<125x16xf32, #tpu.memory_space<hbm>>
      tpu.wait_dma2 semaphore(%arg20 : memref<!tpu.dma_semaphore, #tpu.memory_space<semaphore_mem>>) src(%dma_wait3A_90 : memref<125x16xf32, #tpu.memory_space<hbm>>) dst(%dma_wait3A_87 : memref<125x16xf32, #tpu.memory_space<vmem>>)
      %dma_wait3A_91 = arith.constant 1 : i32
      %dma_wait3A_92 = arith.constant 2 : i32
      %dma_wait3A_93 = arith.constant 0 : i32
      %dma_wait3A_94 = arith.constant 0 : i32
      %dma_wait3A_95 = tpu.memref_slice %arg15[%dma_wait3A_91, %dma_wait3A_92, %dma_wait3A_93, %dma_wait3A_94] : memref<2x4x125x16xf32, #tpu.memory_space<vmem>> -> memref<1x1x125x16xf32, #tpu.memory_space<vmem>>
      %dma_wait3A_96 = tpu.memref_squeeze %dma_wait3A_95 : memref<1x1x125x16xf32, #tpu.memory_space<vmem>> -> memref<125x16xf32, #tpu.memory_space<vmem>>
      %dma_wait3A_97 = arith.constant 0 : i32
      %dma_wait3A_98 = arith.constant 0 : i32
      %dma_wait3A_99 = tpu.memref_slice %arg4[%dma_wait3A_97, %dma_wait3A_98] : memref<100000x16xf32, #tpu.memory_space<hbm>> -> memref<125x16xf32, #tpu.memory_space<hbm>>
      %dma_wait3A_100 = arith.constant 0 : i32
      %dma_wait3A_101 = arith.constant 0 : i32
      %dma_wait3A_102 = tpu.memref_slice %arg15[%dma_wait3A_91, %dma_wait3A_92, %dma_wait3A_100, %dma_wait3A_101] : memref<2x4x125x16xf32, #tpu.memory_space<vmem>> -> memref<1x1x125x16xf32, #tpu.memory_space<vmem>>
      %dma_wait3A_103 = tpu.memref_squeeze %dma_wait3A_102 : memref<1x1x125x16xf32, #tpu.memory_space<vmem>> -> memref<125x16xf32, #tpu.memory_space<vmem>>
      %dma_wait3A_104 = arith.constant 0 : i32
      %dma_wait3A_105 = arith.constant 0 : i32
      %dma_wait3A_106 = tpu.memref_slice %arg4[%dma_wait3A_104, %dma_wait3A_105] : memref<100000x16xf32, #tpu.memory_space<hbm>> -> memref<125x16xf32, #tpu.memory_space<hbm>>
      tpu.wait_dma2 semaphore(%arg20 : memref<!tpu.dma_semaphore, #tpu.memory_space<semaphore_mem>>) src(%dma_wait3A_106 : memref<125x16xf32, #tpu.memory_space<hbm>>) dst(%dma_wait3A_103 : memref<125x16xf32, #tpu.memory_space<vmem>>)
      %dma_wait3A_107 = arith.constant 1 : i32
      %dma_wait3A_108 = arith.constant 3 : i32
      %dma_wait3A_109 = arith.constant 0 : i32
      %dma_wait3A_110 = arith.constant 0 : i32
      %dma_wait3A_111 = tpu.memref_slice %arg15[%dma_wait3A_107, %dma_wait3A_108, %dma_wait3A_109, %dma_wait3A_110] : memref<2x4x125x16xf32, #tpu.memory_space<vmem>> -> memref<1x1x125x16xf32, #tpu.memory_space<vmem>>
      %dma_wait3A_112 = tpu.memref_squeeze %dma_wait3A_111 : memref<1x1x125x16xf32, #tpu.memory_space<vmem>> -> memref<125x16xf32, #tpu.memory_space<vmem>>
      %dma_wait3A_113 = arith.constant 0 : i32
      %dma_wait3A_114 = arith.constant 0 : i32
      %dma_wait3A_115 = tpu.memref_slice %arg4[%dma_wait3A_113, %dma_wait3A_114] : memref<100000x16xf32, #tpu.memory_space<hbm>> -> memref<125x16xf32, #tpu.memory_space<hbm>>
      %dma_wait3A_116 = arith.constant 0 : i32
      %dma_wait3A_117 = arith.constant 0 : i32
      %dma_wait3A_118 = tpu.memref_slice %arg15[%dma_wait3A_107, %dma_wait3A_108, %dma_wait3A_116, %dma_wait3A_117] : memref<2x4x125x16xf32, #tpu.memory_space<vmem>> -> memref<1x1x125x16xf32, #tpu.memory_space<vmem>>
      %dma_wait3A_119 = tpu.memref_squeeze %dma_wait3A_118 : memref<1x1x125x16xf32, #tpu.memory_space<vmem>> -> memref<125x16xf32, #tpu.memory_space<vmem>>
      %dma_wait3A_120 = arith.constant 0 : i32
      %dma_wait3A_121 = arith.constant 0 : i32
      %dma_wait3A_122 = tpu.memref_slice %arg4[%dma_wait3A_120, %dma_wait3A_121] : memref<100000x16xf32, #tpu.memory_space<hbm>> -> memref<125x16xf32, #tpu.memory_space<hbm>>
      tpu.wait_dma2 semaphore(%arg20 : memref<!tpu.dma_semaphore, #tpu.memory_space<semaphore_mem>>) src(%dma_wait3A_122 : memref<125x16xf32, #tpu.memory_space<hbm>>) dst(%dma_wait3A_119 : memref<125x16xf32, #tpu.memory_space<vmem>>)
      %barrier3A_123 = arith.constant 0 : index
      tpu.barrier barrier_id(%barrier3A_123)
      "tpu.region"() ({
        %run_scoped3A = tpu.sem_alloc : memref<!tpu.dma_semaphore, #tpu.memory_space<semaphore_mem>>
        %dma_start3A_240 = arith.constant 0 : i32
        %dma_start3A_241 = tpu.memref_slice %arg10[%mul3A_2, %dma_start3A_240] : memref<100000x16xf32, #tpu.memory_space<hbm>> -> memref<6250x16xf32, #tpu.memory_space<hbm>>
        %dma_start3A_242 = arith.constant 0 : i32
        %dma_start3A_243 = tpu.memref_slice %arg12[%mul3A_2, %dma_start3A_242] : memref<100000x16xf32, #tpu.memory_space<vmem_shared>> -> memref<6250x16xf32, #tpu.memory_space<vmem_shared>>
        tpu.enqueue_dma source(%dma_start3A_243 : memref<6250x16xf32, #tpu.memory_space<vmem_shared>>) target(%dma_start3A_241 : memref<6250x16xf32, #tpu.memory_space<hbm>>) target_semaphore(%run_scoped3A : memref<!tpu.dma_semaphore, #tpu.memory_space<semaphore_mem>>)
        %dma_wait3A_244 = arith.constant 0 : i32
        %dma_wait3A_245 = tpu.memref_slice %arg10[%mul3A_2, %dma_wait3A_244] : memref<100000x16xf32, #tpu.memory_space<hbm>> -> memref<6250x16xf32, #tpu.memory_space<hbm>>
        %dma_wait3A_246 = arith.constant 0 : i32
        %dma_wait3A_247 = tpu.memref_slice %arg12[%mul3A_2, %dma_wait3A_246] : memref<100000x16xf32, #tpu.memory_space<vmem_shared>> -> memref<6250x16xf32, #tpu.memory_space<vmem_shared>>
        tpu.wait_dma2 semaphore(%run_scoped3A : memref<!tpu.dma_semaphore, #tpu.memory_space<semaphore_mem>>) src(%dma_wait3A_247 : memref<6250x16xf32, #tpu.memory_space<vmem_shared>>) dst(%dma_wait3A_245 : memref<6250x16xf32, #tpu.memory_space<hbm>>)
        tpu.yield
      }) : () -> ()
      %barrier3A_124 = arith.constant 0 : index
      tpu.barrier barrier_id(%barrier3A_124)
      "tpu.region"() ({
        %run_scoped3A = tpu.sem_alloc : memref<!tpu.dma_semaphore, #tpu.memory_space<semaphore_mem>>
        %dma_start3A_240 = arith.constant 0 : i32
        %dma_start3A_241 = tpu.memref_slice %arg12[%mul3A_2, %dma_start3A_240] : memref<100000x16xf32, #tpu.memory_space<vmem_shared>> -> memref<6250x16xf32, #tpu.memory_space<vmem_shared>>
        tpu.enqueue_dma source(%arg7 : memref<6250x16xf32, #tpu.memory_space<hbm>>) target(%dma_start3A_241 : memref<6250x16xf32, #tpu.memory_space<vmem_shared>>) target_semaphore(%run_scoped3A : memref<!tpu.dma_semaphore, #tpu.memory_space<semaphore_mem>>)
        %dma_wait3A_242 = arith.constant 0 : i32
        %dma_wait3A_243 = tpu.memref_slice %arg12[%mul3A_2, %dma_wait3A_242] : memref<100000x16xf32, #tpu.memory_space<vmem_shared>> -> memref<6250x16xf32, #tpu.memory_space<vmem_shared>>
        tpu.wait_dma2 semaphore(%run_scoped3A : memref<!tpu.dma_semaphore, #tpu.memory_space<semaphore_mem>>) src(%arg7 : memref<6250x16xf32, #tpu.memory_space<hbm>>) dst(%dma_wait3A_243 : memref<6250x16xf32, #tpu.memory_space<vmem_shared>>)
        tpu.yield
      }) : () -> ()
      %barrier3A_125 = arith.constant 0 : index
      tpu.barrier barrier_id(%barrier3A_125)
      %dma_start3A_126 = arith.constant 0 : i32
      %dma_start3A_127 = arith.constant 0 : i32
      %dma_start3A_128 = arith.constant 0 : i32
      %dma_start3A_129 = tpu.memref_slice %arg13[%dma_start3A_126, %dma_start3A_127, %dma_start3A_128] : memref<2x4x125xi32, #tpu.memory_space<vmem>> -> memref<1x4x125xi32, #tpu.memory_space<vmem>>
      %dma_start3A_130 = tpu.memref_squeeze %dma_start3A_129 : memref<1x4x125xi32, #tpu.memory_space<vmem>> -> memref<4x125xi32, #tpu.memory_space<vmem>>
      %dma_start3A_131 = arith.constant 0 : i32
      %dma_start3A_132 = arith.constant 0 : i32
      %dma_start3A_133 = tpu.memref_slice %arg6[%cond3A_10, %dma_start3A_131, %dma_start3A_132] : memref<2x12800x125xi32, #tpu.memory_space<hbm>> -> memref<1x12800x125xi32, #tpu.memory_space<hbm>>
      %dma_start3A_134 = tpu.memref_squeeze %dma_start3A_133 : memref<1x12800x125xi32, #tpu.memory_space<hbm>> -> memref<12800x125xi32, #tpu.memory_space<hbm>>
      %dma_start3A_135 = arith.constant 0 : i32
      %dma_start3A_136 = tpu.memref_slice %dma_start3A_134[%mul3A_0, %dma_start3A_135] : memref<12800x125xi32, #tpu.memory_space<hbm>> -> memref<4x125xi32, #tpu.memory_space<hbm>>
      %dma_start3A_137 = arith.constant 0 : i32
      %dma_start3A_138 = arith.constant 0 : i32
      %dma_start3A_139 = tpu.memref_slice %arg13[%dma_start3A_126, %dma_start3A_137, %dma_start3A_138] : memref<2x4x125xi32, #tpu.memory_space<vmem>> -> memref<1x4x125xi32, #tpu.memory_space<vmem>>
      %dma_start3A_140 = tpu.memref_squeeze %dma_start3A_139 : memref<1x4x125xi32, #tpu.memory_space<vmem>> -> memref<4x125xi32, #tpu.memory_space<vmem>>
      %dma_start3A_141 = arith.constant 0 : i32
      %dma_start3A_142 = arith.constant 0 : i32
      %dma_start3A_143 = tpu.memref_slice %arg6[%cond3A_10, %dma_start3A_141, %dma_start3A_142] : memref<2x12800x125xi32, #tpu.memory_space<hbm>> -> memref<1x12800x125xi32, #tpu.memory_space<hbm>>
      %dma_start3A_144 = tpu.memref_squeeze %dma_start3A_143 : memref<1x12800x125xi32, #tpu.memory_space<hbm>> -> memref<12800x125xi32, #tpu.memory_space<hbm>>
      %dma_start3A_145 = arith.constant 0 : i32
      %dma_start3A_146 = tpu.memref_slice %dma_start3A_144[%mul3A_0, %dma_start3A_145] : memref<12800x125xi32, #tpu.memory_space<hbm>> -> memref<4x125xi32, #tpu.memory_space<hbm>>
      tpu.enqueue_dma source(%dma_start3A_146 : memref<4x125xi32, #tpu.memory_space<hbm>>) target(%dma_start3A_140 : memref<4x125xi32, #tpu.memory_space<vmem>>) target_semaphore(%arg16 : memref<!tpu.dma_semaphore, #tpu.memory_space<semaphore_mem>>)
      %dma_start3A_147 = arith.constant 0 : i32
      %dma_start3A_148 = arith.constant 0 : i32
      %dma_start3A_149 = arith.constant 0 : i32
      %dma_start3A_150 = tpu.memref_slice %arg14[%dma_start3A_147, %dma_start3A_148, %dma_start3A_149] : memref<2x4x125xi32, #tpu.memory_space<vmem>> -> memref<1x4x125xi32, #tpu.memory_space<vmem>>
      %dma_start3A_151 = tpu.memref_squeeze %dma_start3A_150 : memref<1x4x125xi32, #tpu.memory_space<vmem>> -> memref<4x125xi32, #tpu.memory_space<vmem>>
      %dma_start3A_152 = arith.constant 0 : i32
      %dma_start3A_153 = arith.constant 0 : i32
      %dma_start3A_154 = tpu.memref_slice %arg6[%cond3A_11, %dma_start3A_152, %dma_start3A_153] : memref<2x12800x125xi32, #tpu.memory_space<hbm>> -> memref<1x12800x125xi32, #tpu.memory_space<hbm>>
      %dma_start3A_155 = tpu.memref_squeeze %dma_start3A_154 : memref<1x12800x125xi32, #tpu.memory_space<hbm>> -> memref<12800x125xi32, #tpu.memory_space<hbm>>
      %dma_start3A_156 = arith.constant 0 : i32
      %dma_start3A_157 = tpu.memref_slice %dma_start3A_155[%mul3A_0, %dma_start3A_156] : memref<12800x125xi32, #tpu.memory_space<hbm>> -> memref<4x125xi32, #tpu.memory_space<hbm>>
      %dma_start3A_158 = arith.constant 0 : i32
      %dma_start3A_159 = arith.constant 0 : i32
      %dma_start3A_160 = tpu.memref_slice %arg14[%dma_start3A_147, %dma_start3A_158, %dma_start3A_159] : memref<2x4x125xi32, #tpu.memory_space<vmem>> -> memref<1x4x125xi32, #tpu.memory_space<vmem>>
      %dma_start3A_161 = tpu.memref_squeeze %dma_start3A_160 : memref<1x4x125xi32, #tpu.memory_space<vmem>> -> memref<4x125xi32, #tpu.memory_space<vmem>>
      %dma_start3A_162 = arith.constant 0 : i32
      %dma_start3A_163 = arith.constant 0 : i32
      %dma_start3A_164 = tpu.memref_slice %arg6[%cond3A_11, %dma_start3A_162, %dma_start3A_163] : memref<2x12800x125xi32, #tpu.memory_space<hbm>> -> memref<1x12800x125xi32, #tpu.memory_space<hbm>>
      %dma_start3A_165 = tpu.memref_squeeze %dma_start3A_164 : memref<1x12800x125xi32, #tpu.memory_space<hbm>> -> memref<12800x125xi32, #tpu.memory_space<hbm>>
      %dma_start3A_166 = arith.constant 0 : i32
      %dma_start3A_167 = tpu.memref_slice %dma_start3A_165[%mul3A_0, %dma_start3A_166] : memref<12800x125xi32, #tpu.memory_space<hbm>> -> memref<4x125xi32, #tpu.memory_space<hbm>>
      tpu.enqueue_dma source(%dma_start3A_167 : memref<4x125xi32, #tpu.memory_space<hbm>>) target(%dma_start3A_161 : memref<4x125xi32, #tpu.memory_space<vmem>>) target_semaphore(%arg16 : memref<!tpu.dma_semaphore, #tpu.memory_space<semaphore_mem>>)
      %scan3A_168 = arith.constant 0 : i32
      %scan3A_169 = arith.constant 0 : i32
      %scan3A_170 = arith.constant 100 : i32
      %scan3A_171 = arith.addi %scan3A_169, %scan3A_170 : i32
      %scan3A_172 = arith.constant 1 : i32
      scf.for %scan3A_240 = %scan3A_169 to %scan3A_171 step %scan3A_172  : i32 {
        %mul3A_241 = arith.constant 2 : i32
        %mul3A_242 = arith.muli %mul3A_241, %scan3A_240 : i32
        %add3A = arith.constant 0 : i32
        %add3A_243 = arith.addi %mul3A_242, %add3A : i32
        %add3A_244 = arith.constant 1 : i32
        %add3A_245 = arith.addi %add3A_243, %add3A_244 : i32
        %mul3A_246 = arith.constant 4 : i32
        %mul3A_247 = arith.muli %add3A_245, %mul3A_246 : i32
        %add3A_248 = arith.addi %mul3A_0, %mul3A_247 : i32
        %dma_wait3A_249 = arith.constant 0 : i32
        %dma_wait3A_250 = arith.constant 0 : i32
        %dma_wait3A_251 = arith.constant 0 : i32
        %dma_wait3A_252 = tpu.memref_slice %arg13[%dma_wait3A_249, %dma_wait3A_250, %dma_wait3A_251] : memref<2x4x125xi32, #tpu.memory_space<vmem>> -> memref<1x4x125xi32, #tpu.memory_space<vmem>>
        %dma_wait3A_253 = tpu.memref_squeeze %dma_wait3A_252 : memref<1x4x125xi32, #tpu.memory_space<vmem>> -> memref<4x125xi32, #tpu.memory_space<vmem>>
        %dma_wait3A_254 = arith.constant 0 : i32
        %dma_wait3A_255 = arith.constant 0 : i32
        %dma_wait3A_256 = tpu.memref_slice %arg6[%cond3A_10, %dma_wait3A_254, %dma_wait3A_255] : memref<2x12800x125xi32, #tpu.memory_space<hbm>> -> memref<1x12800x125xi32, #tpu.memory_space<hbm>>
        %dma_wait3A_257 = tpu.memref_squeeze %dma_wait3A_256 : memref<1x12800x125xi32, #tpu.memory_space<hbm>> -> memref<12800x125xi32, #tpu.memory_space<hbm>>
        %dma_wait3A_258 = arith.constant 0 : i32
        %dma_wait3A_259 = arith.constant 0 : i32
        %dma_wait3A_260 = tpu.memref_slice %dma_wait3A_257[%dma_wait3A_258, %dma_wait3A_259] : memref<12800x125xi32, #tpu.memory_space<hbm>> -> memref<4x125xi32, #tpu.memory_space<hbm>>
        %dma_wait3A_261 = arith.constant 0 : i32
        %dma_wait3A_262 = arith.constant 0 : i32
        %dma_wait3A_263 = tpu.memref_slice %arg13[%dma_wait3A_249, %dma_wait3A_261, %dma_wait3A_262] : memref<2x4x125xi32, #tpu.memory_space<vmem>> -> memref<1x4x125xi32, #tpu.memory_space<vmem>>
        %dma_wait3A_264 = tpu.memref_squeeze %dma_wait3A_263 : memref<1x4x125xi32, #tpu.memory_space<vmem>> -> memref<4x125xi32, #tpu.memory_space<vmem>>
        %dma_wait3A_265 = arith.constant 0 : i32
        %dma_wait3A_266 = arith.constant 0 : i32
        %dma_wait3A_267 = tpu.memref_slice %arg6[%cond3A_10, %dma_wait3A_265, %dma_wait3A_266] : memref<2x12800x125xi32, #tpu.memory_space<hbm>> -> memref<1x12800x125xi32, #tpu.memory_space<hbm>>
        %dma_wait3A_268 = tpu.memref_squeeze %dma_wait3A_267 : memref<1x12800x125xi32, #tpu.memory_space<hbm>> -> memref<12800x125xi32, #tpu.memory_space<hbm>>
        %dma_wait3A_269 = arith.constant 0 : i32
        %dma_wait3A_270 = arith.constant 0 : i32
        %dma_wait3A_271 = tpu.memref_slice %dma_wait3A_268[%dma_wait3A_269, %dma_wait3A_270] : memref<12800x125xi32, #tpu.memory_space<hbm>> -> memref<4x125xi32, #tpu.memory_space<hbm>>
        tpu.wait_dma2 semaphore(%arg16 : memref<!tpu.dma_semaphore, #tpu.memory_space<semaphore_mem>>) src(%dma_wait3A_271 : memref<4x125xi32, #tpu.memory_space<hbm>>) dst(%dma_wait3A_264 : memref<4x125xi32, #tpu.memory_space<vmem>>)
        %dma_wait3A_272 = arith.constant 0 : i32
        %dma_wait3A_273 = arith.constant 0 : i32
        %dma_wait3A_274 = arith.constant 0 : i32
        %dma_wait3A_275 = tpu.memref_slice %arg14[%dma_wait3A_272, %dma_wait3A_273, %dma_wait3A_274] : memref<2x4x125xi32, #tpu.memory_space<vmem>> -> memref<1x4x125xi32, #tpu.memory_space<vmem>>
        %dma_wait3A_276 = tpu.memref_squeeze %dma_wait3A_275 : memref<1x4x125xi32, #tpu.memory_space<vmem>> -> memref<4x125xi32, #tpu.memory_space<vmem>>
        %dma_wait3A_277 = arith.constant 0 : i32
        %dma_wait3A_278 = arith.constant 0 : i32
        %dma_wait3A_279 = tpu.memref_slice %arg6[%cond3A_10, %dma_wait3A_277, %dma_wait3A_278] : memref<2x12800x125xi32, #tpu.memory_space<hbm>> -> memref<1x12800x125xi32, #tpu.memory_space<hbm>>
        %dma_wait3A_280 = tpu.memref_squeeze %dma_wait3A_279 : memref<1x12800x125xi32, #tpu.memory_space<hbm>> -> memref<12800x125xi32, #tpu.memory_space<hbm>>
        %dma_wait3A_281 = arith.constant 0 : i32
        %dma_wait3A_282 = arith.constant 0 : i32
        %dma_wait3A_283 = tpu.memref_slice %dma_wait3A_280[%dma_wait3A_281, %dma_wait3A_282] : memref<12800x125xi32, #tpu.memory_space<hbm>> -> memref<4x125xi32, #tpu.memory_space<hbm>>
        %dma_wait3A_284 = arith.constant 0 : i32
        %dma_wait3A_285 = arith.constant 0 : i32
        %dma_wait3A_286 = tpu.memref_slice %arg14[%dma_wait3A_272, %dma_wait3A_284, %dma_wait3A_285] : memref<2x4x125xi32, #tpu.memory_space<vmem>> -> memref<1x4x125xi32, #tpu.memory_space<vmem>>
        %dma_wait3A_287 = tpu.memref_squeeze %dma_wait3A_286 : memref<1x4x125xi32, #tpu.memory_space<vmem>> -> memref<4x125xi32, #tpu.memory_space<vmem>>
        %dma_wait3A_288 = arith.constant 0 : i32
        %dma_wait3A_289 = arith.constant 0 : i32
        %dma_wait3A_290 = tpu.memref_slice %arg6[%cond3A_10, %dma_wait3A_288, %dma_wait3A_289] : memref<2x12800x125xi32, #tpu.memory_space<hbm>> -> memref<1x12800x125xi32, #tpu.memory_space<hbm>>
        %dma_wait3A_291 = tpu.memref_squeeze %dma_wait3A_290 : memref<1x12800x125xi32, #tpu.memory_space<hbm>> -> memref<12800x125xi32, #tpu.memory_space<hbm>>
        %dma_wait3A_292 = arith.constant 0 : i32
        %dma_wait3A_293 = arith.constant 0 : i32
        %dma_wait3A_294 = tpu.memref_slice %dma_wait3A_291[%dma_wait3A_292, %dma_wait3A_293] : memref<12800x125xi32, #tpu.memory_space<hbm>> -> memref<4x125xi32, #tpu.memory_space<hbm>>
        tpu.wait_dma2 semaphore(%arg16 : memref<!tpu.dma_semaphore, #tpu.memory_space<semaphore_mem>>) src(%dma_wait3A_294 : memref<4x125xi32, #tpu.memory_space<hbm>>) dst(%dma_wait3A_287 : memref<4x125xi32, #tpu.memory_space<vmem>>)
        %gt3A = arith.constant 0 : i32
        %gt3A_295 = arith.cmpi sgt, %scan3A_240, %gt3A : i32
        %convert_element_type3A_296 = arith.extui %gt3A_295 : i1 to i32
        %cond3A_297 = arith.constant 0 : i32
        %cond3A_298 = arith.cmpi ne, %convert_element_type3A_296, %cond3A_297 : i32
        scf.if %cond3A_298 {
          %dma_wait3A_800 = arith.constant 1 : i32
          %dma_wait3A_801 = arith.constant 0 : i32
          %dma_wait3A_802 = arith.constant 0 : i32
          %dma_wait3A_803 = arith.constant 0 : i32
          %dma_wait3A_804 = tpu.memref_slice %arg15[%dma_wait3A_800, %dma_wait3A_801, %dma_wait3A_802, %dma_wait3A_803] : memref<2x4x125x16xf32, #tpu.memory_space<vmem>> -> memref<1x1x125x16xf32, #tpu.memory_space<vmem>>
          %dma_wait3A_805 = tpu.memref_squeeze %dma_wait3A_804 : memref<1x1x125x16xf32, #tpu.memory_space<vmem>> -> memref<125x16xf32, #tpu.memory_space<vmem>>
          %dma_wait3A_806 = arith.constant 0 : i32
          %dma_wait3A_807 = arith.constant 0 : i32
          %dma_wait3A_808 = tpu.memref_slice %arg5[%dma_wait3A_806, %dma_wait3A_807] : memref<100000x16xf32, #tpu.memory_space<hbm>> -> memref<125x16xf32, #tpu.memory_space<hbm>>
          %dma_wait3A_809 = arith.constant 0 : i32
          %dma_wait3A_810 = arith.constant 0 : i32
          %dma_wait3A_811 = tpu.memref_slice %arg15[%dma_wait3A_800, %dma_wait3A_801, %dma_wait3A_809, %dma_wait3A_810] : memref<2x4x125x16xf32, #tpu.memory_space<vmem>> -> memref<1x1x125x16xf32, #tpu.memory_space<vmem>>
          %dma_wait3A_812 = tpu.memref_squeeze %dma_wait3A_811 : memref<1x1x125x16xf32, #tpu.memory_space<vmem>> -> memref<125x16xf32, #tpu.memory_space<vmem>>
          %dma_wait3A_813 = arith.constant 0 : i32
          %dma_wait3A_814 = arith.constant 0 : i32
          %dma_wait3A_815 = tpu.memref_slice %arg5[%dma_wait3A_813, %dma_wait3A_814] : memref<100000x16xf32, #tpu.memory_space<hbm>> -> memref<125x16xf32, #tpu.memory_space<hbm>>
          tpu.wait_dma2 semaphore(%arg20 : memref<!tpu.dma_semaphore, #tpu.memory_space<semaphore_mem>>) src(%dma_wait3A_815 : memref<125x16xf32, #tpu.memory_space<hbm>>) dst(%dma_wait3A_812 : memref<125x16xf32, #tpu.memory_space<vmem>>)
          %dma_wait3A_816 = arith.constant 1 : i32
          %dma_wait3A_817 = arith.constant 1 : i32
          %dma_wait3A_818 = arith.constant 0 : i32
          %dma_wait3A_819 = arith.constant 0 : i32
          %dma_wait3A_820 = tpu.memref_slice %arg15[%dma_wait3A_816, %dma_wait3A_817, %dma_wait3A_818, %dma_wait3A_819] : memref<2x4x125x16xf32, #tpu.memory_space<vmem>> -> memref<1x1x125x16xf32, #tpu.memory_space<vmem>>
          %dma_wait3A_821 = tpu.memref_squeeze %dma_wait3A_820 : memref<1x1x125x16xf32, #tpu.memory_space<vmem>> -> memref<125x16xf32, #tpu.memory_space<vmem>>
          %dma_wait3A_822 = arith.constant 0 : i32
          %dma_wait3A_823 = arith.constant 0 : i32
          %dma_wait3A_824 = tpu.memref_slice %arg5[%dma_wait3A_822, %dma_wait3A_823] : memref<100000x16xf32, #tpu.memory_space<hbm>> -> memref<125x16xf32, #tpu.memory_space<hbm>>
          %dma_wait3A_825 = arith.constant 0 : i32
          %dma_wait3A_826 = arith.constant 0 : i32
          %dma_wait3A_827 = tpu.memref_slice %arg15[%dma_wait3A_816, %dma_wait3A_817, %dma_wait3A_825, %dma_wait3A_826] : memref<2x4x125x16xf32, #tpu.memory_space<vmem>> -> memref<1x1x125x16xf32, #tpu.memory_space<vmem>>
          %dma_wait3A_828 = tpu.memref_squeeze %dma_wait3A_827 : memref<1x1x125x16xf32, #tpu.memory_space<vmem>> -> memref<125x16xf32, #tpu.memory_space<vmem>>
          %dma_wait3A_829 = arith.constant 0 : i32
          %dma_wait3A_830 = arith.constant 0 : i32
          %dma_wait3A_831 = tpu.memref_slice %arg5[%dma_wait3A_829, %dma_wait3A_830] : memref<100000x16xf32, #tpu.memory_space<hbm>> -> memref<125x16xf32, #tpu.memory_space<hbm>>
          tpu.wait_dma2 semaphore(%arg20 : memref<!tpu.dma_semaphore, #tpu.memory_space<semaphore_mem>>) src(%dma_wait3A_831 : memref<125x16xf32, #tpu.memory_space<hbm>>) dst(%dma_wait3A_828 : memref<125x16xf32, #tpu.memory_space<vmem>>)
          %dma_wait3A_832 = arith.constant 1 : i32
          %dma_wait3A_833 = arith.constant 2 : i32
          %dma_wait3A_834 = arith.constant 0 : i32
          %dma_wait3A_835 = arith.constant 0 : i32
          %dma_wait3A_836 = tpu.memref_slice %arg15[%dma_wait3A_832, %dma_wait3A_833, %dma_wait3A_834, %dma_wait3A_835] : memref<2x4x125x16xf32, #tpu.memory_space<vmem>> -> memref<1x1x125x16xf32, #tpu.memory_space<vmem>>
          %dma_wait3A_837 = tpu.memref_squeeze %dma_wait3A_836 : memref<1x1x125x16xf32, #tpu.memory_space<vmem>> -> memref<125x16xf32, #tpu.memory_space<vmem>>
          %dma_wait3A_838 = arith.constant 0 : i32
          %dma_wait3A_839 = arith.constant 0 : i32
          %dma_wait3A_840 = tpu.memref_slice %arg5[%dma_wait3A_838, %dma_wait3A_839] : memref<100000x16xf32, #tpu.memory_space<hbm>> -> memref<125x16xf32, #tpu.memory_space<hbm>>
          %dma_wait3A_841 = arith.constant 0 : i32
          %dma_wait3A_842 = arith.constant 0 : i32
          %dma_wait3A_843 = tpu.memref_slice %arg15[%dma_wait3A_832, %dma_wait3A_833, %dma_wait3A_841, %dma_wait3A_842] : memref<2x4x125x16xf32, #tpu.memory_space<vmem>> -> memref<1x1x125x16xf32, #tpu.memory_space<vmem>>
          %dma_wait3A_844 = tpu.memref_squeeze %dma_wait3A_843 : memref<1x1x125x16xf32, #tpu.memory_space<vmem>> -> memref<125x16xf32, #tpu.memory_space<vmem>>
          %dma_wait3A_845 = arith.constant 0 : i32
          %dma_wait3A_846 = arith.constant 0 : i32
          %dma_wait3A_847 = tpu.memref_slice %arg5[%dma_wait3A_845, %dma_wait3A_846] : memref<100000x16xf32, #tpu.memory_space<hbm>> -> memref<125x16xf32, #tpu.memory_space<hbm>>
          tpu.wait_dma2 semaphore(%arg20 : memref<!tpu.dma_semaphore, #tpu.memory_space<semaphore_mem>>) src(%dma_wait3A_847 : memref<125x16xf32, #tpu.memory_space<hbm>>) dst(%dma_wait3A_844 : memref<125x16xf32, #tpu.memory_space<vmem>>)
          %dma_wait3A_848 = arith.constant 1 : i32
          %dma_wait3A_849 = arith.constant 3 : i32
          %dma_wait3A_850 = arith.constant 0 : i32
          %dma_wait3A_851 = arith.constant 0 : i32
          %dma_wait3A_852 = tpu.memref_slice %arg15[%dma_wait3A_848, %dma_wait3A_849, %dma_wait3A_850, %dma_wait3A_851] : memref<2x4x125x16xf32, #tpu.memory_space<vmem>> -> memref<1x1x125x16xf32, #tpu.memory_space<vmem>>
          %dma_wait3A_853 = tpu.memref_squeeze %dma_wait3A_852 : memref<1x1x125x16xf32, #tpu.memory_space<vmem>> -> memref<125x16xf32, #tpu.memory_space<vmem>>
          %dma_wait3A_854 = arith.constant 0 : i32
          %dma_wait3A_855 = arith.constant 0 : i32
          %dma_wait3A_856 = tpu.memref_slice %arg5[%dma_wait3A_854, %dma_wait3A_855] : memref<100000x16xf32, #tpu.memory_space<hbm>> -> memref<125x16xf32, #tpu.memory_space<hbm>>
          %dma_wait3A_857 = arith.constant 0 : i32
          %dma_wait3A_858 = arith.constant 0 : i32
          %dma_wait3A_859 = tpu.memref_slice %arg15[%dma_wait3A_848, %dma_wait3A_849, %dma_wait3A_857, %dma_wait3A_858] : memref<2x4x125x16xf32, #tpu.memory_space<vmem>> -> memref<1x1x125x16xf32, #tpu.memory_space<vmem>>
          %dma_wait3A_860 = tpu.memref_squeeze %dma_wait3A_859 : memref<1x1x125x16xf32, #tpu.memory_space<vmem>> -> memref<125x16xf32, #tpu.memory_space<vmem>>
          %dma_wait3A_861 = arith.constant 0 : i32
          %dma_wait3A_862 = arith.constant 0 : i32
          %dma_wait3A_863 = tpu.memref_slice %arg5[%dma_wait3A_861, %dma_wait3A_862] : memref<100000x16xf32, #tpu.memory_space<hbm>> -> memref<125x16xf32, #tpu.memory_space<hbm>>
          tpu.wait_dma2 semaphore(%arg20 : memref<!tpu.dma_semaphore, #tpu.memory_space<semaphore_mem>>) src(%dma_wait3A_863 : memref<125x16xf32, #tpu.memory_space<hbm>>) dst(%dma_wait3A_860 : memref<125x16xf32, #tpu.memory_space<vmem>>)
        } else {
        }
        %dma_start3A_299 = arith.constant 1 : i32
        %dma_start3A_300 = arith.constant 0 : i32
        %dma_start3A_301 = arith.constant 0 : i32
        %dma_start3A_302 = tpu.memref_slice %arg13[%dma_start3A_299, %dma_start3A_300, %dma_start3A_301] : memref<2x4x125xi32, #tpu.memory_space<vmem>> -> memref<1x4x125xi32, #tpu.memory_space<vmem>>
        %dma_start3A_303 = tpu.memref_squeeze %dma_start3A_302 : memref<1x4x125xi32, #tpu.memory_space<vmem>> -> memref<4x125xi32, #tpu.memory_space<vmem>>
        %dma_start3A_304 = arith.constant 0 : i32
        %dma_start3A_305 = arith.constant 0 : i32
        %dma_start3A_306 = tpu.memref_slice %arg6[%cond3A_10, %dma_start3A_304, %dma_start3A_305] : memref<2x12800x125xi32, #tpu.memory_space<hbm>> -> memref<1x12800x125xi32, #tpu.memory_space<hbm>>
        %dma_start3A_307 = tpu.memref_squeeze %dma_start3A_306 : memref<1x12800x125xi32, #tpu.memory_space<hbm>> -> memref<12800x125xi32, #tpu.memory_space<hbm>>
        %dma_start3A_308 = arith.constant 0 : i32
        %dma_start3A_309 = tpu.memref_slice %dma_start3A_307[%add3A_248, %dma_start3A_308] : memref<12800x125xi32, #tpu.memory_space<hbm>> -> memref<4x125xi32, #tpu.memory_space<hbm>>
        %dma_start3A_310 = arith.constant 0 : i32
        %dma_start3A_311 = arith.constant 0 : i32
        %dma_start3A_312 = tpu.memref_slice %arg13[%dma_start3A_299, %dma_start3A_310, %dma_start3A_311] : memref<2x4x125xi32, #tpu.memory_space<vmem>> -> memref<1x4x125xi32, #tpu.memory_space<vmem>>
        %dma_start3A_313 = tpu.memref_squeeze %dma_start3A_312 : memref<1x4x125xi32, #tpu.memory_space<vmem>> -> memref<4x125xi32, #tpu.memory_space<vmem>>
        %dma_start3A_314 = arith.constant 0 : i32
        %dma_start3A_315 = arith.constant 0 : i32
        %dma_start3A_316 = tpu.memref_slice %arg6[%cond3A_10, %dma_start3A_314, %dma_start3A_315] : memref<2x12800x125xi32, #tpu.memory_space<hbm>> -> memref<1x12800x125xi32, #tpu.memory_space<hbm>>
        %dma_start3A_317 = tpu.memref_squeeze %dma_start3A_316 : memref<1x12800x125xi32, #tpu.memory_space<hbm>> -> memref<12800x125xi32, #tpu.memory_space<hbm>>
        %dma_start3A_318 = arith.constant 0 : i32
        %dma_start3A_319 = tpu.memref_slice %dma_start3A_317[%add3A_248, %dma_start3A_318] : memref<12800x125xi32, #tpu.memory_space<hbm>> -> memref<4x125xi32, #tpu.memory_space<hbm>>
        tpu.enqueue_dma source(%dma_start3A_319 : memref<4x125xi32, #tpu.memory_space<hbm>>) target(%dma_start3A_313 : memref<4x125xi32, #tpu.memory_space<vmem>>) target_semaphore(%arg17 : memref<!tpu.dma_semaphore, #tpu.memory_space<semaphore_mem>>)
        %dma_start3A_320 = arith.constant 1 : i32
        %dma_start3A_321 = arith.constant 0 : i32
        %dma_start3A_322 = arith.constant 0 : i32
        %dma_start3A_323 = tpu.memref_slice %arg14[%dma_start3A_320, %dma_start3A_321, %dma_start3A_322] : memref<2x4x125xi32, #tpu.memory_space<vmem>> -> memref<1x4x125xi32, #tpu.memory_space<vmem>>
        %dma_start3A_324 = tpu.memref_squeeze %dma_start3A_323 : memref<1x4x125xi32, #tpu.memory_space<vmem>> -> memref<4x125xi32, #tpu.memory_space<vmem>>
        %dma_start3A_325 = arith.constant 0 : i32
        %dma_start3A_326 = arith.constant 0 : i32
        %dma_start3A_327 = tpu.memref_slice %arg6[%cond3A_11, %dma_start3A_325, %dma_start3A_326] : memref<2x12800x125xi32, #tpu.memory_space<hbm>> -> memref<1x12800x125xi32, #tpu.memory_space<hbm>>
        %dma_start3A_328 = tpu.memref_squeeze %dma_start3A_327 : memref<1x12800x125xi32, #tpu.memory_space<hbm>> -> memref<12800x125xi32, #tpu.memory_space<hbm>>
        %dma_start3A_329 = arith.constant 0 : i32
        %dma_start3A_330 = tpu.memref_slice %dma_start3A_328[%add3A_248, %dma_start3A_329] : memref<12800x125xi32, #tpu.memory_space<hbm>> -> memref<4x125xi32, #tpu.memory_space<hbm>>
        %dma_start3A_331 = arith.constant 0 : i32
        %dma_start3A_332 = arith.constant 0 : i32
        %dma_start3A_333 = tpu.memref_slice %arg14[%dma_start3A_320, %dma_start3A_331, %dma_start3A_332] : memref<2x4x125xi32, #tpu.memory_space<vmem>> -> memref<1x4x125xi32, #tpu.memory_space<vmem>>
        %dma_start3A_334 = tpu.memref_squeeze %dma_start3A_333 : memref<1x4x125xi32, #tpu.memory_space<vmem>> -> memref<4x125xi32, #tpu.memory_space<vmem>>
        %dma_start3A_335 = arith.constant 0 : i32
        %dma_start3A_336 = arith.constant 0 : i32
        %dma_start3A_337 = tpu.memref_slice %arg6[%cond3A_11, %dma_start3A_335, %dma_start3A_336] : memref<2x12800x125xi32, #tpu.memory_space<hbm>> -> memref<1x12800x125xi32, #tpu.memory_space<hbm>>
        %dma_start3A_338 = tpu.memref_squeeze %dma_start3A_337 : memref<1x12800x125xi32, #tpu.memory_space<hbm>> -> memref<12800x125xi32, #tpu.memory_space<hbm>>
        %dma_start3A_339 = arith.constant 0 : i32
        %dma_start3A_340 = tpu.memref_slice %dma_start3A_338[%add3A_248, %dma_start3A_339] : memref<12800x125xi32, #tpu.memory_space<hbm>> -> memref<4x125xi32, #tpu.memory_space<hbm>>
        tpu.enqueue_dma source(%dma_start3A_340 : memref<4x125xi32, #tpu.memory_space<hbm>>) target(%dma_start3A_334 : memref<4x125xi32, #tpu.memory_space<vmem>>) target_semaphore(%arg17 : memref<!tpu.dma_semaphore, #tpu.memory_space<semaphore_mem>>)
        %dma_start3A_341 = arith.constant 0 : i32
        %dma_start3A_342 = arith.constant 0 : i32
        %dma_start3A_343 = arith.constant 0 : i32
        %dma_start3A_344 = arith.constant 0 : i32
        %dma_start3A_345 = arith.constant 0 : i32
        %dma_start3A_346 = arith.constant 0 : i32
        %dma_start3A_347 = tpu.memref_slice %arg15[%dma_start3A_343, %dma_start3A_344, %dma_start3A_345, %dma_start3A_346] : memref<2x4x125x16xf32, #tpu.memory_space<vmem>> -> memref<1x1x125x16xf32, #tpu.memory_space<vmem>>
        %dma_start3A_348 = tpu.memref_squeeze %dma_start3A_347 : memref<1x1x125x16xf32, #tpu.memory_space<vmem>> -> memref<125x16xf32, #tpu.memory_space<vmem>>
        %dma_start3A_349 = arith.constant 0 : i32
        %dma_start3A_350 = tpu.memref_slice %arg13[%dma_start3A_341, %dma_start3A_342, %dma_start3A_349] : memref<2x4x125xi32, #tpu.memory_space<vmem>> -> memref<1x1x125xi32, #tpu.memory_space<vmem>>
        %dma_start3A_351 = tpu.memref_squeeze %dma_start3A_350 : memref<1x1x125xi32, #tpu.memory_space<vmem>> -> memref<125xi32, #tpu.memory_space<vmem>>
        %dma_start3A_352 = arith.constant 0 : i32
        %dma_start3A_353 = arith.constant 0 : i32
        %dma_start3A_354 = tpu.memref_slice %arg5[%dma_start3A_352, %dma_start3A_353] : memref<100000x16xf32, #tpu.memory_space<hbm>> -> memref<100000x16xf32, #tpu.memory_space<hbm>>
        tpu.enqueue_indirect_dma source(%dma_start3A_354 : memref<100000x16xf32, #tpu.memory_space<hbm>>) target(%dma_start3A_348 : memref<125x16xf32, #tpu.memory_space<vmem>>) offsets(%dma_start3A_351 : memref<125xi32, #tpu.memory_space<vmem>>) semaphore(%arg18 : memref<!tpu.dma_semaphore, #tpu.memory_space<semaphore_mem>>)
        %dma_start3A_355 = arith.constant 0 : i32
        %dma_start3A_356 = arith.constant 1 : i32
        %dma_start3A_357 = arith.constant 0 : i32
        %dma_start3A_358 = arith.constant 1 : i32
        %dma_start3A_359 = arith.constant 0 : i32
        %dma_start3A_360 = arith.constant 0 : i32
        %dma_start3A_361 = tpu.memref_slice %arg15[%dma_start3A_357, %dma_start3A_358, %dma_start3A_359, %dma_start3A_360] : memref<2x4x125x16xf32, #tpu.memory_space<vmem>> -> memref<1x1x125x16xf32, #tpu.memory_space<vmem>>
        %dma_start3A_362 = tpu.memref_squeeze %dma_start3A_361 : memref<1x1x125x16xf32, #tpu.memory_space<vmem>> -> memref<125x16xf32, #tpu.memory_space<vmem>>
        %dma_start3A_363 = arith.constant 0 : i32
        %dma_start3A_364 = tpu.memref_slice %arg13[%dma_start3A_355, %dma_start3A_356, %dma_start3A_363] : memref<2x4x125xi32, #tpu.memory_space<vmem>> -> memref<1x1x125xi32, #tpu.memory_space<vmem>>
        %dma_start3A_365 = tpu.memref_squeeze %dma_start3A_364 : memref<1x1x125xi32, #tpu.memory_space<vmem>> -> memref<125xi32, #tpu.memory_space<vmem>>
        %dma_start3A_366 = arith.constant 0 : i32
        %dma_start3A_367 = arith.constant 0 : i32
        %dma_start3A_368 = tpu.memref_slice %arg5[%dma_start3A_366, %dma_start3A_367] : memref<100000x16xf32, #tpu.memory_space<hbm>> -> memref<100000x16xf32, #tpu.memory_space<hbm>>
        tpu.enqueue_indirect_dma source(%dma_start3A_368 : memref<100000x16xf32, #tpu.memory_space<hbm>>) target(%dma_start3A_362 : memref<125x16xf32, #tpu.memory_space<vmem>>) offsets(%dma_start3A_365 : memref<125xi32, #tpu.memory_space<vmem>>) semaphore(%arg18 : memref<!tpu.dma_semaphore, #tpu.memory_space<semaphore_mem>>)
        %dma_start3A_369 = arith.constant 0 : i32
        %dma_start3A_370 = arith.constant 2 : i32
        %dma_start3A_371 = arith.constant 0 : i32
        %dma_start3A_372 = arith.constant 2 : i32
        %dma_start3A_373 = arith.constant 0 : i32
        %dma_start3A_374 = arith.constant 0 : i32
        %dma_start3A_375 = tpu.memref_slice %arg15[%dma_start3A_371, %dma_start3A_372, %dma_start3A_373, %dma_start3A_374] : memref<2x4x125x16xf32, #tpu.memory_space<vmem>> -> memref<1x1x125x16xf32, #tpu.memory_space<vmem>>
        %dma_start3A_376 = tpu.memref_squeeze %dma_start3A_375 : memref<1x1x125x16xf32, #tpu.memory_space<vmem>> -> memref<125x16xf32, #tpu.memory_space<vmem>>
        %dma_start3A_377 = arith.constant 0 : i32
        %dma_start3A_378 = tpu.memref_slice %arg13[%dma_start3A_369, %dma_start3A_370, %dma_start3A_377] : memref<2x4x125xi32, #tpu.memory_space<vmem>> -> memref<1x1x125xi32, #tpu.memory_space<vmem>>
        %dma_start3A_379 = tpu.memref_squeeze %dma_start3A_378 : memref<1x1x125xi32, #tpu.memory_space<vmem>> -> memref<125xi32, #tpu.memory_space<vmem>>
        %dma_start3A_380 = arith.constant 0 : i32
        %dma_start3A_381 = arith.constant 0 : i32
        %dma_start3A_382 = tpu.memref_slice %arg5[%dma_start3A_380, %dma_start3A_381] : memref<100000x16xf32, #tpu.memory_space<hbm>> -> memref<100000x16xf32, #tpu.memory_space<hbm>>
        tpu.enqueue_indirect_dma source(%dma_start3A_382 : memref<100000x16xf32, #tpu.memory_space<hbm>>) target(%dma_start3A_376 : memref<125x16xf32, #tpu.memory_space<vmem>>) offsets(%dma_start3A_379 : memref<125xi32, #tpu.memory_space<vmem>>) semaphore(%arg18 : memref<!tpu.dma_semaphore, #tpu.memory_space<semaphore_mem>>)
        %dma_start3A_383 = arith.constant 0 : i32
        %dma_start3A_384 = arith.constant 3 : i32
        %dma_start3A_385 = arith.constant 0 : i32
        %dma_start3A_386 = arith.constant 3 : i32
        %dma_start3A_387 = arith.constant 0 : i32
        %dma_start3A_388 = arith.constant 0 : i32
        %dma_start3A_389 = tpu.memref_slice %arg15[%dma_start3A_385, %dma_start3A_386, %dma_start3A_387, %dma_start3A_388] : memref<2x4x125x16xf32, #tpu.memory_space<vmem>> -> memref<1x1x125x16xf32, #tpu.memory_space<vmem>>
        %dma_start3A_390 = tpu.memref_squeeze %dma_start3A_389 : memref<1x1x125x16xf32, #tpu.memory_space<vmem>> -> memref<125x16xf32, #tpu.memory_space<vmem>>
        %dma_start3A_391 = arith.constant 0 : i32
        %dma_start3A_392 = tpu.memref_slice %arg13[%dma_start3A_383, %dma_start3A_384, %dma_start3A_391] : memref<2x4x125xi32, #tpu.memory_space<vmem>> -> memref<1x1x125xi32, #tpu.memory_space<vmem>>
        %dma_start3A_393 = tpu.memref_squeeze %dma_start3A_392 : memref<1x1x125xi32, #tpu.memory_space<vmem>> -> memref<125xi32, #tpu.memory_space<vmem>>
        %dma_start3A_394 = arith.constant 0 : i32
        %dma_start3A_395 = arith.constant 0 : i32
        %dma_start3A_396 = tpu.memref_slice %arg5[%dma_start3A_394, %dma_start3A_395] : memref<100000x16xf32, #tpu.memory_space<hbm>> -> memref<100000x16xf32, #tpu.memory_space<hbm>>
        tpu.enqueue_indirect_dma source(%dma_start3A_396 : memref<100000x16xf32, #tpu.memory_space<hbm>>) target(%dma_start3A_390 : memref<125x16xf32, #tpu.memory_space<vmem>>) offsets(%dma_start3A_393 : memref<125xi32, #tpu.memory_space<vmem>>) semaphore(%arg18 : memref<!tpu.dma_semaphore, #tpu.memory_space<semaphore_mem>>)
        %dma_wait3A_397 = arith.constant 0 : i32
        %dma_wait3A_398 = arith.constant 0 : i32
        %dma_wait3A_399 = arith.constant 0 : i32
        %dma_wait3A_400 = arith.constant 0 : i32
        %dma_wait3A_401 = arith.constant 0 : i32
        %dma_wait3A_402 = arith.constant 0 : i32
        %dma_wait3A_403 = tpu.memref_slice %arg15[%dma_wait3A_399, %dma_wait3A_400, %dma_wait3A_401, %dma_wait3A_402] : memref<2x4x125x16xf32, #tpu.memory_space<vmem>> -> memref<1x1x125x16xf32, #tpu.memory_space<vmem>>
        %dma_wait3A_404 = tpu.memref_squeeze %dma_wait3A_403 : memref<1x1x125x16xf32, #tpu.memory_space<vmem>> -> memref<125x16xf32, #tpu.memory_space<vmem>>
        %dma_wait3A_405 = arith.constant 0 : i32
        %dma_wait3A_406 = tpu.memref_slice %arg13[%dma_wait3A_397, %dma_wait3A_398, %dma_wait3A_405] : memref<2x4x125xi32, #tpu.memory_space<vmem>> -> memref<1x1x125xi32, #tpu.memory_space<vmem>>
        %dma_wait3A_407 = tpu.memref_squeeze %dma_wait3A_406 : memref<1x1x125xi32, #tpu.memory_space<vmem>> -> memref<125xi32, #tpu.memory_space<vmem>>
        %dma_wait3A_408 = arith.constant 0 : i32
        %dma_wait3A_409 = arith.constant 0 : i32
        %dma_wait3A_410 = tpu.memref_slice %arg5[%dma_wait3A_408, %dma_wait3A_409] : memref<100000x16xf32, #tpu.memory_space<hbm>> -> memref<100000x16xf32, #tpu.memory_space<hbm>>
        tpu.wait_indirect_dma semaphore(%arg18 : memref<!tpu.dma_semaphore, #tpu.memory_space<semaphore_mem>>) src(%dma_wait3A_410 : memref<100000x16xf32, #tpu.memory_space<hbm>>) dst(%dma_wait3A_404 : memref<125x16xf32, #tpu.memory_space<vmem>>)
        %dma_wait3A_411 = arith.constant 0 : i32
        %dma_wait3A_412 = arith.constant 1 : i32
        %dma_wait3A_413 = arith.constant 0 : i32
        %dma_wait3A_414 = arith.constant 1 : i32
        %dma_wait3A_415 = arith.constant 0 : i32
        %dma_wait3A_416 = arith.constant 0 : i32
        %dma_wait3A_417 = tpu.memref_slice %arg15[%dma_wait3A_413, %dma_wait3A_414, %dma_wait3A_415, %dma_wait3A_416] : memref<2x4x125x16xf32, #tpu.memory_space<vmem>> -> memref<1x1x125x16xf32, #tpu.memory_space<vmem>>
        %dma_wait3A_418 = tpu.memref_squeeze %dma_wait3A_417 : memref<1x1x125x16xf32, #tpu.memory_space<vmem>> -> memref<125x16xf32, #tpu.memory_space<vmem>>
        %dma_wait3A_419 = arith.constant 0 : i32
        %dma_wait3A_420 = tpu.memref_slice %arg13[%dma_wait3A_411, %dma_wait3A_412, %dma_wait3A_419] : memref<2x4x125xi32, #tpu.memory_space<vmem>> -> memref<1x1x125xi32, #tpu.memory_space<vmem>>
        %dma_wait3A_421 = tpu.memref_squeeze %dma_wait3A_420 : memref<1x1x125xi32, #tpu.memory_space<vmem>> -> memref<125xi32, #tpu.memory_space<vmem>>
        %dma_wait3A_422 = arith.constant 0 : i32
        %dma_wait3A_423 = arith.constant 0 : i32
        %dma_wait3A_424 = tpu.memref_slice %arg5[%dma_wait3A_422, %dma_wait3A_423] : memref<100000x16xf32, #tpu.memory_space<hbm>> -> memref<100000x16xf32, #tpu.memory_space<hbm>>
        tpu.wait_indirect_dma semaphore(%arg18 : memref<!tpu.dma_semaphore, #tpu.memory_space<semaphore_mem>>) src(%dma_wait3A_424 : memref<100000x16xf32, #tpu.memory_space<hbm>>) dst(%dma_wait3A_418 : memref<125x16xf32, #tpu.memory_space<vmem>>)
        %dma_wait3A_425 = arith.constant 0 : i32
        %dma_wait3A_426 = arith.constant 2 : i32
        %dma_wait3A_427 = arith.constant 0 : i32
        %dma_wait3A_428 = arith.constant 2 : i32
        %dma_wait3A_429 = arith.constant 0 : i32
        %dma_wait3A_430 = arith.constant 0 : i32
        %dma_wait3A_431 = tpu.memref_slice %arg15[%dma_wait3A_427, %dma_wait3A_428, %dma_wait3A_429, %dma_wait3A_430] : memref<2x4x125x16xf32, #tpu.memory_space<vmem>> -> memref<1x1x125x16xf32, #tpu.memory_space<vmem>>
        %dma_wait3A_432 = tpu.memref_squeeze %dma_wait3A_431 : memref<1x1x125x16xf32, #tpu.memory_space<vmem>> -> memref<125x16xf32, #tpu.memory_space<vmem>>
        %dma_wait3A_433 = arith.constant 0 : i32
        %dma_wait3A_434 = tpu.memref_slice %arg13[%dma_wait3A_425, %dma_wait3A_426, %dma_wait3A_433] : memref<2x4x125xi32, #tpu.memory_space<vmem>> -> memref<1x1x125xi32, #tpu.memory_space<vmem>>
        %dma_wait3A_435 = tpu.memref_squeeze %dma_wait3A_434 : memref<1x1x125xi32, #tpu.memory_space<vmem>> -> memref<125xi32, #tpu.memory_space<vmem>>
        %dma_wait3A_436 = arith.constant 0 : i32
        %dma_wait3A_437 = arith.constant 0 : i32
        %dma_wait3A_438 = tpu.memref_slice %arg5[%dma_wait3A_436, %dma_wait3A_437] : memref<100000x16xf32, #tpu.memory_space<hbm>> -> memref<100000x16xf32, #tpu.memory_space<hbm>>
        tpu.wait_indirect_dma semaphore(%arg18 : memref<!tpu.dma_semaphore, #tpu.memory_space<semaphore_mem>>) src(%dma_wait3A_438 : memref<100000x16xf32, #tpu.memory_space<hbm>>) dst(%dma_wait3A_432 : memref<125x16xf32, #tpu.memory_space<vmem>>)
        %dma_wait3A_439 = arith.constant 0 : i32
        %dma_wait3A_440 = arith.constant 3 : i32
        %dma_wait3A_441 = arith.constant 0 : i32
        %dma_wait3A_442 = arith.constant 3 : i32
        %dma_wait3A_443 = arith.constant 0 : i32
        %dma_wait3A_444 = arith.constant 0 : i32
        %dma_wait3A_445 = tpu.memref_slice %arg15[%dma_wait3A_441, %dma_wait3A_442, %dma_wait3A_443, %dma_wait3A_444] : memref<2x4x125x16xf32, #tpu.memory_space<vmem>> -> memref<1x1x125x16xf32, #tpu.memory_space<vmem>>
        %dma_wait3A_446 = tpu.memref_squeeze %dma_wait3A_445 : memref<1x1x125x16xf32, #tpu.memory_space<vmem>> -> memref<125x16xf32, #tpu.memory_space<vmem>>
        %dma_wait3A_447 = arith.constant 0 : i32
        %dma_wait3A_448 = tpu.memref_slice %arg13[%dma_wait3A_439, %dma_wait3A_440, %dma_wait3A_447] : memref<2x4x125xi32, #tpu.memory_space<vmem>> -> memref<1x1x125xi32, #tpu.memory_space<vmem>>
        %dma_wait3A_449 = tpu.memref_squeeze %dma_wait3A_448 : memref<1x1x125xi32, #tpu.memory_space<vmem>> -> memref<125xi32, #tpu.memory_space<vmem>>
        %dma_wait3A_450 = arith.constant 0 : i32
        %dma_wait3A_451 = arith.constant 0 : i32
        %dma_wait3A_452 = tpu.memref_slice %arg5[%dma_wait3A_450, %dma_wait3A_451] : memref<100000x16xf32, #tpu.memory_space<hbm>> -> memref<100000x16xf32, #tpu.memory_space<hbm>>
        tpu.wait_indirect_dma semaphore(%arg18 : memref<!tpu.dma_semaphore, #tpu.memory_space<semaphore_mem>>) src(%dma_wait3A_452 : memref<100000x16xf32, #tpu.memory_space<hbm>>) dst(%dma_wait3A_446 : memref<125x16xf32, #tpu.memory_space<vmem>>)
        %dma_start3A_453 = arith.constant 0 : i32
        %dma_start3A_454 = arith.constant 0 : i32
        %dma_start3A_455 = arith.constant 0 : i32
        %dma_start3A_456 = arith.constant 0 : i32
        %dma_start3A_457 = arith.constant 0 : i32
        %dma_start3A_458 = arith.constant 0 : i32
        %dma_start3A_459 = tpu.memref_slice %arg15[%dma_start3A_453, %dma_start3A_454, %dma_start3A_457, %dma_start3A_458] : memref<2x4x125x16xf32, #tpu.memory_space<vmem>> -> memref<1x1x125x16xf32, #tpu.memory_space<vmem>>
        %dma_start3A_460 = tpu.memref_squeeze %dma_start3A_459 : memref<1x1x125x16xf32, #tpu.memory_space<vmem>> -> memref<125x16xf32, #tpu.memory_space<vmem>>
        %dma_start3A_461 = arith.constant 0 : i32
        %dma_start3A_462 = tpu.memref_slice %arg14[%dma_start3A_455, %dma_start3A_456, %dma_start3A_461] : memref<2x4x125xi32, #tpu.memory_space<vmem>> -> memref<1x1x125xi32, #tpu.memory_space<vmem>>
        %dma_start3A_463 = tpu.memref_squeeze %dma_start3A_462 : memref<1x1x125xi32, #tpu.memory_space<vmem>> -> memref<125xi32, #tpu.memory_space<vmem>>
        %dma_start3A_464 = arith.constant 0 : i32
        %dma_start3A_465 = arith.constant 0 : i32
        %dma_start3A_466 = tpu.memref_slice %arg12[%dma_start3A_464, %dma_start3A_465] : memref<100000x16xf32, #tpu.memory_space<vmem_shared>> -> memref<100000x16xf32, #tpu.memory_space<vmem_shared>>
        tpu.enqueue_indirect_dma source(%dma_start3A_460 : memref<125x16xf32, #tpu.memory_space<vmem>>) target(%dma_start3A_466 : memref<100000x16xf32, #tpu.memory_space<vmem_shared>>) offsets(%dma_start3A_463 : memref<125xi32, #tpu.memory_space<vmem>>) semaphore(%arg19 : memref<!tpu.dma_semaphore, #tpu.memory_space<semaphore_mem>>) {add = true}
        %dma_start3A_467 = arith.constant 0 : i32
        %dma_start3A_468 = arith.constant 1 : i32
        %dma_start3A_469 = arith.constant 0 : i32
        %dma_start3A_470 = arith.constant 1 : i32
        %dma_start3A_471 = arith.constant 0 : i32
        %dma_start3A_472 = arith.constant 0 : i32
        %dma_start3A_473 = tpu.memref_slice %arg15[%dma_start3A_467, %dma_start3A_468, %dma_start3A_471, %dma_start3A_472] : memref<2x4x125x16xf32, #tpu.memory_space<vmem>> -> memref<1x1x125x16xf32, #tpu.memory_space<vmem>>
        %dma_start3A_474 = tpu.memref_squeeze %dma_start3A_473 : memref<1x1x125x16xf32, #tpu.memory_space<vmem>> -> memref<125x16xf32, #tpu.memory_space<vmem>>
        %dma_start3A_475 = arith.constant 0 : i32
        %dma_start3A_476 = tpu.memref_slice %arg14[%dma_start3A_469, %dma_start3A_470, %dma_start3A_475] : memref<2x4x125xi32, #tpu.memory_space<vmem>> -> memref<1x1x125xi32, #tpu.memory_space<vmem>>
        %dma_start3A_477 = tpu.memref_squeeze %dma_start3A_476 : memref<1x1x125xi32, #tpu.memory_space<vmem>> -> memref<125xi32, #tpu.memory_space<vmem>>
        %dma_start3A_478 = arith.constant 0 : i32
        %dma_start3A_479 = arith.constant 0 : i32
        %dma_start3A_480 = tpu.memref_slice %arg12[%dma_start3A_478, %dma_start3A_479] : memref<100000x16xf32, #tpu.memory_space<vmem_shared>> -> memref<100000x16xf32, #tpu.memory_space<vmem_shared>>
        tpu.enqueue_indirect_dma source(%dma_start3A_474 : memref<125x16xf32, #tpu.memory_space<vmem>>) target(%dma_start3A_480 : memref<100000x16xf32, #tpu.memory_space<vmem_shared>>) offsets(%dma_start3A_477 : memref<125xi32, #tpu.memory_space<vmem>>) semaphore(%arg19 : memref<!tpu.dma_semaphore, #tpu.memory_space<semaphore_mem>>) {add = true}
        %dma_start3A_481 = arith.constant 0 : i32
        %dma_start3A_482 = arith.constant 2 : i32
        %dma_start3A_483 = arith.constant 0 : i32
        %dma_start3A_484 = arith.constant 2 : i32
        %dma_start3A_485 = arith.constant 0 : i32
        %dma_start3A_486 = arith.constant 0 : i32
        %dma_start3A_487 = tpu.memref_slice %arg15[%dma_start3A_481, %dma_start3A_482, %dma_start3A_485, %dma_start3A_486] : memref<2x4x125x16xf32, #tpu.memory_space<vmem>> -> memref<1x1x125x16xf32, #tpu.memory_space<vmem>>
        %dma_start3A_488 = tpu.memref_squeeze %dma_start3A_487 : memref<1x1x125x16xf32, #tpu.memory_space<vmem>> -> memref<125x16xf32, #tpu.memory_space<vmem>>
        %dma_start3A_489 = arith.constant 0 : i32
        %dma_start3A_490 = tpu.memref_slice %arg14[%dma_start3A_483, %dma_start3A_484, %dma_start3A_489] : memref<2x4x125xi32, #tpu.memory_space<vmem>> -> memref<1x1x125xi32, #tpu.memory_space<vmem>>
        %dma_start3A_491 = tpu.memref_squeeze %dma_start3A_490 : memref<1x1x125xi32, #tpu.memory_space<vmem>> -> memref<125xi32, #tpu.memory_space<vmem>>
        %dma_start3A_492 = arith.constant 0 : i32
        %dma_start3A_493 = arith.constant 0 : i32
        %dma_start3A_494 = tpu.memref_slice %arg12[%dma_start3A_492, %dma_start3A_493] : memref<100000x16xf32, #tpu.memory_space<vmem_shared>> -> memref<100000x16xf32, #tpu.memory_space<vmem_shared>>
        tpu.enqueue_indirect_dma source(%dma_start3A_488 : memref<125x16xf32, #tpu.memory_space<vmem>>) target(%dma_start3A_494 : memref<100000x16xf32, #tpu.memory_space<vmem_shared>>) offsets(%dma_start3A_491 : memref<125xi32, #tpu.memory_space<vmem>>) semaphore(%arg19 : memref<!tpu.dma_semaphore, #tpu.memory_space<semaphore_mem>>) {add = true}
        %dma_start3A_495 = arith.constant 0 : i32
        %dma_start3A_496 = arith.constant 3 : i32
        %dma_start3A_497 = arith.constant 0 : i32
        %dma_start3A_498 = arith.constant 3 : i32
        %dma_start3A_499 = arith.constant 0 : i32
        %dma_start3A_500 = arith.constant 0 : i32
        %dma_start3A_501 = tpu.memref_slice %arg15[%dma_start3A_495, %dma_start3A_496, %dma_start3A_499, %dma_start3A_500] : memref<2x4x125x16xf32, #tpu.memory_space<vmem>> -> memref<1x1x125x16xf32, #tpu.memory_space<vmem>>
        %dma_start3A_502 = tpu.memref_squeeze %dma_start3A_501 : memref<1x1x125x16xf32, #tpu.memory_space<vmem>> -> memref<125x16xf32, #tpu.memory_space<vmem>>
        %dma_start3A_503 = arith.constant 0 : i32
        %dma_start3A_504 = tpu.memref_slice %arg14[%dma_start3A_497, %dma_start3A_498, %dma_start3A_503] : memref<2x4x125xi32, #tpu.memory_space<vmem>> -> memref<1x1x125xi32, #tpu.memory_space<vmem>>
        %dma_start3A_505 = tpu.memref_squeeze %dma_start3A_504 : memref<1x1x125xi32, #tpu.memory_space<vmem>> -> memref<125xi32, #tpu.memory_space<vmem>>
        %dma_start3A_506 = arith.constant 0 : i32
        %dma_start3A_507 = arith.constant 0 : i32
        %dma_start3A_508 = tpu.memref_slice %arg12[%dma_start3A_506, %dma_start3A_507] : memref<100000x16xf32, #tpu.memory_space<vmem_shared>> -> memref<100000x16xf32, #tpu.memory_space<vmem_shared>>
        tpu.enqueue_indirect_dma source(%dma_start3A_502 : memref<125x16xf32, #tpu.memory_space<vmem>>) target(%dma_start3A_508 : memref<100000x16xf32, #tpu.memory_space<vmem_shared>>) offsets(%dma_start3A_505 : memref<125xi32, #tpu.memory_space<vmem>>) semaphore(%arg19 : memref<!tpu.dma_semaphore, #tpu.memory_space<semaphore_mem>>) {add = true}
        %mul3A_509 = arith.constant 2 : i32
        %mul3A_510 = arith.muli %mul3A_509, %scan3A_240 : i32
        %add3A_511 = arith.constant 1 : i32
        %add3A_512 = arith.addi %mul3A_510, %add3A_511 : i32
        %add3A_513 = arith.constant 1 : i32
        %add3A_514 = arith.addi %add3A_512, %add3A_513 : i32
        %mul3A_515 = arith.constant 4 : i32
        %mul3A_516 = arith.muli %add3A_514, %mul3A_515 : i32
        %add3A_517 = arith.addi %mul3A_0, %mul3A_516 : i32
        %dma_wait3A_518 = arith.constant 1 : i32
        %dma_wait3A_519 = arith.constant 0 : i32
        %dma_wait3A_520 = arith.constant 0 : i32
        %dma_wait3A_521 = tpu.memref_slice %arg13[%dma_wait3A_518, %dma_wait3A_519, %dma_wait3A_520] : memref<2x4x125xi32, #tpu.memory_space<vmem>> -> memref<1x4x125xi32, #tpu.memory_space<vmem>>
        %dma_wait3A_522 = tpu.memref_squeeze %dma_wait3A_521 : memref<1x4x125xi32, #tpu.memory_space<vmem>> -> memref<4x125xi32, #tpu.memory_space<vmem>>
        %dma_wait3A_523 = arith.constant 0 : i32
        %dma_wait3A_524 = arith.constant 0 : i32
        %dma_wait3A_525 = tpu.memref_slice %arg6[%cond3A_10, %dma_wait3A_523, %dma_wait3A_524] : memref<2x12800x125xi32, #tpu.memory_space<hbm>> -> memref<1x12800x125xi32, #tpu.memory_space<hbm>>
        %dma_wait3A_526 = tpu.memref_squeeze %dma_wait3A_525 : memref<1x12800x125xi32, #tpu.memory_space<hbm>> -> memref<12800x125xi32, #tpu.memory_space<hbm>>
        %dma_wait3A_527 = arith.constant 0 : i32
        %dma_wait3A_528 = arith.constant 0 : i32
        %dma_wait3A_529 = tpu.memref_slice %dma_wait3A_526[%dma_wait3A_527, %dma_wait3A_528] : memref<12800x125xi32, #tpu.memory_space<hbm>> -> memref<4x125xi32, #tpu.memory_space<hbm>>
        %dma_wait3A_530 = arith.constant 0 : i32
        %dma_wait3A_531 = arith.constant 0 : i32
        %dma_wait3A_532 = tpu.memref_slice %arg13[%dma_wait3A_518, %dma_wait3A_530, %dma_wait3A_531] : memref<2x4x125xi32, #tpu.memory_space<vmem>> -> memref<1x4x125xi32, #tpu.memory_space<vmem>>
        %dma_wait3A_533 = tpu.memref_squeeze %dma_wait3A_532 : memref<1x4x125xi32, #tpu.memory_space<vmem>> -> memref<4x125xi32, #tpu.memory_space<vmem>>
        %dma_wait3A_534 = arith.constant 0 : i32
        %dma_wait3A_535 = arith.constant 0 : i32
        %dma_wait3A_536 = tpu.memref_slice %arg6[%cond3A_10, %dma_wait3A_534, %dma_wait3A_535] : memref<2x12800x125xi32, #tpu.memory_space<hbm>> -> memref<1x12800x125xi32, #tpu.memory_space<hbm>>
        %dma_wait3A_537 = tpu.memref_squeeze %dma_wait3A_536 : memref<1x12800x125xi32, #tpu.memory_space<hbm>> -> memref<12800x125xi32, #tpu.memory_space<hbm>>
        %dma_wait3A_538 = arith.constant 0 : i32
        %dma_wait3A_539 = arith.constant 0 : i32
        %dma_wait3A_540 = tpu.memref_slice %dma_wait3A_537[%dma_wait3A_538, %dma_wait3A_539] : memref<12800x125xi32, #tpu.memory_space<hbm>> -> memref<4x125xi32, #tpu.memory_space<hbm>>
        tpu.wait_dma2 semaphore(%arg17 : memref<!tpu.dma_semaphore, #tpu.memory_space<semaphore_mem>>) src(%dma_wait3A_540 : memref<4x125xi32, #tpu.memory_space<hbm>>) dst(%dma_wait3A_533 : memref<4x125xi32, #tpu.memory_space<vmem>>)
        %dma_wait3A_541 = arith.constant 1 : i32
        %dma_wait3A_542 = arith.constant 0 : i32
        %dma_wait3A_543 = arith.constant 0 : i32
        %dma_wait3A_544 = tpu.memref_slice %arg14[%dma_wait3A_541, %dma_wait3A_542, %dma_wait3A_543] : memref<2x4x125xi32, #tpu.memory_space<vmem>> -> memref<1x4x125xi32, #tpu.memory_space<vmem>>
        %dma_wait3A_545 = tpu.memref_squeeze %dma_wait3A_544 : memref<1x4x125xi32, #tpu.memory_space<vmem>> -> memref<4x125xi32, #tpu.memory_space<vmem>>
        %dma_wait3A_546 = arith.constant 0 : i32
        %dma_wait3A_547 = arith.constant 0 : i32
        %dma_wait3A_548 = tpu.memref_slice %arg6[%cond3A_10, %dma_wait3A_546, %dma_wait3A_547] : memref<2x12800x125xi32, #tpu.memory_space<hbm>> -> memref<1x12800x125xi32, #tpu.memory_space<hbm>>
        %dma_wait3A_549 = tpu.memref_squeeze %dma_wait3A_548 : memref<1x12800x125xi32, #tpu.memory_space<hbm>> -> memref<12800x125xi32, #tpu.memory_space<hbm>>
        %dma_wait3A_550 = arith.constant 0 : i32
        %dma_wait3A_551 = arith.constant 0 : i32
        %dma_wait3A_552 = tpu.memref_slice %dma_wait3A_549[%dma_wait3A_550, %dma_wait3A_551] : memref<12800x125xi32, #tpu.memory_space<hbm>> -> memref<4x125xi32, #tpu.memory_space<hbm>>
        %dma_wait3A_553 = arith.constant 0 : i32
        %dma_wait3A_554 = arith.constant 0 : i32
        %dma_wait3A_555 = tpu.memref_slice %arg14[%dma_wait3A_541, %dma_wait3A_553, %dma_wait3A_554] : memref<2x4x125xi32, #tpu.memory_space<vmem>> -> memref<1x4x125xi32, #tpu.memory_space<vmem>>
        %dma_wait3A_556 = tpu.memref_squeeze %dma_wait3A_555 : memref<1x4x125xi32, #tpu.memory_space<vmem>> -> memref<4x125xi32, #tpu.memory_space<vmem>>
        %dma_wait3A_557 = arith.constant 0 : i32
        %dma_wait3A_558 = arith.constant 0 : i32
        %dma_wait3A_559 = tpu.memref_slice %arg6[%cond3A_10, %dma_wait3A_557, %dma_wait3A_558] : memref<2x12800x125xi32, #tpu.memory_space<hbm>> -> memref<1x12800x125xi32, #tpu.memory_space<hbm>>
        %dma_wait3A_560 = tpu.memref_squeeze %dma_wait3A_559 : memref<1x12800x125xi32, #tpu.memory_space<hbm>> -> memref<12800x125xi32, #tpu.memory_space<hbm>>
        %dma_wait3A_561 = arith.constant 0 : i32
        %dma_wait3A_562 = arith.constant 0 : i32
        %dma_wait3A_563 = tpu.memref_slice %dma_wait3A_560[%dma_wait3A_561, %dma_wait3A_562] : memref<12800x125xi32, #tpu.memory_space<hbm>> -> memref<4x125xi32, #tpu.memory_space<hbm>>
        tpu.wait_dma2 semaphore(%arg17 : memref<!tpu.dma_semaphore, #tpu.memory_space<semaphore_mem>>) src(%dma_wait3A_563 : memref<4x125xi32, #tpu.memory_space<hbm>>) dst(%dma_wait3A_556 : memref<4x125xi32, #tpu.memory_space<vmem>>)
        %dma_wait3A_564 = arith.constant 0 : i32
        %dma_wait3A_565 = arith.constant 0 : i32
        %dma_wait3A_566 = arith.constant 0 : i32
        %dma_wait3A_567 = arith.constant 0 : i32
        %dma_wait3A_568 = tpu.memref_slice %arg15[%dma_wait3A_564, %dma_wait3A_565, %dma_wait3A_566, %dma_wait3A_567] : memref<2x4x125x16xf32, #tpu.memory_space<vmem>> -> memref<1x1x125x16xf32, #tpu.memory_space<vmem>>
        %dma_wait3A_569 = tpu.memref_squeeze %dma_wait3A_568 : memref<1x1x125x16xf32, #tpu.memory_space<vmem>> -> memref<125x16xf32, #tpu.memory_space<vmem>>
        %dma_wait3A_570 = arith.constant 0 : i32
        %dma_wait3A_571 = arith.constant 0 : i32
        %dma_wait3A_572 = tpu.memref_slice %arg5[%dma_wait3A_570, %dma_wait3A_571] : memref<100000x16xf32, #tpu.memory_space<hbm>> -> memref<125x16xf32, #tpu.memory_space<hbm>>
        %dma_wait3A_573 = arith.constant 0 : i32
        %dma_wait3A_574 = arith.constant 0 : i32
        %dma_wait3A_575 = tpu.memref_slice %arg15[%dma_wait3A_564, %dma_wait3A_565, %dma_wait3A_573, %dma_wait3A_574] : memref<2x4x125x16xf32, #tpu.memory_space<vmem>> -> memref<1x1x125x16xf32, #tpu.memory_space<vmem>>
        %dma_wait3A_576 = tpu.memref_squeeze %dma_wait3A_575 : memref<1x1x125x16xf32, #tpu.memory_space<vmem>> -> memref<125x16xf32, #tpu.memory_space<vmem>>
        %dma_wait3A_577 = arith.constant 0 : i32
        %dma_wait3A_578 = arith.constant 0 : i32
        %dma_wait3A_579 = tpu.memref_slice %arg5[%dma_wait3A_577, %dma_wait3A_578] : memref<100000x16xf32, #tpu.memory_space<hbm>> -> memref<125x16xf32, #tpu.memory_space<hbm>>
        tpu.wait_dma2 semaphore(%arg19 : memref<!tpu.dma_semaphore, #tpu.memory_space<semaphore_mem>>) src(%dma_wait3A_579 : memref<125x16xf32, #tpu.memory_space<hbm>>) dst(%dma_wait3A_576 : memref<125x16xf32, #tpu.memory_space<vmem>>)
        %dma_wait3A_580 = arith.constant 0 : i32
        %dma_wait3A_581 = arith.constant 1 : i32
        %dma_wait3A_582 = arith.constant 0 : i32
        %dma_wait3A_583 = arith.constant 0 : i32
        %dma_wait3A_584 = tpu.memref_slice %arg15[%dma_wait3A_580, %dma_wait3A_581, %dma_wait3A_582, %dma_wait3A_583] : memref<2x4x125x16xf32, #tpu.memory_space<vmem>> -> memref<1x1x125x16xf32, #tpu.memory_space<vmem>>
        %dma_wait3A_585 = tpu.memref_squeeze %dma_wait3A_584 : memref<1x1x125x16xf32, #tpu.memory_space<vmem>> -> memref<125x16xf32, #tpu.memory_space<vmem>>
        %dma_wait3A_586 = arith.constant 0 : i32
        %dma_wait3A_587 = arith.constant 0 : i32
        %dma_wait3A_588 = tpu.memref_slice %arg5[%dma_wait3A_586, %dma_wait3A_587] : memref<100000x16xf32, #tpu.memory_space<hbm>> -> memref<125x16xf32, #tpu.memory_space<hbm>>
        %dma_wait3A_589 = arith.constant 0 : i32
        %dma_wait3A_590 = arith.constant 0 : i32
        %dma_wait3A_591 = tpu.memref_slice %arg15[%dma_wait3A_580, %dma_wait3A_581, %dma_wait3A_589, %dma_wait3A_590] : memref<2x4x125x16xf32, #tpu.memory_space<vmem>> -> memref<1x1x125x16xf32, #tpu.memory_space<vmem>>
        %dma_wait3A_592 = tpu.memref_squeeze %dma_wait3A_591 : memref<1x1x125x16xf32, #tpu.memory_space<vmem>> -> memref<125x16xf32, #tpu.memory_space<vmem>>
        %dma_wait3A_593 = arith.constant 0 : i32
        %dma_wait3A_594 = arith.constant 0 : i32
        %dma_wait3A_595 = tpu.memref_slice %arg5[%dma_wait3A_593, %dma_wait3A_594] : memref<100000x16xf32, #tpu.memory_space<hbm>> -> memref<125x16xf32, #tpu.memory_space<hbm>>
        tpu.wait_dma2 semaphore(%arg19 : memref<!tpu.dma_semaphore, #tpu.memory_space<semaphore_mem>>) src(%dma_wait3A_595 : memref<125x16xf32, #tpu.memory_space<hbm>>) dst(%dma_wait3A_592 : memref<125x16xf32, #tpu.memory_space<vmem>>)
        %dma_wait3A_596 = arith.constant 0 : i32
        %dma_wait3A_597 = arith.constant 2 : i32
        %dma_wait3A_598 = arith.constant 0 : i32
        %dma_wait3A_599 = arith.constant 0 : i32
        %dma_wait3A_600 = tpu.memref_slice %arg15[%dma_wait3A_596, %dma_wait3A_597, %dma_wait3A_598, %dma_wait3A_599] : memref<2x4x125x16xf32, #tpu.memory_space<vmem>> -> memref<1x1x125x16xf32, #tpu.memory_space<vmem>>
        %dma_wait3A_601 = tpu.memref_squeeze %dma_wait3A_600 : memref<1x1x125x16xf32, #tpu.memory_space<vmem>> -> memref<125x16xf32, #tpu.memory_space<vmem>>
        %dma_wait3A_602 = arith.constant 0 : i32
        %dma_wait3A_603 = arith.constant 0 : i32
        %dma_wait3A_604 = tpu.memref_slice %arg5[%dma_wait3A_602, %dma_wait3A_603] : memref<100000x16xf32, #tpu.memory_space<hbm>> -> memref<125x16xf32, #tpu.memory_space<hbm>>
        %dma_wait3A_605 = arith.constant 0 : i32
        %dma_wait3A_606 = arith.constant 0 : i32
        %dma_wait3A_607 = tpu.memref_slice %arg15[%dma_wait3A_596, %dma_wait3A_597, %dma_wait3A_605, %dma_wait3A_606] : memref<2x4x125x16xf32, #tpu.memory_space<vmem>> -> memref<1x1x125x16xf32, #tpu.memory_space<vmem>>
        %dma_wait3A_608 = tpu.memref_squeeze %dma_wait3A_607 : memref<1x1x125x16xf32, #tpu.memory_space<vmem>> -> memref<125x16xf32, #tpu.memory_space<vmem>>
        %dma_wait3A_609 = arith.constant 0 : i32
        %dma_wait3A_610 = arith.constant 0 : i32
        %dma_wait3A_611 = tpu.memref_slice %arg5[%dma_wait3A_609, %dma_wait3A_610] : memref<100000x16xf32, #tpu.memory_space<hbm>> -> memref<125x16xf32, #tpu.memory_space<hbm>>
        tpu.wait_dma2 semaphore(%arg19 : memref<!tpu.dma_semaphore, #tpu.memory_space<semaphore_mem>>) src(%dma_wait3A_611 : memref<125x16xf32, #tpu.memory_space<hbm>>) dst(%dma_wait3A_608 : memref<125x16xf32, #tpu.memory_space<vmem>>)
        %dma_wait3A_612 = arith.constant 0 : i32
        %dma_wait3A_613 = arith.constant 3 : i32
        %dma_wait3A_614 = arith.constant 0 : i32
        %dma_wait3A_615 = arith.constant 0 : i32
        %dma_wait3A_616 = tpu.memref_slice %arg15[%dma_wait3A_612, %dma_wait3A_613, %dma_wait3A_614, %dma_wait3A_615] : memref<2x4x125x16xf32, #tpu.memory_space<vmem>> -> memref<1x1x125x16xf32, #tpu.memory_space<vmem>>
        %dma_wait3A_617 = tpu.memref_squeeze %dma_wait3A_616 : memref<1x1x125x16xf32, #tpu.memory_space<vmem>> -> memref<125x16xf32, #tpu.memory_space<vmem>>
        %dma_wait3A_618 = arith.constant 0 : i32
        %dma_wait3A_619 = arith.constant 0 : i32
        %dma_wait3A_620 = tpu.memref_slice %arg5[%dma_wait3A_618, %dma_wait3A_619] : memref<100000x16xf32, #tpu.memory_space<hbm>> -> memref<125x16xf32, #tpu.memory_space<hbm>>
        %dma_wait3A_621 = arith.constant 0 : i32
        %dma_wait3A_622 = arith.constant 0 : i32
        %dma_wait3A_623 = tpu.memref_slice %arg15[%dma_wait3A_612, %dma_wait3A_613, %dma_wait3A_621, %dma_wait3A_622] : memref<2x4x125x16xf32, #tpu.memory_space<vmem>> -> memref<1x1x125x16xf32, #tpu.memory_space<vmem>>
        %dma_wait3A_624 = tpu.memref_squeeze %dma_wait3A_623 : memref<1x1x125x16xf32, #tpu.memory_space<vmem>> -> memref<125x16xf32, #tpu.memory_space<vmem>>
        %dma_wait3A_625 = arith.constant 0 : i32
        %dma_wait3A_626 = arith.constant 0 : i32
        %dma_wait3A_627 = tpu.memref_slice %arg5[%dma_wait3A_625, %dma_wait3A_626] : memref<100000x16xf32, #tpu.memory_space<hbm>> -> memref<125x16xf32, #tpu.memory_space<hbm>>
        tpu.wait_dma2 semaphore(%arg19 : memref<!tpu.dma_semaphore, #tpu.memory_space<semaphore_mem>>) src(%dma_wait3A_627 : memref<125x16xf32, #tpu.memory_space<hbm>>) dst(%dma_wait3A_624 : memref<125x16xf32, #tpu.memory_space<vmem>>)
        %lt3A = arith.constant 99 : i32
        %lt3A_628 = arith.cmpi slt, %scan3A_240, %lt3A : i32
        %convert_element_type3A_629 = arith.extui %lt3A_628 : i1 to i32
        %cond3A_630 = arith.constant 0 : i32
        %cond3A_631 = arith.cmpi ne, %convert_element_type3A_629, %cond3A_630 : i32
        scf.if %cond3A_631 {
          %dma_start3A_800 = arith.constant 0 : i32
          %dma_start3A_801 = arith.constant 0 : i32
          %dma_start3A_802 = arith.constant 0 : i32
          %dma_start3A_803 = tpu.memref_slice %arg13[%dma_start3A_800, %dma_start3A_801, %dma_start3A_802] : memref<2x4x125xi32, #tpu.memory_space<vmem>> -> memref<1x4x125xi32, #tpu.memory_space<vmem>>
          %dma_start3A_804 = tpu.memref_squeeze %dma_start3A_803 : memref<1x4x125xi32, #tpu.memory_space<vmem>> -> memref<4x125xi32, #tpu.memory_space<vmem>>
          %dma_start3A_805 = arith.constant 0 : i32
          %dma_start3A_806 = arith.constant 0 : i32
          %dma_start3A_807 = tpu.memref_slice %arg6[%cond3A_10, %dma_start3A_805, %dma_start3A_806] : memref<2x12800x125xi32, #tpu.memory_space<hbm>> -> memref<1x12800x125xi32, #tpu.memory_space<hbm>>
          %dma_start3A_808 = tpu.memref_squeeze %dma_start3A_807 : memref<1x12800x125xi32, #tpu.memory_space<hbm>> -> memref<12800x125xi32, #tpu.memory_space<hbm>>
          %dma_start3A_809 = arith.constant 0 : i32
          %dma_start3A_810 = tpu.memref_slice %dma_start3A_808[%add3A_517, %dma_start3A_809] : memref<12800x125xi32, #tpu.memory_space<hbm>> -> memref<4x125xi32, #tpu.memory_space<hbm>>
          %dma_start3A_811 = arith.constant 0 : i32
          %dma_start3A_812 = arith.constant 0 : i32
          %dma_start3A_813 = tpu.memref_slice %arg13[%dma_start3A_800, %dma_start3A_811, %dma_start3A_812] : memref<2x4x125xi32, #tpu.memory_space<vmem>> -> memref<1x4x125xi32, #tpu.memory_space<vmem>>
          %dma_start3A_814 = tpu.memref_squeeze %dma_start3A_813 : memref<1x4x125xi32, #tpu.memory_space<vmem>> -> memref<4x125xi32, #tpu.memory_space<vmem>>
          %dma_start3A_815 = arith.constant 0 : i32
          %dma_start3A_816 = arith.constant 0 : i32
          %dma_start3A_817 = tpu.memref_slice %arg6[%cond3A_10, %dma_start3A_815, %dma_start3A_816] : memref<2x12800x125xi32, #tpu.memory_space<hbm>> -> memref<1x12800x125xi32, #tpu.memory_space<hbm>>
          %dma_start3A_818 = tpu.memref_squeeze %dma_start3A_817 : memref<1x12800x125xi32, #tpu.memory_space<hbm>> -> memref<12800x125xi32, #tpu.memory_space<hbm>>
          %dma_start3A_819 = arith.constant 0 : i32
          %dma_start3A_820 = tpu.memref_slice %dma_start3A_818[%add3A_517, %dma_start3A_819] : memref<12800x125xi32, #tpu.memory_space<hbm>> -> memref<4x125xi32, #tpu.memory_space<hbm>>
          tpu.enqueue_dma source(%dma_start3A_820 : memref<4x125xi32, #tpu.memory_space<hbm>>) target(%dma_start3A_814 : memref<4x125xi32, #tpu.memory_space<vmem>>) target_semaphore(%arg16 : memref<!tpu.dma_semaphore, #tpu.memory_space<semaphore_mem>>)
          %dma_start3A_821 = arith.constant 0 : i32
          %dma_start3A_822 = arith.constant 0 : i32
          %dma_start3A_823 = arith.constant 0 : i32
          %dma_start3A_824 = tpu.memref_slice %arg14[%dma_start3A_821, %dma_start3A_822, %dma_start3A_823] : memref<2x4x125xi32, #tpu.memory_space<vmem>> -> memref<1x4x125xi32, #tpu.memory_space<vmem>>
          %dma_start3A_825 = tpu.memref_squeeze %dma_start3A_824 : memref<1x4x125xi32, #tpu.memory_space<vmem>> -> memref<4x125xi32, #tpu.memory_space<vmem>>
          %dma_start3A_826 = arith.constant 0 : i32
          %dma_start3A_827 = arith.constant 0 : i32
          %dma_start3A_828 = tpu.memref_slice %arg6[%cond3A_11, %dma_start3A_826, %dma_start3A_827] : memref<2x12800x125xi32, #tpu.memory_space<hbm>> -> memref<1x12800x125xi32, #tpu.memory_space<hbm>>
          %dma_start3A_829 = tpu.memref_squeeze %dma_start3A_828 : memref<1x12800x125xi32, #tpu.memory_space<hbm>> -> memref<12800x125xi32, #tpu.memory_space<hbm>>
          %dma_start3A_830 = arith.constant 0 : i32
          %dma_start3A_831 = tpu.memref_slice %dma_start3A_829[%add3A_517, %dma_start3A_830] : memref<12800x125xi32, #tpu.memory_space<hbm>> -> memref<4x125xi32, #tpu.memory_space<hbm>>
          %dma_start3A_832 = arith.constant 0 : i32
          %dma_start3A_833 = arith.constant 0 : i32
          %dma_start3A_834 = tpu.memref_slice %arg14[%dma_start3A_821, %dma_start3A_832, %dma_start3A_833] : memref<2x4x125xi32, #tpu.memory_space<vmem>> -> memref<1x4x125xi32, #tpu.memory_space<vmem>>
          %dma_start3A_835 = tpu.memref_squeeze %dma_start3A_834 : memref<1x4x125xi32, #tpu.memory_space<vmem>> -> memref<4x125xi32, #tpu.memory_space<vmem>>
          %dma_start3A_836 = arith.constant 0 : i32
          %dma_start3A_837 = arith.constant 0 : i32
          %dma_start3A_838 = tpu.memref_slice %arg6[%cond3A_11, %dma_start3A_836, %dma_start3A_837] : memref<2x12800x125xi32, #tpu.memory_space<hbm>> -> memref<1x12800x125xi32, #tpu.memory_space<hbm>>
          %dma_start3A_839 = tpu.memref_squeeze %dma_start3A_838 : memref<1x12800x125xi32, #tpu.memory_space<hbm>> -> memref<12800x125xi32, #tpu.memory_space<hbm>>
          %dma_start3A_840 = arith.constant 0 : i32
          %dma_start3A_841 = tpu.memref_slice %dma_start3A_839[%add3A_517, %dma_start3A_840] : memref<12800x125xi32, #tpu.memory_space<hbm>> -> memref<4x125xi32, #tpu.memory_space<hbm>>
          tpu.enqueue_dma source(%dma_start3A_841 : memref<4x125xi32, #tpu.memory_space<hbm>>) target(%dma_start3A_835 : memref<4x125xi32, #tpu.memory_space<vmem>>) target_semaphore(%arg16 : memref<!tpu.dma_semaphore, #tpu.memory_space<semaphore_mem>>)
        } else {
        }
        %dma_start3A_632 = arith.constant 1 : i32
        %dma_start3A_633 = arith.constant 0 : i32
        %dma_start3A_634 = arith.constant 1 : i32
        %dma_start3A_635 = arith.constant 0 : i32
        %dma_start3A_636 = arith.constant 0 : i32
        %dma_start3A_637 = arith.constant 0 : i32
        %dma_start3A_638 = tpu.memref_slice %arg15[%dma_start3A_634, %dma_start3A_635, %dma_start3A_636, %dma_start3A_637] : memref<2x4x125x16xf32, #tpu.memory_space<vmem>> -> memref<1x1x125x16xf32, #tpu.memory_space<vmem>>
        %dma_start3A_639 = tpu.memref_squeeze %dma_start3A_638 : memref<1x1x125x16xf32, #tpu.memory_space<vmem>> -> memref<125x16xf32, #tpu.memory_space<vmem>>
        %dma_start3A_640 = arith.constant 0 : i32
        %dma_start3A_641 = tpu.memref_slice %arg13[%dma_start3A_632, %dma_start3A_633, %dma_start3A_640] : memref<2x4x125xi32, #tpu.memory_space<vmem>> -> memref<1x1x125xi32, #tpu.memory_space<vmem>>
        %dma_start3A_642 = tpu.memref_squeeze %dma_start3A_641 : memref<1x1x125xi32, #tpu.memory_space<vmem>> -> memref<125xi32, #tpu.memory_space<vmem>>
        %dma_start3A_643 = arith.constant 0 : i32
        %dma_start3A_644 = arith.constant 0 : i32
        %dma_start3A_645 = tpu.memref_slice %arg5[%dma_start3A_643, %dma_start3A_644] : memref<100000x16xf32, #tpu.memory_space<hbm>> -> memref<100000x16xf32, #tpu.memory_space<hbm>>
        tpu.enqueue_indirect_dma source(%dma_start3A_645 : memref<100000x16xf32, #tpu.memory_space<hbm>>) target(%dma_start3A_639 : memref<125x16xf32, #tpu.memory_space<vmem>>) offsets(%dma_start3A_642 : memref<125xi32, #tpu.memory_space<vmem>>) semaphore(%arg18 : memref<!tpu.dma_semaphore, #tpu.memory_space<semaphore_mem>>)
        %dma_start3A_646 = arith.constant 1 : i32
        %dma_start3A_647 = arith.constant 1 : i32
        %dma_start3A_648 = arith.constant 1 : i32
        %dma_start3A_649 = arith.constant 1 : i32
        %dma_start3A_650 = arith.constant 0 : i32
        %dma_start3A_651 = arith.constant 0 : i32
        %dma_start3A_652 = tpu.memref_slice %arg15[%dma_start3A_648, %dma_start3A_649, %dma_start3A_650, %dma_start3A_651] : memref<2x4x125x16xf32, #tpu.memory_space<vmem>> -> memref<1x1x125x16xf32, #tpu.memory_space<vmem>>
        %dma_start3A_653 = tpu.memref_squeeze %dma_start3A_652 : memref<1x1x125x16xf32, #tpu.memory_space<vmem>> -> memref<125x16xf32, #tpu.memory_space<vmem>>
        %dma_start3A_654 = arith.constant 0 : i32
        %dma_start3A_655 = tpu.memref_slice %arg13[%dma_start3A_646, %dma_start3A_647, %dma_start3A_654] : memref<2x4x125xi32, #tpu.memory_space<vmem>> -> memref<1x1x125xi32, #tpu.memory_space<vmem>>
        %dma_start3A_656 = tpu.memref_squeeze %dma_start3A_655 : memref<1x1x125xi32, #tpu.memory_space<vmem>> -> memref<125xi32, #tpu.memory_space<vmem>>
        %dma_start3A_657 = arith.constant 0 : i32
        %dma_start3A_658 = arith.constant 0 : i32
        %dma_start3A_659 = tpu.memref_slice %arg5[%dma_start3A_657, %dma_start3A_658] : memref<100000x16xf32, #tpu.memory_space<hbm>> -> memref<100000x16xf32, #tpu.memory_space<hbm>>
        tpu.enqueue_indirect_dma source(%dma_start3A_659 : memref<100000x16xf32, #tpu.memory_space<hbm>>) target(%dma_start3A_653 : memref<125x16xf32, #tpu.memory_space<vmem>>) offsets(%dma_start3A_656 : memref<125xi32, #tpu.memory_space<vmem>>) semaphore(%arg18 : memref<!tpu.dma_semaphore, #tpu.memory_space<semaphore_mem>>)
        %dma_start3A_660 = arith.constant 1 : i32
        %dma_start3A_661 = arith.constant 2 : i32
        %dma_start3A_662 = arith.constant 1 : i32
        %dma_start3A_663 = arith.constant 2 : i32
        %dma_start3A_664 = arith.constant 0 : i32
        %dma_start3A_665 = arith.constant 0 : i32
        %dma_start3A_666 = tpu.memref_slice %arg15[%dma_start3A_662, %dma_start3A_663, %dma_start3A_664, %dma_start3A_665] : memref<2x4x125x16xf32, #tpu.memory_space<vmem>> -> memref<1x1x125x16xf32, #tpu.memory_space<vmem>>
        %dma_start3A_667 = tpu.memref_squeeze %dma_start3A_666 : memref<1x1x125x16xf32, #tpu.memory_space<vmem>> -> memref<125x16xf32, #tpu.memory_space<vmem>>
        %dma_start3A_668 = arith.constant 0 : i32
        %dma_start3A_669 = tpu.memref_slice %arg13[%dma_start3A_660, %dma_start3A_661, %dma_start3A_668] : memref<2x4x125xi32, #tpu.memory_space<vmem>> -> memref<1x1x125xi32, #tpu.memory_space<vmem>>
        %dma_start3A_670 = tpu.memref_squeeze %dma_start3A_669 : memref<1x1x125xi32, #tpu.memory_space<vmem>> -> memref<125xi32, #tpu.memory_space<vmem>>
        %dma_start3A_671 = arith.constant 0 : i32
        %dma_start3A_672 = arith.constant 0 : i32
        %dma_start3A_673 = tpu.memref_slice %arg5[%dma_start3A_671, %dma_start3A_672] : memref<100000x16xf32, #tpu.memory_space<hbm>> -> memref<100000x16xf32, #tpu.memory_space<hbm>>
        tpu.enqueue_indirect_dma source(%dma_start3A_673 : memref<100000x16xf32, #tpu.memory_space<hbm>>) target(%dma_start3A_667 : memref<125x16xf32, #tpu.memory_space<vmem>>) offsets(%dma_start3A_670 : memref<125xi32, #tpu.memory_space<vmem>>) semaphore(%arg18 : memref<!tpu.dma_semaphore, #tpu.memory_space<semaphore_mem>>)
        %dma_start3A_674 = arith.constant 1 : i32
        %dma_start3A_675 = arith.constant 3 : i32
        %dma_start3A_676 = arith.constant 1 : i32
        %dma_start3A_677 = arith.constant 3 : i32
        %dma_start3A_678 = arith.constant 0 : i32
        %dma_start3A_679 = arith.constant 0 : i32
        %dma_start3A_680 = tpu.memref_slice %arg15[%dma_start3A_676, %dma_start3A_677, %dma_start3A_678, %dma_start3A_679] : memref<2x4x125x16xf32, #tpu.memory_space<vmem>> -> memref<1x1x125x16xf32, #tpu.memory_space<vmem>>
        %dma_start3A_681 = tpu.memref_squeeze %dma_start3A_680 : memref<1x1x125x16xf32, #tpu.memory_space<vmem>> -> memref<125x16xf32, #tpu.memory_space<vmem>>
        %dma_start3A_682 = arith.constant 0 : i32
        %dma_start3A_683 = tpu.memref_slice %arg13[%dma_start3A_674, %dma_start3A_675, %dma_start3A_682] : memref<2x4x125xi32, #tpu.memory_space<vmem>> -> memref<1x1x125xi32, #tpu.memory_space<vmem>>
        %dma_start3A_684 = tpu.memref_squeeze %dma_start3A_683 : memref<1x1x125xi32, #tpu.memory_space<vmem>> -> memref<125xi32, #tpu.memory_space<vmem>>
        %dma_start3A_685 = arith.constant 0 : i32
        %dma_start3A_686 = arith.constant 0 : i32
        %dma_start3A_687 = tpu.memref_slice %arg5[%dma_start3A_685, %dma_start3A_686] : memref<100000x16xf32, #tpu.memory_space<hbm>> -> memref<100000x16xf32, #tpu.memory_space<hbm>>
        tpu.enqueue_indirect_dma source(%dma_start3A_687 : memref<100000x16xf32, #tpu.memory_space<hbm>>) target(%dma_start3A_681 : memref<125x16xf32, #tpu.memory_space<vmem>>) offsets(%dma_start3A_684 : memref<125xi32, #tpu.memory_space<vmem>>) semaphore(%arg18 : memref<!tpu.dma_semaphore, #tpu.memory_space<semaphore_mem>>)
        %dma_wait3A_688 = arith.constant 1 : i32
        %dma_wait3A_689 = arith.constant 0 : i32
        %dma_wait3A_690 = arith.constant 1 : i32
        %dma_wait3A_691 = arith.constant 0 : i32
        %dma_wait3A_692 = arith.constant 0 : i32
        %dma_wait3A_693 = arith.constant 0 : i32
        %dma_wait3A_694 = tpu.memref_slice %arg15[%dma_wait3A_690, %dma_wait3A_691, %dma_wait3A_692, %dma_wait3A_693] : memref<2x4x125x16xf32, #tpu.memory_space<vmem>> -> memref<1x1x125x16xf32, #tpu.memory_space<vmem>>
        %dma_wait3A_695 = tpu.memref_squeeze %dma_wait3A_694 : memref<1x1x125x16xf32, #tpu.memory_space<vmem>> -> memref<125x16xf32, #tpu.memory_space<vmem>>
        %dma_wait3A_696 = arith.constant 0 : i32
        %dma_wait3A_697 = tpu.memref_slice %arg13[%dma_wait3A_688, %dma_wait3A_689, %dma_wait3A_696] : memref<2x4x125xi32, #tpu.memory_space<vmem>> -> memref<1x1x125xi32, #tpu.memory_space<vmem>>
        %dma_wait3A_698 = tpu.memref_squeeze %dma_wait3A_697 : memref<1x1x125xi32, #tpu.memory_space<vmem>> -> memref<125xi32, #tpu.memory_space<vmem>>
        %dma_wait3A_699 = arith.constant 0 : i32
        %dma_wait3A_700 = arith.constant 0 : i32
        %dma_wait3A_701 = tpu.memref_slice %arg5[%dma_wait3A_699, %dma_wait3A_700] : memref<100000x16xf32, #tpu.memory_space<hbm>> -> memref<100000x16xf32, #tpu.memory_space<hbm>>
        tpu.wait_indirect_dma semaphore(%arg18 : memref<!tpu.dma_semaphore, #tpu.memory_space<semaphore_mem>>) src(%dma_wait3A_701 : memref<100000x16xf32, #tpu.memory_space<hbm>>) dst(%dma_wait3A_695 : memref<125x16xf32, #tpu.memory_space<vmem>>)
        %dma_wait3A_702 = arith.constant 1 : i32
        %dma_wait3A_703 = arith.constant 1 : i32
        %dma_wait3A_704 = arith.constant 1 : i32
        %dma_wait3A_705 = arith.constant 1 : i32
        %dma_wait3A_706 = arith.constant 0 : i32
        %dma_wait3A_707 = arith.constant 0 : i32
        %dma_wait3A_708 = tpu.memref_slice %arg15[%dma_wait3A_704, %dma_wait3A_705, %dma_wait3A_706, %dma_wait3A_707] : memref<2x4x125x16xf32, #tpu.memory_space<vmem>> -> memref<1x1x125x16xf32, #tpu.memory_space<vmem>>
        %dma_wait3A_709 = tpu.memref_squeeze %dma_wait3A_708 : memref<1x1x125x16xf32, #tpu.memory_space<vmem>> -> memref<125x16xf32, #tpu.memory_space<vmem>>
        %dma_wait3A_710 = arith.constant 0 : i32
        %dma_wait3A_711 = tpu.memref_slice %arg13[%dma_wait3A_702, %dma_wait3A_703, %dma_wait3A_710] : memref<2x4x125xi32, #tpu.memory_space<vmem>> -> memref<1x1x125xi32, #tpu.memory_space<vmem>>
        %dma_wait3A_712 = tpu.memref_squeeze %dma_wait3A_711 : memref<1x1x125xi32, #tpu.memory_space<vmem>> -> memref<125xi32, #tpu.memory_space<vmem>>
        %dma_wait3A_713 = arith.constant 0 : i32
        %dma_wait3A_714 = arith.constant 0 : i32
        %dma_wait3A_715 = tpu.memref_slice %arg5[%dma_wait3A_713, %dma_wait3A_714] : memref<100000x16xf32, #tpu.memory_space<hbm>> -> memref<100000x16xf32, #tpu.memory_space<hbm>>
        tpu.wait_indirect_dma semaphore(%arg18 : memref<!tpu.dma_semaphore, #tpu.memory_space<semaphore_mem>>) src(%dma_wait3A_715 : memref<100000x16xf32, #tpu.memory_space<hbm>>) dst(%dma_wait3A_709 : memref<125x16xf32, #tpu.memory_space<vmem>>)
        %dma_wait3A_716 = arith.constant 1 : i32
        %dma_wait3A_717 = arith.constant 2 : i32
        %dma_wait3A_718 = arith.constant 1 : i32
        %dma_wait3A_719 = arith.constant 2 : i32
        %dma_wait3A_720 = arith.constant 0 : i32
        %dma_wait3A_721 = arith.constant 0 : i32
        %dma_wait3A_722 = tpu.memref_slice %arg15[%dma_wait3A_718, %dma_wait3A_719, %dma_wait3A_720, %dma_wait3A_721] : memref<2x4x125x16xf32, #tpu.memory_space<vmem>> -> memref<1x1x125x16xf32, #tpu.memory_space<vmem>>
        %dma_wait3A_723 = tpu.memref_squeeze %dma_wait3A_722 : memref<1x1x125x16xf32, #tpu.memory_space<vmem>> -> memref<125x16xf32, #tpu.memory_space<vmem>>
        %dma_wait3A_724 = arith.constant 0 : i32
        %dma_wait3A_725 = tpu.memref_slice %arg13[%dma_wait3A_716, %dma_wait3A_717, %dma_wait3A_724] : memref<2x4x125xi32, #tpu.memory_space<vmem>> -> memref<1x1x125xi32, #tpu.memory_space<vmem>>
        %dma_wait3A_726 = tpu.memref_squeeze %dma_wait3A_725 : memref<1x1x125xi32, #tpu.memory_space<vmem>> -> memref<125xi32, #tpu.memory_space<vmem>>
        %dma_wait3A_727 = arith.constant 0 : i32
        %dma_wait3A_728 = arith.constant 0 : i32
        %dma_wait3A_729 = tpu.memref_slice %arg5[%dma_wait3A_727, %dma_wait3A_728] : memref<100000x16xf32, #tpu.memory_space<hbm>> -> memref<100000x16xf32, #tpu.memory_space<hbm>>
        tpu.wait_indirect_dma semaphore(%arg18 : memref<!tpu.dma_semaphore, #tpu.memory_space<semaphore_mem>>) src(%dma_wait3A_729 : memref<100000x16xf32, #tpu.memory_space<hbm>>) dst(%dma_wait3A_723 : memref<125x16xf32, #tpu.memory_space<vmem>>)
        %dma_wait3A_730 = arith.constant 1 : i32
        %dma_wait3A_731 = arith.constant 3 : i32
        %dma_wait3A_732 = arith.constant 1 : i32
        %dma_wait3A_733 = arith.constant 3 : i32
        %dma_wait3A_734 = arith.constant 0 : i32
        %dma_wait3A_735 = arith.constant 0 : i32
        %dma_wait3A_736 = tpu.memref_slice %arg15[%dma_wait3A_732, %dma_wait3A_733, %dma_wait3A_734, %dma_wait3A_735] : memref<2x4x125x16xf32, #tpu.memory_space<vmem>> -> memref<1x1x125x16xf32, #tpu.memory_space<vmem>>
        %dma_wait3A_737 = tpu.memref_squeeze %dma_wait3A_736 : memref<1x1x125x16xf32, #tpu.memory_space<vmem>> -> memref<125x16xf32, #tpu.memory_space<vmem>>
        %dma_wait3A_738 = arith.constant 0 : i32
        %dma_wait3A_739 = tpu.memref_slice %arg13[%dma_wait3A_730, %dma_wait3A_731, %dma_wait3A_738] : memref<2x4x125xi32, #tpu.memory_space<vmem>> -> memref<1x1x125xi32, #tpu.memory_space<vmem>>
        %dma_wait3A_740 = tpu.memref_squeeze %dma_wait3A_739 : memref<1x1x125xi32, #tpu.memory_space<vmem>> -> memref<125xi32, #tpu.memory_space<vmem>>
        %dma_wait3A_741 = arith.constant 0 : i32
        %dma_wait3A_742 = arith.constant 0 : i32
        %dma_wait3A_743 = tpu.memref_slice %arg5[%dma_wait3A_741, %dma_wait3A_742] : memref<100000x16xf32, #tpu.memory_space<hbm>> -> memref<100000x16xf32, #tpu.memory_space<hbm>>
        tpu.wait_indirect_dma semaphore(%arg18 : memref<!tpu.dma_semaphore, #tpu.memory_space<semaphore_mem>>) src(%dma_wait3A_743 : memref<100000x16xf32, #tpu.memory_space<hbm>>) dst(%dma_wait3A_737 : memref<125x16xf32, #tpu.memory_space<vmem>>)
        %dma_start3A_744 = arith.constant 1 : i32
        %dma_start3A_745 = arith.constant 0 : i32
        %dma_start3A_746 = arith.constant 1 : i32
        %dma_start3A_747 = arith.constant 0 : i32
        %dma_start3A_748 = arith.constant 0 : i32
        %dma_start3A_749 = arith.constant 0 : i32
        %dma_start3A_750 = tpu.memref_slice %arg15[%dma_start3A_744, %dma_start3A_745, %dma_start3A_748, %dma_start3A_749] : memref<2x4x125x16xf32, #tpu.memory_space<vmem>> -> memref<1x1x125x16xf32, #tpu.memory_space<vmem>>
        %dma_start3A_751 = tpu.memref_squeeze %dma_start3A_750 : memref<1x1x125x16xf32, #tpu.memory_space<vmem>> -> memref<125x16xf32, #tpu.memory_space<vmem>>
        %dma_start3A_752 = arith.constant 0 : i32
        %dma_start3A_753 = tpu.memref_slice %arg14[%dma_start3A_746, %dma_start3A_747, %dma_start3A_752] : memref<2x4x125xi32, #tpu.memory_space<vmem>> -> memref<1x1x125xi32, #tpu.memory_space<vmem>>
        %dma_start3A_754 = tpu.memref_squeeze %dma_start3A_753 : memref<1x1x125xi32, #tpu.memory_space<vmem>> -> memref<125xi32, #tpu.memory_space<vmem>>
        %dma_start3A_755 = arith.constant 0 : i32
        %dma_start3A_756 = arith.constant 0 : i32
        %dma_start3A_757 = tpu.memref_slice %arg12[%dma_start3A_755, %dma_start3A_756] : memref<100000x16xf32, #tpu.memory_space<vmem_shared>> -> memref<100000x16xf32, #tpu.memory_space<vmem_shared>>
        tpu.enqueue_indirect_dma source(%dma_start3A_751 : memref<125x16xf32, #tpu.memory_space<vmem>>) target(%dma_start3A_757 : memref<100000x16xf32, #tpu.memory_space<vmem_shared>>) offsets(%dma_start3A_754 : memref<125xi32, #tpu.memory_space<vmem>>) semaphore(%arg20 : memref<!tpu.dma_semaphore, #tpu.memory_space<semaphore_mem>>) {add = true}
        %dma_start3A_758 = arith.constant 1 : i32
        %dma_start3A_759 = arith.constant 1 : i32
        %dma_start3A_760 = arith.constant 1 : i32
        %dma_start3A_761 = arith.constant 1 : i32
        %dma_start3A_762 = arith.constant 0 : i32
        %dma_start3A_763 = arith.constant 0 : i32
        %dma_start3A_764 = tpu.memref_slice %arg15[%dma_start3A_758, %dma_start3A_759, %dma_start3A_762, %dma_start3A_763] : memref<2x4x125x16xf32, #tpu.memory_space<vmem>> -> memref<1x1x125x16xf32, #tpu.memory_space<vmem>>
        %dma_start3A_765 = tpu.memref_squeeze %dma_start3A_764 : memref<1x1x125x16xf32, #tpu.memory_space<vmem>> -> memref<125x16xf32, #tpu.memory_space<vmem>>
        %dma_start3A_766 = arith.constant 0 : i32
        %dma_start3A_767 = tpu.memref_slice %arg14[%dma_start3A_760, %dma_start3A_761, %dma_start3A_766] : memref<2x4x125xi32, #tpu.memory_space<vmem>> -> memref<1x1x125xi32, #tpu.memory_space<vmem>>
        %dma_start3A_768 = tpu.memref_squeeze %dma_start3A_767 : memref<1x1x125xi32, #tpu.memory_space<vmem>> -> memref<125xi32, #tpu.memory_space<vmem>>
        %dma_start3A_769 = arith.constant 0 : i32
        %dma_start3A_770 = arith.constant 0 : i32
        %dma_start3A_771 = tpu.memref_slice %arg12[%dma_start3A_769, %dma_start3A_770] : memref<100000x16xf32, #tpu.memory_space<vmem_shared>> -> memref<100000x16xf32, #tpu.memory_space<vmem_shared>>
        tpu.enqueue_indirect_dma source(%dma_start3A_765 : memref<125x16xf32, #tpu.memory_space<vmem>>) target(%dma_start3A_771 : memref<100000x16xf32, #tpu.memory_space<vmem_shared>>) offsets(%dma_start3A_768 : memref<125xi32, #tpu.memory_space<vmem>>) semaphore(%arg20 : memref<!tpu.dma_semaphore, #tpu.memory_space<semaphore_mem>>) {add = true}
        %dma_start3A_772 = arith.constant 1 : i32
        %dma_start3A_773 = arith.constant 2 : i32
        %dma_start3A_774 = arith.constant 1 : i32
        %dma_start3A_775 = arith.constant 2 : i32
        %dma_start3A_776 = arith.constant 0 : i32
        %dma_start3A_777 = arith.constant 0 : i32
        %dma_start3A_778 = tpu.memref_slice %arg15[%dma_start3A_772, %dma_start3A_773, %dma_start3A_776, %dma_start3A_777] : memref<2x4x125x16xf32, #tpu.memory_space<vmem>> -> memref<1x1x125x16xf32, #tpu.memory_space<vmem>>
        %dma_start3A_779 = tpu.memref_squeeze %dma_start3A_778 : memref<1x1x125x16xf32, #tpu.memory_space<vmem>> -> memref<125x16xf32, #tpu.memory_space<vmem>>
        %dma_start3A_780 = arith.constant 0 : i32
        %dma_start3A_781 = tpu.memref_slice %arg14[%dma_start3A_774, %dma_start3A_775, %dma_start3A_780] : memref<2x4x125xi32, #tpu.memory_space<vmem>> -> memref<1x1x125xi32, #tpu.memory_space<vmem>>
        %dma_start3A_782 = tpu.memref_squeeze %dma_start3A_781 : memref<1x1x125xi32, #tpu.memory_space<vmem>> -> memref<125xi32, #tpu.memory_space<vmem>>
        %dma_start3A_783 = arith.constant 0 : i32
        %dma_start3A_784 = arith.constant 0 : i32
        %dma_start3A_785 = tpu.memref_slice %arg12[%dma_start3A_783, %dma_start3A_784] : memref<100000x16xf32, #tpu.memory_space<vmem_shared>> -> memref<100000x16xf32, #tpu.memory_space<vmem_shared>>
        tpu.enqueue_indirect_dma source(%dma_start3A_779 : memref<125x16xf32, #tpu.memory_space<vmem>>) target(%dma_start3A_785 : memref<100000x16xf32, #tpu.memory_space<vmem_shared>>) offsets(%dma_start3A_782 : memref<125xi32, #tpu.memory_space<vmem>>) semaphore(%arg20 : memref<!tpu.dma_semaphore, #tpu.memory_space<semaphore_mem>>) {add = true}
        %dma_start3A_786 = arith.constant 1 : i32
        %dma_start3A_787 = arith.constant 3 : i32
        %dma_start3A_788 = arith.constant 1 : i32
        %dma_start3A_789 = arith.constant 3 : i32
        %dma_start3A_790 = arith.constant 0 : i32
        %dma_start3A_791 = arith.constant 0 : i32
        %dma_start3A_792 = tpu.memref_slice %arg15[%dma_start3A_786, %dma_start3A_787, %dma_start3A_790, %dma_start3A_791] : memref<2x4x125x16xf32, #tpu.memory_space<vmem>> -> memref<1x1x125x16xf32, #tpu.memory_space<vmem>>
        %dma_start3A_793 = tpu.memref_squeeze %dma_start3A_792 : memref<1x1x125x16xf32, #tpu.memory_space<vmem>> -> memref<125x16xf32, #tpu.memory_space<vmem>>
        %dma_start3A_794 = arith.constant 0 : i32
        %dma_start3A_795 = tpu.memref_slice %arg14[%dma_start3A_788, %dma_start3A_789, %dma_start3A_794] : memref<2x4x125xi32, #tpu.memory_space<vmem>> -> memref<1x1x125xi32, #tpu.memory_space<vmem>>
        %dma_start3A_796 = tpu.memref_squeeze %dma_start3A_795 : memref<1x1x125xi32, #tpu.memory_space<vmem>> -> memref<125xi32, #tpu.memory_space<vmem>>
        %dma_start3A_797 = arith.constant 0 : i32
        %dma_start3A_798 = arith.constant 0 : i32
        %dma_start3A_799 = tpu.memref_slice %arg12[%dma_start3A_797, %dma_start3A_798] : memref<100000x16xf32, #tpu.memory_space<vmem_shared>> -> memref<100000x16xf32, #tpu.memory_space<vmem_shared>>
        tpu.enqueue_indirect_dma source(%dma_start3A_793 : memref<125x16xf32, #tpu.memory_space<vmem>>) target(%dma_start3A_799 : memref<100000x16xf32, #tpu.memory_space<vmem_shared>>) offsets(%dma_start3A_796 : memref<125xi32, #tpu.memory_space<vmem>>) semaphore(%arg20 : memref<!tpu.dma_semaphore, #tpu.memory_space<semaphore_mem>>) {add = true}
      }
      %scan3A_173 = arith.constant 100 : i32
      %dma_wait3A_174 = arith.constant 1 : i32
      %dma_wait3A_175 = arith.constant 0 : i32
      %dma_wait3A_176 = arith.constant 0 : i32
      %dma_wait3A_177 = arith.constant 0 : i32
      %dma_wait3A_178 = tpu.memref_slice %arg15[%dma_wait3A_174, %dma_wait3A_175, %dma_wait3A_176, %dma_wait3A_177] : memref<2x4x125x16xf32, #tpu.memory_space<vmem>> -> memref<1x1x125x16xf32, #tpu.memory_space<vmem>>
      %dma_wait3A_179 = tpu.memref_squeeze %dma_wait3A_178 : memref<1x1x125x16xf32, #tpu.memory_space<vmem>> -> memref<125x16xf32, #tpu.memory_space<vmem>>
      %dma_wait3A_180 = arith.constant 0 : i32
      %dma_wait3A_181 = arith.constant 0 : i32
      %dma_wait3A_182 = tpu.memref_slice %arg5[%dma_wait3A_180, %dma_wait3A_181] : memref<100000x16xf32, #tpu.memory_space<hbm>> -> memref<125x16xf32, #tpu.memory_space<hbm>>
      %dma_wait3A_183 = arith.constant 0 : i32
      %dma_wait3A_184 = arith.constant 0 : i32
      %dma_wait3A_185 = tpu.memref_slice %arg15[%dma_wait3A_174, %dma_wait3A_175, %dma_wait3A_183, %dma_wait3A_184] : memref<2x4x125x16xf32, #tpu.memory_space<vmem>> -> memref<1x1x125x16xf32, #tpu.memory_space<vmem>>
      %dma_wait3A_186 = tpu.memref_squeeze %dma_wait3A_185 : memref<1x1x125x16xf32, #tpu.memory_space<vmem>> -> memref<125x16xf32, #tpu.memory_space<vmem>>
      %dma_wait3A_187 = arith.constant 0 : i32
      %dma_wait3A_188 = arith.constant 0 : i32
      %dma_wait3A_189 = tpu.memref_slice %arg5[%dma_wait3A_187, %dma_wait3A_188] : memref<100000x16xf32, #tpu.memory_space<hbm>> -> memref<125x16xf32, #tpu.memory_space<hbm>>
      tpu.wait_dma2 semaphore(%arg20 : memref<!tpu.dma_semaphore, #tpu.memory_space<semaphore_mem>>) src(%dma_wait3A_189 : memref<125x16xf32, #tpu.memory_space<hbm>>) dst(%dma_wait3A_186 : memref<125x16xf32, #tpu.memory_space<vmem>>)
      %dma_wait3A_190 = arith.constant 1 : i32
      %dma_wait3A_191 = arith.constant 1 : i32
      %dma_wait3A_192 = arith.constant 0 : i32
      %dma_wait3A_193 = arith.constant 0 : i32
      %dma_wait3A_194 = tpu.memref_slice %arg15[%dma_wait3A_190, %dma_wait3A_191, %dma_wait3A_192, %dma_wait3A_193] : memref<2x4x125x16xf32, #tpu.memory_space<vmem>> -> memref<1x1x125x16xf32, #tpu.memory_space<vmem>>
      %dma_wait3A_195 = tpu.memref_squeeze %dma_wait3A_194 : memref<1x1x125x16xf32, #tpu.memory_space<vmem>> -> memref<125x16xf32, #tpu.memory_space<vmem>>
      %dma_wait3A_196 = arith.constant 0 : i32
      %dma_wait3A_197 = arith.constant 0 : i32
      %dma_wait3A_198 = tpu.memref_slice %arg5[%dma_wait3A_196, %dma_wait3A_197] : memref<100000x16xf32, #tpu.memory_space<hbm>> -> memref<125x16xf32, #tpu.memory_space<hbm>>
      %dma_wait3A_199 = arith.constant 0 : i32
      %dma_wait3A_200 = arith.constant 0 : i32
      %dma_wait3A_201 = tpu.memref_slice %arg15[%dma_wait3A_190, %dma_wait3A_191, %dma_wait3A_199, %dma_wait3A_200] : memref<2x4x125x16xf32, #tpu.memory_space<vmem>> -> memref<1x1x125x16xf32, #tpu.memory_space<vmem>>
      %dma_wait3A_202 = tpu.memref_squeeze %dma_wait3A_201 : memref<1x1x125x16xf32, #tpu.memory_space<vmem>> -> memref<125x16xf32, #tpu.memory_space<vmem>>
      %dma_wait3A_203 = arith.constant 0 : i32
      %dma_wait3A_204 = arith.constant 0 : i32
      %dma_wait3A_205 = tpu.memref_slice %arg5[%dma_wait3A_203, %dma_wait3A_204] : memref<100000x16xf32, #tpu.memory_space<hbm>> -> memref<125x16xf32, #tpu.memory_space<hbm>>
      tpu.wait_dma2 semaphore(%arg20 : memref<!tpu.dma_semaphore, #tpu.memory_space<semaphore_mem>>) src(%dma_wait3A_205 : memref<125x16xf32, #tpu.memory_space<hbm>>) dst(%dma_wait3A_202 : memref<125x16xf32, #tpu.memory_space<vmem>>)
      %dma_wait3A_206 = arith.constant 1 : i32
      %dma_wait3A_207 = arith.constant 2 : i32
      %dma_wait3A_208 = arith.constant 0 : i32
      %dma_wait3A_209 = arith.constant 0 : i32
      %dma_wait3A_210 = tpu.memref_slice %arg15[%dma_wait3A_206, %dma_wait3A_207, %dma_wait3A_208, %dma_wait3A_209] : memref<2x4x125x16xf32, #tpu.memory_space<vmem>> -> memref<1x1x125x16xf32, #tpu.memory_space<vmem>>
      %dma_wait3A_211 = tpu.memref_squeeze %dma_wait3A_210 : memref<1x1x125x16xf32, #tpu.memory_space<vmem>> -> memref<125x16xf32, #tpu.memory_space<vmem>>
      %dma_wait3A_212 = arith.constant 0 : i32
      %dma_wait3A_213 = arith.constant 0 : i32
      %dma_wait3A_214 = tpu.memref_slice %arg5[%dma_wait3A_212, %dma_wait3A_213] : memref<100000x16xf32, #tpu.memory_space<hbm>> -> memref<125x16xf32, #tpu.memory_space<hbm>>
      %dma_wait3A_215 = arith.constant 0 : i32
      %dma_wait3A_216 = arith.constant 0 : i32
      %dma_wait3A_217 = tpu.memref_slice %arg15[%dma_wait3A_206, %dma_wait3A_207, %dma_wait3A_215, %dma_wait3A_216] : memref<2x4x125x16xf32, #tpu.memory_space<vmem>> -> memref<1x1x125x16xf32, #tpu.memory_space<vmem>>
      %dma_wait3A_218 = tpu.memref_squeeze %dma_wait3A_217 : memref<1x1x125x16xf32, #tpu.memory_space<vmem>> -> memref<125x16xf32, #tpu.memory_space<vmem>>
      %dma_wait3A_219 = arith.constant 0 : i32
      %dma_wait3A_220 = arith.constant 0 : i32
      %dma_wait3A_221 = tpu.memref_slice %arg5[%dma_wait3A_219, %dma_wait3A_220] : memref<100000x16xf32, #tpu.memory_space<hbm>> -> memref<125x16xf32, #tpu.memory_space<hbm>>
      tpu.wait_dma2 semaphore(%arg20 : memref<!tpu.dma_semaphore, #tpu.memory_space<semaphore_mem>>) src(%dma_wait3A_221 : memref<125x16xf32, #tpu.memory_space<hbm>>) dst(%dma_wait3A_218 : memref<125x16xf32, #tpu.memory_space<vmem>>)
      %dma_wait3A_222 = arith.constant 1 : i32
      %dma_wait3A_223 = arith.constant 3 : i32
      %dma_wait3A_224 = arith.constant 0 : i32
      %dma_wait3A_225 = arith.constant 0 : i32
      %dma_wait3A_226 = tpu.memref_slice %arg15[%dma_wait3A_222, %dma_wait3A_223, %dma_wait3A_224, %dma_wait3A_225] : memref<2x4x125x16xf32, #tpu.memory_space<vmem>> -> memref<1x1x125x16xf32, #tpu.memory_space<vmem>>
      %dma_wait3A_227 = tpu.memref_squeeze %dma_wait3A_226 : memref<1x1x125x16xf32, #tpu.memory_space<vmem>> -> memref<125x16xf32, #tpu.memory_space<vmem>>
      %dma_wait3A_228 = arith.constant 0 : i32
      %dma_wait3A_229 = arith.constant 0 : i32
      %dma_wait3A_230 = tpu.memref_slice %arg5[%dma_wait3A_228, %dma_wait3A_229] : memref<100000x16xf32, #tpu.memory_space<hbm>> -> memref<125x16xf32, #tpu.memory_space<hbm>>
      %dma_wait3A_231 = arith.constant 0 : i32
      %dma_wait3A_232 = arith.constant 0 : i32
      %dma_wait3A_233 = tpu.memref_slice %arg15[%dma_wait3A_222, %dma_wait3A_223, %dma_wait3A_231, %dma_wait3A_232] : memref<2x4x125x16xf32, #tpu.memory_space<vmem>> -> memref<1x1x125x16xf32, #tpu.memory_space<vmem>>
      %dma_wait3A_234 = tpu.memref_squeeze %dma_wait3A_233 : memref<1x1x125x16xf32, #tpu.memory_space<vmem>> -> memref<125x16xf32, #tpu.memory_space<vmem>>
      %dma_wait3A_235 = arith.constant 0 : i32
      %dma_wait3A_236 = arith.constant 0 : i32
      %dma_wait3A_237 = tpu.memref_slice %arg5[%dma_wait3A_235, %dma_wait3A_236] : memref<100000x16xf32, #tpu.memory_space<hbm>> -> memref<125x16xf32, #tpu.memory_space<hbm>>
      tpu.wait_dma2 semaphore(%arg20 : memref<!tpu.dma_semaphore, #tpu.memory_space<semaphore_mem>>) src(%dma_wait3A_237 : memref<125x16xf32, #tpu.memory_space<hbm>>) dst(%dma_wait3A_234 : memref<125x16xf32, #tpu.memory_space<vmem>>)
      %barrier3A_238 = arith.constant 0 : index
      tpu.barrier barrier_id(%barrier3A_238)
      "tpu.region"() ({
        %run_scoped3A = tpu.sem_alloc : memref<!tpu.dma_semaphore, #tpu.memory_space<semaphore_mem>>
        %dma_start3A_240 = arith.constant 0 : i32
        %dma_start3A_241 = tpu.memref_slice %arg11[%mul3A_2, %dma_start3A_240] : memref<100000x16xf32, #tpu.memory_space<hbm>> -> memref<6250x16xf32, #tpu.memory_space<hbm>>
        %dma_start3A_242 = arith.constant 0 : i32
        %dma_start3A_243 = tpu.memref_slice %arg12[%mul3A_2, %dma_start3A_242] : memref<100000x16xf32, #tpu.memory_space<vmem_shared>> -> memref<6250x16xf32, #tpu.memory_space<vmem_shared>>
        tpu.enqueue_dma source(%dma_start3A_243 : memref<6250x16xf32, #tpu.memory_space<vmem_shared>>) target(%dma_start3A_241 : memref<6250x16xf32, #tpu.memory_space<hbm>>) target_semaphore(%run_scoped3A : memref<!tpu.dma_semaphore, #tpu.memory_space<semaphore_mem>>)
        %dma_wait3A_244 = arith.constant 0 : i32
        %dma_wait3A_245 = tpu.memref_slice %arg11[%mul3A_2, %dma_wait3A_244] : memref<100000x16xf32, #tpu.memory_space<hbm>> -> memref<6250x16xf32, #tpu.memory_space<hbm>>
        %dma_wait3A_246 = arith.constant 0 : i32
        %dma_wait3A_247 = tpu.memref_slice %arg12[%mul3A_2, %dma_wait3A_246] : memref<100000x16xf32, #tpu.memory_space<vmem_shared>> -> memref<6250x16xf32, #tpu.memory_space<vmem_shared>>
        tpu.wait_dma2 semaphore(%run_scoped3A : memref<!tpu.dma_semaphore, #tpu.memory_space<semaphore_mem>>) src(%dma_wait3A_247 : memref<6250x16xf32, #tpu.memory_space<vmem_shared>>) dst(%dma_wait3A_245 : memref<6250x16xf32, #tpu.memory_space<hbm>>)
        tpu.yield
      }) : () -> ()
      %barrier3A_239 = arith.constant 0 : index
      tpu.barrier barrier_id(%barrier3A_239)
    } else {
    }
    return
  }
}

module attributes {stable_mosaic.version = 14 : i64} {
  func.func @_tc1_body(%arg0: i32, %arg1: memref<4000x16xf32, #tpu.memory_space<vmem>>, %arg2: memref<4000x16xf32, #tpu.memory_space<vmem>>, %arg3: memref<32x64xf32, #tpu.memory_space<vmem>>, %arg4: memref<1x64xf32, #tpu.memory_space<vmem>>, %arg5: memref<32x16xf32, #tpu.memory_space<vmem>>, %arg6: memref<64x64xf32, #tpu.memory_space<vmem>>, %arg7: memref<16x64xf32, #tpu.memory_space<vmem>>, %arg8: memref<4x64xf32, #tpu.memory_space<vmem>>, %arg9: memref<1x64xf32, #tpu.memory_space<vmem>>, %arg10: memref<4000x16xf32, #tpu.memory_space<vmem>>, %arg11: memref<4000x16xf32, #tpu.memory_space<vmem>>, %arg12: memref<4000x16xf32, #tpu.memory_space<vmem>>, %arg13: memref<4000x16xf32, #tpu.memory_space<vmem>>) attributes {dimension_semantics = [#tpu.dimension_semantics<arbitrary>], iteration_bounds = array<i64: 25>, scalar_prefetch = 0 : i64, scratch_operands = 0 : i64, tpu.core_type = #tpu.core_type<tc>, window_params = [{transform_indices = @transform_0, window_bounds = array<i64: 4000, 16>}, {transform_indices = @transform_1, window_bounds = array<i64: 4000, 16>}, {pipeline_mode = #tpu.pipeline_mode<synchronous>, transform_indices = @transform_2, window_bounds = array<i64: 32, 64>}, {pipeline_mode = #tpu.pipeline_mode<synchronous>, transform_indices = @transform_3, window_bounds = array<i64: 1, 64>}, {pipeline_mode = #tpu.pipeline_mode<synchronous>, transform_indices = @transform_4, window_bounds = array<i64: 32, 16>}, {pipeline_mode = #tpu.pipeline_mode<synchronous>, transform_indices = @transform_5, window_bounds = array<i64: 64, 64>}, {pipeline_mode = #tpu.pipeline_mode<synchronous>, transform_indices = @transform_6, window_bounds = array<i64: 16, 64>}, {pipeline_mode = #tpu.pipeline_mode<synchronous>, transform_indices = @transform_7, window_bounds = array<i64: 4, 64>}, {pipeline_mode = #tpu.pipeline_mode<synchronous>, transform_indices = @transform_8, window_bounds = array<i64: 1, 64>}, {transform_indices = @transform_9, window_bounds = array<i64: 4000, 16>}, {transform_indices = @transform_10, window_bounds = array<i64: 4000, 16>}, {transform_indices = @transform_11, window_bounds = array<i64: 4000, 16>}, {transform_indices = @transform_12, window_bounds = array<i64: 4000, 16>}]} {
    %get3A = arith.constant 0 : index
    %get3A_0 = arith.constant 0 : index
    %get3A_1 = vector.load %arg1[%get3A, %get3A_0] : memref<4000x16xf32, #tpu.memory_space<vmem>>, vector<4000x16xf32>
    %get3A_2 = arith.constant 0 : index
    %get3A_3 = arith.constant 0 : index
    %get3A_4 = vector.load %arg2[%get3A_2, %get3A_3] : memref<4000x16xf32, #tpu.memory_space<vmem>>, vector<4000x16xf32>
    %concatenate3A = tpu.concatenate %get3A_1, %get3A_4 in 1 : vector<4000x16xf32>, vector<4000x16xf32> -> vector<4000x32xf32>
    %get3A_5 = arith.constant 0 : index
    %get3A_6 = arith.constant 0 : index
    %get3A_7 = vector.load %arg3[%get3A_5, %get3A_6] : memref<32x64xf32, #tpu.memory_space<vmem>>, vector<32x64xf32>
    %dot_general3A = arith.constant dense<0.000000e+00> : vector<4000x64xf32>
    %dot_general3A_8 = tpu.matmul %concatenate3A, %get3A_7, %dot_general3A {dimension_numbers = #tpu.dot_dimension_numbers<[1], [0], [0], [1], [0, 0, 1, 1], [], []>, transpose_lhs_hint = false} : vector<4000x32xf32>, vector<32x64xf32>, vector<4000x64xf32> -> vector<4000x64xf32>
    %get3A_9 = arith.constant 0 : index
    %get3A_10 = arith.constant 0 : index
    %get3A_11 = vector.load %arg4[%get3A_9, %get3A_10] : memref<1x64xf32, #tpu.memory_space<vmem>>, vector<1x64xf32>
    %add3A = vector.broadcast %get3A_11 : vector<1x64xf32> to vector<4000x64xf32>
    %add3A_12 = arith.addf %dot_general3A_8, %add3A : vector<4000x64xf32>
    %max3A = arith.constant 0.000000e+00 : f32
    %max3A_13 = vector.broadcast %max3A : f32 to vector<4000x64xf32>
    %max3A_14 = arith.maximumf %add3A_12, %max3A_13 : vector<4000x64xf32>
    %get3A_15 = arith.constant 0 : index
    %get3A_16 = arith.constant 0 : index
    %get3A_17 = vector.load %arg5[%get3A_15, %get3A_16] : memref<32x16xf32, #tpu.memory_space<vmem>>, vector<32x16xf32>
    %dot_general3A_18 = arith.constant dense<0.000000e+00> : vector<4000x16xf32>
    %dot_general3A_19 = tpu.matmul %concatenate3A, %get3A_17, %dot_general3A_18 {dimension_numbers = #tpu.dot_dimension_numbers<[1], [0], [0], [1], [0, 0, 1, 1], [], []>, transpose_lhs_hint = false} : vector<4000x32xf32>, vector<32x16xf32>, vector<4000x16xf32> -> vector<4000x16xf32>
    %get3A_20 = arith.constant 0 : index
    %get3A_21 = arith.constant 0 : index
    %get3A_22 = vector.load %arg2[%get3A_20, %get3A_21] : memref<4000x16xf32, #tpu.memory_space<vmem>>, vector<4000x16xf32>
    %slice3A = vector.extract_strided_slice %get3A_22 {offsets = [0, 0], sizes = [4000, 4], strides = [1, 1]} : vector<4000x16xf32> to vector<4000x4xf32>
    %concatenate3A_23 = tpu.concatenate %slice3A, %slice3A, %slice3A, %slice3A in 1 : vector<4000x4xf32>, vector<4000x4xf32>, vector<4000x4xf32>, vector<4000x4xf32> -> vector<4000x16xf32>
    %mul3A = arith.mulf %dot_general3A_19, %concatenate3A_23 : vector<4000x16xf32>
    %get3A_24 = arith.constant 0 : index
    %get3A_25 = arith.constant 0 : index
    %get3A_26 = vector.load %arg6[%get3A_24, %get3A_25] : memref<64x64xf32, #tpu.memory_space<vmem>>, vector<64x64xf32>
    %dot_general3A_27 = arith.constant dense<0.000000e+00> : vector<4000x64xf32>
    %dot_general3A_28 = tpu.matmul %max3A_14, %get3A_26, %dot_general3A_27 {dimension_numbers = #tpu.dot_dimension_numbers<[1], [0], [0], [1], [0, 0, 1, 1], [], []>, transpose_lhs_hint = false} : vector<4000x64xf32>, vector<64x64xf32>, vector<4000x64xf32> -> vector<4000x64xf32>
    %get3A_29 = arith.constant 0 : index
    %get3A_30 = arith.constant 0 : index
    %get3A_31 = vector.load %arg7[%get3A_29, %get3A_30] : memref<16x64xf32, #tpu.memory_space<vmem>>, vector<16x64xf32>
    %dot_general3A_32 = arith.constant dense<0.000000e+00> : vector<4000x64xf32>
    %dot_general3A_33 = tpu.matmul %mul3A, %get3A_31, %dot_general3A_32 {dimension_numbers = #tpu.dot_dimension_numbers<[1], [0], [0], [1], [0, 0, 1, 1], [], []>, transpose_lhs_hint = false} : vector<4000x16xf32>, vector<16x64xf32>, vector<4000x64xf32> -> vector<4000x64xf32>
    %add3A_34 = arith.addf %dot_general3A_28, %dot_general3A_33 : vector<4000x64xf32>
    %get3A_35 = arith.constant 0 : index
    %get3A_36 = arith.constant 0 : index
    %get3A_37 = vector.load %arg8[%get3A_35, %get3A_36] : memref<4x64xf32, #tpu.memory_space<vmem>>, vector<4x64xf32>
    %dot_general3A_38 = arith.constant dense<0.000000e+00> : vector<4000x64xf32>
    %dot_general3A_39 = tpu.matmul %slice3A, %get3A_37, %dot_general3A_38 {dimension_numbers = #tpu.dot_dimension_numbers<[1], [0], [0], [1], [0, 0, 1, 1], [], []>, transpose_lhs_hint = false} : vector<4000x4xf32>, vector<4x64xf32>, vector<4000x64xf32> -> vector<4000x64xf32>
    %add3A_40 = arith.addf %add3A_34, %dot_general3A_39 : vector<4000x64xf32>
    %get3A_41 = arith.constant 0 : index
    %get3A_42 = arith.constant 0 : index
    %get3A_43 = vector.load %arg9[%get3A_41, %get3A_42] : memref<1x64xf32, #tpu.memory_space<vmem>>, vector<1x64xf32>
    %add3A_44 = vector.broadcast %get3A_43 : vector<1x64xf32> to vector<4000x64xf32>
    %add3A_45 = arith.addf %add3A_40, %add3A_44 : vector<4000x64xf32>
    %max3A_46 = arith.constant 0.000000e+00 : f32
    %max3A_47 = vector.broadcast %max3A_46 : f32 to vector<4000x64xf32>
    %max3A_48 = arith.maximumf %add3A_45, %max3A_47 : vector<4000x64xf32>
    %slice3A_49 = vector.extract_strided_slice %max3A_48 {offsets = [0, 0], sizes = [4000, 16], strides = [1, 1]} : vector<4000x64xf32> to vector<4000x16xf32>
    %swap3A = arith.constant 0 : index
    %swap3A_50 = arith.constant 0 : index
    %swap3A_51 = vector.load %arg10[%swap3A, %swap3A_50] : memref<4000x16xf32, #tpu.memory_space<vmem>>, vector<4000x16xf32>
    tpu.vector_store %arg10[%swap3A, %swap3A_50], %slice3A_49 {strides = array<i32>} : memref<4000x16xf32, #tpu.memory_space<vmem>>, vector<4000x16xf32>,
    %slice3A_52 = vector.extract_strided_slice %max3A_48 {offsets = [0, 16], sizes = [4000, 16], strides = [1, 1]} : vector<4000x64xf32> to vector<4000x16xf32>
    %swap3A_53 = arith.constant 0 : index
    %swap3A_54 = arith.constant 0 : index
    %swap3A_55 = vector.load %arg11[%swap3A_53, %swap3A_54] : memref<4000x16xf32, #tpu.memory_space<vmem>>, vector<4000x16xf32>
    tpu.vector_store %arg11[%swap3A_53, %swap3A_54], %slice3A_52 {strides = array<i32>} : memref<4000x16xf32, #tpu.memory_space<vmem>>, vector<4000x16xf32>,
    %slice3A_56 = vector.extract_strided_slice %max3A_48 {offsets = [0, 32], sizes = [4000, 16], strides = [1, 1]} : vector<4000x64xf32> to vector<4000x16xf32>
    %swap3A_57 = arith.constant 0 : index
    %swap3A_58 = arith.constant 0 : index
    %swap3A_59 = vector.load %arg12[%swap3A_57, %swap3A_58] : memref<4000x16xf32, #tpu.memory_space<vmem>>, vector<4000x16xf32>
    tpu.vector_store %arg12[%swap3A_57, %swap3A_58], %slice3A_56 {strides = array<i32>} : memref<4000x16xf32, #tpu.memory_space<vmem>>, vector<4000x16xf32>,
    %slice3A_60 = vector.extract_strided_slice %max3A_48 {offsets = [0, 48], sizes = [4000, 16], strides = [1, 1]} : vector<4000x64xf32> to vector<4000x16xf32>
    %swap3A_61 = arith.constant 0 : index
    %swap3A_62 = arith.constant 0 : index
    %swap3A_63 = vector.load %arg13[%swap3A_61, %swap3A_62] : memref<4000x16xf32, #tpu.memory_space<vmem>>, vector<4000x16xf32>
    tpu.vector_store %arg13[%swap3A_61, %swap3A_62], %slice3A_60 {strides = array<i32>} : memref<4000x16xf32, #tpu.memory_space<vmem>>, vector<4000x16xf32>,
    return
  }
  func.func @transform_0(%arg0: i32) -> (i32, i32) {
    %c0_i32 = arith.constant 0 : i32
    %c0_i32_0 = arith.constant 0 : i32
    return %arg0, %c0_i32 : i32, i32
  }
  func.func @transform_1(%arg0: i32) -> (i32, i32) {
    %c0_i32 = arith.constant 0 : i32
    %c0_i32_0 = arith.constant 0 : i32
    return %arg0, %c0_i32 : i32, i32
  }
  func.func @transform_2(%arg0: i32) -> (i32, i32) {
    %c0_i32 = arith.constant 0 : i32
    %c0_i32_0 = arith.constant 0 : i32
    %c0_i32_1 = arith.constant 0 : i32
    return %c0_i32, %c0_i32_0 : i32, i32
  }
  func.func @transform_3(%arg0: i32) -> (i32, i32) {
    %c0_i32 = arith.constant 0 : i32
    %c0_i32_0 = arith.constant 0 : i32
    %c0_i32_1 = arith.constant 0 : i32
    return %c0_i32, %c0_i32_0 : i32, i32
  }
  func.func @transform_4(%arg0: i32) -> (i32, i32) {
    %c0_i32 = arith.constant 0 : i32
    %c0_i32_0 = arith.constant 0 : i32
    %c0_i32_1 = arith.constant 0 : i32
    return %c0_i32, %c0_i32_0 : i32, i32
  }
  func.func @transform_5(%arg0: i32) -> (i32, i32) {
    %c0_i32 = arith.constant 0 : i32
    %c0_i32_0 = arith.constant 0 : i32
    %c0_i32_1 = arith.constant 0 : i32
    return %c0_i32, %c0_i32_0 : i32, i32
  }
  func.func @transform_6(%arg0: i32) -> (i32, i32) {
    %c0_i32 = arith.constant 0 : i32
    %c0_i32_0 = arith.constant 0 : i32
    %c0_i32_1 = arith.constant 0 : i32
    return %c0_i32, %c0_i32_0 : i32, i32
  }
  func.func @transform_7(%arg0: i32) -> (i32, i32) {
    %c0_i32 = arith.constant 0 : i32
    %c0_i32_0 = arith.constant 0 : i32
    %c0_i32_1 = arith.constant 0 : i32
    return %c0_i32, %c0_i32_0 : i32, i32
  }
  func.func @transform_8(%arg0: i32) -> (i32, i32) {
    %c0_i32 = arith.constant 0 : i32
    %c0_i32_0 = arith.constant 0 : i32
    %c0_i32_1 = arith.constant 0 : i32
    return %c0_i32, %c0_i32_0 : i32, i32
  }
  func.func @transform_9(%arg0: i32) -> (i32, i32) {
    %c0_i32 = arith.constant 0 : i32
    %c0_i32_0 = arith.constant 0 : i32
    return %arg0, %c0_i32 : i32, i32
  }
  func.func @transform_10(%arg0: i32) -> (i32, i32) {
    %c0_i32 = arith.constant 0 : i32
    %c0_i32_0 = arith.constant 0 : i32
    return %arg0, %c0_i32 : i32, i32
  }
  func.func @transform_11(%arg0: i32) -> (i32, i32) {
    %c0_i32 = arith.constant 0 : i32
    %c0_i32_0 = arith.constant 0 : i32
    return %arg0, %c0_i32 : i32, i32
  }
  func.func @transform_12(%arg0: i32) -> (i32, i32) {
    %c0_i32 = arith.constant 0 : i32
    %c0_i32_0 = arith.constant 0 : i32
    return %arg0, %c0_i32 : i32, i32
  }
}

module attributes {stable_mosaic.version = 14 : i64} {
  func.func @_tc2_body(%arg0: i32, %arg1: memref<2000x16xf32, #tpu.memory_space<vmem>>, %arg2: memref<2000x16xf32, #tpu.memory_space<vmem>>, %arg3: memref<2000x16xf32, #tpu.memory_space<vmem>>, %arg4: memref<2000x16xf32, #tpu.memory_space<vmem>>, %arg5: memref<2000x16xf32, #tpu.memory_space<vmem>>, %arg6: memref<2000x16xf32, #tpu.memory_space<vmem>>, %arg7: memref<2000x16xf32, #tpu.memory_space<vmem>>, %arg8: memref<2000x16xf32, #tpu.memory_space<vmem>>, %arg9: memref<2000x1xi32, #tpu.memory_space<vmem>>, %arg10: memref<64x64xf32, #tpu.memory_space<vmem>>, %arg11: memref<64x64xf32, #tpu.memory_space<vmem>>, %arg12: memref<1x64xf32, #tpu.memory_space<vmem>>, %arg13: memref<64x1xf32, #tpu.memory_space<vmem>>, %arg14: memref<1x1xf32, #tpu.memory_space<vmem>>, %arg15: memref<1x1024xf32, #tpu.memory_space<vmem>>, %arg16: memref<2x1024xf32, #tpu.memory_space<vmem>>) attributes {dimension_semantics = [#tpu.dimension_semantics<arbitrary>], iteration_bounds = array<i64: 50>, scalar_prefetch = 0 : i64, scratch_operands = 1 : i64, tpu.core_type = #tpu.core_type<tc>, window_params = [{transform_indices = @transform_0, window_bounds = array<i64: 2000, 16>}, {transform_indices = @transform_1, window_bounds = array<i64: 2000, 16>}, {transform_indices = @transform_2, window_bounds = array<i64: 2000, 16>}, {transform_indices = @transform_3, window_bounds = array<i64: 2000, 16>}, {transform_indices = @transform_4, window_bounds = array<i64: 2000, 16>}, {transform_indices = @transform_5, window_bounds = array<i64: 2000, 16>}, {transform_indices = @transform_6, window_bounds = array<i64: 2000, 16>}, {transform_indices = @transform_7, window_bounds = array<i64: 2000, 16>}, {transform_indices = @transform_8, window_bounds = array<i64: 2000, 1>}, {pipeline_mode = #tpu.pipeline_mode<synchronous>, transform_indices = @transform_9, window_bounds = array<i64: 64, 64>}, {pipeline_mode = #tpu.pipeline_mode<synchronous>, transform_indices = @transform_10, window_bounds = array<i64: 64, 64>}, {pipeline_mode = #tpu.pipeline_mode<synchronous>, transform_indices = @transform_11, window_bounds = array<i64: 1, 64>}, {pipeline_mode = #tpu.pipeline_mode<synchronous>, transform_indices = @transform_12, window_bounds = array<i64: 64, 1>}, {pipeline_mode = #tpu.pipeline_mode<synchronous>, transform_indices = @transform_13, window_bounds = array<i64: 1, 1>}, {pipeline_mode = #tpu.pipeline_mode<synchronous>, transform_indices = @transform_14, window_bounds = array<i64: 1, 1024>}]} {
    %get3A = arith.constant 0 : index
    %get3A_0 = arith.constant 0 : index
    %get3A_1 = vector.load %arg1[%get3A, %get3A_0] : memref<2000x16xf32, #tpu.memory_space<vmem>>, vector<2000x16xf32>
    %get3A_2 = arith.constant 0 : index
    %get3A_3 = arith.constant 0 : index
    %get3A_4 = vector.load %arg2[%get3A_2, %get3A_3] : memref<2000x16xf32, #tpu.memory_space<vmem>>, vector<2000x16xf32>
    %get3A_5 = arith.constant 0 : index
    %get3A_6 = arith.constant 0 : index
    %get3A_7 = vector.load %arg3[%get3A_5, %get3A_6] : memref<2000x16xf32, #tpu.memory_space<vmem>>, vector<2000x16xf32>
    %get3A_8 = arith.constant 0 : index
    %get3A_9 = arith.constant 0 : index
    %get3A_10 = vector.load %arg4[%get3A_8, %get3A_9] : memref<2000x16xf32, #tpu.memory_space<vmem>>, vector<2000x16xf32>
    %concatenate3A = tpu.concatenate %get3A_1, %get3A_4, %get3A_7, %get3A_10 in 1 : vector<2000x16xf32>, vector<2000x16xf32>, vector<2000x16xf32>, vector<2000x16xf32> -> vector<2000x64xf32>
    %get3A_11 = arith.constant 0 : index
    %get3A_12 = arith.constant 0 : index
    %get3A_13 = vector.load %arg5[%get3A_11, %get3A_12] : memref<2000x16xf32, #tpu.memory_space<vmem>>, vector<2000x16xf32>
    %get3A_14 = arith.constant 0 : index
    %get3A_15 = arith.constant 0 : index
    %get3A_16 = vector.load %arg6[%get3A_14, %get3A_15] : memref<2000x16xf32, #tpu.memory_space<vmem>>, vector<2000x16xf32>
    %get3A_17 = arith.constant 0 : index
    %get3A_18 = arith.constant 0 : index
    %get3A_19 = vector.load %arg7[%get3A_17, %get3A_18] : memref<2000x16xf32, #tpu.memory_space<vmem>>, vector<2000x16xf32>
    %get3A_20 = arith.constant 0 : index
    %get3A_21 = arith.constant 0 : index
    %get3A_22 = vector.load %arg8[%get3A_20, %get3A_21] : memref<2000x16xf32, #tpu.memory_space<vmem>>, vector<2000x16xf32>
    %concatenate3A_23 = tpu.concatenate %get3A_13, %get3A_16, %get3A_19, %get3A_22 in 1 : vector<2000x16xf32>, vector<2000x16xf32>, vector<2000x16xf32>, vector<2000x16xf32> -> vector<2000x64xf32>
    %get3A_24 = arith.constant 0 : index
    %get3A_25 = arith.constant 0 : index
    %get3A_26 = vector.load %arg10[%get3A_24, %get3A_25] : memref<64x64xf32, #tpu.memory_space<vmem>>, vector<64x64xf32>
    %dot_general3A = arith.constant dense<0.000000e+00> : vector<2000x64xf32>
    %dot_general3A_27 = tpu.matmul %concatenate3A, %get3A_26, %dot_general3A {dimension_numbers = #tpu.dot_dimension_numbers<[1], [0], [0], [1], [0, 0, 1, 1], [], []>, transpose_lhs_hint = false} : vector<2000x64xf32>, vector<64x64xf32>, vector<2000x64xf32> -> vector<2000x64xf32>
    %get3A_28 = arith.constant 0 : index
    %get3A_29 = arith.constant 0 : index
    %get3A_30 = vector.load %arg11[%get3A_28, %get3A_29] : memref<64x64xf32, #tpu.memory_space<vmem>>, vector<64x64xf32>
    %dot_general3A_31 = arith.constant dense<0.000000e+00> : vector<2000x64xf32>
    %dot_general3A_32 = tpu.matmul %concatenate3A_23, %get3A_30, %dot_general3A_31 {dimension_numbers = #tpu.dot_dimension_numbers<[1], [0], [0], [1], [0, 0, 1, 1], [], []>, transpose_lhs_hint = false} : vector<2000x64xf32>, vector<64x64xf32>, vector<2000x64xf32> -> vector<2000x64xf32>
    %add3A = arith.addf %dot_general3A_27, %dot_general3A_32 : vector<2000x64xf32>
    %get3A_33 = arith.constant 0 : index
    %get3A_34 = arith.constant 0 : index
    %get3A_35 = vector.load %arg12[%get3A_33, %get3A_34] : memref<1x64xf32, #tpu.memory_space<vmem>>, vector<1x64xf32>
    %add3A_36 = vector.broadcast %get3A_35 : vector<1x64xf32> to vector<2000x64xf32>
    %add3A_37 = arith.addf %add3A, %add3A_36 : vector<2000x64xf32>
    %max3A = arith.constant 0.000000e+00 : f32
    %max3A_38 = vector.broadcast %max3A : f32 to vector<2000x64xf32>
    %max3A_39 = arith.maximumf %add3A_37, %max3A_38 : vector<2000x64xf32>
    %get3A_40 = arith.constant 0 : index
    %get3A_41 = arith.constant 0 : index
    %get3A_42 = vector.load %arg13[%get3A_40, %get3A_41] : memref<64x1xf32, #tpu.memory_space<vmem>>, vector<64x1xf32>
    %dot_general3A_43 = arith.constant dense<0.000000e+00> : vector<2000x1xf32>
    %dot_general3A_44 = tpu.matmul %max3A_39, %get3A_42, %dot_general3A_43 {dimension_numbers = #tpu.dot_dimension_numbers<[1], [0], [0], [1], [0, 0, 1, 1], [], []>, transpose_lhs_hint = false} : vector<2000x64xf32>, vector<64x1xf32>, vector<2000x1xf32> -> vector<2000x1xf32>
    %get3A_45 = arith.constant 0 : index
    %get3A_46 = arith.constant 0 : index
    %get3A_47 = vector.load %arg14[%get3A_45, %get3A_46] : memref<1x1xf32, #tpu.memory_space<vmem>>, vector<1x1xf32>
    %add3A_48 = vector.broadcast %get3A_47 : vector<1x1xf32> to vector<2000x1xf32>
    %add3A_49 = arith.addf %dot_general3A_44, %add3A_48 : vector<2000x1xf32>
    %get3A_50 = arith.constant 0 : index
    %get3A_51 = arith.constant 0 : index
    %get3A_52 = vector.load %arg9[%get3A_50, %get3A_51] : memref<2000x1xi32, #tpu.memory_space<vmem>>, vector<2000x1xi32>
    %iota3A = tpu.iota {dimensions = array<i32: 1>} : vector<2000x1024xi32>
    %eq3A = vector.broadcast %get3A_52 : vector<2000x1xi32> to vector<2000x1024xi32>
    %eq3A_53 = arith.cmpi eq, %eq3A, %iota3A : vector<2000x1024xi32>
    %convert_element_type3A = arith.extui %eq3A_53 : vector<2000x1024xi1> to vector<2000x1024xi32>
    %convert_element_type3A_54 = arith.sitofp %convert_element_type3A : vector<2000x1024xi32> to vector<2000x1024xf32>
    %broadcast_in_dim3A = arith.constant 1.000000e+00 : f32
    %broadcast_in_dim3A_55 = vector.broadcast %broadcast_in_dim3A : f32 to vector<2000x1xf32>
    %concatenate3A_56 = tpu.concatenate %add3A_49, %broadcast_in_dim3A_55 in 1 : vector<2000x1xf32>, vector<2000x1xf32> -> vector<2000x2xf32>
    %dot_general3A_57 = arith.constant dense<0.000000e+00> : vector<2x1024xf32>
    %dot_general3A_58 = tpu.matmul %concatenate3A_56, %convert_element_type3A_54, %dot_general3A_57 {dimension_numbers = #tpu.dot_dimension_numbers<[0], [0], [1], [1], [0, 1, 1, 1], [], []>, transpose_lhs_hint = false} : vector<2000x2xf32>, vector<2000x1024xf32>, vector<2x1024xf32> -> vector<2x1024xf32>
    %eq3A_59 = arith.constant 0 : i32
    %eq3A_60 = arith.cmpi eq, %arg0, %eq3A_59 : i32
    %convert_element_type3A_61 = arith.extui %eq3A_60 : i1 to i32
    %cond3A = arith.constant 0 : i32
    %cond3A_62 = arith.cmpi ne, %convert_element_type3A_61, %cond3A : i32
    scf.if %cond3A_62 {
      %broadcast_in_dim3A_74 = arith.constant 0.000000e+00 : f32
      %broadcast_in_dim3A_75 = vector.broadcast %broadcast_in_dim3A_74 : f32 to vector<2x1024xf32>
      %swap3A_76 = arith.constant 0 : index
      %swap3A_77 = arith.constant 0 : index
      %swap3A_78 = vector.load %arg16[%swap3A_76, %swap3A_77] : memref<2x1024xf32, #tpu.memory_space<vmem>>, vector<2x1024xf32>
      tpu.vector_store %arg16[%swap3A_76, %swap3A_77], %broadcast_in_dim3A_75 {strides = array<i32>} : memref<2x1024xf32, #tpu.memory_space<vmem>>, vector<2x1024xf32>,
    } else {
    }
    %get3A_63 = arith.constant 0 : index
    %get3A_64 = arith.constant 0 : index
    %get3A_65 = vector.load %arg16[%get3A_63, %get3A_64] : memref<2x1024xf32, #tpu.memory_space<vmem>>, vector<2x1024xf32>
    %add3A_66 = arith.addf %get3A_65, %dot_general3A_58 : vector<2x1024xf32>
    %swap3A = arith.constant 0 : index
    %swap3A_67 = arith.constant 0 : index
    %swap3A_68 = vector.load %arg16[%swap3A, %swap3A_67] : memref<2x1024xf32, #tpu.memory_space<vmem>>, vector<2x1024xf32>
    tpu.vector_store %arg16[%swap3A, %swap3A_67], %add3A_66 {strides = array<i32>} : memref<2x1024xf32, #tpu.memory_space<vmem>>, vector<2x1024xf32>,
    %eq3A_69 = arith.constant 49 : i32
    %eq3A_70 = arith.cmpi eq, %arg0, %eq3A_69 : i32
    %convert_element_type3A_71 = arith.extui %eq3A_70 : i1 to i32
    %cond3A_72 = arith.constant 0 : i32
    %cond3A_73 = arith.cmpi ne, %convert_element_type3A_71, %cond3A_72 : i32
    scf.if %cond3A_73 {
      %get3A_74 = arith.constant 0 : index
      %get3A_75 = arith.constant 0 : index
      %get3A_76 = vector.load %arg16[%get3A_74, %get3A_75] : memref<2x1024xf32, #tpu.memory_space<vmem>>, vector<1x1024xf32>
      %get3A_77 = arith.constant 1 : index
      %get3A_78 = arith.constant 0 : index
      %get3A_79 = vector.load %arg16[%get3A_77, %get3A_78] : memref<2x1024xf32, #tpu.memory_space<vmem>>, vector<1x1024xf32>
      %max3A_80 = arith.constant 1.000000e+00 : f32
      %max3A_81 = vector.broadcast %max3A_80 : f32 to vector<1x1024xf32>
      %max3A_82 = arith.maximumf %get3A_79, %max3A_81 : vector<1x1024xf32>
      %div3A = arith.divf %get3A_76, %max3A_82 : vector<1x1024xf32>
      %swap3A_83 = arith.constant 0 : index
      %swap3A_84 = arith.constant 0 : index
      %swap3A_85 = vector.load %arg15[%swap3A_83, %swap3A_84] : memref<1x1024xf32, #tpu.memory_space<vmem>>, vector<1x1024xf32>
      tpu.vector_store %arg15[%swap3A_83, %swap3A_84], %div3A {strides = array<i32>} : memref<1x1024xf32, #tpu.memory_space<vmem>>, vector<1x1024xf32>,
    } else {
    }
    return
  }
  func.func @transform_0(%arg0: i32) -> (i32, i32) {
    %c0_i32 = arith.constant 0 : i32
    %c0_i32_0 = arith.constant 0 : i32
    return %arg0, %c0_i32 : i32, i32
  }
  func.func @transform_1(%arg0: i32) -> (i32, i32) {
    %c0_i32 = arith.constant 0 : i32
    %c0_i32_0 = arith.constant 0 : i32
    return %arg0, %c0_i32 : i32, i32
  }
  func.func @transform_2(%arg0: i32) -> (i32, i32) {
    %c0_i32 = arith.constant 0 : i32
    %c0_i32_0 = arith.constant 0 : i32
    return %arg0, %c0_i32 : i32, i32
  }
  func.func @transform_3(%arg0: i32) -> (i32, i32) {
    %c0_i32 = arith.constant 0 : i32
    %c0_i32_0 = arith.constant 0 : i32
    return %arg0, %c0_i32 : i32, i32
  }
  func.func @transform_4(%arg0: i32) -> (i32, i32) {
    %c0_i32 = arith.constant 0 : i32
    %c0_i32_0 = arith.constant 0 : i32
    return %arg0, %c0_i32 : i32, i32
  }
  func.func @transform_5(%arg0: i32) -> (i32, i32) {
    %c0_i32 = arith.constant 0 : i32
    %c0_i32_0 = arith.constant 0 : i32
    return %arg0, %c0_i32 : i32, i32
  }
  func.func @transform_6(%arg0: i32) -> (i32, i32) {
    %c0_i32 = arith.constant 0 : i32
    %c0_i32_0 = arith.constant 0 : i32
    return %arg0, %c0_i32 : i32, i32
  }
  func.func @transform_7(%arg0: i32) -> (i32, i32) {
    %c0_i32 = arith.constant 0 : i32
    %c0_i32_0 = arith.constant 0 : i32
    return %arg0, %c0_i32 : i32, i32
  }
  func.func @transform_8(%arg0: i32) -> (i32, i32) {
    %c0_i32 = arith.constant 0 : i32
    %c0_i32_0 = arith.constant 0 : i32
    return %arg0, %c0_i32 : i32, i32
  }
  func.func @transform_9(%arg0: i32) -> (i32, i32) {
    %c0_i32 = arith.constant 0 : i32
    %c0_i32_0 = arith.constant 0 : i32
    %c0_i32_1 = arith.constant 0 : i32
    return %c0_i32, %c0_i32_0 : i32, i32
  }
  func.func @transform_10(%arg0: i32) -> (i32, i32) {
    %c0_i32 = arith.constant 0 : i32
    %c0_i32_0 = arith.constant 0 : i32
    %c0_i32_1 = arith.constant 0 : i32
    return %c0_i32, %c0_i32_0 : i32, i32
  }
  func.func @transform_11(%arg0: i32) -> (i32, i32) {
    %c0_i32 = arith.constant 0 : i32
    %c0_i32_0 = arith.constant 0 : i32
    %c0_i32_1 = arith.constant 0 : i32
    return %c0_i32, %c0_i32_0 : i32, i32
  }
  func.func @transform_12(%arg0: i32) -> (i32, i32) {
    %c0_i32 = arith.constant 0 : i32
    %c0_i32_0 = arith.constant 0 : i32
    %c0_i32_1 = arith.constant 0 : i32
    return %c0_i32, %c0_i32_0 : i32, i32
  }
  func.func @transform_13(%arg0: i32) -> (i32, i32) {
    %c0_i32 = arith.constant 0 : i32
    %c0_i32_0 = arith.constant 0 : i32
    %c0_i32_1 = arith.constant 0 : i32
    return %c0_i32, %c0_i32_0 : i32, i32
  }
  func.func @transform_14(%arg0: i32) -> (i32, i32) {
    %c0_i32 = arith.constant 0 : i32
    %c0_i32_0 = arith.constant 0 : i32
    %c0_i32_1 = arith.constant 0 : i32
    return %c0_i32, %c0_i32_0 : i32, i32
  }
}

</mosaic_0001>

<sc_bundles>
// kernel: kernel.5.cloned.1.call-start
scs
__scs_entry_jumppad:
0x0: {  	(pc) =	sbr.rel $0x88, $3  }
0x1: {  	(tag) =	ssettag $0x0;
	lr =	simm.s32 $0x1  }
0x2: {  	[smem:$0x3F94] =	sst lr;
	_ =	strace $0xD0000000  }
0x3: {  	_ = 	snop  }
0x4: {  	_ = 	snop  }
0x5: {  	_ = 	snop  }
0x6: {  	_ = 	snop  }
0x7: {  	_ = 	snop  }
__scs_overlays_trampoline_lowered:
0x8: {  	[smem:$0x3FA3] =	sst s0  }
0x9: {  	[smem:$0x3FA4] =	sst s1  }
0xa: {  	[smem:$0x3FA5] =	sst s2  }
0xb: {  	[smem:$0x3FA6] =	sst s3  }
0xc: {  	[smem:$0x3FA7] =	sst s4  }
0xd: {  	[smem:$0x3FA8] =	sst s5  }
0xe: {  	[smem:$0x3FA9] =	sst s6  }
0xf: {  	[smem:$0x3FAA] =	sst s7  }
0x10: {  	[smem:$0x3FAB] =	sst s8  }
0x11: {  	[smem:$0x3FAC] =	sst s9;
	s0 =	simm.s32 @!p0 $0x0  }
0x12: {  	s1 =	sld [smem:$0x3F92];
	s0 =	simm.s32 @p0 $0x1  }
0x13: {  	[smem:$0x3FAD] =	sst s0;
	s0 =	simm.s32 @!p1 $0x0  }
0x14: {  	s2 =	sld [smem:$0x3F91];
	s0 =	simm.s32 @p1 $0x1  }
0x15: {  	[smem:$0x3FAE] =	sst s0;
	s0 =	simm.s32 @!p2 $0x0  }
0x16: {  	s3 =	sld [smem:$0x3FDB];
	s0 =	simm.s32 @p2 $0x1  }
0x17: {  	s4 =	simm.s32 $0x1BF5;
	[smem:$0x3FB0] =	sst s0  }
0x18: {  	s0 =	sld [smem:$0x3F93];
	_ =	swait.ge [sflag:s4], $0x0  }
0x19: {  	s7 =	sld [smem:$0x3F94]  }
0x1a: {  	s8 =	sadd.s32 $0xFFFFE003, lr  }
0x1b: {  	s9 =	sadd.s32 $0xFFFFFEF7, lr;
	s5 =	simm.s32 $0xFFFFFFFF;
	p2 =	slt.u32 s8, $0xFFFFF086  }
0x1c: {  	p1 =	slt.u32 s9, $0xF7A;
	s5 =	simm.s32 @!p2 $0x0  }
0x1d: {  	s5 =	simm.s32 @p1 $0x1;
	p0 =	seq.s32 s7, s2  }
0x1e: {  	s7 =	smul.u32 @!p0 $0xF7A, s2;
	p2 =	seq.s32 @!p0 s5, $0x0  }
0x1f: {  	s9 =	smul.u32 $0xF7A, s1;
	s8 =	simm.s32 @!p0 $0x1BF5;
	p2 =	por !p2, p0  }
0x20: {  	[sflag:s8] =	ssyncset.s32 @!p0 $0xFFFFF086;
	s6 =	sadd.s32 @!p0 s3, s7;
	s7 =	simm.s32 @!p0 $0x108  }
0x21: {  	s3 =	sadd.s32 s3, s9;
	s6 =	sadd.s32 @!p0 $0x88, s6;
	s7 =	simm.s32 @p2 $0x1082  }
0x22: {  	[simem:s7], [sflag:s8] =	dma.local @!p0 [hbm:s6], $0xF7A  }
0x23: {  	s9 =	sor.u32 $0xD0000000, s2;
	s6 =	simm.s32 $0x108;
	_ =	swait.ge @!p0 [sflag:s8], $0x0  }
0x24: {  	s3 =	sadd.s32 $0x88, s3;
	s6 =	simm.s32 @!p1 $0x1082;
	[sflag:s4] =	ssyncset.s32 $0xFFFFF086  }
0x25: {  	[simem:s6], [sflag:s4] =	dma.local [hbm:s3], $0xF7A  }
0x26: {  	[smem:$0x3F94] =	sst s1;
	(tag) =	ssettag s2;
	_ =	strace s9  }
0x27: {  	s1 =	sld [smem:$0x3FA4]  }
0x28: {  	s2 =	sld [smem:$0x3FA5]  }
0x29: {  	s4 =	sld [smem:$0x3FA7]  }
0x2a: {  	p0 =	seq.s32 s5, $0x0;
	s5 =	sld [smem:$0x3FA8]  }
0x2b: {  	s6 =	sld [smem:$0x3FA9]  }
0x2c: {  	s7 =	sld [smem:$0x3FAA]  }
0x2d: {  	s3 =	simm.s32 $0x108;
	s8 =	sld [smem:$0x3FAB]  }
0x2e: {  	s3 =	simm.s32 @!p0 $0x1082;
	s9 =	sld [smem:$0x3FAC]  }
0x2f: {  	lr =	sadd.s32 s0, s3;
	s0 =	sld [smem:$0x3FA3]  }
0x30: {  	s3 =	sld [smem:$0x3FA6]  }
0x31: {  	[smem:$0x3FAF] =	sst s10  }
0x32: {  	s10 =	sld [smem:$0x3FAD];
	_ =	sdelay $0x3  }
0x33: {  	p0 =	seq.s32 s10, $0x1;
	s10 =	sld [smem:$0x3FAF];
	_ =	sdelay $0x3  }
0x34: {  	[smem:$0x3FAF] =	sst s10  }
0x35: {  	s10 =	sld [smem:$0x3FAE];
	_ =	sdelay $0x3  }
0x36: {  	p1 =	seq.s32 s10, $0x1;
	s10 =	sld [smem:$0x3FAF];
	_ =	sdelay $0x3  }
0x37: {  	[smem:$0x3FAF] =	sst s10  }
0x38: {  	s10 =	sld [smem:$0x3FB0]  }
0x39: {  	_ = 	snop;
	(pc) =	sbr.ind lr, $3  }
0x3a: {  	_ = 	snop  }
0x3b: {  	_ = 	snop  }
0x3c: {  	p2 =	seq.s32 s10, $0x1;
	s10 =	sld [smem:$0x3FAF]  }
0x3d: {  	_ =	shalt  }
0x3e: {  	_ =	shalt  }
0x3f: {  	_ =	shalt  }
0x40: {  	_ =	shalt  }
0x41: {  	_ =	shalt  }
0x42: {  	_ =	shalt  }
0x43: {  	_ =	shalt  }
0x44: {  	_ =	shalt  }
0x45: {  	_ =	shalt  }
0x46: {  	_ =	shalt  }
0x47: {  	_ =	shalt  }
0x48: {  	_ =	shalt  }
0x49: {  	_ =	shalt  }
0x4a: {  	_ =	shalt  }
0x4b: {  	_ =	shalt  }
0x4c: {  	_ =	shalt  }
0x4d: {  	_ =	shalt  }
0x4e: {  	_ =	shalt  }
0x4f: {  	_ =	shalt  }
0x50: {  	_ =	shalt  }
0x51: {  	_ =	shalt  }
0x52: {  	_ =	shalt  }
0x53: {  	_ =	shalt  }
0x54: {  	_ =	shalt  }
0x55: {  	_ =	shalt  }
0x56: {  	_ =	shalt  }
0x57: {  	_ =	shalt  }
0x58: {  	_ =	shalt  }
0x59: {  	_ =	shalt  }
0x5a: {  	_ =	shalt  }
0x5b: {  	_ =	shalt  }
0x5c: {  	_ =	shalt  }
0x5d: {  	_ =	shalt  }
0x5e: {  	_ =	shalt  }
0x5f: {  	_ =	shalt  }
0x60: {  	_ =	shalt  }
0x61: {  	_ =	shalt  }
0x62: {  	_ =	shalt  }
0x63: {  	_ =	shalt  }
0x64: {  	_ =	shalt  }
0x65: {  	_ =	shalt  }
0x66: {  	_ =	shalt  }
0x67: {  	_ =	shalt  }
0x68: {  	_ =	shalt  }
0x69: {  	_ =	shalt  }
0x6a: {  	_ =	shalt  }
0x6b: {  	_ =	shalt  }
0x6c: {  	_ =	shalt  }
0x6d: {  	_ =	shalt  }
0x6e: {  	_ =	shalt  }
0x6f: {  	_ =	shalt  }
0x70: {  	_ =	shalt  }
0x71: {  	_ =	shalt  }
0x72: {  	_ =	shalt  }
0x73: {  	_ =	shalt  }
0x74: {  	_ =	shalt  }
0x75: {  	_ =	shalt  }
0x76: {  	_ =	shalt  }
0x77: {  	_ =	shalt  }
0x78: {  	_ =	shalt  }
0x79: {  	_ =	shalt  }
0x7a: {  	_ =	shalt  }
0x7b: {  	_ =	shalt  }
0x7c: {  	_ =	shalt  }
0x7d: {  	_ =	shalt  }
0x7e: {  	_ =	shalt  }
0x7f: {  	_ =	shalt  }
0x80: {  	_ =	shalt  }
0x81: {  	_ =	shalt  }
0x82: {  	_ =	shalt  }
0x83: {  	_ =	shalt  }
0x84: {  	_ =	shalt  }
0x85: {  	_ =	shalt  }
0x86: {  	_ =	shalt  }
0x87: {  	_ =	shalt  }
.Lfunc_end0:
.L_simem_size_0:
called_computation_lowered:
.L_overlay_start_0:
0x88: {  	s2 =	sld [smem:$0x3FD9]  }
0x89: {  	s3 =	sld [smem:$0x3FFE];
	_ =	sdelay $0x1  }
0x8a: {  	s1 =	srdreg.scid  }
0x8b: {  	s0 =	sand.u32 $0x1, s1  }
0x8c: {  	s16 =	sshll.u32 s0, $0xA;
	s2 =	sadd.s32 s3, s2  }
0x8d: {  	s2 =	sadd.s32 s2, s16  }
0x8e: {  	[smem:$0x3FBB] =	sst s2  }
0x8f: {  	_ = 	snop  }
0x90: {  	(tm) =	ssettm $0x1  }
0x91: {  	s17 =	sld [smem:$0x3FFB];
	_ =	sdelay $0x3  }
0x92: {  	_ =	strace s17  }
0x93: {  	s2 =	sld [smem:$0x3FFC];
	_ =	sdelay $0x3  }
0x94: {  	_ =	strace s2  }
0x95: {  	s2 =	sld [smem:$0x3FFD];
	_ =	sdelay $0x3  }
0x96: {  	_ =	strace s2  }
0x97: {  	_ =	strace $0x8FFFFFFF  }
0x98: {  	s18 =	sld [smem:$0x3FDB];
	_ =	sdelay $0x1  }
0x99: {  	s19 =	simm.s32 $_scs_section_size  }
0x9a: {  	s4 =	simm.s32 $_size__tile_overlayer_lowered;
	s5 =	simm.s32 $_tile_overlayer_lowered  }
0x9b: {  	s22 =	simm.s32 $0x1BFF;
	s21 =	sshll.u32 s5, $0x1;
	s2 =	sadd.s32 s19, s18  }
0x9c: {  	s6 =	simm.s32 $0x0;
	s20 =	sshll.u32 s4, $0x1;
	s4 =	sadd.s32 s21, s2  }
0x9d: {  	[timem:s6], [sflag:s22] =	dma.local [hbm:s4], s20  }
0x9e: {  	_ =	swait.ge [sflag:s22], s20  }
0x9f: {  	s3 =	ssub.s32 $0x0, s20;
	[sflag:s22] =	ssyncset.done $0x0  }
0xa0: {  	[sflag:s22] =	ssyncadd.s32 s3;
	_ =	sdelay $0x1  }
0xa1: {  	s23 =	simm.s32 $0x1B8B  }
0xa2: {  	_ =	swait.ge [sflag:s23], $0x1  }
0xa3: {  	[sflag:s23] =	ssyncset.done $0x0  }
0xa4: {  	s25 =	simm.s32 $0x1B8E;
	s24 =	sld [smem:$0x3FFE];
	[sflag:s23] =	ssyncadd.s32 $0xFFFFFFFF  }
0xa5: {  	s26 =	simm.s32 $execute0_lowered;
	[smem:$0x3FD2] =	sst s25  }
0xa6: {  	s4 =	sshll.u32 s26, $0x1;
	_ =	strace $0x80000046;
	[dreg:$0x1] =	wrdreg $0xFFFFFFFF  }
0xa7: {  	s28 =	simm.s32 $_size_execute0_lowered;
	s2 =	sadd.s32 s2, s4;
	[dreg:$0x0] =	wrdreg $0x0  }
0xa8: {  	s4 =	sshll.u32 s28, $0x1;
	[dreg:$0x2] =	wrdreg s2  }
0xa9: {  	[dreg:$0x3] =	wrdreg s4  }
0xaa: {  	[dreg:$0x4] =	wrdreg $0xC0  }
0xab: {  	_ =	task [dreg:s6], $0x5FFFF  }
0xac: {  	[dreg:$0x1] =	wrdreg $0xFFFFFFFF  }
0xad: {  	[dreg:$0x0] =	wrdreg $0x60  }
0xae: {  	[dreg:$0x2] =	wrdreg s24  }
0xaf: {  	[dreg:$0x3] =	wrdreg $0x0  }
0xb0: {  	[dreg:$0x4] =	wrdreg $0x9  }
0xb1: {  	_ =	task.clear_ibuf [dreg:s6], $0x5FFFF;
	_ =	strace $0x90000046  }
0xb2: {  	s29 =	simm.s32 $0x9;
	_ =	strace $0x80000048  }
0xb3: {  	_ =	swait.ge [sflag:s29], $0x1  }
0xb4: {  	[sflag:s29] =	ssyncadd.s32 $0xFFFFFFFF  }
0xb5: {  	_ =	strace $0x90000048  }
0xb6: {  	_ =	sfence  }
0xb7: {  	s30 =	sld [smem:$0x0];
	_ =	sdelay $0x2  }
0xb8: {  	s31 =	sshll.u32 s1, $0xD;
	s1 =	sshrl.u32 s1, $0x2  }
0xb9: {  	s3 =	sand.u32 $0x4000, s31;
	s1 =	sadd.s32 s1, s30  }
0xba: {  	s0 =	sor.u32 s3, s0;
	s1 =	sshll.u32 s1, $0x11  }
0xbb: {  	s0 =	sor.u32 s1, s0  }
0xbc: {  	s0 =	sadd.s32 $0x8F2B, s0  }
0xbd: {  	[sflag:s0] =	ssyncadd.remote.s32 $0x1  }
0xbe: {  	_ =	sfence.sel $0xFFFF  }
0xbf: {  	[dreg:$0x0] =	wrdreg $0xFFFFFFFF;
	(pc) =	sbr.abs _section_cstart, $3  }
0xc0: {  	[dreg:$0x1] =	wrdreg $0xFFFFFFFF  }
0xc1: {  	_ =	task.clear_ibuf [dreg:s6], $0x2FFFF;
	_ =	strace $0x9FFFFFFF  }
0xc2: {  	(tm) =	ssettm $0x7FFFFFFF  }
0xc3: {  	_ =	shalt  }
tec
execute0_lowered:
.L_overlay_start_1:
0x0: {  	(tag) =	ssettag $0x1  }
0x1: {  	s0 =	rddreg [dreg:$0x0]  }
0x2: {  	s1 =	rddreg [dreg:$0x1];
	s3 =	simm.s32 $0x0  }
0x3: {  	s14 =	stileid.u32;
	s9 =	srdreg.scid;
	s28 =	simm.s32 $0x18EA0  }
0x4: {  	s30 =	simm.s32 $0x19670;
	s31 =	simm.s32 $0x18820;
	s17 =	simm.s32 $0x1B5B0  }
0x5: {  	s29 =	simm.s32 $0x1C550;
	[smem:$0x7FF] =	sst s3;
	s4 =	sadd.s32 $0x96A00, s0  }
0x6: {  	s5 =	sadd.s32 $0x65C00, s0;
	s6 =	sadd.s32 $0x34E00, s0;
	s2 =	smul.u32 $0x3200, s14  }
0x7: {  	s7 =	sadd.s32 $0x4000, s0;
	s8 =	smul.u32 $0x186A0, s14;
	s11 =	sadd.s32 $0x12B800, s0  }
0x8: {  	s9 =	sand.u32 $0x1, s9;
	s18 =	sadd.s32 $0x190600, s0;
	s20 =	sadd.s32 $0x12EA00, s0  }
0x9: {  	s25 =	sshll.u32 s14, $0x6;
	_ =	strace $0x80000047;
	[dreg:$0x3] =	wrdreg s11  }
0xa: {  	s14 =	simm.s32 $0x3;
	[dreg:$0x4] =	wrdreg s18;
	s19 =	ssub.s32 $0x2, s9  }
0xb: {  	[dreg:$0x6] =	wrdreg s20;
	p0 =	seq.s32 s9, $0x1;
	s15 =	sor.u32 $0x1C06, s25  }
0xc: {  	s18 =	simm.s32 $0x6;
	s25 =	simm.s32 $0x18CA0;
	s20 =	simm.s32 $0x1ADE0  }
0xd: {  	s9 =	simm.s32 $0x0;
	s10 =	sadd.s32 s2, s0;
	s12 =	sshrl.u32 s8, $0x3  }
0xe: {  	s21 =	sshrl.u32 s19, $0x1;
	s8 =	sadd.s32 s8, s1;
	[dreg:$0xa] =	wrdreg s15  }
0xf: {  	[dreg:$0x5] =	wrdreg s12;
	s13 =	sadd.s32 s12, s0;
	s11 =	ssub.s32 s19, s21  }
0x10: {  	s12 =	sadd.s32 $0xC7800, s10;
	s0 =	sadd.s32 $0xF9800, s0;
	s16 =	sshrl.u32 s8, $0x3  }
0x11: {  	s21 =	simm.s32 $0x186A0;
	s22 =	sadd.s32 $0x1C1400, s13;
	[dreg:$0xb] =	wrdreg s16  }
0x12: {  	s10 =	simm.s32 $0x2;
	s23 =	sadd.s32 $0x15F800, s13;
	[dreg:$0x7] =	wrdreg s22  }
.Ltmp0:
0x13: {  	s24 =	smax.u32 s11, $0x1;
	[dreg:$0x8] =	wrdreg s23;
	(pc) =	sbr.rel .LBB2_1-.Ltmp0, $4  }
0x14: {  	s8 =	simm.s32 $0x4;
	s26 =	sadd.s32 s2, s0;
	[dreg:$0x9] =	wrdreg s24  }
0x15: {  	s19 =	simm.s32 $0x1BD80;
	s13 =	simm.s32 $0x1A610;
	[dreg:$0xc] =	wrdreg s26  }
0x16: {  	s22 =	sadd.s32 s0, s2;
	s23 =	simm.s32 $0x1;
	s24 =	simm.s32 $0x188A0  }
0x17: {  	s26 =	simm.s32 $0x7D;
	s2 =	simm.s32 $0x187A0;
	s0 =	simm.s32 $0x19E40  }
.LBB2_11:
0x18: {  	[spmem:s1] =	stream.indirect.scatter.add.f32 [tilespmem:s29], [sflag:$0x5], $0x10, s31, s26, $0xb8;
	[tilespmem:$0x1CD20] =	vst v63  }
0x19: {  	s11 =	rddreg [dreg:$0x6]  }
0x1a: {  	s9 =	rddreg [dreg:$0xd]  }
.LBB2_12:
0x1b: {  	s2 =	simm.s32 $0x5  }
0x1c: {  	_ =	swait.ge [sflag:s2], $0x7D0  }
0x1d: {  	[sflag:s2] =	ssyncset.done $0x0  }
0x1e: {  	[sflag:s2] =	ssyncadd.s32 $0xFFFFF830  }
0x1f: {  	_ =	swait.ge [sflag:s2], $0x7D0  }
0x20: {  	[sflag:s2] =	ssyncset.done $0x0  }
0x21: {  	[sflag:s2] =	ssyncadd.s32 $0xFFFFF830  }
0x22: {  	_ =	swait.ge [sflag:s2], $0x7D0  }
0x23: {  	[sflag:s2] =	ssyncset.done $0x0  }
0x24: {  	[sflag:s2] =	ssyncadd.s32 $0xFFFFF830  }
0x25: {  	_ =	swait.ge [sflag:s2], $0x7D0  }
0x26: {  	[sflag:s2] =	ssyncset.done $0x0  }
0x27: {  	[sflag:s2] =	ssyncadd.s32 $0xFFFFF830  }
0x28: {  	s15 =	rddreg [dreg:$0x5];
	[bflag:$0x0] =	sbarrier.arrive $0xFFFF  }
0x29: {  	s11 =	sadd.s32 s11, s15;
	s15 =	rddreg [dreg:$0xa]  }
0x2a: {  	s18 =	simm.s32 $0x6;
	s16 =	rddreg [dreg:$0xb]  }
0x2b: {  	[hbm:s11], [sflag:s15] =	dma.local [spmem:s16], $0x30D4  }
0x2c: {  	_ =	swait.ge [sflag:s18], $0x30D4  }
0x2d: {  	s9 =	sadd.s32 $0x1, s9;
	s2 =	rddreg [dreg:$0x9]  }
0x2e: {  	p1 =	sne.s32 s9, s2  }
.Ltmp1:
0x2f: {  	_ = 	snop;
	(pc) =	sbr.rel @!p1 .LBB2_13-.Ltmp1, $4  }
0x30: {  	[sflag:s18] =	ssyncset.done $0x0  }
0x31: {  	[sflag:s18] =	ssyncadd.s32 $0xFFFFCF2C  }
0x32: {  	[bflag:$0x0] =	sbarrier.arrive $0xFFFF  }
0x33: {  	s31 =	simm.s32 $0x18820;
	s2 =	simm.s32 $0x187A0  }
.LBB2_1:
0x34: {  	[dreg:$0xd] =	wrdreg s9  }
0x35: {  	s11 =	rddreg [dreg:$0x3]  }
0x36: {  	[spmem:s16], [sflag:s15] =	dma.local [hbm:s11], $0x30D4  }
0x37: {  	_ =	swait.ge [sflag:s18], $0x30D4  }
0x38: {  	[sflag:s18] =	ssyncset.done $0x0  }
0x39: {  	[sflag:s18] =	ssyncadd.s32 $0xFFFFCF2C  }
.Ltmp2:
0x3a: {  	[bflag:$0x0] =	sbarrier.arrive $0xFFFF;
	(pc) =	sbr.rel @!p0 .LBB2_2-.Ltmp2, $4  }
0x3b: {  	[tilespmem:s21], [sflag:$0x1] =	stream.linear.gather [hbm4b:s12+s3], $0x200, $0x38;
	[tilespmem:$0x1CD20] =	vst v63  }
0x3c: {  	s16 =	simm.s32 $0x18AA0;
	s18 =	rddreg [dreg:$0xc]  }
0x3d: {  	[tilespmem:s16], [sflag:$0x1] =	stream.linear.gather [hbm4b:s18+s3], $0x200, $0x38;
	[tilespmem:$0x1CD20] =	vst v63  }
0x3e: {  	s18 =	simm.s32 $0x18B20  }
0x3f: {  	_ =	swait.ge [sflag:s23], $0x200  }
0x40: {  	[sflag:s23] =	ssyncset.done $0x0  }
0x41: {  	[sflag:s23] =	ssyncadd.s32 $0xFFFFFE00  }
0x42: {  	_ =	swait.ge [sflag:s23], $0x200  }
0x43: {  	p1 =	por $0x1, $0x1;
	[sflag:s23] =	ssyncset.done $0x0  }
0x44: {  	s11 =	simm.s32 @!p1 $0x5;
	[sflag:s23] =	ssyncadd.s32 $0xFFFFFE00  }
0x45: {  	_ =	swait.ge @!p1 [sflag:s11], $0x7D0  }
0x46: {  	[sflag:s11] =	ssyncset.done @!p1 $0x0  }
0x47: {  	[sflag:s11] =	ssyncadd.s32 @!p1 $0xFFFFF830  }
0x48: {  	_ =	swait.ge @!p1 [sflag:s11], $0x7D0  }
0x49: {  	[sflag:s11] =	ssyncset.done @!p1 $0x0  }
0x4a: {  	[sflag:s11] =	ssyncadd.s32 @!p1 $0xFFFFF830  }
0x4b: {  	_ =	swait.ge @!p1 [sflag:s11], $0x7D0  }
0x4c: {  	[sflag:s11] =	ssyncset.done @!p1 $0x0  }
0x4d: {  	[sflag:s11] =	ssyncadd.s32 @!p1 $0xFFFFF830  }
0x4e: {  	_ =	swait.ge @!p1 [sflag:s11], $0x7D0  }
0x4f: {  	s15 =	sadd.s32 $0x0, s12;
	[sflag:s11] =	ssyncset.done @!p1 $0x0  }
0x50: {  	s9 =	sadd.s32 $0x0, s22;
	s15 =	sadd.s32 $0x40, s15;
	[sflag:s11] =	ssyncadd.s32 @!p1 $0xFFFFF830  }
0x51: {  	[tilespmem:s24], [sflag:$0x2] =	stream.linear.gather [hbm4b:s15+s3], $0x200, $0x38;
	[tilespmem:$0x1CD20] =	vst v63  }
0x52: {  	s9 =	sadd.s32 $0x40, s9  }
0x53: {  	[tilespmem:s25], [sflag:$0x2] =	stream.linear.gather [hbm4b:s9+s3], $0x200, $0x38;
	[tilespmem:$0x1CD20] =	vst v63  }
0x54: {  	_ = 	snop  }
0x55: {  	[tilespmem:s28], [sflag:$0x3] =	stream.indirect.gather [hbm4b:s6+s26], $0x10, s21, s26, $0xb8;
	[tilespmem:$0x1CD20] =	vst v63  }
0x56: {  	s9 =	simm.s32 $0x18720  }
0x57: {  	[tilespmem:s30], [sflag:$0x3] =	stream.indirect.gather [hbm4b:s6+s26], $0x10, s9, s26, $0xb8;
	[tilespmem:$0x1CD20] =	vst v63  }
0x58: {  	_ = 	snop  }
0x59: {  	[tilespmem:s0], [sflag:$0x3] =	stream.indirect.gather [hbm4b:s6+s26], $0x10, s2, s26, $0xb8;
	[tilespmem:$0x1CD20] =	vst v63  }
0x5a: {  	_ = 	snop  }
0x5b: {  	[tilespmem:s13], [sflag:$0x3] =	stream.indirect.gather [hbm4b:s6+s26], $0x10, s31, s26, $0xb8;
	[tilespmem:$0x1CD20] =	vst v63  }
0x5c: {  	_ =	swait.ge [sflag:s14], $0x7D0  }
0x5d: {  	[sflag:s14] =	ssyncset.done $0x0  }
0x5e: {  	[sflag:s14] =	ssyncadd.s32 $0xFFFFF830  }
0x5f: {  	_ =	swait.ge [sflag:s14], $0x7D0  }
0x60: {  	[sflag:s14] =	ssyncset.done $0x0  }
0x61: {  	[sflag:s14] =	ssyncadd.s32 $0xFFFFF830  }
0x62: {  	_ =	swait.ge [sflag:s14], $0x7D0  }
0x63: {  	[sflag:s14] =	ssyncset.done $0x0  }
0x64: {  	[sflag:s14] =	ssyncadd.s32 $0xFFFFF830  }
0x65: {  	_ =	swait.ge [sflag:s14], $0x7D0  }
0x66: {  	[sflag:s14] =	ssyncset.done $0x0  }
0x67: {  	[sflag:s14] =	ssyncadd.s32 $0xFFFFF830  }
0x68: {  	[spmem:s1] =	stream.indirect.scatter.add.f32 [tilespmem:s28], [sflag:$0x4], $0x10, s16, s26, $0xb8;
	[tilespmem:$0x1CD20] =	vst v63  }
0x69: {  	_ = 	snop  }
0x6a: {  	[spmem:s1] =	stream.indirect.scatter.add.f32 [tilespmem:s30], [sflag:$0x4], $0x10, s18, s26, $0xb8;
	[tilespmem:$0x1CD20] =	vst v63  }
0x6b: {  	s15 =	simm.s32 $0x18BA0  }
0x6c: {  	[spmem:s1] =	stream.indirect.scatter.add.f32 [tilespmem:s0], [sflag:$0x4], $0x10, s15, s26, $0xb8;
	[tilespmem:$0x1CD20] =	vst v63  }
0x6d: {  	s16 =	simm.s32 $0x18C20  }
0x6e: {  	[spmem:s1] =	stream.indirect.scatter.add.f32 [tilespmem:s13], [sflag:$0x4], $0x10, s16, s26, $0xb8;
	[tilespmem:$0x1CD20] =	vst v63  }
0x6f: {  	_ =	swait.ge [sflag:s10], $0x200  }
0x70: {  	[sflag:s10] =	ssyncset.done $0x0  }
0x71: {  	[sflag:s10] =	ssyncadd.s32 $0xFFFFFE00  }
0x72: {  	_ =	swait.ge [sflag:s10], $0x200  }
0x73: {  	[sflag:s10] =	ssyncset.done $0x0  }
0x74: {  	[sflag:s10] =	ssyncadd.s32 $0xFFFFFE00  }
0x75: {  	_ =	swait.ge [sflag:s8], $0x7D0  }
0x76: {  	[sflag:s8] =	ssyncset.done $0x0  }
0x77: {  	[sflag:s8] =	ssyncadd.s32 $0xFFFFF830  }
0x78: {  	_ =	swait.ge [sflag:s8], $0x7D0  }
0x79: {  	[sflag:s8] =	ssyncset.done $0x0  }
0x7a: {  	[sflag:s8] =	ssyncadd.s32 $0xFFFFF830  }
0x7b: {  	_ =	swait.ge [sflag:s8], $0x7D0  }
0x7c: {  	[sflag:s8] =	ssyncset.done $0x0  }
0x7d: {  	p1 =	por $0x0, $0x0;
	[sflag:s8] =	ssyncadd.s32 $0xFFFFF830  }
0x7e: {  	s11 =	sadd.s32 @!p1 $0x0, s12;
	_ =	swait.ge [sflag:s8], $0x7D0  }
0x7f: {  	s11 =	sadd.s32 @!p1 $0x80, s11;
	[sflag:s8] =	ssyncset.done $0x0  }
0x80: {  	s15 =	simm.s32 @!p1 $0x0;
	s16 =	simm.s32 @!p1 $0x186A0;
	[sflag:s8] =	ssyncadd.s32 $0xFFFFF830  }
0x81: {  	[tilespmem:s16], [sflag:$0x1] =	stream.linear.gather @!p1 [hbm4b:s11+s15], $0x200, $0x38;
	[tilespmem:$0x1CD20] =	vst v63  }
0x82: {  	s11 =	sadd.s32 @!p1 $0x0, s22  }
0x83: {  	s16 =	simm.s32 @!p1 $0x18AA0;
	s11 =	sadd.s32 @!p1 $0x80, s11  }
0x84: {  	[tilespmem:s16], [sflag:$0x1] =	stream.linear.gather @!p1 [hbm4b:s11+s15], $0x200, $0x38;
	[tilespmem:$0x1CD20] =	vst v63  }
0x85: {  	_ = 	snop  }
0x86: {  	[tilespmem:s20], [sflag:$0x3] =	stream.indirect.gather [hbm4b:s6+s26], $0x10, s24, s26, $0xb8;
	[tilespmem:$0x1CD20] =	vst v63  }
0x87: {  	s18 =	simm.s32 $0x18920  }
0x88: {  	[tilespmem:s17], [sflag:$0x3] =	stream.indirect.gather [hbm4b:s6+s26], $0x10, s18, s26, $0xb8;
	[tilespmem:$0x1CD20] =	vst v63  }
0x89: {  	s11 =	simm.s32 $0x189A0  }
0x8a: {  	[tilespmem:s19], [sflag:$0x3] =	stream.indirect.gather [hbm4b:s6+s26], $0x10, s11, s26, $0xb8;
	[tilespmem:$0x1CD20] =	vst v63  }
0x8b: {  	s15 =	simm.s32 $0x18A20  }
0x8c: {  	[tilespmem:s29], [sflag:$0x3] =	stream.indirect.gather [hbm4b:s6+s26], $0x10, s15, s26, $0xb8;
	[tilespmem:$0x1CD20] =	vst v63  }
0x8d: {  	_ =	swait.ge [sflag:s14], $0x7D0  }
0x8e: {  	[sflag:s14] =	ssyncset.done $0x0  }
0x8f: {  	[sflag:s14] =	ssyncadd.s32 $0xFFFFF830  }
0x90: {  	_ =	swait.ge [sflag:s14], $0x7D0  }
0x91: {  	[sflag:s14] =	ssyncset.done $0x0  }
0x92: {  	[sflag:s14] =	ssyncadd.s32 $0xFFFFF830  }
0x93: {  	_ =	swait.ge [sflag:s14], $0x7D0  }
0x94: {  	[sflag:s14] =	ssyncset.done $0x0  }
0x95: {  	[sflag:s14] =	ssyncadd.s32 $0xFFFFF830  }
0x96: {  	_ =	swait.ge [sflag:s14], $0x7D0  }
0x97: {  	[sflag:s14] =	ssyncset.done $0x0  }
0x98: {  	[sflag:s14] =	ssyncadd.s32 $0xFFFFF830  }
0x99: {  	[spmem:s1] =	stream.indirect.scatter.add.f32 [tilespmem:s20], [sflag:$0x5], $0x10, s25, s26, $0xb8;
	[tilespmem:$0x1CD20] =	vst v63  }
0x9a: {  	s9 =	simm.s32 $0x18B20;
	s2 =	simm.s32 $0x18AA0;
	s16 =	simm.s32 $0x18D20  }
0x9b: {  	[spmem:s1] =	stream.indirect.scatter.add.f32 [tilespmem:s17], [sflag:$0x5], $0x10, s16, s26, $0xb8;
	[tilespmem:$0x1CD20] =	vst v63  }
0x9c: {  	s31 =	simm.s32 $0x18E20;
	s18 =	simm.s32 $0x18DA0;
	s11 =	simm.s32 $0x80  }
0x9d: {  	[spmem:s1] =	stream.indirect.scatter.add.f32 [tilespmem:s19], [sflag:$0x5], $0x10, s18, s26, $0xb8;
	[tilespmem:$0x1CD20] =	vst v63  }
.LBB2_8:
0x9e: {  	s15 =	smov.u32 s11;
	s11 =	sadd.s32 $0x80, s11  }
0x9f: {  	[spmem:s1] =	stream.indirect.scatter.add.f32 [tilespmem:s29], [sflag:$0x5], $0x10, s31, s26, $0xb8;
	[tilespmem:$0x1CD20] =	vst v63  }
0xa0: {  	p1 =	sne.s32 s11, $0x3200;
	_ =	swait.ge [sflag:s23], $0x200  }
0xa1: {  	[sflag:s23] =	ssyncset.done $0x0  }
0xa2: {  	[sflag:s23] =	ssyncadd.s32 $0xFFFFFE00  }
0xa3: {  	_ =	swait.ge [sflag:s23], $0x200  }
0xa4: {  	p2 =	seq.s32 s15, $0x0;
	[sflag:s23] =	ssyncset.done $0x0  }
0xa5: {  	s16 =	simm.s32 @!p2 $0x5;
	[sflag:s23] =	ssyncadd.s32 $0xFFFFFE00  }
0xa6: {  	_ =	swait.ge @!p2 [sflag:s16], $0x7D0  }
0xa7: {  	[sflag:s16] =	ssyncset.done @!p2 $0x0  }
0xa8: {  	[sflag:s16] =	ssyncadd.s32 @!p2 $0xFFFFF830  }
0xa9: {  	_ =	swait.ge @!p2 [sflag:s16], $0x7D0  }
0xaa: {  	[sflag:s16] =	ssyncset.done @!p2 $0x0  }
0xab: {  	[sflag:s16] =	ssyncadd.s32 @!p2 $0xFFFFF830  }
0xac: {  	_ =	swait.ge @!p2 [sflag:s16], $0x7D0  }
0xad: {  	[sflag:s16] =	ssyncset.done @!p2 $0x0  }
0xae: {  	[sflag:s16] =	ssyncadd.s32 @!p2 $0xFFFFF830  }
0xaf: {  	_ =	swait.ge @!p2 [sflag:s16], $0x7D0  }
0xb0: {  	s18 =	sadd.s32 s15, s12;
	[sflag:s16] =	ssyncset.done @!p2 $0x0  }
0xb1: {  	[sflag:s16] =	ssyncadd.s32 @!p2 $0xFFFFF830;
	s16 =	sadd.s32 $0x40, s18;
	s18 =	sadd.s32 s15, s22  }
0xb2: {  	[tilespmem:s24], [sflag:$0x2] =	stream.linear.gather [hbm4b:s16+s3], $0x200, $0x38;
	[tilespmem:$0x1CD20] =	vst v63  }
0xb3: {  	s16 =	sadd.s32 $0x40, s18  }
0xb4: {  	[tilespmem:s25], [sflag:$0x2] =	stream.linear.gather [hbm4b:s16+s3], $0x200, $0x38;
	[tilespmem:$0x1CD20] =	vst v63  }
0xb5: {  	_ = 	snop  }
0xb6: {  	[tilespmem:s28], [sflag:$0x3] =	stream.indirect.gather [hbm4b:s6+s26], $0x10, s21, s26, $0xb8;
	[tilespmem:$0x1CD20] =	vst v63  }
0xb7: {  	s16 =	simm.s32 $0x18720  }
0xb8: {  	[tilespmem:s30], [sflag:$0x3] =	stream.indirect.gather [hbm4b:s6+s26], $0x10, s16, s26, $0xb8;
	[tilespmem:$0x1CD20] =	vst v63  }
0xb9: {  	s16 =	simm.s32 $0x187A0  }
0xba: {  	[tilespmem:s0], [sflag:$0x3] =	stream.indirect.gather [hbm4b:s6+s26], $0x10, s16, s26, $0xb8;
	[tilespmem:$0x1CD20] =	vst v63  }
0xbb: {  	s16 =	simm.s32 $0x18820  }
0xbc: {  	[tilespmem:s13], [sflag:$0x3] =	stream.indirect.gather [hbm4b:s6+s26], $0x10, s16, s26, $0xb8;
	[tilespmem:$0x1CD20] =	vst v63  }
0xbd: {  	_ =	swait.ge [sflag:s14], $0x7D0  }
0xbe: {  	[sflag:s14] =	ssyncset.done $0x0  }
0xbf: {  	[sflag:s14] =	ssyncadd.s32 $0xFFFFF830  }
0xc0: {  	_ =	swait.ge [sflag:s14], $0x7D0  }
0xc1: {  	[sflag:s14] =	ssyncset.done $0x0  }
0xc2: {  	[sflag:s14] =	ssyncadd.s32 $0xFFFFF830  }
0xc3: {  	_ =	swait.ge [sflag:s14], $0x7D0  }
0xc4: {  	[sflag:s14] =	ssyncset.done $0x0  }
0xc5: {  	[sflag:s14] =	ssyncadd.s32 $0xFFFFF830  }
0xc6: {  	_ =	swait.ge [sflag:s14], $0x7D0  }
0xc7: {  	[sflag:s14] =	ssyncset.done $0x0  }
0xc8: {  	[sflag:s14] =	ssyncadd.s32 $0xFFFFF830  }
0xc9: {  	[spmem:s1] =	stream.indirect.scatter.add.f32 [tilespmem:s28], [sflag:$0x4], $0x10, s2, s26, $0xb8;
	[tilespmem:$0x1CD20] =	vst v63  }
0xca: {  	_ = 	snop  }
0xcb: {  	[spmem:s1] =	stream.indirect.scatter.add.f32 [tilespmem:s30], [sflag:$0x4], $0x10, s9, s26, $0xb8;
	[tilespmem:$0x1CD20] =	vst v63  }
0xcc: {  	s16 =	simm.s32 $0x18BA0  }
0xcd: {  	[spmem:s1] =	stream.indirect.scatter.add.f32 [tilespmem:s0], [sflag:$0x4], $0x10, s16, s26, $0xb8;
	[tilespmem:$0x1CD20] =	vst v63  }
0xce: {  	s16 =	simm.s32 $0x18C20  }
0xcf: {  	[spmem:s1] =	stream.indirect.scatter.add.f32 [tilespmem:s13], [sflag:$0x4], $0x10, s16, s26, $0xb8;
	[tilespmem:$0x1CD20] =	vst v63  }
0xd0: {  	_ =	swait.ge [sflag:s10], $0x200  }
0xd1: {  	[sflag:s10] =	ssyncset.done $0x0  }
0xd2: {  	[sflag:s10] =	ssyncadd.s32 $0xFFFFFE00  }
0xd3: {  	_ =	swait.ge [sflag:s10], $0x200  }
0xd4: {  	[sflag:s10] =	ssyncset.done $0x0  }
0xd5: {  	[sflag:s10] =	ssyncadd.s32 $0xFFFFFE00  }
0xd6: {  	_ =	swait.ge [sflag:s8], $0x7D0  }
0xd7: {  	[sflag:s8] =	ssyncset.done $0x0  }
0xd8: {  	[sflag:s8] =	ssyncadd.s32 $0xFFFFF830  }
0xd9: {  	_ =	swait.ge [sflag:s8], $0x7D0  }
0xda: {  	[sflag:s8] =	ssyncset.done $0x0  }
0xdb: {  	[sflag:s8] =	ssyncadd.s32 $0xFFFFF830  }
0xdc: {  	_ =	swait.ge [sflag:s8], $0x7D0  }
0xdd: {  	[sflag:s8] =	ssyncset.done $0x0  }
0xde: {  	[sflag:s8] =	ssyncadd.s32 $0xFFFFF830  }
0xdf: {  	p2 =	seq.s32 s15, $0x3180;
	_ =	swait.ge [sflag:s8], $0x7D0  }
0xe0: {  	s18 =	simm.s32 @!p2 $0x0;
	s16 =	sadd.s32 @!p2 s15, s12;
	[sflag:s8] =	ssyncset.done $0x0  }
0xe1: {  	s21 =	simm.s32 @!p2 $0x186A0;
	s16 =	sadd.s32 @!p2 $0x80, s16;
	[sflag:s8] =	ssyncadd.s32 $0xFFFFF830  }
0xe2: {  	[tilespmem:s21], [sflag:$0x1] =	stream.linear.gather @!p2 [hbm4b:s16+s18], $0x200, $0x38;
	[tilespmem:$0x1CD20] =	vst v63  }
0xe3: {  	s21 =	simm.s32 $0x186A0  }
0xe4: {  	s15 =	sadd.s32 @!p2 s15, s22;
	s16 =	simm.s32 @!p2 $0x18AA0  }
0xe5: {  	s15 =	sadd.s32 @!p2 $0x80, s15  }
0xe6: {  	[tilespmem:s16], [sflag:$0x1] =	stream.linear.gather @!p2 [hbm4b:s15+s18], $0x200, $0x38;
	[tilespmem:$0x1CD20] =	vst v63  }
0xe7: {  	_ = 	snop  }
0xe8: {  	[tilespmem:s20], [sflag:$0x3] =	stream.indirect.gather [hbm4b:s6+s26], $0x10, s24, s26, $0xb8;
	[tilespmem:$0x1CD20] =	vst v63  }
0xe9: {  	s15 =	simm.s32 $0x18920  }
0xea: {  	[tilespmem:s17], [sflag:$0x3] =	stream.indirect.gather [hbm4b:s6+s26], $0x10, s15, s26, $0xb8;
	[tilespmem:$0x1CD20] =	vst v63  }
0xeb: {  	s15 =	simm.s32 $0x189A0  }
0xec: {  	[tilespmem:s19], [sflag:$0x3] =	stream.indirect.gather [hbm4b:s6+s26], $0x10, s15, s26, $0xb8;
	[tilespmem:$0x1CD20] =	vst v63  }
0xed: {  	s15 =	simm.s32 $0x18A20  }
0xee: {  	[tilespmem:s29], [sflag:$0x3] =	stream.indirect.gather [hbm4b:s6+s26], $0x10, s15, s26, $0xb8;
	[tilespmem:$0x1CD20] =	vst v63  }
0xef: {  	_ =	swait.ge [sflag:s14], $0x7D0  }
0xf0: {  	[sflag:s14] =	ssyncset.done $0x0  }
0xf1: {  	[sflag:s14] =	ssyncadd.s32 $0xFFFFF830  }
0xf2: {  	_ =	swait.ge [sflag:s14], $0x7D0  }
0xf3: {  	[sflag:s14] =	ssyncset.done $0x0  }
0xf4: {  	[sflag:s14] =	ssyncadd.s32 $0xFFFFF830  }
0xf5: {  	_ =	swait.ge [sflag:s14], $0x7D0  }
0xf6: {  	[sflag:s14] =	ssyncset.done $0x0  }
0xf7: {  	[sflag:s14] =	ssyncadd.s32 $0xFFFFF830  }
0xf8: {  	_ =	swait.ge [sflag:s14], $0x7D0  }
0xf9: {  	[sflag:s14] =	ssyncset.done $0x0  }
0xfa: {  	[sflag:s14] =	ssyncadd.s32 $0xFFFFF830  }
0xfb: {  	[spmem:s1] =	stream.indirect.scatter.add.f32 [tilespmem:s20], [sflag:$0x5], $0x10, s25, s26, $0xb8;
	[tilespmem:$0x1CD20] =	vst v63  }
.Ltmp3:
0xfc: {  	_ = 	snop;
	(pc) =	sbr.rel @p1 .LBB2_8-.Ltmp3, $4  }
0xfd: {  	s15 =	simm.s32 $0x18D20  }
0xfe: {  	[spmem:s1] =	stream.indirect.scatter.add.f32 [tilespmem:s17], [sflag:$0x5], $0x10, s15, s26, $0xb8;
	[tilespmem:$0x1CD20] =	vst v63  }
0xff: {  	s15 =	simm.s32 $0x18DA0  }
0x100: {  	[spmem:s1] =	stream.indirect.scatter.add.f32 [tilespmem:s19], [sflag:$0x5], $0x10, s15, s26, $0xb8;
	[tilespmem:$0x1CD20] =	vst v63  }
0x101: {  	[spmem:s1] =	stream.indirect.scatter.add.f32 [tilespmem:s29], [sflag:$0x5], $0x10, s31, s26, $0xb8;
	[tilespmem:$0x1CD20] =	vst v63  }
0x102: {  	s11 =	simm.s32 $0x5  }
0x103: {  	_ =	swait.ge [sflag:s11], $0x7D0  }
0x104: {  	[sflag:s11] =	ssyncset.done $0x0  }
0x105: {  	[sflag:s11] =	ssyncadd.s32 $0xFFFFF830  }
0x106: {  	_ =	swait.ge [sflag:s11], $0x7D0  }
0x107: {  	[sflag:s11] =	ssyncset.done $0x0  }
0x108: {  	[sflag:s11] =	ssyncadd.s32 $0xFFFFF830  }
0x109: {  	_ =	swait.ge [sflag:s11], $0x7D0  }
0x10a: {  	[sflag:s11] =	ssyncset.done $0x0  }
0x10b: {  	[sflag:s11] =	ssyncadd.s32 $0xFFFFF830  }
0x10c: {  	_ =	swait.ge [sflag:s11], $0x7D0  }
0x10d: {  	[sflag:s11] =	ssyncset.done $0x0  }
0x10e: {  	[sflag:s11] =	ssyncadd.s32 $0xFFFFF830  }
0x10f: {  	[bflag:$0x0] =	sbarrier.arrive $0xFFFF  }
0x110: {  	s18 =	rddreg [dreg:$0x8]  }
0x111: {  	s15 =	rddreg [dreg:$0xa]  }
0x112: {  	s16 =	rddreg [dreg:$0xb]  }
0x113: {  	[hbm:s18], [sflag:s15] =	dma.local [spmem:s16], $0x30D4  }
0x114: {  	s18 =	simm.s32 $0x6  }
0x115: {  	_ =	swait.ge [sflag:s18], $0x30D4  }
0x116: {  	[sflag:s18] =	ssyncset.done $0x0  }
0x117: {  	[sflag:s18] =	ssyncadd.s32 $0xFFFFCF2C  }
0x118: {  	[bflag:$0x0] =	sbarrier.arrive $0xFFFF  }
0x119: {  	s2 =	rddreg [dreg:$0x3]  }
0x11a: {  	[spmem:s16], [sflag:s15] =	dma.local [hbm:s2], $0x30D4  }
0x11b: {  	_ =	swait.ge [sflag:s18], $0x30D4  }
0x11c: {  	[sflag:s18] =	ssyncset.done $0x0  }
0x11d: {  	[sflag:s18] =	ssyncadd.s32 $0xFFFFCF2C  }
0x11e: {  	s15 =	simm.s32 $0x0;
	[bflag:$0x0] =	sbarrier.arrive $0xFFFF  }
0x11f: {  	[tilespmem:s21], [sflag:$0x1] =	stream.linear.gather [hbm4b:s12+s15], $0x200, $0x38;
	[tilespmem:$0x1CD20] =	vst v63  }
0x120: {  	s16 =	simm.s32 $0x18AA0;
	s18 =	rddreg [dreg:$0xc]  }
0x121: {  	[tilespmem:s16], [sflag:$0x1] =	stream.linear.gather [hbm4b:s18+s15], $0x200, $0x38;
	[tilespmem:$0x1CD20] =	vst v63  }
0x122: {  	_ =	swait.ge [sflag:s23], $0x200  }
0x123: {  	[sflag:s23] =	ssyncset.done $0x0  }
0x124: {  	[sflag:s23] =	ssyncadd.s32 $0xFFFFFE00  }
0x125: {  	_ =	swait.ge [sflag:s23], $0x200  }
0x126: {  	p1 =	por $0x1, $0x1;
	[sflag:s23] =	ssyncset.done $0x0  }
0x127: {  	s11 =	simm.s32 @!p1 $0x5;
	[sflag:s23] =	ssyncadd.s32 $0xFFFFFE00  }
0x128: {  	_ =	swait.ge @!p1 [sflag:s11], $0x7D0  }
0x129: {  	[sflag:s11] =	ssyncset.done @!p1 $0x0  }
0x12a: {  	[sflag:s11] =	ssyncadd.s32 @!p1 $0xFFFFF830  }
0x12b: {  	_ =	swait.ge @!p1 [sflag:s11], $0x7D0  }
0x12c: {  	[sflag:s11] =	ssyncset.done @!p1 $0x0  }
0x12d: {  	[sflag:s11] =	ssyncadd.s32 @!p1 $0xFFFFF830  }
0x12e: {  	_ =	swait.ge @!p1 [sflag:s11], $0x7D0  }
0x12f: {  	[sflag:s11] =	ssyncset.done @!p1 $0x0  }
0x130: {  	[sflag:s11] =	ssyncadd.s32 @!p1 $0xFFFFF830  }
0x131: {  	_ =	swait.ge @!p1 [sflag:s11], $0x7D0  }
0x132: {  	s2 =	sadd.s32 $0x0, s12;
	[sflag:s11] =	ssyncset.done @!p1 $0x0  }
0x133: {  	s18 =	sadd.s32 $0x40, s2;
	s2 =	sadd.s32 $0x0, s22;
	[sflag:s11] =	ssyncadd.s32 @!p1 $0xFFFFF830  }
0x134: {  	[tilespmem:s24], [sflag:$0x2] =	stream.linear.gather [hbm4b:s18+s3], $0x200, $0x38;
	[tilespmem:$0x1CD20] =	vst v63  }
0x135: {  	s18 =	sadd.s32 $0x40, s2  }
0x136: {  	[tilespmem:s25], [sflag:$0x2] =	stream.linear.gather [hbm4b:s18+s3], $0x200, $0x38;
	[tilespmem:$0x1CD20] =	vst v63  }
0x137: {  	_ = 	snop  }
0x138: {  	[tilespmem:s28], [sflag:$0x3] =	stream.indirect.gather [hbm4b:s7+s26], $0x10, s21, s26, $0xb8;
	[tilespmem:$0x1CD20] =	vst v63  }
0x139: {  	s2 =	simm.s32 $0x18720  }
0x13a: {  	[tilespmem:s30], [sflag:$0x3] =	stream.indirect.gather [hbm4b:s7+s26], $0x10, s2, s26, $0xb8;
	[tilespmem:$0x1CD20] =	vst v63  }
0x13b: {  	s15 =	simm.s32 $0x187A0  }
0x13c: {  	[tilespmem:s0], [sflag:$0x3] =	stream.indirect.gather [hbm4b:s7+s26], $0x10, s15, s26, $0xb8;
	[tilespmem:$0x1CD20] =	vst v63  }
0x13d: {  	s2 =	simm.s32 $0x18820  }
0x13e: {  	[tilespmem:s13], [sflag:$0x3] =	stream.indirect.gather [hbm4b:s7+s26], $0x10, s2, s26, $0xb8;
	[tilespmem:$0x1CD20] =	vst v63  }
0x13f: {  	_ =	swait.ge [sflag:s14], $0x7D0  }
0x140: {  	[sflag:s14] =	ssyncset.done $0x0  }
0x141: {  	[sflag:s14] =	ssyncadd.s32 $0xFFFFF830  }
0x142: {  	_ =	swait.ge [sflag:s14], $0x7D0  }
0x143: {  	[sflag:s14] =	ssyncset.done $0x0  }
0x144: {  	[sflag:s14] =	ssyncadd.s32 $0xFFFFF830  }
0x145: {  	_ =	swait.ge [sflag:s14], $0x7D0  }
0x146: {  	[sflag:s14] =	ssyncset.done $0x0  }
0x147: {  	[sflag:s14] =	ssyncadd.s32 $0xFFFFF830  }
0x148: {  	_ =	swait.ge [sflag:s14], $0x7D0  }
0x149: {  	[sflag:s14] =	ssyncset.done $0x0  }
0x14a: {  	[sflag:s14] =	ssyncadd.s32 $0xFFFFF830  }
0x14b: {  	[spmem:s1] =	stream.indirect.scatter.add.f32 [tilespmem:s28], [sflag:$0x4], $0x10, s16, s26, $0xb8;
	[tilespmem:$0x1CD20] =	vst v63  }
0x14c: {  	_ = 	snop  }
0x14d: {  	[spmem:s1] =	stream.indirect.scatter.add.f32 [tilespmem:s30], [sflag:$0x4], $0x10, s9, s26, $0xb8;
	[tilespmem:$0x1CD20] =	vst v63  }
0x14e: {  	s18 =	simm.s32 $0x18BA0  }
0x14f: {  	[spmem:s1] =	stream.indirect.scatter.add.f32 [tilespmem:s0], [sflag:$0x4], $0x10, s18, s26, $0xb8;
	[tilespmem:$0x1CD20] =	vst v63  }
0x150: {  	s15 =	simm.s32 $0x18C20  }
0x151: {  	[spmem:s1] =	stream.indirect.scatter.add.f32 [tilespmem:s13], [sflag:$0x4], $0x10, s15, s26, $0xb8;
	[tilespmem:$0x1CD20] =	vst v63  }
0x152: {  	_ =	swait.ge [sflag:s10], $0x200  }
0x153: {  	[sflag:s10] =	ssyncset.done $0x0  }
0x154: {  	[sflag:s10] =	ssyncadd.s32 $0xFFFFFE00  }
0x155: {  	_ =	swait.ge [sflag:s10], $0x200  }
0x156: {  	[sflag:s10] =	ssyncset.done $0x0  }
0x157: {  	[sflag:s10] =	ssyncadd.s32 $0xFFFFFE00  }
0x158: {  	_ =	swait.ge [sflag:s8], $0x7D0  }
0x159: {  	[sflag:s8] =	ssyncset.done $0x0  }
0x15a: {  	[sflag:s8] =	ssyncadd.s32 $0xFFFFF830  }
0x15b: {  	_ =	swait.ge [sflag:s8], $0x7D0  }
0x15c: {  	[sflag:s8] =	ssyncset.done $0x0  }
0x15d: {  	[sflag:s8] =	ssyncadd.s32 $0xFFFFF830  }
0x15e: {  	_ =	swait.ge [sflag:s8], $0x7D0  }
0x15f: {  	[sflag:s8] =	ssyncset.done $0x0  }
0x160: {  	p1 =	por $0x0, $0x0;
	[sflag:s8] =	ssyncadd.s32 $0xFFFFF830  }
0x161: {  	s11 =	sadd.s32 @!p1 $0x0, s12;
	_ =	swait.ge [sflag:s8], $0x7D0  }
0x162: {  	s11 =	sadd.s32 @!p1 $0x80, s11;
	[sflag:s8] =	ssyncset.done $0x0  }
0x163: {  	s16 =	simm.s32 @!p1 $0x186A0;
	s15 =	simm.s32 @!p1 $0x0;
	[sflag:s8] =	ssyncadd.s32 $0xFFFFF830  }
0x164: {  	[tilespmem:s16], [sflag:$0x1] =	stream.linear.gather @!p1 [hbm4b:s11+s15], $0x200, $0x38;
	[tilespmem:$0x1CD20] =	vst v63  }
0x165: {  	s11 =	sadd.s32 @!p1 $0x0, s22  }
0x166: {  	s16 =	simm.s32 @!p1 $0x18AA0;
	s11 =	sadd.s32 @!p1 $0x80, s11  }
0x167: {  	[tilespmem:s16], [sflag:$0x1] =	stream.linear.gather @!p1 [hbm4b:s11+s15], $0x200, $0x38;
	[tilespmem:$0x1CD20] =	vst v63  }
0x168: {  	_ = 	snop  }
0x169: {  	[tilespmem:s20], [sflag:$0x3] =	stream.indirect.gather [hbm4b:s7+s26], $0x10, s24, s26, $0xb8;
	[tilespmem:$0x1CD20] =	vst v63  }
0x16a: {  	s16 =	simm.s32 $0x18920  }
0x16b: {  	[tilespmem:s17], [sflag:$0x3] =	stream.indirect.gather [hbm4b:s7+s26], $0x10, s16, s26, $0xb8;
	[tilespmem:$0x1CD20] =	vst v63  }
0x16c: {  	s18 =	simm.s32 $0x189A0  }
0x16d: {  	[tilespmem:s19], [sflag:$0x3] =	stream.indirect.gather [hbm4b:s7+s26], $0x10, s18, s26, $0xb8;
	[tilespmem:$0x1CD20] =	vst v63  }
0x16e: {  	s15 =	simm.s32 $0x18A20  }
0x16f: {  	[tilespmem:s29], [sflag:$0x3] =	stream.indirect.gather [hbm4b:s7+s26], $0x10, s15, s26, $0xb8;
	[tilespmem:$0x1CD20] =	vst v63  }
0x170: {  	_ =	swait.ge [sflag:s14], $0x7D0  }
0x171: {  	[sflag:s14] =	ssyncset.done $0x0  }
0x172: {  	[sflag:s14] =	ssyncadd.s32 $0xFFFFF830  }
0x173: {  	_ =	swait.ge [sflag:s14], $0x7D0  }
0x174: {  	[sflag:s14] =	ssyncset.done $0x0  }
0x175: {  	[sflag:s14] =	ssyncadd.s32 $0xFFFFF830  }
0x176: {  	_ =	swait.ge [sflag:s14], $0x7D0  }
0x177: {  	[sflag:s14] =	ssyncset.done $0x0  }
0x178: {  	[sflag:s14] =	ssyncadd.s32 $0xFFFFF830  }
0x179: {  	_ =	swait.ge [sflag:s14], $0x7D0  }
0x17a: {  	[sflag:s14] =	ssyncset.done $0x0  }
0x17b: {  	[sflag:s14] =	ssyncadd.s32 $0xFFFFF830  }
0x17c: {  	[spmem:s1] =	stream.indirect.scatter.add.f32 [tilespmem:s20], [sflag:$0x5], $0x10, s25, s26, $0xb8;
	[tilespmem:$0x1CD20] =	vst v63  }
0x17d: {  	s16 =	simm.s32 $0x18D20  }
0x17e: {  	[spmem:s1] =	stream.indirect.scatter.add.f32 [tilespmem:s17], [sflag:$0x5], $0x10, s16, s26, $0xb8;
	[tilespmem:$0x1CD20] =	vst v63  }
0x17f: {  	s2 =	simm.s32 $0x18AA0;
	s11 =	simm.s32 $0x80;
	s18 =	simm.s32 $0x18DA0  }
0x180: {  	[spmem:s1] =	stream.indirect.scatter.add.f32 [tilespmem:s19], [sflag:$0x5], $0x10, s18, s26, $0xb8;
	[tilespmem:$0x1CD20] =	vst v63  }
.LBB2_10:
0x181: {  	s15 =	smov.u32 s11;
	s11 =	sadd.s32 $0x80, s11  }
0x182: {  	[spmem:s1] =	stream.indirect.scatter.add.f32 [tilespmem:s29], [sflag:$0x5], $0x10, s31, s26, $0xb8;
	[tilespmem:$0x1CD20] =	vst v63  }
0x183: {  	p1 =	sne.s32 s11, $0x3200;
	_ =	swait.ge [sflag:s23], $0x200  }
0x184: {  	[sflag:s23] =	ssyncset.done $0x0  }
0x185: {  	[sflag:s23] =	ssyncadd.s32 $0xFFFFFE00  }
0x186: {  	_ =	swait.ge [sflag:s23], $0x200  }
0x187: {  	p2 =	seq.s32 s15, $0x0;
	[sflag:s23] =	ssyncset.done $0x0  }
0x188: {  	s16 =	simm.s32 @!p2 $0x5;
	[sflag:s23] =	ssyncadd.s32 $0xFFFFFE00  }
0x189: {  	_ =	swait.ge @!p2 [sflag:s16], $0x7D0  }
0x18a: {  	[sflag:s16] =	ssyncset.done @!p2 $0x0  }
0x18b: {  	[sflag:s16] =	ssyncadd.s32 @!p2 $0xFFFFF830  }
0x18c: {  	_ =	swait.ge @!p2 [sflag:s16], $0x7D0  }
0x18d: {  	[sflag:s16] =	ssyncset.done @!p2 $0x0  }
0x18e: {  	[sflag:s16] =	ssyncadd.s32 @!p2 $0xFFFFF830  }
0x18f: {  	_ =	swait.ge @!p2 [sflag:s16], $0x7D0  }
0x190: {  	[sflag:s16] =	ssyncset.done @!p2 $0x0  }
0x191: {  	[sflag:s16] =	ssyncadd.s32 @!p2 $0xFFFFF830  }
0x192: {  	_ =	swait.ge @!p2 [sflag:s16], $0x7D0  }
0x193: {  	s18 =	sadd.s32 s15, s12;
	[sflag:s16] =	ssyncset.done @!p2 $0x0  }
0x194: {  	[sflag:s16] =	ssyncadd.s32 @!p2 $0xFFFFF830;
	s16 =	sadd.s32 $0x40, s18;
	s18 =	sadd.s32 s15, s22  }
0x195: {  	[tilespmem:s24], [sflag:$0x2] =	stream.linear.gather [hbm4b:s16+s3], $0x200, $0x38;
	[tilespmem:$0x1CD20] =	vst v63  }
0x196: {  	s16 =	sadd.s32 $0x40, s18  }
0x197: {  	[tilespmem:s25], [sflag:$0x2] =	stream.linear.gather [hbm4b:s16+s3], $0x200, $0x38;
	[tilespmem:$0x1CD20] =	vst v63  }
0x198: {  	_ = 	snop  }
0x199: {  	[tilespmem:s28], [sflag:$0x3] =	stream.indirect.gather [hbm4b:s7+s26], $0x10, s21, s26, $0xb8;
	[tilespmem:$0x1CD20] =	vst v63  }
0x19a: {  	s16 =	simm.s32 $0x18720  }
0x19b: {  	[tilespmem:s30], [sflag:$0x3] =	stream.indirect.gather [hbm4b:s7+s26], $0x10, s16, s26, $0xb8;
	[tilespmem:$0x1CD20] =	vst v63  }
0x19c: {  	s16 =	simm.s32 $0x187A0  }
0x19d: {  	[tilespmem:s0], [sflag:$0x3] =	stream.indirect.gather [hbm4b:s7+s26], $0x10, s16, s26, $0xb8;
	[tilespmem:$0x1CD20] =	vst v63  }
0x19e: {  	s16 =	simm.s32 $0x18820  }
0x19f: {  	[tilespmem:s13], [sflag:$0x3] =	stream.indirect.gather [hbm4b:s7+s26], $0x10, s16, s26, $0xb8;
	[tilespmem:$0x1CD20] =	vst v63  }
0x1a0: {  	_ =	swait.ge [sflag:s14], $0x7D0  }
0x1a1: {  	[sflag:s14] =	ssyncset.done $0x0  }
0x1a2: {  	[sflag:s14] =	ssyncadd.s32 $0xFFFFF830  }
0x1a3: {  	_ =	swait.ge [sflag:s14], $0x7D0  }
0x1a4: {  	[sflag:s14] =	ssyncset.done $0x0  }
0x1a5: {  	[sflag:s14] =	ssyncadd.s32 $0xFFFFF830  }
0x1a6: {  	_ =	swait.ge [sflag:s14], $0x7D0  }
0x1a7: {  	[sflag:s14] =	ssyncset.done $0x0  }
0x1a8: {  	[sflag:s14] =	ssyncadd.s32 $0xFFFFF830  }
0x1a9: {  	_ =	swait.ge [sflag:s14], $0x7D0  }
0x1aa: {  	[sflag:s14] =	ssyncset.done $0x0  }
0x1ab: {  	[sflag:s14] =	ssyncadd.s32 $0xFFFFF830  }
0x1ac: {  	[spmem:s1] =	stream.indirect.scatter.add.f32 [tilespmem:s28], [sflag:$0x4], $0x10, s2, s26, $0xb8;
	[tilespmem:$0x1CD20] =	vst v63  }
0x1ad: {  	_ = 	snop  }
0x1ae: {  	[spmem:s1] =	stream.indirect.scatter.add.f32 [tilespmem:s30], [sflag:$0x4], $0x10, s9, s26, $0xb8;
	[tilespmem:$0x1CD20] =	vst v63  }
0x1af: {  	s16 =	simm.s32 $0x18BA0  }
0x1b0: {  	[spmem:s1] =	stream.indirect.scatter.add.f32 [tilespmem:s0], [sflag:$0x4], $0x10, s16, s26, $0xb8;
	[tilespmem:$0x1CD20] =	vst v63  }
0x1b1: {  	s16 =	simm.s32 $0x18C20  }
0x1b2: {  	[spmem:s1] =	stream.indirect.scatter.add.f32 [tilespmem:s13], [sflag:$0x4], $0x10, s16, s26, $0xb8;
	[tilespmem:$0x1CD20] =	vst v63  }
0x1b3: {  	_ =	swait.ge [sflag:s10], $0x200  }
0x1b4: {  	[sflag:s10] =	ssyncset.done $0x0  }
0x1b5: {  	[sflag:s10] =	ssyncadd.s32 $0xFFFFFE00  }
0x1b6: {  	_ =	swait.ge [sflag:s10], $0x200  }
0x1b7: {  	[sflag:s10] =	ssyncset.done $0x0  }
0x1b8: {  	[sflag:s10] =	ssyncadd.s32 $0xFFFFFE00  }
0x1b9: {  	_ =	swait.ge [sflag:s8], $0x7D0  }
0x1ba: {  	[sflag:s8] =	ssyncset.done $0x0  }
0x1bb: {  	[sflag:s8] =	ssyncadd.s32 $0xFFFFF830  }
0x1bc: {  	_ =	swait.ge [sflag:s8], $0x7D0  }
0x1bd: {  	[sflag:s8] =	ssyncset.done $0x0  }
0x1be: {  	[sflag:s8] =	ssyncadd.s32 $0xFFFFF830  }
0x1bf: {  	_ =	swait.ge [sflag:s8], $0x7D0  }
0x1c0: {  	[sflag:s8] =	ssyncset.done $0x0  }
0x1c1: {  	[sflag:s8] =	ssyncadd.s32 $0xFFFFF830  }
0x1c2: {  	p2 =	seq.s32 s15, $0x3180;
	_ =	swait.ge [sflag:s8], $0x7D0  }
0x1c3: {  	s18 =	simm.s32 @!p2 $0x0;
	s16 =	sadd.s32 @!p2 s15, s12;
	[sflag:s8] =	ssyncset.done $0x0  }
0x1c4: {  	s21 =	simm.s32 @!p2 $0x186A0;
	s16 =	sadd.s32 @!p2 $0x80, s16;
	[sflag:s8] =	ssyncadd.s32 $0xFFFFF830  }
0x1c5: {  	[tilespmem:s21], [sflag:$0x1] =	stream.linear.gather @!p2 [hbm4b:s16+s18], $0x200, $0x38;
	[tilespmem:$0x1CD20] =	vst v63  }
0x1c6: {  	s21 =	simm.s32 $0x186A0  }
0x1c7: {  	s15 =	sadd.s32 @!p2 s15, s22;
	s16 =	simm.s32 @!p2 $0x18AA0  }
0x1c8: {  	s15 =	sadd.s32 @!p2 $0x80, s15  }
0x1c9: {  	[tilespmem:s16], [sflag:$0x1] =	stream.linear.gather @!p2 [hbm4b:s15+s18], $0x200, $0x38;
	[tilespmem:$0x1CD20] =	vst v63  }
0x1ca: {  	s15 =	simm.s32 $0x18920;
	_ =	sdelay $0x1  }
0x1cb: {  	[tilespmem:s20], [sflag:$0x3] =	stream.indirect.gather [hbm4b:s7+s26], $0x10, s24, s26, $0xb8;
	[tilespmem:$0x1CD20] =	vst v63  }
0x1cc: {  	_ = 	snop  }
0x1cd: {  	[tilespmem:s17], [sflag:$0x3] =	stream.indirect.gather [hbm4b:s7+s26], $0x10, s15, s26, $0xb8;
	[tilespmem:$0x1CD20] =	vst v63  }
0x1ce: {  	s15 =	simm.s32 $0x189A0;
	_ =	sdelay $0x1  }
0x1cf: {  	[tilespmem:s19], [sflag:$0x3] =	stream.indirect.gather [hbm4b:s7+s26], $0x10, s15, s26, $0xb8;
	[tilespmem:$0x1CD20] =	vst v63  }
0x1d0: {  	s15 =	simm.s32 $0x18A20;
	_ =	sdelay $0x1  }
0x1d1: {  	[tilespmem:s29], [sflag:$0x3] =	stream.indirect.gather [hbm4b:s7+s26], $0x10, s15, s26, $0xb8;
	[tilespmem:$0x1CD20] =	vst v63  }
0x1d2: {  	s15 =	simm.s32 $0x18D20  }
0x1d3: {  	_ =	swait.ge [sflag:s14], $0x7D0  }
0x1d4: {  	[sflag:s14] =	ssyncset.done $0x0  }
0x1d5: {  	[sflag:s14] =	ssyncadd.s32 $0xFFFFF830  }
0x1d6: {  	_ =	swait.ge [sflag:s14], $0x7D0  }
0x1d7: {  	[sflag:s14] =	ssyncset.done $0x0  }
0x1d8: {  	[sflag:s14] =	ssyncadd.s32 $0xFFFFF830  }
0x1d9: {  	_ =	swait.ge [sflag:s14], $0x7D0  }
0x1da: {  	[sflag:s14] =	ssyncset.done $0x0  }
0x1db: {  	[sflag:s14] =	ssyncadd.s32 $0xFFFFF830  }
0x1dc: {  	_ =	swait.ge [sflag:s14], $0x7D0  }
0x1dd: {  	[sflag:s14] =	ssyncset.done $0x0  }
0x1de: {  	[sflag:s14] =	ssyncadd.s32 $0xFFFFF830  }
0x1df: {  	[spmem:s1] =	stream.indirect.scatter.add.f32 [tilespmem:s20], [sflag:$0x5], $0x10, s25, s26, $0xb8;
	[tilespmem:$0x1CD20] =	vst v63  }
.Ltmp4:
0x1e0: {  	(pc) =	sbr.rel @p1 .LBB2_10-.Ltmp4, $3  }
0x1e1: {  	[spmem:s1] =	stream.indirect.scatter.add.f32 [tilespmem:s17], [sflag:$0x5], $0x10, s15, s26, $0xb8;
	[tilespmem:$0x1CD20] =	vst v63  }
0x1e2: {  	s15 =	simm.s32 $0x18DA0;
	_ =	sdelay $0x1  }
0x1e3: {  	[spmem:s1] =	stream.indirect.scatter.add.f32 [tilespmem:s19], [sflag:$0x5], $0x10, s15, s26, $0xb8;
	[tilespmem:$0x1CD20] =	vst v63  }
.Ltmp5:
0x1e4: {  	_ = 	snop;
	(pc) =	sbr.rel .LBB2_11-.Ltmp5, $1  }
0x1e5: {  	_ =	sdelay $0x3  }
.LBB2_2:
0x1e6: {  	_ =	swait.ge [sflag:s23], $0x200  }
0x1e7: {  	[sflag:s23] =	ssyncset.done $0x0  }
0x1e8: {  	[sflag:s23] =	ssyncadd.s32 $0xFFFFFE00  }
0x1e9: {  	_ =	swait.ge [sflag:s23], $0x200  }
0x1ea: {  	p1 =	por $0x1, $0x1;
	[sflag:s23] =	ssyncset.done $0x0  }
0x1eb: {  	s11 =	simm.s32 @!p1 $0x5;
	[sflag:s23] =	ssyncadd.s32 $0xFFFFFE00  }
0x1ec: {  	_ =	swait.ge @!p1 [sflag:s11], $0x7D0  }
0x1ed: {  	[sflag:s11] =	ssyncset.done @!p1 $0x0  }
0x1ee: {  	[sflag:s11] =	ssyncadd.s32 @!p1 $0xFFFFF830  }
0x1ef: {  	_ =	swait.ge @!p1 [sflag:s11], $0x7D0  }
0x1f0: {  	[sflag:s11] =	ssyncset.done @!p1 $0x0  }
0x1f1: {  	[sflag:s11] =	ssyncadd.s32 @!p1 $0xFFFFF830  }
0x1f2: {  	_ =	swait.ge @!p1 [sflag:s11], $0x7D0  }
0x1f3: {  	[sflag:s11] =	ssyncset.done @!p1 $0x0  }
0x1f4: {  	[sflag:s11] =	ssyncadd.s32 @!p1 $0xFFFFF830  }
0x1f5: {  	_ =	swait.ge @!p1 [sflag:s11], $0x7D0  }
0x1f6: {  	s15 =	sadd.s32 $0x0, s12;
	[sflag:s11] =	ssyncset.done @!p1 $0x0  }
0x1f7: {  	s9 =	sadd.s32 $0x0, s22;
	s15 =	sadd.s32 $0x40, s15;
	[sflag:s11] =	ssyncadd.s32 @!p1 $0xFFFFF830  }
0x1f8: {  	[tilespmem:s24], [sflag:$0x2] =	stream.linear.gather [hbm4b:s15+s3], $0x200, $0x38;
	[tilespmem:$0x1CD20] =	vst v63  }
0x1f9: {  	s15 =	sadd.s32 $0x40, s9  }
0x1fa: {  	[tilespmem:s25], [sflag:$0x2] =	stream.linear.gather [hbm4b:s15+s3], $0x200, $0x38;
	[tilespmem:$0x1CD20] =	vst v63  }
0x1fb: {  	_ = 	snop  }
0x1fc: {  	[tilespmem:s28], [sflag:$0x3] =	stream.indirect.gather [hbm4b:s4+s26], $0x10, s21, s26, $0xb8;
	[tilespmem:$0x1CD20] =	vst v63  }
0x1fd: {  	s9 =	simm.s32 $0x18720  }
0x1fe: {  	[tilespmem:s30], [sflag:$0x3] =	stream.indirect.gather [hbm4b:s4+s26], $0x10, s9, s26, $0xb8;
	[tilespmem:$0x1CD20] =	vst v63  }
0x1ff: {  	_ = 	snop  }
0x200: {  	[tilespmem:s0], [sflag:$0x3] =	stream.indirect.gather [hbm4b:s4+s26], $0x10, s2, s26, $0xb8;
	[tilespmem:$0x1CD20] =	vst v63  }
0x201: {  	_ = 	snop  }
0x202: {  	[tilespmem:s13], [sflag:$0x3] =	stream.indirect.gather [hbm4b:s4+s26], $0x10, s31, s26, $0xb8;
	[tilespmem:$0x1CD20] =	vst v63  }
0x203: {  	_ =	swait.ge [sflag:s14], $0x7D0  }
0x204: {  	[sflag:s14] =	ssyncset.done $0x0  }
0x205: {  	[sflag:s14] =	ssyncadd.s32 $0xFFFFF830  }
0x206: {  	_ =	swait.ge [sflag:s14], $0x7D0  }
0x207: {  	[sflag:s14] =	ssyncset.done $0x0  }
0x208: {  	[sflag:s14] =	ssyncadd.s32 $0xFFFFF830  }
0x209: {  	_ =	swait.ge [sflag:s14], $0x7D0  }
0x20a: {  	[sflag:s14] =	ssyncset.done $0x0  }
0x20b: {  	[sflag:s14] =	ssyncadd.s32 $0xFFFFF830  }
0x20c: {  	_ =	swait.ge [sflag:s14], $0x7D0  }
0x20d: {  	[sflag:s14] =	ssyncset.done $0x0  }
0x20e: {  	[sflag:s14] =	ssyncadd.s32 $0xFFFFF830  }
0x20f: {  	[spmem:s1] =	stream.indirect.scatter.add.f32 [tilespmem:s28], [sflag:$0x4], $0x10, s16, s26, $0xb8;
	[tilespmem:$0x1CD20] =	vst v63  }
0x210: {  	_ = 	snop  }
0x211: {  	[spmem:s1] =	stream.indirect.scatter.add.f32 [tilespmem:s30], [sflag:$0x4], $0x10, s18, s26, $0xb8;
	[tilespmem:$0x1CD20] =	vst v63  }
0x212: {  	s16 =	simm.s32 $0x18BA0  }
0x213: {  	[spmem:s1] =	stream.indirect.scatter.add.f32 [tilespmem:s0], [sflag:$0x4], $0x10, s16, s26, $0xb8;
	[tilespmem:$0x1CD20] =	vst v63  }
0x214: {  	s18 =	simm.s32 $0x18C20  }
0x215: {  	[spmem:s1] =	stream.indirect.scatter.add.f32 [tilespmem:s13], [sflag:$0x4], $0x10, s18, s26, $0xb8;
	[tilespmem:$0x1CD20] =	vst v63  }
0x216: {  	_ =	swait.ge [sflag:s10], $0x200  }
0x217: {  	[sflag:s10] =	ssyncset.done $0x0  }
0x218: {  	[sflag:s10] =	ssyncadd.s32 $0xFFFFFE00  }
0x219: {  	_ =	swait.ge [sflag:s10], $0x200  }
0x21a: {  	[sflag:s10] =	ssyncset.done $0x0  }
0x21b: {  	[sflag:s10] =	ssyncadd.s32 $0xFFFFFE00  }
0x21c: {  	_ =	swait.ge [sflag:s8], $0x7D0  }
0x21d: {  	[sflag:s8] =	ssyncset.done $0x0  }
0x21e: {  	[sflag:s8] =	ssyncadd.s32 $0xFFFFF830  }
0x21f: {  	_ =	swait.ge [sflag:s8], $0x7D0  }
0x220: {  	[sflag:s8] =	ssyncset.done $0x0  }
0x221: {  	[sflag:s8] =	ssyncadd.s32 $0xFFFFF830  }
0x222: {  	_ =	swait.ge [sflag:s8], $0x7D0  }
0x223: {  	[sflag:s8] =	ssyncset.done $0x0  }
0x224: {  	p1 =	por $0x0, $0x0;
	[sflag:s8] =	ssyncadd.s32 $0xFFFFF830  }
0x225: {  	s11 =	sadd.s32 @!p1 $0x0, s12;
	_ =	swait.ge [sflag:s8], $0x7D0  }
0x226: {  	s11 =	sadd.s32 @!p1 $0x80, s11;
	[sflag:s8] =	ssyncset.done $0x0  }
0x227: {  	s15 =	simm.s32 @!p1 $0x186A0;
	s2 =	simm.s32 @!p1 $0x0;
	[sflag:s8] =	ssyncadd.s32 $0xFFFFF830  }
0x228: {  	[tilespmem:s15], [sflag:$0x1] =	stream.linear.gather @!p1 [hbm4b:s11+s2], $0x200, $0x38;
	[tilespmem:$0x1CD20] =	vst v63  }
0x229: {  	s11 =	sadd.s32 @!p1 $0x0, s22  }
0x22a: {  	s15 =	simm.s32 @!p1 $0x18AA0;
	s11 =	sadd.s32 @!p1 $0x80, s11  }
0x22b: {  	[tilespmem:s15], [sflag:$0x1] =	stream.linear.gather @!p1 [hbm4b:s11+s2], $0x200, $0x38;
	[tilespmem:$0x1CD20] =	vst v63  }
0x22c: {  	_ = 	snop  }
0x22d: {  	[tilespmem:s20], [sflag:$0x3] =	stream.indirect.gather [hbm4b:s4+s26], $0x10, s24, s26, $0xb8;
	[tilespmem:$0x1CD20] =	vst v63  }
0x22e: {  	s9 =	simm.s32 $0x18920  }
0x22f: {  	[tilespmem:s17], [sflag:$0x3] =	stream.indirect.gather [hbm4b:s4+s26], $0x10, s9, s26, $0xb8;
	[tilespmem:$0x1CD20] =	vst v63  }
0x230: {  	s11 =	simm.s32 $0x189A0  }
0x231: {  	[tilespmem:s19], [sflag:$0x3] =	stream.indirect.gather [hbm4b:s4+s26], $0x10, s11, s26, $0xb8;
	[tilespmem:$0x1CD20] =	vst v63  }
0x232: {  	s15 =	simm.s32 $0x18A20  }
0x233: {  	[tilespmem:s29], [sflag:$0x3] =	stream.indirect.gather [hbm4b:s4+s26], $0x10, s15, s26, $0xb8;
	[tilespmem:$0x1CD20] =	vst v63  }
0x234: {  	_ =	swait.ge [sflag:s14], $0x7D0  }
0x235: {  	[sflag:s14] =	ssyncset.done $0x0  }
0x236: {  	[sflag:s14] =	ssyncadd.s32 $0xFFFFF830  }
0x237: {  	_ =	swait.ge [sflag:s14], $0x7D0  }
0x238: {  	[sflag:s14] =	ssyncset.done $0x0  }
0x239: {  	[sflag:s14] =	ssyncadd.s32 $0xFFFFF830  }
0x23a: {  	_ =	swait.ge [sflag:s14], $0x7D0  }
0x23b: {  	[sflag:s14] =	ssyncset.done $0x0  }
0x23c: {  	[sflag:s14] =	ssyncadd.s32 $0xFFFFF830  }
0x23d: {  	_ =	swait.ge [sflag:s14], $0x7D0  }
0x23e: {  	[sflag:s14] =	ssyncset.done $0x0  }
0x23f: {  	[sflag:s14] =	ssyncadd.s32 $0xFFFFF830  }
0x240: {  	[spmem:s1] =	stream.indirect.scatter.add.f32 [tilespmem:s20], [sflag:$0x5], $0x10, s25, s26, $0xb8;
	[tilespmem:$0x1CD20] =	vst v63  }
0x241: {  	s31 =	simm.s32 $0x18AA0;
	s16 =	simm.s32 $0x18D20;
	s18 =	simm.s32 $0x18DA0  }
0x242: {  	[spmem:s1] =	stream.indirect.scatter.add.f32 [tilespmem:s17], [sflag:$0x5], $0x10, s16, s26, $0xb8;
	[tilespmem:$0x1CD20] =	vst v63  }
0x243: {  	s2 =	simm.s32 $0x18820;
	s9 =	simm.s32 $0x18B20;
	s11 =	simm.s32 $0x80  }
0x244: {  	[spmem:s1] =	stream.indirect.scatter.add.f32 [tilespmem:s19], [sflag:$0x5], $0x10, s18, s26, $0xb8;
	[tilespmem:$0x1CD20] =	vst v63  }
.LBB2_3:
0x245: {  	s15 =	smov.u32 s11;
	s11 =	sadd.s32 $0x80, s11;
	s16 =	simm.s32 $0x18E20  }
0x246: {  	[spmem:s1] =	stream.indirect.scatter.add.f32 [tilespmem:s29], [sflag:$0x5], $0x10, s16, s26, $0xb8;
	[tilespmem:$0x1CD20] =	vst v63  }
0x247: {  	p1 =	sne.s32 s11, $0x3200;
	_ =	swait.ge [sflag:s23], $0x200  }
0x248: {  	[sflag:s23] =	ssyncset.done $0x0  }
0x249: {  	[sflag:s23] =	ssyncadd.s32 $0xFFFFFE00  }
0x24a: {  	_ =	swait.ge [sflag:s23], $0x200  }
0x24b: {  	p2 =	seq.s32 s15, $0x0;
	[sflag:s23] =	ssyncset.done $0x0  }
0x24c: {  	s16 =	simm.s32 @!p2 $0x5;
	[sflag:s23] =	ssyncadd.s32 $0xFFFFFE00  }
0x24d: {  	_ =	swait.ge @!p2 [sflag:s16], $0x7D0  }
0x24e: {  	[sflag:s16] =	ssyncset.done @!p2 $0x0  }
0x24f: {  	[sflag:s16] =	ssyncadd.s32 @!p2 $0xFFFFF830  }
0x250: {  	_ =	swait.ge @!p2 [sflag:s16], $0x7D0  }
0x251: {  	[sflag:s16] =	ssyncset.done @!p2 $0x0  }
0x252: {  	[sflag:s16] =	ssyncadd.s32 @!p2 $0xFFFFF830  }
0x253: {  	_ =	swait.ge @!p2 [sflag:s16], $0x7D0  }
0x254: {  	[sflag:s16] =	ssyncset.done @!p2 $0x0  }
0x255: {  	[sflag:s16] =	ssyncadd.s32 @!p2 $0xFFFFF830  }
0x256: {  	_ =	swait.ge @!p2 [sflag:s16], $0x7D0  }
0x257: {  	s18 =	sadd.s32 s15, s12;
	[sflag:s16] =	ssyncset.done @!p2 $0x0  }
0x258: {  	[sflag:s16] =	ssyncadd.s32 @!p2 $0xFFFFF830;
	s16 =	sadd.s32 $0x40, s18;
	s18 =	sadd.s32 s15, s22  }
0x259: {  	[tilespmem:s24], [sflag:$0x2] =	stream.linear.gather [hbm4b:s16+s3], $0x200, $0x38;
	[tilespmem:$0x1CD20] =	vst v63  }
0x25a: {  	s16 =	sadd.s32 $0x40, s18  }
0x25b: {  	[tilespmem:s25], [sflag:$0x2] =	stream.linear.gather [hbm4b:s16+s3], $0x200, $0x38;
	[tilespmem:$0x1CD20] =	vst v63  }
0x25c: {  	_ = 	snop  }
0x25d: {  	[tilespmem:s28], [sflag:$0x3] =	stream.indirect.gather [hbm4b:s4+s26], $0x10, s21, s26, $0xb8;
	[tilespmem:$0x1CD20] =	vst v63  }
0x25e: {  	s16 =	simm.s32 $0x18720  }
0x25f: {  	[tilespmem:s30], [sflag:$0x3] =	stream.indirect.gather [hbm4b:s4+s26], $0x10, s16, s26, $0xb8;
	[tilespmem:$0x1CD20] =	vst v63  }
0x260: {  	s16 =	simm.s32 $0x187A0  }
0x261: {  	[tilespmem:s0], [sflag:$0x3] =	stream.indirect.gather [hbm4b:s4+s26], $0x10, s16, s26, $0xb8;
	[tilespmem:$0x1CD20] =	vst v63  }
0x262: {  	_ = 	snop  }
0x263: {  	[tilespmem:s13], [sflag:$0x3] =	stream.indirect.gather [hbm4b:s4+s26], $0x10, s2, s26, $0xb8;
	[tilespmem:$0x1CD20] =	vst v63  }
0x264: {  	_ =	swait.ge [sflag:s14], $0x7D0  }
0x265: {  	[sflag:s14] =	ssyncset.done $0x0  }
0x266: {  	[sflag:s14] =	ssyncadd.s32 $0xFFFFF830  }
0x267: {  	_ =	swait.ge [sflag:s14], $0x7D0  }
0x268: {  	[sflag:s14] =	ssyncset.done $0x0  }
0x269: {  	[sflag:s14] =	ssyncadd.s32 $0xFFFFF830  }
0x26a: {  	_ =	swait.ge [sflag:s14], $0x7D0  }
0x26b: {  	[sflag:s14] =	ssyncset.done $0x0  }
0x26c: {  	[sflag:s14] =	ssyncadd.s32 $0xFFFFF830  }
0x26d: {  	_ =	swait.ge [sflag:s14], $0x7D0  }
0x26e: {  	[sflag:s14] =	ssyncset.done $0x0  }
0x26f: {  	[sflag:s14] =	ssyncadd.s32 $0xFFFFF830  }
0x270: {  	[spmem:s1] =	stream.indirect.scatter.add.f32 [tilespmem:s28], [sflag:$0x4], $0x10, s31, s26, $0xb8;
	[tilespmem:$0x1CD20] =	vst v63  }
0x271: {  	_ = 	snop  }
0x272: {  	[spmem:s1] =	stream.indirect.scatter.add.f32 [tilespmem:s30], [sflag:$0x4], $0x10, s9, s26, $0xb8;
	[tilespmem:$0x1CD20] =	vst v63  }
0x273: {  	s16 =	simm.s32 $0x18BA0  }
0x274: {  	[spmem:s1] =	stream.indirect.scatter.add.f32 [tilespmem:s0], [sflag:$0x4], $0x10, s16, s26, $0xb8;
	[tilespmem:$0x1CD20] =	vst v63  }
0x275: {  	s16 =	simm.s32 $0x18C20  }
0x276: {  	[spmem:s1] =	stream.indirect.scatter.add.f32 [tilespmem:s13], [sflag:$0x4], $0x10, s16, s26, $0xb8;
	[tilespmem:$0x1CD20] =	vst v63  }
0x277: {  	_ =	swait.ge [sflag:s10], $0x200  }
0x278: {  	[sflag:s10] =	ssyncset.done $0x0  }
0x279: {  	[sflag:s10] =	ssyncadd.s32 $0xFFFFFE00  }
0x27a: {  	_ =	swait.ge [sflag:s10], $0x200  }
0x27b: {  	[sflag:s10] =	ssyncset.done $0x0  }
0x27c: {  	[sflag:s10] =	ssyncadd.s32 $0xFFFFFE00  }
0x27d: {  	_ =	swait.ge [sflag:s8], $0x7D0  }
0x27e: {  	[sflag:s8] =	ssyncset.done $0x0  }
0x27f: {  	[sflag:s8] =	ssyncadd.s32 $0xFFFFF830  }
0x280: {  	_ =	swait.ge [sflag:s8], $0x7D0  }
0x281: {  	[sflag:s8] =	ssyncset.done $0x0  }
0x282: {  	[sflag:s8] =	ssyncadd.s32 $0xFFFFF830  }
0x283: {  	_ =	swait.ge [sflag:s8], $0x7D0  }
0x284: {  	[sflag:s8] =	ssyncset.done $0x0  }
0x285: {  	[sflag:s8] =	ssyncadd.s32 $0xFFFFF830  }
0x286: {  	p2 =	seq.s32 s15, $0x3180;
	_ =	swait.ge [sflag:s8], $0x7D0  }
0x287: {  	s18 =	simm.s32 @!p2 $0x0;
	s16 =	sadd.s32 @!p2 s15, s12;
	[sflag:s8] =	ssyncset.done $0x0  }
0x288: {  	s21 =	simm.s32 @!p2 $0x186A0;
	s16 =	sadd.s32 @!p2 $0x80, s16;
	[sflag:s8] =	ssyncadd.s32 $0xFFFFF830  }
0x289: {  	[tilespmem:s21], [sflag:$0x1] =	stream.linear.gather @!p2 [hbm4b:s16+s18], $0x200, $0x38;
	[tilespmem:$0x1CD20] =	vst v63  }
0x28a: {  	s21 =	simm.s32 $0x186A0  }
0x28b: {  	s15 =	sadd.s32 @!p2 s15, s22;
	s16 =	simm.s32 @!p2 $0x18AA0  }
0x28c: {  	s15 =	sadd.s32 @!p2 $0x80, s15  }
0x28d: {  	[tilespmem:s16], [sflag:$0x1] =	stream.linear.gather @!p2 [hbm4b:s15+s18], $0x200, $0x38;
	[tilespmem:$0x1CD20] =	vst v63  }
0x28e: {  	_ = 	snop  }
0x28f: {  	[tilespmem:s20], [sflag:$0x3] =	stream.indirect.gather [hbm4b:s4+s26], $0x10, s24, s26, $0xb8;
	[tilespmem:$0x1CD20] =	vst v63  }
0x290: {  	s15 =	simm.s32 $0x18920  }
0x291: {  	[tilespmem:s17], [sflag:$0x3] =	stream.indirect.gather [hbm4b:s4+s26], $0x10, s15, s26, $0xb8;
	[tilespmem:$0x1CD20] =	vst v63  }
0x292: {  	s15 =	simm.s32 $0x189A0  }
0x293: {  	[tilespmem:s19], [sflag:$0x3] =	stream.indirect.gather [hbm4b:s4+s26], $0x10, s15, s26, $0xb8;
	[tilespmem:$0x1CD20] =	vst v63  }
0x294: {  	s15 =	simm.s32 $0x18A20  }
0x295: {  	[tilespmem:s29], [sflag:$0x3] =	stream.indirect.gather [hbm4b:s4+s26], $0x10, s15, s26, $0xb8;
	[tilespmem:$0x1CD20] =	vst v63  }
0x296: {  	_ =	swait.ge [sflag:s14], $0x7D0  }
0x297: {  	[sflag:s14] =	ssyncset.done $0x0  }
0x298: {  	[sflag:s14] =	ssyncadd.s32 $0xFFFFF830  }
0x299: {  	_ =	swait.ge [sflag:s14], $0x7D0  }
0x29a: {  	[sflag:s14] =	ssyncset.done $0x0  }
0x29b: {  	[sflag:s14] =	ssyncadd.s32 $0xFFFFF830  }
0x29c: {  	_ =	swait.ge [sflag:s14], $0x7D0  }
0x29d: {  	[sflag:s14] =	ssyncset.done $0x0  }
0x29e: {  	[sflag:s14] =	ssyncadd.s32 $0xFFFFF830  }
0x29f: {  	_ =	swait.ge [sflag:s14], $0x7D0  }
0x2a0: {  	[sflag:s14] =	ssyncset.done $0x0  }
0x2a1: {  	[sflag:s14] =	ssyncadd.s32 $0xFFFFF830  }
0x2a2: {  	[spmem:s1] =	stream.indirect.scatter.add.f32 [tilespmem:s20], [sflag:$0x5], $0x10, s25, s26, $0xb8;
	[tilespmem:$0x1CD20] =	vst v63  }
.Ltmp6:
0x2a3: {  	_ = 	snop;
	(pc) =	sbr.rel @p1 .LBB2_3-.Ltmp6, $4  }
0x2a4: {  	s15 =	simm.s32 $0x18D20  }
0x2a5: {  	[spmem:s1] =	stream.indirect.scatter.add.f32 [tilespmem:s17], [sflag:$0x5], $0x10, s15, s26, $0xb8;
	[tilespmem:$0x1CD20] =	vst v63  }
0x2a6: {  	s15 =	simm.s32 $0x18DA0  }
0x2a7: {  	[spmem:s1] =	stream.indirect.scatter.add.f32 [tilespmem:s19], [sflag:$0x5], $0x10, s15, s26, $0xb8;
	[tilespmem:$0x1CD20] =	vst v63  }
0x2a8: {  	s11 =	simm.s32 $0x18E20;
	s16 =	simm.s32 $0x5  }
0x2a9: {  	[spmem:s1] =	stream.indirect.scatter.add.f32 [tilespmem:s29], [sflag:$0x5], $0x10, s11, s26, $0xb8;
	[tilespmem:$0x1CD20] =	vst v63  }
0x2aa: {  	_ =	swait.ge [sflag:s16], $0x7D0  }
0x2ab: {  	[sflag:s16] =	ssyncset.done $0x0  }
0x2ac: {  	[sflag:s16] =	ssyncadd.s32 $0xFFFFF830  }
0x2ad: {  	_ =	swait.ge [sflag:s16], $0x7D0  }
0x2ae: {  	[sflag:s16] =	ssyncset.done $0x0  }
0x2af: {  	[sflag:s16] =	ssyncadd.s32 $0xFFFFF830  }
0x2b0: {  	_ =	swait.ge [sflag:s16], $0x7D0  }
0x2b1: {  	[sflag:s16] =	ssyncset.done $0x0  }
0x2b2: {  	[sflag:s16] =	ssyncadd.s32 $0xFFFFF830  }
0x2b3: {  	_ =	swait.ge [sflag:s16], $0x7D0  }
0x2b4: {  	[sflag:s16] =	ssyncset.done $0x0  }
0x2b5: {  	[sflag:s16] =	ssyncadd.s32 $0xFFFFF830  }
0x2b6: {  	[bflag:$0x0] =	sbarrier.arrive $0xFFFF  }
0x2b7: {  	s18 =	rddreg [dreg:$0x7]  }
0x2b8: {  	s15 =	rddreg [dreg:$0xa]  }
0x2b9: {  	s16 =	rddreg [dreg:$0xb]  }
0x2ba: {  	[hbm:s18], [sflag:s15] =	dma.local [spmem:s16], $0x30D4  }
0x2bb: {  	s18 =	simm.s32 $0x6  }
0x2bc: {  	_ =	swait.ge [sflag:s18], $0x30D4  }
0x2bd: {  	[sflag:s18] =	ssyncset.done $0x0  }
0x2be: {  	[sflag:s18] =	ssyncadd.s32 $0xFFFFCF2C  }
0x2bf: {  	[bflag:$0x0] =	sbarrier.arrive $0xFFFF  }
0x2c0: {  	s11 =	rddreg [dreg:$0x3]  }
0x2c1: {  	[spmem:s16], [sflag:s15] =	dma.local [hbm:s11], $0x30D4  }
0x2c2: {  	_ =	swait.ge [sflag:s18], $0x30D4  }
0x2c3: {  	[sflag:s18] =	ssyncset.done $0x0  }
0x2c4: {  	[sflag:s18] =	ssyncadd.s32 $0xFFFFCF2C  }
0x2c5: {  	s15 =	simm.s32 $0x0;
	[bflag:$0x0] =	sbarrier.arrive $0xFFFF  }
0x2c6: {  	[tilespmem:s21], [sflag:$0x1] =	stream.linear.gather [hbm4b:s12+s15], $0x200, $0x38;
	[tilespmem:$0x1CD20] =	vst v63  }
0x2c7: {  	s16 =	rddreg [dreg:$0xc]  }
0x2c8: {  	[tilespmem:s31], [sflag:$0x1] =	stream.linear.gather [hbm4b:s16+s15], $0x200, $0x38;
	[tilespmem:$0x1CD20] =	vst v63  }
0x2c9: {  	_ =	swait.ge [sflag:s23], $0x200  }
0x2ca: {  	[sflag:s23] =	ssyncset.done $0x0  }
0x2cb: {  	[sflag:s23] =	ssyncadd.s32 $0xFFFFFE00  }
0x2cc: {  	_ =	swait.ge [sflag:s23], $0x200  }
0x2cd: {  	p1 =	por $0x1, $0x1;
	[sflag:s23] =	ssyncset.done $0x0  }
0x2ce: {  	s11 =	simm.s32 @!p1 $0x5;
	[sflag:s23] =	ssyncadd.s32 $0xFFFFFE00  }
0x2cf: {  	_ =	swait.ge @!p1 [sflag:s11], $0x7D0  }
0x2d0: {  	[sflag:s11] =	ssyncset.done @!p1 $0x0  }
0x2d1: {  	[sflag:s11] =	ssyncadd.s32 @!p1 $0xFFFFF830  }
0x2d2: {  	_ =	swait.ge @!p1 [sflag:s11], $0x7D0  }
0x2d3: {  	[sflag:s11] =	ssyncset.done @!p1 $0x0  }
0x2d4: {  	[sflag:s11] =	ssyncadd.s32 @!p1 $0xFFFFF830  }
0x2d5: {  	_ =	swait.ge @!p1 [sflag:s11], $0x7D0  }
0x2d6: {  	[sflag:s11] =	ssyncset.done @!p1 $0x0  }
0x2d7: {  	[sflag:s11] =	ssyncadd.s32 @!p1 $0xFFFFF830  }
0x2d8: {  	_ =	swait.ge @!p1 [sflag:s11], $0x7D0  }
0x2d9: {  	s18 =	sadd.s32 $0x0, s12;
	[sflag:s11] =	ssyncset.done @!p1 $0x0  }
0x2da: {  	s15 =	sadd.s32 $0x40, s18;
	s16 =	sadd.s32 $0x0, s22;
	[sflag:s11] =	ssyncadd.s32 @!p1 $0xFFFFF830  }
0x2db: {  	[tilespmem:s24], [sflag:$0x2] =	stream.linear.gather [hbm4b:s15+s3], $0x200, $0x38;
	[tilespmem:$0x1CD20] =	vst v63  }
0x2dc: {  	s18 =	sadd.s32 $0x40, s16  }
0x2dd: {  	[tilespmem:s25], [sflag:$0x2] =	stream.linear.gather [hbm4b:s18+s3], $0x200, $0x38;
	[tilespmem:$0x1CD20] =	vst v63  }
0x2de: {  	_ = 	snop  }
0x2df: {  	[tilespmem:s28], [sflag:$0x3] =	stream.indirect.gather [hbm4b:s5+s26], $0x10, s21, s26, $0xb8;
	[tilespmem:$0x1CD20] =	vst v63  }
0x2e0: {  	s15 =	simm.s32 $0x18720  }
0x2e1: {  	[tilespmem:s30], [sflag:$0x3] =	stream.indirect.gather [hbm4b:s5+s26], $0x10, s15, s26, $0xb8;
	[tilespmem:$0x1CD20] =	vst v63  }
0x2e2: {  	s16 =	simm.s32 $0x187A0  }
0x2e3: {  	[tilespmem:s0], [sflag:$0x3] =	stream.indirect.gather [hbm4b:s5+s26], $0x10, s16, s26, $0xb8;
	[tilespmem:$0x1CD20] =	vst v63  }
0x2e4: {  	_ = 	snop  }
0x2e5: {  	[tilespmem:s13], [sflag:$0x3] =	stream.indirect.gather [hbm4b:s5+s26], $0x10, s2, s26, $0xb8;
	[tilespmem:$0x1CD20] =	vst v63  }
0x2e6: {  	_ =	swait.ge [sflag:s14], $0x7D0  }
0x2e7: {  	[sflag:s14] =	ssyncset.done $0x0  }
0x2e8: {  	[sflag:s14] =	ssyncadd.s32 $0xFFFFF830  }
0x2e9: {  	_ =	swait.ge [sflag:s14], $0x7D0  }
0x2ea: {  	[sflag:s14] =	ssyncset.done $0x0  }
0x2eb: {  	[sflag:s14] =	ssyncadd.s32 $0xFFFFF830  }
0x2ec: {  	_ =	swait.ge [sflag:s14], $0x7D0  }
0x2ed: {  	[sflag:s14] =	ssyncset.done $0x0  }
0x2ee: {  	[sflag:s14] =	ssyncadd.s32 $0xFFFFF830  }
0x2ef: {  	_ =	swait.ge [sflag:s14], $0x7D0  }
0x2f0: {  	[sflag:s14] =	ssyncset.done $0x0  }
0x2f1: {  	[sflag:s14] =	ssyncadd.s32 $0xFFFFF830  }
0x2f2: {  	[spmem:s1] =	stream.indirect.scatter.add.f32 [tilespmem:s28], [sflag:$0x4], $0x10, s31, s26, $0xb8;
	[tilespmem:$0x1CD20] =	vst v63  }
0x2f3: {  	_ = 	snop  }
0x2f4: {  	[spmem:s1] =	stream.indirect.scatter.add.f32 [tilespmem:s30], [sflag:$0x4], $0x10, s9, s26, $0xb8;
	[tilespmem:$0x1CD20] =	vst v63  }
0x2f5: {  	s18 =	simm.s32 $0x18BA0  }
0x2f6: {  	[spmem:s1] =	stream.indirect.scatter.add.f32 [tilespmem:s0], [sflag:$0x4], $0x10, s18, s26, $0xb8;
	[tilespmem:$0x1CD20] =	vst v63  }
0x2f7: {  	s15 =	simm.s32 $0x18C20  }
0x2f8: {  	[spmem:s1] =	stream.indirect.scatter.add.f32 [tilespmem:s13], [sflag:$0x4], $0x10, s15, s26, $0xb8;
	[tilespmem:$0x1CD20] =	vst v63  }
0x2f9: {  	_ =	swait.ge [sflag:s10], $0x200  }
0x2fa: {  	[sflag:s10] =	ssyncset.done $0x0  }
0x2fb: {  	[sflag:s10] =	ssyncadd.s32 $0xFFFFFE00  }
0x2fc: {  	_ =	swait.ge [sflag:s10], $0x200  }
0x2fd: {  	[sflag:s10] =	ssyncset.done $0x0  }
0x2fe: {  	[sflag:s10] =	ssyncadd.s32 $0xFFFFFE00  }
0x2ff: {  	_ =	swait.ge [sflag:s8], $0x7D0  }
0x300: {  	[sflag:s8] =	ssyncset.done $0x0  }
0x301: {  	[sflag:s8] =	ssyncadd.s32 $0xFFFFF830  }
0x302: {  	_ =	swait.ge [sflag:s8], $0x7D0  }
0x303: {  	[sflag:s8] =	ssyncset.done $0x0  }
0x304: {  	[sflag:s8] =	ssyncadd.s32 $0xFFFFF830  }
0x305: {  	_ =	swait.ge [sflag:s8], $0x7D0  }
0x306: {  	[sflag:s8] =	ssyncset.done $0x0  }
0x307: {  	p1 =	por $0x0, $0x0;
	[sflag:s8] =	ssyncadd.s32 $0xFFFFF830  }
0x308: {  	s11 =	sadd.s32 @!p1 $0x0, s12;
	_ =	swait.ge [sflag:s8], $0x7D0  }
0x309: {  	s11 =	sadd.s32 @!p1 $0x80, s11;
	[sflag:s8] =	ssyncset.done $0x0  }
0x30a: {  	s16 =	simm.s32 @!p1 $0x186A0;
	s15 =	simm.s32 @!p1 $0x0;
	[sflag:s8] =	ssyncadd.s32 $0xFFFFF830  }
0x30b: {  	[tilespmem:s16], [sflag:$0x1] =	stream.linear.gather @!p1 [hbm4b:s11+s15], $0x200, $0x38;
	[tilespmem:$0x1CD20] =	vst v63  }
0x30c: {  	s11 =	sadd.s32 @!p1 $0x0, s22  }
0x30d: {  	s16 =	simm.s32 @!p1 $0x18AA0;
	s11 =	sadd.s32 @!p1 $0x80, s11  }
0x30e: {  	[tilespmem:s16], [sflag:$0x1] =	stream.linear.gather @!p1 [hbm4b:s11+s15], $0x200, $0x38;
	[tilespmem:$0x1CD20] =	vst v63  }
0x30f: {  	_ = 	snop  }
0x310: {  	[tilespmem:s20], [sflag:$0x3] =	stream.indirect.gather [hbm4b:s5+s26], $0x10, s24, s26, $0xb8;
	[tilespmem:$0x1CD20] =	vst v63  }
0x311: {  	s16 =	simm.s32 $0x18920  }
0x312: {  	[tilespmem:s17], [sflag:$0x3] =	stream.indirect.gather [hbm4b:s5+s26], $0x10, s16, s26, $0xb8;
	[tilespmem:$0x1CD20] =	vst v63  }
0x313: {  	s18 =	simm.s32 $0x189A0  }
0x314: {  	[tilespmem:s19], [sflag:$0x3] =	stream.indirect.gather [hbm4b:s5+s26], $0x10, s18, s26, $0xb8;
	[tilespmem:$0x1CD20] =	vst v63  }
0x315: {  	s15 =	simm.s32 $0x18A20  }
0x316: {  	[tilespmem:s29], [sflag:$0x3] =	stream.indirect.gather [hbm4b:s5+s26], $0x10, s15, s26, $0xb8;
	[tilespmem:$0x1CD20] =	vst v63  }
0x317: {  	_ =	swait.ge [sflag:s14], $0x7D0  }
0x318: {  	[sflag:s14] =	ssyncset.done $0x0  }
0x319: {  	[sflag:s14] =	ssyncadd.s32 $0xFFFFF830  }
0x31a: {  	_ =	swait.ge [sflag:s14], $0x7D0  }
0x31b: {  	[sflag:s14] =	ssyncset.done $0x0  }
0x31c: {  	[sflag:s14] =	ssyncadd.s32 $0xFFFFF830  }
0x31d: {  	_ =	swait.ge [sflag:s14], $0x7D0  }
0x31e: {  	[sflag:s14] =	ssyncset.done $0x0  }
0x31f: {  	[sflag:s14] =	ssyncadd.s32 $0xFFFFF830  }
0x320: {  	_ =	swait.ge [sflag:s14], $0x7D0  }
0x321: {  	[sflag:s14] =	ssyncset.done $0x0  }
0x322: {  	[sflag:s14] =	ssyncadd.s32 $0xFFFFF830  }
0x323: {  	[spmem:s1] =	stream.indirect.scatter.add.f32 [tilespmem:s20], [sflag:$0x5], $0x10, s25, s26, $0xb8;
	[tilespmem:$0x1CD20] =	vst v63  }
0x324: {  	s16 =	simm.s32 $0x18D20  }
0x325: {  	[spmem:s1] =	stream.indirect.scatter.add.f32 [tilespmem:s17], [sflag:$0x5], $0x10, s16, s26, $0xb8;
	[tilespmem:$0x1CD20] =	vst v63  }
0x326: {  	s11 =	simm.s32 $0x80;
	s18 =	simm.s32 $0x18DA0  }
0x327: {  	[spmem:s1] =	stream.indirect.scatter.add.f32 [tilespmem:s19], [sflag:$0x5], $0x10, s18, s26, $0xb8;
	[tilespmem:$0x1CD20] =	vst v63  }
.LBB2_5:
0x328: {  	s15 =	smov.u32 s11;
	s11 =	sadd.s32 $0x80, s11;
	s16 =	simm.s32 $0x18E20  }
0x329: {  	[spmem:s1] =	stream.indirect.scatter.add.f32 [tilespmem:s29], [sflag:$0x5], $0x10, s16, s26, $0xb8;
	[tilespmem:$0x1CD20] =	vst v63  }
0x32a: {  	p1 =	seq.s32 s11, $0x3200;
	_ =	swait.ge [sflag:s23], $0x200  }
0x32b: {  	[sflag:s23] =	ssyncset.done $0x0  }
0x32c: {  	[sflag:s23] =	ssyncadd.s32 $0xFFFFFE00  }
0x32d: {  	_ =	swait.ge [sflag:s23], $0x200  }
0x32e: {  	p2 =	seq.s32 s15, $0x0;
	[sflag:s23] =	ssyncset.done $0x0  }
0x32f: {  	s16 =	simm.s32 @!p2 $0x5;
	[sflag:s23] =	ssyncadd.s32 $0xFFFFFE00  }
0x330: {  	_ =	swait.ge @!p2 [sflag:s16], $0x7D0  }
0x331: {  	[sflag:s16] =	ssyncset.done @!p2 $0x0  }
0x332: {  	[sflag:s16] =	ssyncadd.s32 @!p2 $0xFFFFF830  }
0x333: {  	_ =	swait.ge @!p2 [sflag:s16], $0x7D0  }
0x334: {  	[sflag:s16] =	ssyncset.done @!p2 $0x0  }
0x335: {  	[sflag:s16] =	ssyncadd.s32 @!p2 $0xFFFFF830  }
0x336: {  	_ =	swait.ge @!p2 [sflag:s16], $0x7D0  }
0x337: {  	[sflag:s16] =	ssyncset.done @!p2 $0x0  }
0x338: {  	[sflag:s16] =	ssyncadd.s32 @!p2 $0xFFFFF830  }
0x339: {  	_ =	swait.ge @!p2 [sflag:s16], $0x7D0  }
0x33a: {  	s18 =	sadd.s32 s15, s12;
	[sflag:s16] =	ssyncset.done @!p2 $0x0  }
0x33b: {  	[sflag:s16] =	ssyncadd.s32 @!p2 $0xFFFFF830;
	s16 =	sadd.s32 $0x40, s18;
	s18 =	sadd.s32 s15, s22  }
0x33c: {  	[tilespmem:s24], [sflag:$0x2] =	stream.linear.gather [hbm4b:s16+s3], $0x200, $0x38;
	[tilespmem:$0x1CD20] =	vst v63  }
0x33d: {  	s16 =	sadd.s32 $0x40, s18  }
0x33e: {  	[tilespmem:s25], [sflag:$0x2] =	stream.linear.gather [hbm4b:s16+s3], $0x200, $0x38;
	[tilespmem:$0x1CD20] =	vst v63  }
0x33f: {  	_ = 	snop  }
0x340: {  	[tilespmem:s28], [sflag:$0x3] =	stream.indirect.gather [hbm4b:s5+s26], $0x10, s21, s26, $0xb8;
	[tilespmem:$0x1CD20] =	vst v63  }
0x341: {  	s16 =	simm.s32 $0x18720  }
0x342: {  	[tilespmem:s30], [sflag:$0x3] =	stream.indirect.gather [hbm4b:s5+s26], $0x10, s16, s26, $0xb8;
	[tilespmem:$0x1CD20] =	vst v63  }
0x343: {  	s16 =	simm.s32 $0x187A0  }
0x344: {  	[tilespmem:s0], [sflag:$0x3] =	stream.indirect.gather [hbm4b:s5+s26], $0x10, s16, s26, $0xb8;
	[tilespmem:$0x1CD20] =	vst v63  }
0x345: {  	_ = 	snop  }
0x346: {  	[tilespmem:s13], [sflag:$0x3] =	stream.indirect.gather [hbm4b:s5+s26], $0x10, s2, s26, $0xb8;
	[tilespmem:$0x1CD20] =	vst v63  }
0x347: {  	_ =	swait.ge [sflag:s14], $0x7D0  }
0x348: {  	[sflag:s14] =	ssyncset.done $0x0  }
0x349: {  	[sflag:s14] =	ssyncadd.s32 $0xFFFFF830  }
0x34a: {  	_ =	swait.ge [sflag:s14], $0x7D0  }
0x34b: {  	[sflag:s14] =	ssyncset.done $0x0  }
0x34c: {  	[sflag:s14] =	ssyncadd.s32 $0xFFFFF830  }
0x34d: {  	_ =	swait.ge [sflag:s14], $0x7D0  }
0x34e: {  	[sflag:s14] =	ssyncset.done $0x0  }
0x34f: {  	[sflag:s14] =	ssyncadd.s32 $0xFFFFF830  }
0x350: {  	_ =	swait.ge [sflag:s14], $0x7D0  }
0x351: {  	[sflag:s14] =	ssyncset.done $0x0  }
0x352: {  	[sflag:s14] =	ssyncadd.s32 $0xFFFFF830  }
0x353: {  	[spmem:s1] =	stream.indirect.scatter.add.f32 [tilespmem:s28], [sflag:$0x4], $0x10, s31, s26, $0xb8;
	[tilespmem:$0x1CD20] =	vst v63  }
0x354: {  	_ = 	snop  }
0x355: {  	[spmem:s1] =	stream.indirect.scatter.add.f32 [tilespmem:s30], [sflag:$0x4], $0x10, s9, s26, $0xb8;
	[tilespmem:$0x1CD20] =	vst v63  }
0x356: {  	s16 =	simm.s32 $0x18BA0  }
0x357: {  	[spmem:s1] =	stream.indirect.scatter.add.f32 [tilespmem:s0], [sflag:$0x4], $0x10, s16, s26, $0xb8;
	[tilespmem:$0x1CD20] =	vst v63  }
0x358: {  	s16 =	simm.s32 $0x18C20  }
0x359: {  	[spmem:s1] =	stream.indirect.scatter.add.f32 [tilespmem:s13], [sflag:$0x4], $0x10, s16, s26, $0xb8;
	[tilespmem:$0x1CD20] =	vst v63  }
0x35a: {  	_ =	swait.ge [sflag:s10], $0x200  }
0x35b: {  	[sflag:s10] =	ssyncset.done $0x0  }
0x35c: {  	[sflag:s10] =	ssyncadd.s32 $0xFFFFFE00  }
0x35d: {  	_ =	swait.ge [sflag:s10], $0x200  }
0x35e: {  	[sflag:s10] =	ssyncset.done $0x0  }
0x35f: {  	[sflag:s10] =	ssyncadd.s32 $0xFFFFFE00  }
0x360: {  	_ =	swait.ge [sflag:s8], $0x7D0  }
0x361: {  	[sflag:s8] =	ssyncset.done $0x0  }
0x362: {  	[sflag:s8] =	ssyncadd.s32 $0xFFFFF830  }
0x363: {  	_ =	swait.ge [sflag:s8], $0x7D0  }
0x364: {  	[sflag:s8] =	ssyncset.done $0x0  }
0x365: {  	[sflag:s8] =	ssyncadd.s32 $0xFFFFF830  }
0x366: {  	_ =	swait.ge [sflag:s8], $0x7D0  }
0x367: {  	[sflag:s8] =	ssyncset.done $0x0  }
0x368: {  	[sflag:s8] =	ssyncadd.s32 $0xFFFFF830  }
0x369: {  	p2 =	seq.s32 s15, $0x3180;
	_ =	swait.ge [sflag:s8], $0x7D0  }
0x36a: {  	s18 =	simm.s32 @!p2 $0x0;
	s16 =	sadd.s32 @!p2 s15, s12;
	[sflag:s8] =	ssyncset.done $0x0  }
0x36b: {  	s21 =	simm.s32 @!p2 $0x186A0;
	s16 =	sadd.s32 @!p2 $0x80, s16;
	[sflag:s8] =	ssyncadd.s32 $0xFFFFF830  }
0x36c: {  	[tilespmem:s21], [sflag:$0x1] =	stream.linear.gather @!p2 [hbm4b:s16+s18], $0x200, $0x38;
	[tilespmem:$0x1CD20] =	vst v63  }
0x36d: {  	s21 =	simm.s32 $0x186A0  }
0x36e: {  	s15 =	sadd.s32 @!p2 s15, s22;
	s16 =	simm.s32 @!p2 $0x18AA0  }
0x36f: {  	s15 =	sadd.s32 @!p2 $0x80, s15  }
0x370: {  	[tilespmem:s16], [sflag:$0x1] =	stream.linear.gather @!p2 [hbm4b:s15+s18], $0x200, $0x38;
	[tilespmem:$0x1CD20] =	vst v63  }
0x371: {  	s15 =	simm.s32 $0x18920;
	_ =	sdelay $0x1  }
0x372: {  	[tilespmem:s20], [sflag:$0x3] =	stream.indirect.gather [hbm4b:s5+s26], $0x10, s24, s26, $0xb8;
	[tilespmem:$0x1CD20] =	vst v63  }
0x373: {  	_ = 	snop  }
0x374: {  	[tilespmem:s17], [sflag:$0x3] =	stream.indirect.gather [hbm4b:s5+s26], $0x10, s15, s26, $0xb8;
	[tilespmem:$0x1CD20] =	vst v63  }
0x375: {  	s15 =	simm.s32 $0x189A0;
	_ =	sdelay $0x1  }
0x376: {  	[tilespmem:s19], [sflag:$0x3] =	stream.indirect.gather [hbm4b:s5+s26], $0x10, s15, s26, $0xb8;
	[tilespmem:$0x1CD20] =	vst v63  }
0x377: {  	s15 =	simm.s32 $0x18A20;
	_ =	sdelay $0x1  }
0x378: {  	[tilespmem:s29], [sflag:$0x3] =	stream.indirect.gather [hbm4b:s5+s26], $0x10, s15, s26, $0xb8;
	[tilespmem:$0x1CD20] =	vst v63  }
0x379: {  	s15 =	simm.s32 $0x18D20  }
0x37a: {  	_ =	swait.ge [sflag:s14], $0x7D0  }
0x37b: {  	[sflag:s14] =	ssyncset.done $0x0  }
0x37c: {  	[sflag:s14] =	ssyncadd.s32 $0xFFFFF830  }
0x37d: {  	_ =	swait.ge [sflag:s14], $0x7D0  }
0x37e: {  	[sflag:s14] =	ssyncset.done $0x0  }
0x37f: {  	[sflag:s14] =	ssyncadd.s32 $0xFFFFF830  }
0x380: {  	_ =	swait.ge [sflag:s14], $0x7D0  }
0x381: {  	[sflag:s14] =	ssyncset.done $0x0  }
0x382: {  	[sflag:s14] =	ssyncadd.s32 $0xFFFFF830  }
0x383: {  	_ =	swait.ge [sflag:s14], $0x7D0  }
0x384: {  	[sflag:s14] =	ssyncset.done $0x0  }
0x385: {  	[sflag:s14] =	ssyncadd.s32 $0xFFFFF830  }
0x386: {  	[spmem:s1] =	stream.indirect.scatter.add.f32 [tilespmem:s20], [sflag:$0x5], $0x10, s25, s26, $0xb8;
	[tilespmem:$0x1CD20] =	vst v63  }
.Ltmp7:
0x387: {  	(pc) =	sbr.rel @!p1 .LBB2_5-.Ltmp7, $3  }
0x388: {  	[spmem:s1] =	stream.indirect.scatter.add.f32 [tilespmem:s17], [sflag:$0x5], $0x10, s15, s26, $0xb8;
	[tilespmem:$0x1CD20] =	vst v63  }
0x389: {  	s15 =	simm.s32 $0x18DA0;
	_ =	sdelay $0x1  }
0x38a: {  	[spmem:s1] =	stream.indirect.scatter.add.f32 [tilespmem:s19], [sflag:$0x5], $0x10, s15, s26, $0xb8;
	[tilespmem:$0x1CD20] =	vst v63  }
.Ltmp8:
0x38b: {  	(pc) =	sbr.rel .LBB2_12-.Ltmp8, $4  }
0x38c: {  	_ = 	snop  }
0x38d: {  	s11 =	rddreg [dreg:$0x4]  }
0x38e: {  	s2 =	simm.s32 $0x18E20;
	s9 =	rddreg [dreg:$0xd]  }
0x38f: {  	[spmem:s1] =	stream.indirect.scatter.add.f32 [tilespmem:s29], [sflag:$0x5], $0x10, s2, s26, $0xb8;
	[tilespmem:$0x1CD20] =	vst v63  }
.LBB2_13:
0x390: {  	_ =	sfence.sel $0x180000  }
0x391: {  	[bflag:$0x0] =	sbarrier.arrive $0xFFFF  }
0x392: {  	_ =	strace $0x90000047  }
0x393: {  	s0 =	stileid.u32;
	[bflag:$0x2] =	sbarrier.arrive $0xFFFF  }
0x394: {  	p0 =	sne.s32 s0, $0x0;
	s0 =	rddreg [dreg:$0x2]  }
0x395: {  	s0 =	sadd.s32 @!p0 $0x100000, s0  }
0x396: {  	[sflag:s0] =	ssyncadd.tile.s32 @!p0 $0x1;
	_ =	shalt  }
.Lfunc_end2:
_tile_overlayer_lowered:
.L_overlay_start_2:
0x397: {  	(tag) =	ssettag $0x2  }
0x398: {  	s0 =	rddreg [dreg:$0x0];
	s2 =	stileid.u32  }
0x399: {  	s1 =	rddreg [dreg:$0x1];
	p0 =	sne.s32 s2, $0x0  }
0x39a: {  	s3 =	rddreg [dreg:$0x2];
	[bflag:$0x3] =	sbarrier.arrive $0xFFFF;
	s2 =	simm.s32 @!p0 $0x1C06  }
0x39b: {  	[timem:s3], [sflag:s2] =	dma.local @!p0 [hbm:s0], s1  }
0x39c: {  	s0 =	simm.s32 @!p0 $0x6  }
0x39d: {  	_ =	swait.ge @!p0 [sflag:s0], s1  }
0x39e: {  	s1 =	ssub.s32 @!p0 $0x0, s1;
	[sflag:s0] =	ssyncset.done @!p0 $0x0  }
0x39f: {  	[sflag:s0] =	ssyncadd.s32 @!p0 s1  }
0x3a0: {  	[bflag:$0x3] =	sbarrier.arrive $0xFFFF  }
0x3a1: {  	_ =	shalt  }

</sc_bundles>
